<compile_context>
chip_gen: v7x
topology: tpu7x:2x2x1
jax: 0.10.2.dev20260603
libtpu: 0.0.44.dev20260713+nightly
codegen_flags: <defaults>
</compile_context>

<pallas_src>
import jax
import jax.numpy as jnp
from jax import lax
from jax.experimental import pallas as pl
from jax.experimental.pallas import tpu as pltpu
from jax.experimental.pallas import tpu_sc as plsc

NUM_FIELDS = 26
VOCAB = 100000
EMBED_DIM = 32
NUM_FEATS = 13
BATCH = 16384
H1, H2 = 256, 128

NC, NS = 2, 16
NW = NC * NS
L = 16

BN_SCALE = float(1.0 / (1.0 + 1e-5) ** 0.5)

CCH = 512
NFULL = VOCAB // CCH
EXTRA = 128
TAILV = VOCAB - NFULL * CCH - EXTRA
NTASK = NUM_FIELDS * NFULL
KPW = (NTASK + NW - 1) // NW


PADW = EMBED_DIM + 1


def _transpose_block(in_v, pad_v, out_v, ncols):
    iota16 = lax.iota(jnp.int32, L)

    def row_step(e, _):
        idx0 = iota16 * PADW + e

        @plsc.parallel_loop(0, ncols // L, unroll=8)
        def seg_step(i):
            vals = in_v[e, pl.ds(i * L, L)]
            plsc.store_scatter(pad_v, [idx0 + i * (L * PADW)], vals)

        return ()

    lax.fori_loop(0, EMBED_DIM, row_step, ())

    @plsc.parallel_loop(0, ncols, unroll=8)
    def comp_step(v):
        lo = plsc.load_gather(pad_v, [v * PADW + iota16])
        hi = plsc.load_gather(pad_v, [v * PADW + (iota16 + L)])
        out_v[pl.ds(v * EMBED_DIM, L)] = lo
        out_v[pl.ds(v * EMBED_DIM + L, L)] = hi


def _convert_body(t_hbm, tail_hbm, out_hbm, in_v0, in_v1, in_v2, pad_v,
                  out_v0, out_v1, out_v2, sin0, sin1, sin2, sout0, sout1,
                  sout2):
    wid = lax.axis_index("s") * NC + lax.axis_index("c")
    in_bufs, out_bufs = (in_v0, in_v1, in_v2), (out_v0, out_v1, out_v2)
    sins, souts = (sin0, sin1, sin2), (sout0, sout1, sout2)

    def t_of(k):
        return wid + k * NW

    def src_slice(t, o):
        f = t // NFULL
        c0 = pl.multiple_of((t % NFULL) * CCH, CCH)
        return t_hbm.at[f, pl.ds(o * 8, 8), pl.ds(c0, CCH)]

    def dst_slice(t):
        f = t // NFULL
        c0 = pl.multiple_of((t % NFULL) * CCH, CCH)
        base = (f * VOCAB + c0) * EMBED_DIM
        return out_hbm.at[pl.ds(pl.multiple_of(base, 8), CCH * EMBED_DIM)]

    def start_in(k, b):
        @pl.when(t_of(k) < NTASK)
        def _():
            for o in range(EMBED_DIM // 8):
                pltpu.async_copy(src_slice(t_of(k), o),
                                 in_bufs[b].at[pl.ds(o * 8, 8)], sins[b])

    def wait_in(k, b):
        for o in range(EMBED_DIM // 8):
            pltpu.make_async_copy(src_slice(t_of(k), o),
                                  in_bufs[b].at[pl.ds(o * 8, 8)],
                                  sins[b]).wait()

    start_in(0, 0)
    start_in(1, 1)

    def round_step(r, _):
        for b3 in range(3):
            k = r * 3 + b3

            @pl.when(t_of(k) < NTASK)
            def _():
                wait_in(k, b3)
                start_in(k + 2, (b3 + 2) % 3)

                @pl.when(k >= 3)
                def _():
                    pltpu.make_async_copy(out_bufs[b3], dst_slice(t_of(k - 3)),
                                          souts[b3]).wait()
                _transpose_block(in_bufs[b3], pad_v, out_bufs[b3], CCH)
                pltpu.async_copy(out_bufs[b3], dst_slice(t_of(k)), souts[b3])
        return ()

    lax.fori_loop(0, (KPW + 2) // 3, round_step, ())

    for b in range(3):
        kl = KPW - 3 + b

        @pl.when(t_of(kl) < NTASK)
        def _():
            pltpu.make_async_copy(out_bufs[kl % 3], dst_slice(t_of(kl)),
                                  souts[kl % 3]).wait()

    @pl.when(wid < NUM_FIELDS)
    def _():
        f = wid
        c0 = NFULL * CCH
        pltpu.sync_copy(t_hbm.at[f, :, pl.ds(pl.multiple_of(c0, EXTRA), EXTRA)],
                        in_v0.at[:, pl.ds(0, EXTRA)])
        _transpose_block(in_v0, pad_v, out_v0, EXTRA)
        base = (f * VOCAB + c0) * EMBED_DIM
        pltpu.sync_copy(out_v0.at[pl.ds(0, EXTRA * EMBED_DIM)],
                        out_hbm.at[pl.ds(pl.multiple_of(base, 8),
                                         EXTRA * EMBED_DIM)])
        nt = TAILV * EMBED_DIM
        pltpu.sync_copy(tail_hbm.at[pl.ds(pl.multiple_of(f * nt, 8), nt)],
                        out_v0.at[pl.ds(0, nt)])
        base2 = (f * VOCAB + NFULL * CCH + EXTRA) * EMBED_DIM
        pltpu.sync_copy(out_v0.at[pl.ds(0, nt)],
                        out_hbm.at[pl.ds(pl.multiple_of(base2, 8), nt)])


def _sc_convert(tables_t, tail_lin):
    mesh = plsc.VectorSubcoreMesh(core_axis_name="c", subcore_axis_name="s",
                                  num_cores=NC, num_subcores=NS)
    return pl.kernel(
        _convert_body,
        out_type=jax.ShapeDtypeStruct((NUM_FIELDS * VOCAB * EMBED_DIM,),
                                      jnp.float32),
        mesh=mesh,
        scratch_types=[
            pltpu.VMEM((EMBED_DIM, CCH), jnp.float32),
            pltpu.VMEM((EMBED_DIM, CCH), jnp.float32),
            pltpu.VMEM((EMBED_DIM, CCH), jnp.float32),
            pltpu.VMEM((CCH * PADW,), jnp.float32),
            pltpu.VMEM((CCH * EMBED_DIM,), jnp.float32),
            pltpu.VMEM((CCH * EMBED_DIM,), jnp.float32),
            pltpu.VMEM((CCH * EMBED_DIM,), jnp.float32),
            pltpu.SemaphoreType.DMA,
            pltpu.SemaphoreType.DMA,
            pltpu.SemaphoreType.DMA,
            pltpu.SemaphoreType.DMA,
            pltpu.SemaphoreType.DMA,
            pltpu.SemaphoreType.DMA,
        ],
        compiler_params=pltpu.CompilerParams(use_tc_tiling_on_sc=True,
                                             needs_layout_passes=False),
    )(tables_t, tail_lin)


TOTAL_ROWS = BATCH * NUM_FIELDS
IDX_PER_DMA = 128
CHUNK = 512
DMAS_PER_CHUNK = CHUNK // IDX_PER_DMA


def _make_gather_body(nrows):
    rows_per_w = nrows // NW
    chunks_per_w = rows_per_w // CHUNK

    def _gather_body(table_hbm, idx_hbm, out_hbm, idx_v, rows_v, sem):
        wid = lax.axis_index("s") * NC + lax.axis_index("c")
        base = wid * rows_per_w

        def chunk_step(k, _):
            row0 = pl.multiple_of(base + k * CHUNK, CHUNK)
            pltpu.sync_copy(
                idx_hbm.at[pl.ds(pl.multiple_of(row0 // IDX_PER_DMA,
                                                DMAS_PER_CHUNK),
                                 DMAS_PER_CHUNK)],
                idx_v)
            for j in range(DMAS_PER_CHUNK):
                pltpu.async_copy(table_hbm.at[idx_v.at[j]],
                                 rows_v.at[pl.ds(j * IDX_PER_DMA, IDX_PER_DMA)],
                                 sem)
            for j in range(DMAS_PER_CHUNK):
                pltpu.make_async_copy(
                    table_hbm.at[idx_v.at[j]],
                    rows_v.at[pl.ds(j * IDX_PER_DMA, IDX_PER_DMA)],
                    sem).wait()
            pltpu.sync_copy(rows_v, out_hbm.at[pl.ds(row0, CHUNK)])
            return ()

        lax.fori_loop(0, chunks_per_w, chunk_step, ())

    return _gather_body


def _sc_gather(table2d, idx2d, nrows):
    mesh = plsc.VectorSubcoreMesh(core_axis_name="c", subcore_axis_name="s",
                                  num_cores=NC, num_subcores=NS)
    return pl.kernel(
        _make_gather_body(nrows),
        out_type=jax.ShapeDtypeStruct((nrows, EMBED_DIM), jnp.float32),
        mesh=mesh,
        scratch_types=[
            pltpu.VMEM((DMAS_PER_CHUNK, IDX_PER_DMA), jnp.int32),
            pltpu.VMEM((CHUNK, EMBED_DIM), jnp.float32),
            pltpu.SemaphoreType.DMA,
        ],
        compiler_params=pltpu.CompilerParams(use_tc_tiling_on_sc=False),
    )(table2d, idx2d)


BB = 2048


def _mlp_body(cat_ref, num_ref, w1a_ref, w1b_ref, b1_ref, w2_ref, b2_ref,
              w3_ref, b3_ref, out_ref):
    x_cat = cat_ref[...]
    x_num = num_ref[...] * BN_SCALE
    h = lax.dot_general(x_cat, w1a_ref[...], (((1,), (1,)), ((), ())),
                        preferred_element_type=jnp.float32)
    h = h + lax.dot_general(x_num, w1b_ref[...], (((1,), (1,)), ((), ())),
                            preferred_element_type=jnp.float32)
    h = jnp.maximum(h + b1_ref[...], 0.0)
    h = lax.dot_general(h, w2_ref[...], (((1,), (1,)), ((), ())),
                        preferred_element_type=jnp.float32)
    h = jnp.maximum(h + b2_ref[...], 0.0)
    o = lax.dot_general(h, w3_ref[...], (((1,), (0,)), ((), ())),
                        preferred_element_type=jnp.float32)
    out_ref[...] = o + b3_ref[0, 0]


def _tc_mlp(cat_vec, nums, w1a, w1b, b1, w2, b2, w3, b3):
    nblk = cat_vec.shape[0] // BB
    full = lambda i: (0, 0)
    return pl.pallas_call(
        _mlp_body,
        grid=(nblk,),
        in_specs=[
            pl.BlockSpec((BB, NUM_FIELDS * EMBED_DIM), lambda i: (i, 0)),
            pl.BlockSpec((BB, NUM_FEATS), lambda i: (i, 0)),
            pl.BlockSpec((H1, NUM_FIELDS * EMBED_DIM), full),
            pl.BlockSpec((H1, NUM_FEATS), full),
            pl.BlockSpec((1, H1), full),
            pl.BlockSpec((H2, H1), full),
            pl.BlockSpec((1, H2), full),
            pl.BlockSpec((H2, 1), full),
            pl.BlockSpec(memory_space=pltpu.SMEM),
        ],
        out_specs=pl.BlockSpec((BB, 1), lambda i: (i, 0)),
        out_shape=jax.ShapeDtypeStruct((cat_vec.shape[0], 1), jnp.float32),
    )(cat_vec, nums, w1a, w1b, b1, w2, b2, w3, b3)


def kernel(cats, nums, tables, W1, b1, W2, b2, W3, b3):
    cats = cats.astype(jnp.int32)
    flat_idx = cats + (jnp.arange(NUM_FIELDS, dtype=jnp.int32) * VOCAB)[None, :]
    idx2d = flat_idx.reshape(TOTAL_ROWS // IDX_PER_DMA, IDX_PER_DMA)

    tables_t = jnp.swapaxes(tables, 1, 2)
    tail_lin = tables[:, NFULL * CCH + EXTRA:, :].reshape(-1)
    table_lin = _sc_convert(tables_t, tail_lin)
    table2d = table_lin.reshape(NUM_FIELDS * VOCAB, EMBED_DIM)

    w1a = W1[:, : NUM_FIELDS * EMBED_DIM]
    w1b = W1[:, NUM_FIELDS * EMBED_DIM:]
    args = (w1a, w1b, b1.reshape(1, H1), W2, b2.reshape(1, H2),
            W3.reshape(H2, 1), b3.reshape(1, 1))

    hb = BATCH // 2
    hr = TOTAL_ROWS // 2
    hi = hr // IDX_PER_DMA
    outs = []
    rows_halves = [_sc_gather(table2d, idx2d[i * hi:(i + 1) * hi], hr)
                   for i in range(2)]
    for i, rows in enumerate(rows_halves):
        cat_vec = rows.reshape(hb, NUM_FIELDS * EMBED_DIM)
        outs.append(_tc_mlp(cat_vec, nums[i * hb:(i + 1) * hb], *args))
    return jnp.concatenate(outs, axis=0).reshape(BATCH)

# --- scband reference (transcript-rebuilt; emitter-appended) ---
"""Pipeline reference for scband-tabular-net-46050639348248 (READ-ONLY COPY).

The authoritative reference and input builder live on the scoring server;
editing this copy changes nothing except your own understanding.
"""

import jax, jax.numpy as jnp
import numpy as np

NUM_FIELDS = 26
VOCAB = 100000
EMBED_DIM = 32
NUM_FEATS = 13
BATCH = 16384
HIDDEN = [256, 128]


def setup_inputs(seed: int = 0) -> dict:
    key = jax.random.key(seed)
    ks = [jax.random.fold_in(key, i) for i in range(12)]
    cats = jax.random.randint(ks[0], (BATCH, NUM_FIELDS), 0, VOCAB, dtype=jnp.int64)
    nums = jax.random.normal(ks[1], (BATCH, NUM_FEATS), dtype=jnp.float32)
    # stacked embedding tables: [n_fields, vocab, embed_dim] (all cardinalities equal)
    tables = jax.random.normal(ks[2], (NUM_FIELDS, VOCAB, EMBED_DIM), dtype=jnp.float32) * 0.02
    input_dim = EMBED_DIM * NUM_FIELDS + NUM_FEATS  # 845
    W1 = jax.random.normal(ks[3], (HIDDEN[0], input_dim), dtype=jnp.float32) * 0.02
    b1 = jnp.zeros((HIDDEN[0],), dtype=jnp.float32)
    W2 = jax.random.normal(ks[4], (HIDDEN[1], HIDDEN[0]), dtype=jnp.float32) * 0.02
    b2 = jnp.zeros((HIDDEN[1],), dtype=jnp.float32)
    W3 = jax.random.normal(ks[5], (1, HIDDEN[1]), dtype=jnp.float32) * 0.02
    b3 = jnp.zeros((1,), dtype=jnp.float32)
    return {"cats": cats, "nums": nums, "tables": tables,
            "W1": W1, "b1": b1, "W2": W2, "b2": b2, "W3": W3, "b3": b3}


def reference(cats, nums, tables, W1, b1, W2, b2, W3, b3):
    # per-field embedding lookup (gather), then concat
    embed_outs = [jnp.take(tables[i], cats[:, i], axis=0) for i in range(NUM_FIELDS)]
    cat_vec = jnp.concatenate(embed_outs, axis=1)  # [B, 26*32]
    # BatchNorm1d in eval mode with default running stats (mean=0, var=1, gamma=1, beta=0)
    num_vec = nums / jnp.sqrt(1.0 + 1e-5)
    x = jnp.concatenate([cat_vec, num_vec], axis=1)
    # MLP (dropout is identity in eval)
    h = jax.nn.relu(x @ W1.T + b1)
    h = jax.nn.relu(h @ W2.T + b2)
    out = h @ W3.T + b3
    return out.squeeze(-1)

if __name__ == "__main__":
    import jax
    _d = setup_inputs()
    print(jax.jit(kernel)(*tuple(_d.values())))

</pallas_src>

<mosaic_0001>
#map = affine_map<(d0, d1) -> (0, 0, 0)>
#map1 = affine_map<(d0, d1) -> (0)>
module attributes {stable_mosaic.version = 14 : i64} {
  func.func @_convert_body(%arg0: i32, %arg1: i32, %arg2: memref<26x32x100000xf32, #tpu.memory_space<hbm>>, %arg3: memref<26624xf32, #tpu.memory_space<hbm>>, %arg4: memref<83200000xf32, #tpu.memory_space<hbm>>, %arg5: memref<32x512xf32, #tpu.memory_space<vmem>>, %arg6: memref<32x512xf32, #tpu.memory_space<vmem>>, %arg7: memref<32x512xf32, #tpu.memory_space<vmem>>, %arg8: memref<16896xf32, #tpu.memory_space<vmem>>, %arg9: memref<16384xf32, #tpu.memory_space<vmem>>, %arg10: memref<16384xf32, #tpu.memory_space<vmem>>, %arg11: memref<16384xf32, #tpu.memory_space<vmem>>, %arg12: memref<!tpu.dma_semaphore, #tpu.memory_space<semaphore_mem>>, %arg13: memref<!tpu.dma_semaphore, #tpu.memory_space<semaphore_mem>>, %arg14: memref<!tpu.dma_semaphore, #tpu.memory_space<semaphore_mem>>, %arg15: memref<!tpu.dma_semaphore, #tpu.memory_space<semaphore_mem>>, %arg16: memref<!tpu.dma_semaphore, #tpu.memory_space<semaphore_mem>>, %arg17: memref<!tpu.dma_semaphore, #tpu.memory_space<semaphore_mem>>) attributes {dimension_semantics = [#tpu.dimension_semantics<core_parallel>, #tpu.dimension_semantics<subcore_parallel>], iteration_bounds = array<i64: 2, 16>, scalar_prefetch = 0 : i64, scratch_operands = 13 : i64, tpu.core_type = #tpu.core_type<sc_vector_subcore>, window_params = [{transform_indices = #map}, {transform_indices = #map1}, {transform_indices = #map1}]} {
    %mul3A = arith.constant 2 : i32
    %mul3A_0 = arith.muli %arg1, %mul3A : i32
    %add3A = arith.addi %mul3A_0, %arg0 : i32
    %add3A_1 = arith.constant 0 : i32
    %add3A_2 = arith.addi %add3A, %add3A_1 : i32
    %lt3A = arith.constant 5070 : i32
    %lt3A_3 = arith.cmpi slt, %add3A_2, %lt3A : i32
    %convert_element_type3A = arith.extui %lt3A_3 : i1 to i32
    %cond3A = arith.constant 0 : i32
    %cond3A_4 = arith.cmpi ne, %convert_element_type3A, %cond3A : i32
    scf.if %cond3A_4 {
      %add3A_42 = arith.constant 0 : i32
      %add3A_43 = arith.addi %add3A, %add3A_42 : i32
      %jit3A = arith.constant 195 : i32
      %div3A = arith.divsi %add3A_43, %jit3A : i32
      %sign3A = arith.constant 0 : i32
      %sign3A_44 = arith.cmpi sgt, %add3A_43, %sign3A : i32
      %sign3A_45 = arith.extui %sign3A_44 : i1 to i32
      %sign3A_46 = arith.constant 0 : i32
      %sign3A_47 = arith.cmpi slt, %add3A_43, %sign3A_46 : i32
      %sign3A_48 = arith.extui %sign3A_47 : i1 to i32
      %sign3A_49 = arith.subi %sign3A_45, %sign3A_48 : i32
      %sign3A_50 = arith.constant 0 : i32
      %sign3A_51 = arith.cmpi sgt, %jit3A, %sign3A_50 : i32
      %sign3A_52 = arith.extui %sign3A_51 : i1 to i32
      %sign3A_53 = arith.constant 0 : i32
      %sign3A_54 = arith.cmpi slt, %jit3A, %sign3A_53 : i32
      %sign3A_55 = arith.extui %sign3A_54 : i1 to i32
      %sign3A_56 = arith.subi %sign3A_52, %sign3A_55 : i32
      %ne3A = arith.cmpi ne, %sign3A_49, %sign3A_56 : i32
      %rem3A = arith.remsi %add3A_43, %jit3A : i32
      %ne3A_57 = arith.constant 0 : i32
      %ne3A_58 = arith.cmpi ne, %rem3A, %ne3A_57 : i32
      %and3A = arith.andi %ne3A, %ne3A_58 : i1
      %sub3A = arith.constant 1 : i32
      %sub3A_59 = arith.subi %div3A, %sub3A : i32
      %select_n3A = arith.select %and3A, %sub3A_59, %div3A : i32
      %jit3A_60 = arith.constant 195 : i32
      %eq3A = arith.constant 0 : i32
      %eq3A_61 = arith.cmpi eq, %jit3A_60, %eq3A : i32
      %jit3A_62 = arith.constant 1 : i32
      %select_n3A_63 = arith.select %eq3A_61, %jit3A_62, %jit3A_60 : i32
      %rem3A_64 = arith.remsi %add3A_43, %select_n3A_63 : i32
      %ne3A_65 = arith.constant 0 : i32
      %ne3A_66 = arith.cmpi ne, %rem3A_64, %ne3A_65 : i32
      %lt3A_67 = arith.constant 0 : i32
      %lt3A_68 = arith.cmpi slt, %rem3A_64, %lt3A_67 : i32
      %lt3A_69 = arith.constant 0 : i32
      %lt3A_70 = arith.cmpi slt, %select_n3A_63, %lt3A_69 : i32
      %ne3A_71 = arith.xori %lt3A_68, %lt3A_70 : i1
      %and3A_72 = arith.andi %ne3A_71, %ne3A_66 : i1
      %add3A_73 = arith.addi %rem3A_64, %select_n3A_63 : i32
      %select_n3A_74 = arith.select %and3A_72, %add3A_73, %rem3A_64 : i32
      %mul3A_75 = arith.constant 512 : i32
      %mul3A_76 = arith.muli %select_n3A_74, %mul3A_75 : i32
      %multiple_of3A = tpu.assume_multiple %mul3A_76, 512 : i32
      %dma_start3A = arith.constant 0 : i32
      %dma_start3A_77 = arith.constant 0 : i32
      %dma_start3A_78 = tpu.memref_slice %arg5[%dma_start3A, %dma_start3A_77] : memref<32x512xf32, #tpu.memory_space<vmem>> -> memref<8x512xf32, #tpu.memory_space<vmem>>
      %dma_start3A_79 = arith.constant 0 : i32
      %dma_start3A_80 = tpu.memref_slice %arg2[%select_n3A, %dma_start3A_79, %multiple_of3A] : memref<26x32x100000xf32, #tpu.memory_space<hbm>> -> memref<1x8x512xf32, #tpu.memory_space<hbm>>
      %dma_start3A_81 = tpu.memref_squeeze %dma_start3A_80 : memref<1x8x512xf32, #tpu.memory_space<hbm>> -> memref<8x512xf32, #tpu.memory_space<hbm>>
      %dma_start3A_82 = arith.constant 0 : i32
      %dma_start3A_83 = arith.constant 0 : i32
      %dma_start3A_84 = tpu.memref_slice %arg5[%dma_start3A_82, %dma_start3A_83] : memref<32x512xf32, #tpu.memory_space<vmem>> -> memref<8x512xf32, #tpu.memory_space<vmem>>
      %dma_start3A_85 = arith.constant 0 : i32
      %dma_start3A_86 = tpu.memref_slice %arg2[%select_n3A, %dma_start3A_85, %multiple_of3A] : memref<26x32x100000xf32, #tpu.memory_space<hbm>> -> memref<1x8x512xf32, #tpu.memory_space<hbm>>
      %dma_start3A_87 = tpu.memref_squeeze %dma_start3A_86 : memref<1x8x512xf32, #tpu.memory_space<hbm>> -> memref<8x512xf32, #tpu.memory_space<hbm>>
      tpu.enqueue_dma source(%dma_start3A_87 : memref<8x512xf32, #tpu.memory_space<hbm>>) target(%dma_start3A_84 : memref<8x512xf32, #tpu.memory_space<vmem>>) target_semaphore(%arg12 : memref<!tpu.dma_semaphore, #tpu.memory_space<semaphore_mem>>)
      %add3A_88 = arith.constant 0 : i32
      %add3A_89 = arith.addi %add3A, %add3A_88 : i32
      %jit3A_90 = arith.constant 195 : i32
      %div3A_91 = arith.divsi %add3A_89, %jit3A_90 : i32
      %sign3A_92 = arith.constant 0 : i32
      %sign3A_93 = arith.cmpi sgt, %add3A_89, %sign3A_92 : i32
      %sign3A_94 = arith.extui %sign3A_93 : i1 to i32
      %sign3A_95 = arith.constant 0 : i32
      %sign3A_96 = arith.cmpi slt, %add3A_89, %sign3A_95 : i32
      %sign3A_97 = arith.extui %sign3A_96 : i1 to i32
      %sign3A_98 = arith.subi %sign3A_94, %sign3A_97 : i32
      %sign3A_99 = arith.constant 0 : i32
      %sign3A_100 = arith.cmpi sgt, %jit3A_90, %sign3A_99 : i32
      %sign3A_101 = arith.extui %sign3A_100 : i1 to i32
      %sign3A_102 = arith.constant 0 : i32
      %sign3A_103 = arith.cmpi slt, %jit3A_90, %sign3A_102 : i32
      %sign3A_104 = arith.extui %sign3A_103 : i1 to i32
      %sign3A_105 = arith.subi %sign3A_101, %sign3A_104 : i32
      %ne3A_106 = arith.cmpi ne, %sign3A_98, %sign3A_105 : i32
      %rem3A_107 = arith.remsi %add3A_89, %jit3A_90 : i32
      %ne3A_108 = arith.constant 0 : i32
      %ne3A_109 = arith.cmpi ne, %rem3A_107, %ne3A_108 : i32
      %and3A_110 = arith.andi %ne3A_106, %ne3A_109 : i1
      %sub3A_111 = arith.constant 1 : i32
      %sub3A_112 = arith.subi %div3A_91, %sub3A_111 : i32
      %select_n3A_113 = arith.select %and3A_110, %sub3A_112, %div3A_91 : i32
      %jit3A_114 = arith.constant 195 : i32
      %eq3A_115 = arith.constant 0 : i32
      %eq3A_116 = arith.cmpi eq, %jit3A_114, %eq3A_115 : i32
      %jit3A_117 = arith.constant 1 : i32
      %select_n3A_118 = arith.select %eq3A_116, %jit3A_117, %jit3A_114 : i32
      %rem3A_119 = arith.remsi %add3A_89, %select_n3A_118 : i32
      %ne3A_120 = arith.constant 0 : i32
      %ne3A_121 = arith.cmpi ne, %rem3A_119, %ne3A_120 : i32
      %lt3A_122 = arith.constant 0 : i32
      %lt3A_123 = arith.cmpi slt, %rem3A_119, %lt3A_122 : i32
      %lt3A_124 = arith.constant 0 : i32
      %lt3A_125 = arith.cmpi slt, %select_n3A_118, %lt3A_124 : i32
      %ne3A_126 = arith.xori %lt3A_123, %lt3A_125 : i1
      %and3A_127 = arith.andi %ne3A_126, %ne3A_121 : i1
      %add3A_128 = arith.addi %rem3A_119, %select_n3A_118 : i32
      %select_n3A_129 = arith.select %and3A_127, %add3A_128, %rem3A_119 : i32
      %mul3A_130 = arith.constant 512 : i32
      %mul3A_131 = arith.muli %select_n3A_129, %mul3A_130 : i32
      %multiple_of3A_132 = tpu.assume_multiple %mul3A_131, 512 : i32
      %dma_start3A_133 = arith.constant 8 : i32
      %dma_start3A_134 = arith.constant 0 : i32
      %dma_start3A_135 = tpu.memref_slice %arg5[%dma_start3A_133, %dma_start3A_134] : memref<32x512xf32, #tpu.memory_space<vmem>> -> memref<8x512xf32, #tpu.memory_space<vmem>>
      %dma_start3A_136 = arith.constant 8 : i32
      %dma_start3A_137 = tpu.memref_slice %arg2[%select_n3A_113, %dma_start3A_136, %multiple_of3A_132] : memref<26x32x100000xf32, #tpu.memory_space<hbm>> -> memref<1x8x512xf32, #tpu.memory_space<hbm>>
      %dma_start3A_138 = tpu.memref_squeeze %dma_start3A_137 : memref<1x8x512xf32, #tpu.memory_space<hbm>> -> memref<8x512xf32, #tpu.memory_space<hbm>>
      %dma_start3A_139 = arith.constant 8 : i32
      %dma_start3A_140 = arith.constant 0 : i32
      %dma_start3A_141 = tpu.memref_slice %arg5[%dma_start3A_139, %dma_start3A_140] : memref<32x512xf32, #tpu.memory_space<vmem>> -> memref<8x512xf32, #tpu.memory_space<vmem>>
      %dma_start3A_142 = arith.constant 8 : i32
      %dma_start3A_143 = tpu.memref_slice %arg2[%select_n3A_113, %dma_start3A_142, %multiple_of3A_132] : memref<26x32x100000xf32, #tpu.memory_space<hbm>> -> memref<1x8x512xf32, #tpu.memory_space<hbm>>
      %dma_start3A_144 = tpu.memref_squeeze %dma_start3A_143 : memref<1x8x512xf32, #tpu.memory_space<hbm>> -> memref<8x512xf32, #tpu.memory_space<hbm>>
      tpu.enqueue_dma source(%dma_start3A_144 : memref<8x512xf32, #tpu.memory_space<hbm>>) target(%dma_start3A_141 : memref<8x512xf32, #tpu.memory_space<vmem>>) target_semaphore(%arg12 : memref<!tpu.dma_semaphore, #tpu.memory_space<semaphore_mem>>)
      %add3A_145 = arith.constant 0 : i32
      %add3A_146 = arith.addi %add3A, %add3A_145 : i32
      %jit3A_147 = arith.constant 195 : i32
      %div3A_148 = arith.divsi %add3A_146, %jit3A_147 : i32
      %sign3A_149 = arith.constant 0 : i32
      %sign3A_150 = arith.cmpi sgt, %add3A_146, %sign3A_149 : i32
      %sign3A_151 = arith.extui %sign3A_150 : i1 to i32
      %sign3A_152 = arith.constant 0 : i32
      %sign3A_153 = arith.cmpi slt, %add3A_146, %sign3A_152 : i32
      %sign3A_154 = arith.extui %sign3A_153 : i1 to i32
      %sign3A_155 = arith.subi %sign3A_151, %sign3A_154 : i32
      %sign3A_156 = arith.constant 0 : i32
      %sign3A_157 = arith.cmpi sgt, %jit3A_147, %sign3A_156 : i32
      %sign3A_158 = arith.extui %sign3A_157 : i1 to i32
      %sign3A_159 = arith.constant 0 : i32
      %sign3A_160 = arith.cmpi slt, %jit3A_147, %sign3A_159 : i32
      %sign3A_161 = arith.extui %sign3A_160 : i1 to i32
      %sign3A_162 = arith.subi %sign3A_158, %sign3A_161 : i32
      %ne3A_163 = arith.cmpi ne, %sign3A_155, %sign3A_162 : i32
      %rem3A_164 = arith.remsi %add3A_146, %jit3A_147 : i32
      %ne3A_165 = arith.constant 0 : i32
      %ne3A_166 = arith.cmpi ne, %rem3A_164, %ne3A_165 : i32
      %and3A_167 = arith.andi %ne3A_163, %ne3A_166 : i1
      %sub3A_168 = arith.constant 1 : i32
      %sub3A_169 = arith.subi %div3A_148, %sub3A_168 : i32
      %select_n3A_170 = arith.select %and3A_167, %sub3A_169, %div3A_148 : i32
      %jit3A_171 = arith.constant 195 : i32
      %eq3A_172 = arith.constant 0 : i32
      %eq3A_173 = arith.cmpi eq, %jit3A_171, %eq3A_172 : i32
      %jit3A_174 = arith.constant 1 : i32
      %select_n3A_175 = arith.select %eq3A_173, %jit3A_174, %jit3A_171 : i32
      %rem3A_176 = arith.remsi %add3A_146, %select_n3A_175 : i32
      %ne3A_177 = arith.constant 0 : i32
      %ne3A_178 = arith.cmpi ne, %rem3A_176, %ne3A_177 : i32
      %lt3A_179 = arith.constant 0 : i32
      %lt3A_180 = arith.cmpi slt, %rem3A_176, %lt3A_179 : i32
      %lt3A_181 = arith.constant 0 : i32
      %lt3A_182 = arith.cmpi slt, %select_n3A_175, %lt3A_181 : i32
      %ne3A_183 = arith.xori %lt3A_180, %lt3A_182 : i1
      %and3A_184 = arith.andi %ne3A_183, %ne3A_178 : i1
      %add3A_185 = arith.addi %rem3A_176, %select_n3A_175 : i32
      %select_n3A_186 = arith.select %and3A_184, %add3A_185, %rem3A_176 : i32
      %mul3A_187 = arith.constant 512 : i32
      %mul3A_188 = arith.muli %select_n3A_186, %mul3A_187 : i32
      %multiple_of3A_189 = tpu.assume_multiple %mul3A_188, 512 : i32
      %dma_start3A_190 = arith.constant 16 : i32
      %dma_start3A_191 = arith.constant 0 : i32
      %dma_start3A_192 = tpu.memref_slice %arg5[%dma_start3A_190, %dma_start3A_191] : memref<32x512xf32, #tpu.memory_space<vmem>> -> memref<8x512xf32, #tpu.memory_space<vmem>>
      %dma_start3A_193 = arith.constant 16 : i32
      %dma_start3A_194 = tpu.memref_slice %arg2[%select_n3A_170, %dma_start3A_193, %multiple_of3A_189] : memref<26x32x100000xf32, #tpu.memory_space<hbm>> -> memref<1x8x512xf32, #tpu.memory_space<hbm>>
      %dma_start3A_195 = tpu.memref_squeeze %dma_start3A_194 : memref<1x8x512xf32, #tpu.memory_space<hbm>> -> memref<8x512xf32, #tpu.memory_space<hbm>>
      %dma_start3A_196 = arith.constant 16 : i32
      %dma_start3A_197 = arith.constant 0 : i32
      %dma_start3A_198 = tpu.memref_slice %arg5[%dma_start3A_196, %dma_start3A_197] : memref<32x512xf32, #tpu.memory_space<vmem>> -> memref<8x512xf32, #tpu.memory_space<vmem>>
      %dma_start3A_199 = arith.constant 16 : i32
      %dma_start3A_200 = tpu.memref_slice %arg2[%select_n3A_170, %dma_start3A_199, %multiple_of3A_189] : memref<26x32x100000xf32, #tpu.memory_space<hbm>> -> memref<1x8x512xf32, #tpu.memory_space<hbm>>
      %dma_start3A_201 = tpu.memref_squeeze %dma_start3A_200 : memref<1x8x512xf32, #tpu.memory_space<hbm>> -> memref<8x512xf32, #tpu.memory_space<hbm>>
      tpu.enqueue_dma source(%dma_start3A_201 : memref<8x512xf32, #tpu.memory_space<hbm>>) target(%dma_start3A_198 : memref<8x512xf32, #tpu.memory_space<vmem>>) target_semaphore(%arg12 : memref<!tpu.dma_semaphore, #tpu.memory_space<semaphore_mem>>)
      %add3A_202 = arith.constant 0 : i32
      %add3A_203 = arith.addi %add3A, %add3A_202 : i32
      %jit3A_204 = arith.constant 195 : i32
      %div3A_205 = arith.divsi %add3A_203, %jit3A_204 : i32
      %sign3A_206 = arith.constant 0 : i32
      %sign3A_207 = arith.cmpi sgt, %add3A_203, %sign3A_206 : i32
      %sign3A_208 = arith.extui %sign3A_207 : i1 to i32
      %sign3A_209 = arith.constant 0 : i32
      %sign3A_210 = arith.cmpi slt, %add3A_203, %sign3A_209 : i32
      %sign3A_211 = arith.extui %sign3A_210 : i1 to i32
      %sign3A_212 = arith.subi %sign3A_208, %sign3A_211 : i32
      %sign3A_213 = arith.constant 0 : i32
      %sign3A_214 = arith.cmpi sgt, %jit3A_204, %sign3A_213 : i32
      %sign3A_215 = arith.extui %sign3A_214 : i1 to i32
      %sign3A_216 = arith.constant 0 : i32
      %sign3A_217 = arith.cmpi slt, %jit3A_204, %sign3A_216 : i32
      %sign3A_218 = arith.extui %sign3A_217 : i1 to i32
      %sign3A_219 = arith.subi %sign3A_215, %sign3A_218 : i32
      %ne3A_220 = arith.cmpi ne, %sign3A_212, %sign3A_219 : i32
      %rem3A_221 = arith.remsi %add3A_203, %jit3A_204 : i32
      %ne3A_222 = arith.constant 0 : i32
      %ne3A_223 = arith.cmpi ne, %rem3A_221, %ne3A_222 : i32
      %and3A_224 = arith.andi %ne3A_220, %ne3A_223 : i1
      %sub3A_225 = arith.constant 1 : i32
      %sub3A_226 = arith.subi %div3A_205, %sub3A_225 : i32
      %select_n3A_227 = arith.select %and3A_224, %sub3A_226, %div3A_205 : i32
      %jit3A_228 = arith.constant 195 : i32
      %eq3A_229 = arith.constant 0 : i32
      %eq3A_230 = arith.cmpi eq, %jit3A_228, %eq3A_229 : i32
      %jit3A_231 = arith.constant 1 : i32
      %select_n3A_232 = arith.select %eq3A_230, %jit3A_231, %jit3A_228 : i32
      %rem3A_233 = arith.remsi %add3A_203, %select_n3A_232 : i32
      %ne3A_234 = arith.constant 0 : i32
      %ne3A_235 = arith.cmpi ne, %rem3A_233, %ne3A_234 : i32
      %lt3A_236 = arith.constant 0 : i32
      %lt3A_237 = arith.cmpi slt, %rem3A_233, %lt3A_236 : i32
      %lt3A_238 = arith.constant 0 : i32
      %lt3A_239 = arith.cmpi slt, %select_n3A_232, %lt3A_238 : i32
      %ne3A_240 = arith.xori %lt3A_237, %lt3A_239 : i1
      %and3A_241 = arith.andi %ne3A_240, %ne3A_235 : i1
      %add3A_242 = arith.addi %rem3A_233, %select_n3A_232 : i32
      %select_n3A_243 = arith.select %and3A_241, %add3A_242, %rem3A_233 : i32
      %mul3A_244 = arith.constant 512 : i32
      %mul3A_245 = arith.muli %select_n3A_243, %mul3A_244 : i32
      %multiple_of3A_246 = tpu.assume_multiple %mul3A_245, 512 : i32
      %dma_start3A_247 = arith.constant 24 : i32
      %dma_start3A_248 = arith.constant 0 : i32
      %dma_start3A_249 = tpu.memref_slice %arg5[%dma_start3A_247, %dma_start3A_248] : memref<32x512xf32, #tpu.memory_space<vmem>> -> memref<8x512xf32, #tpu.memory_space<vmem>>
      %dma_start3A_250 = arith.constant 24 : i32
      %dma_start3A_251 = tpu.memref_slice %arg2[%select_n3A_227, %dma_start3A_250, %multiple_of3A_246] : memref<26x32x100000xf32, #tpu.memory_space<hbm>> -> memref<1x8x512xf32, #tpu.memory_space<hbm>>
      %dma_start3A_252 = tpu.memref_squeeze %dma_start3A_251 : memref<1x8x512xf32, #tpu.memory_space<hbm>> -> memref<8x512xf32, #tpu.memory_space<hbm>>
      %dma_start3A_253 = arith.constant 24 : i32
      %dma_start3A_254 = arith.constant 0 : i32
      %dma_start3A_255 = tpu.memref_slice %arg5[%dma_start3A_253, %dma_start3A_254] : memref<32x512xf32, #tpu.memory_space<vmem>> -> memref<8x512xf32, #tpu.memory_space<vmem>>
      %dma_start3A_256 = arith.constant 24 : i32
      %dma_start3A_257 = tpu.memref_slice %arg2[%select_n3A_227, %dma_start3A_256, %multiple_of3A_246] : memref<26x32x100000xf32, #tpu.memory_space<hbm>> -> memref<1x8x512xf32, #tpu.memory_space<hbm>>
      %dma_start3A_258 = tpu.memref_squeeze %dma_start3A_257 : memref<1x8x512xf32, #tpu.memory_space<hbm>> -> memref<8x512xf32, #tpu.memory_space<hbm>>
      tpu.enqueue_dma source(%dma_start3A_258 : memref<8x512xf32, #tpu.memory_space<hbm>>) target(%dma_start3A_255 : memref<8x512xf32, #tpu.memory_space<vmem>>) target_semaphore(%arg12 : memref<!tpu.dma_semaphore, #tpu.memory_space<semaphore_mem>>)
    } else {
    }
    %add3A_5 = arith.constant 32 : i32
    %add3A_6 = arith.addi %add3A, %add3A_5 : i32
    %lt3A_7 = arith.constant 5070 : i32
    %lt3A_8 = arith.cmpi slt, %add3A_6, %lt3A_7 : i32
    %convert_element_type3A_9 = arith.extui %lt3A_8 : i1 to i32
    %cond3A_10 = arith.constant 0 : i32
    %cond3A_11 = arith.cmpi ne, %convert_element_type3A_9, %cond3A_10 : i32
    scf.if %cond3A_11 {
      %add3A_42 = arith.constant 32 : i32
      %add3A_43 = arith.addi %add3A, %add3A_42 : i32
      %jit3A = arith.constant 195 : i32
      %div3A = arith.divsi %add3A_43, %jit3A : i32
      %sign3A = arith.constant 0 : i32
      %sign3A_44 = arith.cmpi sgt, %add3A_43, %sign3A : i32
      %sign3A_45 = arith.extui %sign3A_44 : i1 to i32
      %sign3A_46 = arith.constant 0 : i32
      %sign3A_47 = arith.cmpi slt, %add3A_43, %sign3A_46 : i32
      %sign3A_48 = arith.extui %sign3A_47 : i1 to i32
      %sign3A_49 = arith.subi %sign3A_45, %sign3A_48 : i32
      %sign3A_50 = arith.constant 0 : i32
      %sign3A_51 = arith.cmpi sgt, %jit3A, %sign3A_50 : i32
      %sign3A_52 = arith.extui %sign3A_51 : i1 to i32
      %sign3A_53 = arith.constant 0 : i32
      %sign3A_54 = arith.cmpi slt, %jit3A, %sign3A_53 : i32
      %sign3A_55 = arith.extui %sign3A_54 : i1 to i32
      %sign3A_56 = arith.subi %sign3A_52, %sign3A_55 : i32
      %ne3A = arith.cmpi ne, %sign3A_49, %sign3A_56 : i32
      %rem3A = arith.remsi %add3A_43, %jit3A : i32
      %ne3A_57 = arith.constant 0 : i32
      %ne3A_58 = arith.cmpi ne, %rem3A, %ne3A_57 : i32
      %and3A = arith.andi %ne3A, %ne3A_58 : i1
      %sub3A = arith.constant 1 : i32
      %sub3A_59 = arith.subi %div3A, %sub3A : i32
      %select_n3A = arith.select %and3A, %sub3A_59, %div3A : i32
      %jit3A_60 = arith.constant 195 : i32
      %eq3A = arith.constant 0 : i32
      %eq3A_61 = arith.cmpi eq, %jit3A_60, %eq3A : i32
      %jit3A_62 = arith.constant 1 : i32
      %select_n3A_63 = arith.select %eq3A_61, %jit3A_62, %jit3A_60 : i32
      %rem3A_64 = arith.remsi %add3A_43, %select_n3A_63 : i32
      %ne3A_65 = arith.constant 0 : i32
      %ne3A_66 = arith.cmpi ne, %rem3A_64, %ne3A_65 : i32
      %lt3A_67 = arith.constant 0 : i32
      %lt3A_68 = arith.cmpi slt, %rem3A_64, %lt3A_67 : i32
      %lt3A_69 = arith.constant 0 : i32
      %lt3A_70 = arith.cmpi slt, %select_n3A_63, %lt3A_69 : i32
      %ne3A_71 = arith.xori %lt3A_68, %lt3A_70 : i1
      %and3A_72 = arith.andi %ne3A_71, %ne3A_66 : i1
      %add3A_73 = arith.addi %rem3A_64, %select_n3A_63 : i32
      %select_n3A_74 = arith.select %and3A_72, %add3A_73, %rem3A_64 : i32
      %mul3A_75 = arith.constant 512 : i32
      %mul3A_76 = arith.muli %select_n3A_74, %mul3A_75 : i32
      %multiple_of3A = tpu.assume_multiple %mul3A_76, 512 : i32
      %dma_start3A = arith.constant 0 : i32
      %dma_start3A_77 = arith.constant 0 : i32
      %dma_start3A_78 = tpu.memref_slice %arg6[%dma_start3A, %dma_start3A_77] : memref<32x512xf32, #tpu.memory_space<vmem>> -> memref<8x512xf32, #tpu.memory_space<vmem>>
      %dma_start3A_79 = arith.constant 0 : i32
      %dma_start3A_80 = tpu.memref_slice %arg2[%select_n3A, %dma_start3A_79, %multiple_of3A] : memref<26x32x100000xf32, #tpu.memory_space<hbm>> -> memref<1x8x512xf32, #tpu.memory_space<hbm>>
      %dma_start3A_81 = tpu.memref_squeeze %dma_start3A_80 : memref<1x8x512xf32, #tpu.memory_space<hbm>> -> memref<8x512xf32, #tpu.memory_space<hbm>>
      %dma_start3A_82 = arith.constant 0 : i32
      %dma_start3A_83 = arith.constant 0 : i32
      %dma_start3A_84 = tpu.memref_slice %arg6[%dma_start3A_82, %dma_start3A_83] : memref<32x512xf32, #tpu.memory_space<vmem>> -> memref<8x512xf32, #tpu.memory_space<vmem>>
      %dma_start3A_85 = arith.constant 0 : i32
      %dma_start3A_86 = tpu.memref_slice %arg2[%select_n3A, %dma_start3A_85, %multiple_of3A] : memref<26x32x100000xf32, #tpu.memory_space<hbm>> -> memref<1x8x512xf32, #tpu.memory_space<hbm>>
      %dma_start3A_87 = tpu.memref_squeeze %dma_start3A_86 : memref<1x8x512xf32, #tpu.memory_space<hbm>> -> memref<8x512xf32, #tpu.memory_space<hbm>>
      tpu.enqueue_dma source(%dma_start3A_87 : memref<8x512xf32, #tpu.memory_space<hbm>>) target(%dma_start3A_84 : memref<8x512xf32, #tpu.memory_space<vmem>>) target_semaphore(%arg13 : memref<!tpu.dma_semaphore, #tpu.memory_space<semaphore_mem>>)
      %add3A_88 = arith.constant 32 : i32
      %add3A_89 = arith.addi %add3A, %add3A_88 : i32
      %jit3A_90 = arith.constant 195 : i32
      %div3A_91 = arith.divsi %add3A_89, %jit3A_90 : i32
      %sign3A_92 = arith.constant 0 : i32
      %sign3A_93 = arith.cmpi sgt, %add3A_89, %sign3A_92 : i32
      %sign3A_94 = arith.extui %sign3A_93 : i1 to i32
      %sign3A_95 = arith.constant 0 : i32
      %sign3A_96 = arith.cmpi slt, %add3A_89, %sign3A_95 : i32
      %sign3A_97 = arith.extui %sign3A_96 : i1 to i32
      %sign3A_98 = arith.subi %sign3A_94, %sign3A_97 : i32
      %sign3A_99 = arith.constant 0 : i32
      %sign3A_100 = arith.cmpi sgt, %jit3A_90, %sign3A_99 : i32
      %sign3A_101 = arith.extui %sign3A_100 : i1 to i32
      %sign3A_102 = arith.constant 0 : i32
      %sign3A_103 = arith.cmpi slt, %jit3A_90, %sign3A_102 : i32
      %sign3A_104 = arith.extui %sign3A_103 : i1 to i32
      %sign3A_105 = arith.subi %sign3A_101, %sign3A_104 : i32
      %ne3A_106 = arith.cmpi ne, %sign3A_98, %sign3A_105 : i32
      %rem3A_107 = arith.remsi %add3A_89, %jit3A_90 : i32
      %ne3A_108 = arith.constant 0 : i32
      %ne3A_109 = arith.cmpi ne, %rem3A_107, %ne3A_108 : i32
      %and3A_110 = arith.andi %ne3A_106, %ne3A_109 : i1
      %sub3A_111 = arith.constant 1 : i32
      %sub3A_112 = arith.subi %div3A_91, %sub3A_111 : i32
      %select_n3A_113 = arith.select %and3A_110, %sub3A_112, %div3A_91 : i32
      %jit3A_114 = arith.constant 195 : i32
      %eq3A_115 = arith.constant 0 : i32
      %eq3A_116 = arith.cmpi eq, %jit3A_114, %eq3A_115 : i32
      %jit3A_117 = arith.constant 1 : i32
      %select_n3A_118 = arith.select %eq3A_116, %jit3A_117, %jit3A_114 : i32
      %rem3A_119 = arith.remsi %add3A_89, %select_n3A_118 : i32
      %ne3A_120 = arith.constant 0 : i32
      %ne3A_121 = arith.cmpi ne, %rem3A_119, %ne3A_120 : i32
      %lt3A_122 = arith.constant 0 : i32
      %lt3A_123 = arith.cmpi slt, %rem3A_119, %lt3A_122 : i32
      %lt3A_124 = arith.constant 0 : i32
      %lt3A_125 = arith.cmpi slt, %select_n3A_118, %lt3A_124 : i32
      %ne3A_126 = arith.xori %lt3A_123, %lt3A_125 : i1
      %and3A_127 = arith.andi %ne3A_126, %ne3A_121 : i1
      %add3A_128 = arith.addi %rem3A_119, %select_n3A_118 : i32
      %select_n3A_129 = arith.select %and3A_127, %add3A_128, %rem3A_119 : i32
      %mul3A_130 = arith.constant 512 : i32
      %mul3A_131 = arith.muli %select_n3A_129, %mul3A_130 : i32
      %multiple_of3A_132 = tpu.assume_multiple %mul3A_131, 512 : i32
      %dma_start3A_133 = arith.constant 8 : i32
      %dma_start3A_134 = arith.constant 0 : i32
      %dma_start3A_135 = tpu.memref_slice %arg6[%dma_start3A_133, %dma_start3A_134] : memref<32x512xf32, #tpu.memory_space<vmem>> -> memref<8x512xf32, #tpu.memory_space<vmem>>
      %dma_start3A_136 = arith.constant 8 : i32
      %dma_start3A_137 = tpu.memref_slice %arg2[%select_n3A_113, %dma_start3A_136, %multiple_of3A_132] : memref<26x32x100000xf32, #tpu.memory_space<hbm>> -> memref<1x8x512xf32, #tpu.memory_space<hbm>>
      %dma_start3A_138 = tpu.memref_squeeze %dma_start3A_137 : memref<1x8x512xf32, #tpu.memory_space<hbm>> -> memref<8x512xf32, #tpu.memory_space<hbm>>
      %dma_start3A_139 = arith.constant 8 : i32
      %dma_start3A_140 = arith.constant 0 : i32
      %dma_start3A_141 = tpu.memref_slice %arg6[%dma_start3A_139, %dma_start3A_140] : memref<32x512xf32, #tpu.memory_space<vmem>> -> memref<8x512xf32, #tpu.memory_space<vmem>>
      %dma_start3A_142 = arith.constant 8 : i32
      %dma_start3A_143 = tpu.memref_slice %arg2[%select_n3A_113, %dma_start3A_142, %multiple_of3A_132] : memref<26x32x100000xf32, #tpu.memory_space<hbm>> -> memref<1x8x512xf32, #tpu.memory_space<hbm>>
      %dma_start3A_144 = tpu.memref_squeeze %dma_start3A_143 : memref<1x8x512xf32, #tpu.memory_space<hbm>> -> memref<8x512xf32, #tpu.memory_space<hbm>>
      tpu.enqueue_dma source(%dma_start3A_144 : memref<8x512xf32, #tpu.memory_space<hbm>>) target(%dma_start3A_141 : memref<8x512xf32, #tpu.memory_space<vmem>>) target_semaphore(%arg13 : memref<!tpu.dma_semaphore, #tpu.memory_space<semaphore_mem>>)
      %add3A_145 = arith.constant 32 : i32
      %add3A_146 = arith.addi %add3A, %add3A_145 : i32
      %jit3A_147 = arith.constant 195 : i32
      %div3A_148 = arith.divsi %add3A_146, %jit3A_147 : i32
      %sign3A_149 = arith.constant 0 : i32
      %sign3A_150 = arith.cmpi sgt, %add3A_146, %sign3A_149 : i32
      %sign3A_151 = arith.extui %sign3A_150 : i1 to i32
      %sign3A_152 = arith.constant 0 : i32
      %sign3A_153 = arith.cmpi slt, %add3A_146, %sign3A_152 : i32
      %sign3A_154 = arith.extui %sign3A_153 : i1 to i32
      %sign3A_155 = arith.subi %sign3A_151, %sign3A_154 : i32
      %sign3A_156 = arith.constant 0 : i32
      %sign3A_157 = arith.cmpi sgt, %jit3A_147, %sign3A_156 : i32
      %sign3A_158 = arith.extui %sign3A_157 : i1 to i32
      %sign3A_159 = arith.constant 0 : i32
      %sign3A_160 = arith.cmpi slt, %jit3A_147, %sign3A_159 : i32
      %sign3A_161 = arith.extui %sign3A_160 : i1 to i32
      %sign3A_162 = arith.subi %sign3A_158, %sign3A_161 : i32
      %ne3A_163 = arith.cmpi ne, %sign3A_155, %sign3A_162 : i32
      %rem3A_164 = arith.remsi %add3A_146, %jit3A_147 : i32
      %ne3A_165 = arith.constant 0 : i32
      %ne3A_166 = arith.cmpi ne, %rem3A_164, %ne3A_165 : i32
      %and3A_167 = arith.andi %ne3A_163, %ne3A_166 : i1
      %sub3A_168 = arith.constant 1 : i32
      %sub3A_169 = arith.subi %div3A_148, %sub3A_168 : i32
      %select_n3A_170 = arith.select %and3A_167, %sub3A_169, %div3A_148 : i32
      %jit3A_171 = arith.constant 195 : i32
      %eq3A_172 = arith.constant 0 : i32
      %eq3A_173 = arith.cmpi eq, %jit3A_171, %eq3A_172 : i32
      %jit3A_174 = arith.constant 1 : i32
      %select_n3A_175 = arith.select %eq3A_173, %jit3A_174, %jit3A_171 : i32
      %rem3A_176 = arith.remsi %add3A_146, %select_n3A_175 : i32
      %ne3A_177 = arith.constant 0 : i32
      %ne3A_178 = arith.cmpi ne, %rem3A_176, %ne3A_177 : i32
      %lt3A_179 = arith.constant 0 : i32
      %lt3A_180 = arith.cmpi slt, %rem3A_176, %lt3A_179 : i32
      %lt3A_181 = arith.constant 0 : i32
      %lt3A_182 = arith.cmpi slt, %select_n3A_175, %lt3A_181 : i32
      %ne3A_183 = arith.xori %lt3A_180, %lt3A_182 : i1
      %and3A_184 = arith.andi %ne3A_183, %ne3A_178 : i1
      %add3A_185 = arith.addi %rem3A_176, %select_n3A_175 : i32
      %select_n3A_186 = arith.select %and3A_184, %add3A_185, %rem3A_176 : i32
      %mul3A_187 = arith.constant 512 : i32
      %mul3A_188 = arith.muli %select_n3A_186, %mul3A_187 : i32
      %multiple_of3A_189 = tpu.assume_multiple %mul3A_188, 512 : i32
      %dma_start3A_190 = arith.constant 16 : i32
      %dma_start3A_191 = arith.constant 0 : i32
      %dma_start3A_192 = tpu.memref_slice %arg6[%dma_start3A_190, %dma_start3A_191] : memref<32x512xf32, #tpu.memory_space<vmem>> -> memref<8x512xf32, #tpu.memory_space<vmem>>
      %dma_start3A_193 = arith.constant 16 : i32
      %dma_start3A_194 = tpu.memref_slice %arg2[%select_n3A_170, %dma_start3A_193, %multiple_of3A_189] : memref<26x32x100000xf32, #tpu.memory_space<hbm>> -> memref<1x8x512xf32, #tpu.memory_space<hbm>>
      %dma_start3A_195 = tpu.memref_squeeze %dma_start3A_194 : memref<1x8x512xf32, #tpu.memory_space<hbm>> -> memref<8x512xf32, #tpu.memory_space<hbm>>
      %dma_start3A_196 = arith.constant 16 : i32
      %dma_start3A_197 = arith.constant 0 : i32
      %dma_start3A_198 = tpu.memref_slice %arg6[%dma_start3A_196, %dma_start3A_197] : memref<32x512xf32, #tpu.memory_space<vmem>> -> memref<8x512xf32, #tpu.memory_space<vmem>>
      %dma_start3A_199 = arith.constant 16 : i32
      %dma_start3A_200 = tpu.memref_slice %arg2[%select_n3A_170, %dma_start3A_199, %multiple_of3A_189] : memref<26x32x100000xf32, #tpu.memory_space<hbm>> -> memref<1x8x512xf32, #tpu.memory_space<hbm>>
      %dma_start3A_201 = tpu.memref_squeeze %dma_start3A_200 : memref<1x8x512xf32, #tpu.memory_space<hbm>> -> memref<8x512xf32, #tpu.memory_space<hbm>>
      tpu.enqueue_dma source(%dma_start3A_201 : memref<8x512xf32, #tpu.memory_space<hbm>>) target(%dma_start3A_198 : memref<8x512xf32, #tpu.memory_space<vmem>>) target_semaphore(%arg13 : memref<!tpu.dma_semaphore, #tpu.memory_space<semaphore_mem>>)
      %add3A_202 = arith.constant 32 : i32
      %add3A_203 = arith.addi %add3A, %add3A_202 : i32
      %jit3A_204 = arith.constant 195 : i32
      %div3A_205 = arith.divsi %add3A_203, %jit3A_204 : i32
      %sign3A_206 = arith.constant 0 : i32
      %sign3A_207 = arith.cmpi sgt, %add3A_203, %sign3A_206 : i32
      %sign3A_208 = arith.extui %sign3A_207 : i1 to i32
      %sign3A_209 = arith.constant 0 : i32
      %sign3A_210 = arith.cmpi slt, %add3A_203, %sign3A_209 : i32
      %sign3A_211 = arith.extui %sign3A_210 : i1 to i32
      %sign3A_212 = arith.subi %sign3A_208, %sign3A_211 : i32
      %sign3A_213 = arith.constant 0 : i32
      %sign3A_214 = arith.cmpi sgt, %jit3A_204, %sign3A_213 : i32
      %sign3A_215 = arith.extui %sign3A_214 : i1 to i32
      %sign3A_216 = arith.constant 0 : i32
      %sign3A_217 = arith.cmpi slt, %jit3A_204, %sign3A_216 : i32
      %sign3A_218 = arith.extui %sign3A_217 : i1 to i32
      %sign3A_219 = arith.subi %sign3A_215, %sign3A_218 : i32
      %ne3A_220 = arith.cmpi ne, %sign3A_212, %sign3A_219 : i32
      %rem3A_221 = arith.remsi %add3A_203, %jit3A_204 : i32
      %ne3A_222 = arith.constant 0 : i32
      %ne3A_223 = arith.cmpi ne, %rem3A_221, %ne3A_222 : i32
      %and3A_224 = arith.andi %ne3A_220, %ne3A_223 : i1
      %sub3A_225 = arith.constant 1 : i32
      %sub3A_226 = arith.subi %div3A_205, %sub3A_225 : i32
      %select_n3A_227 = arith.select %and3A_224, %sub3A_226, %div3A_205 : i32
      %jit3A_228 = arith.constant 195 : i32
      %eq3A_229 = arith.constant 0 : i32
      %eq3A_230 = arith.cmpi eq, %jit3A_228, %eq3A_229 : i32
      %jit3A_231 = arith.constant 1 : i32
      %select_n3A_232 = arith.select %eq3A_230, %jit3A_231, %jit3A_228 : i32
      %rem3A_233 = arith.remsi %add3A_203, %select_n3A_232 : i32
      %ne3A_234 = arith.constant 0 : i32
      %ne3A_235 = arith.cmpi ne, %rem3A_233, %ne3A_234 : i32
      %lt3A_236 = arith.constant 0 : i32
      %lt3A_237 = arith.cmpi slt, %rem3A_233, %lt3A_236 : i32
      %lt3A_238 = arith.constant 0 : i32
      %lt3A_239 = arith.cmpi slt, %select_n3A_232, %lt3A_238 : i32
      %ne3A_240 = arith.xori %lt3A_237, %lt3A_239 : i1
      %and3A_241 = arith.andi %ne3A_240, %ne3A_235 : i1
      %add3A_242 = arith.addi %rem3A_233, %select_n3A_232 : i32
      %select_n3A_243 = arith.select %and3A_241, %add3A_242, %rem3A_233 : i32
      %mul3A_244 = arith.constant 512 : i32
      %mul3A_245 = arith.muli %select_n3A_243, %mul3A_244 : i32
      %multiple_of3A_246 = tpu.assume_multiple %mul3A_245, 512 : i32
      %dma_start3A_247 = arith.constant 24 : i32
      %dma_start3A_248 = arith.constant 0 : i32
      %dma_start3A_249 = tpu.memref_slice %arg6[%dma_start3A_247, %dma_start3A_248] : memref<32x512xf32, #tpu.memory_space<vmem>> -> memref<8x512xf32, #tpu.memory_space<vmem>>
      %dma_start3A_250 = arith.constant 24 : i32
      %dma_start3A_251 = tpu.memref_slice %arg2[%select_n3A_227, %dma_start3A_250, %multiple_of3A_246] : memref<26x32x100000xf32, #tpu.memory_space<hbm>> -> memref<1x8x512xf32, #tpu.memory_space<hbm>>
      %dma_start3A_252 = tpu.memref_squeeze %dma_start3A_251 : memref<1x8x512xf32, #tpu.memory_space<hbm>> -> memref<8x512xf32, #tpu.memory_space<hbm>>
      %dma_start3A_253 = arith.constant 24 : i32
      %dma_start3A_254 = arith.constant 0 : i32
      %dma_start3A_255 = tpu.memref_slice %arg6[%dma_start3A_253, %dma_start3A_254] : memref<32x512xf32, #tpu.memory_space<vmem>> -> memref<8x512xf32, #tpu.memory_space<vmem>>
      %dma_start3A_256 = arith.constant 24 : i32
      %dma_start3A_257 = tpu.memref_slice %arg2[%select_n3A_227, %dma_start3A_256, %multiple_of3A_246] : memref<26x32x100000xf32, #tpu.memory_space<hbm>> -> memref<1x8x512xf32, #tpu.memory_space<hbm>>
      %dma_start3A_258 = tpu.memref_squeeze %dma_start3A_257 : memref<1x8x512xf32, #tpu.memory_space<hbm>> -> memref<8x512xf32, #tpu.memory_space<hbm>>
      tpu.enqueue_dma source(%dma_start3A_258 : memref<8x512xf32, #tpu.memory_space<hbm>>) target(%dma_start3A_255 : memref<8x512xf32, #tpu.memory_space<vmem>>) target_semaphore(%arg13 : memref<!tpu.dma_semaphore, #tpu.memory_space<semaphore_mem>>)
    } else {
    }
    %scan3A = arith.constant 0 : i32
    %scan3A_12 = arith.constant 53 : i32
    %scan3A_13 = arith.addi %scan3A, %scan3A_12 : i32
    %scan3A_14 = arith.constant 1 : i32
    scf.for %scan3A_42 = %scan3A to %scan3A_13 step %scan3A_14  : i32 {
      %mul3A_43 = arith.constant 3 : i32
      %mul3A_44 = arith.muli %scan3A_42, %mul3A_43 : i32
      %add3A_45 = arith.constant 0 : i32
      %add3A_46 = arith.addi %mul3A_44, %add3A_45 : i32
      %mul3A_47 = arith.constant 32 : i32
      %mul3A_48 = arith.muli %add3A_46, %mul3A_47 : i32
      %add3A_49 = arith.addi %add3A, %mul3A_48 : i32
      %lt3A_50 = arith.constant 5070 : i32
      %lt3A_51 = arith.cmpi slt, %add3A_49, %lt3A_50 : i32
      %convert_element_type3A_52 = arith.extui %lt3A_51 : i1 to i32
      %cond3A_53 = arith.constant 0 : i32
      %cond3A_54 = arith.cmpi ne, %convert_element_type3A_52, %cond3A_53 : i32
      scf.if %cond3A_54 {
        %mul3A_79 = arith.constant 32 : i32
        %mul3A_80 = arith.muli %add3A_46, %mul3A_79 : i32
        %add3A_81 = arith.addi %add3A, %mul3A_80 : i32
        %jit3A = arith.constant 195 : i32
        %div3A = arith.divsi %add3A_81, %jit3A : i32
        %sign3A = arith.constant 0 : i32
        %sign3A_82 = arith.cmpi sgt, %add3A_81, %sign3A : i32
        %sign3A_83 = arith.extui %sign3A_82 : i1 to i32
        %sign3A_84 = arith.constant 0 : i32
        %sign3A_85 = arith.cmpi slt, %add3A_81, %sign3A_84 : i32
        %sign3A_86 = arith.extui %sign3A_85 : i1 to i32
        %sign3A_87 = arith.subi %sign3A_83, %sign3A_86 : i32
        %sign3A_88 = arith.constant 0 : i32
        %sign3A_89 = arith.cmpi sgt, %jit3A, %sign3A_88 : i32
        %sign3A_90 = arith.extui %sign3A_89 : i1 to i32
        %sign3A_91 = arith.constant 0 : i32
        %sign3A_92 = arith.cmpi slt, %jit3A, %sign3A_91 : i32
        %sign3A_93 = arith.extui %sign3A_92 : i1 to i32
        %sign3A_94 = arith.subi %sign3A_90, %sign3A_93 : i32
        %ne3A = arith.cmpi ne, %sign3A_87, %sign3A_94 : i32
        %rem3A = arith.remsi %add3A_81, %jit3A : i32
        %ne3A_95 = arith.constant 0 : i32
        %ne3A_96 = arith.cmpi ne, %rem3A, %ne3A_95 : i32
        %and3A = arith.andi %ne3A, %ne3A_96 : i1
        %sub3A = arith.constant 1 : i32
        %sub3A_97 = arith.subi %div3A, %sub3A : i32
        %select_n3A = arith.select %and3A, %sub3A_97, %div3A : i32
        %jit3A_98 = arith.constant 195 : i32
        %eq3A = arith.constant 0 : i32
        %eq3A_99 = arith.cmpi eq, %jit3A_98, %eq3A : i32
        %jit3A_100 = arith.constant 1 : i32
        %select_n3A_101 = arith.select %eq3A_99, %jit3A_100, %jit3A_98 : i32
        %rem3A_102 = arith.remsi %add3A_81, %select_n3A_101 : i32
        %ne3A_103 = arith.constant 0 : i32
        %ne3A_104 = arith.cmpi ne, %rem3A_102, %ne3A_103 : i32
        %lt3A_105 = arith.constant 0 : i32
        %lt3A_106 = arith.cmpi slt, %rem3A_102, %lt3A_105 : i32
        %lt3A_107 = arith.constant 0 : i32
        %lt3A_108 = arith.cmpi slt, %select_n3A_101, %lt3A_107 : i32
        %ne3A_109 = arith.xori %lt3A_106, %lt3A_108 : i1
        %and3A_110 = arith.andi %ne3A_109, %ne3A_104 : i1
        %add3A_111 = arith.addi %rem3A_102, %select_n3A_101 : i32
        %select_n3A_112 = arith.select %and3A_110, %add3A_111, %rem3A_102 : i32
        %mul3A_113 = arith.constant 512 : i32
        %mul3A_114 = arith.muli %select_n3A_112, %mul3A_113 : i32
        %multiple_of3A = tpu.assume_multiple %mul3A_114, 512 : i32
        %dma_wait3A = arith.constant 0 : i32
        %dma_wait3A_115 = arith.constant 0 : i32
        %dma_wait3A_116 = tpu.memref_slice %arg5[%dma_wait3A, %dma_wait3A_115] : memref<32x512xf32, #tpu.memory_space<vmem>> -> memref<8x512xf32, #tpu.memory_space<vmem>>
        %dma_wait3A_117 = arith.constant 0 : i32
        %dma_wait3A_118 = tpu.memref_slice %arg2[%select_n3A, %dma_wait3A_117, %multiple_of3A] : memref<26x32x100000xf32, #tpu.memory_space<hbm>> -> memref<1x8x512xf32, #tpu.memory_space<hbm>>
        %dma_wait3A_119 = tpu.memref_squeeze %dma_wait3A_118 : memref<1x8x512xf32, #tpu.memory_space<hbm>> -> memref<8x512xf32, #tpu.memory_space<hbm>>
        %dma_wait3A_120 = arith.constant 0 : i32
        %dma_wait3A_121 = arith.constant 0 : i32
        %dma_wait3A_122 = tpu.memref_slice %arg5[%dma_wait3A_120, %dma_wait3A_121] : memref<32x512xf32, #tpu.memory_space<vmem>> -> memref<8x512xf32, #tpu.memory_space<vmem>>
        %dma_wait3A_123 = arith.constant 0 : i32
        %dma_wait3A_124 = tpu.memref_slice %arg2[%select_n3A, %dma_wait3A_123, %multiple_of3A] : memref<26x32x100000xf32, #tpu.memory_space<hbm>> -> memref<1x8x512xf32, #tpu.memory_space<hbm>>
        %dma_wait3A_125 = tpu.memref_squeeze %dma_wait3A_124 : memref<1x8x512xf32, #tpu.memory_space<hbm>> -> memref<8x512xf32, #tpu.memory_space<hbm>>
        tpu.wait_dma2 semaphore(%arg12 : memref<!tpu.dma_semaphore, #tpu.memory_space<semaphore_mem>>) src(%dma_wait3A_125 : memref<8x512xf32, #tpu.memory_space<hbm>>) dst(%dma_wait3A_122 : memref<8x512xf32, #tpu.memory_space<vmem>>)
        %mul3A_126 = arith.constant 32 : i32
        %mul3A_127 = arith.muli %add3A_46, %mul3A_126 : i32
        %add3A_128 = arith.addi %add3A, %mul3A_127 : i32
        %jit3A_129 = arith.constant 195 : i32
        %div3A_130 = arith.divsi %add3A_128, %jit3A_129 : i32
        %sign3A_131 = arith.constant 0 : i32
        %sign3A_132 = arith.cmpi sgt, %add3A_128, %sign3A_131 : i32
        %sign3A_133 = arith.extui %sign3A_132 : i1 to i32
        %sign3A_134 = arith.constant 0 : i32
        %sign3A_135 = arith.cmpi slt, %add3A_128, %sign3A_134 : i32
        %sign3A_136 = arith.extui %sign3A_135 : i1 to i32
        %sign3A_137 = arith.subi %sign3A_133, %sign3A_136 : i32
        %sign3A_138 = arith.constant 0 : i32
        %sign3A_139 = arith.cmpi sgt, %jit3A_129, %sign3A_138 : i32
        %sign3A_140 = arith.extui %sign3A_139 : i1 to i32
        %sign3A_141 = arith.constant 0 : i32
        %sign3A_142 = arith.cmpi slt, %jit3A_129, %sign3A_141 : i32
        %sign3A_143 = arith.extui %sign3A_142 : i1 to i32
        %sign3A_144 = arith.subi %sign3A_140, %sign3A_143 : i32
        %ne3A_145 = arith.cmpi ne, %sign3A_137, %sign3A_144 : i32
        %rem3A_146 = arith.remsi %add3A_128, %jit3A_129 : i32
        %ne3A_147 = arith.constant 0 : i32
        %ne3A_148 = arith.cmpi ne, %rem3A_146, %ne3A_147 : i32
        %and3A_149 = arith.andi %ne3A_145, %ne3A_148 : i1
        %sub3A_150 = arith.constant 1 : i32
        %sub3A_151 = arith.subi %div3A_130, %sub3A_150 : i32
        %select_n3A_152 = arith.select %and3A_149, %sub3A_151, %div3A_130 : i32
        %jit3A_153 = arith.constant 195 : i32
        %eq3A_154 = arith.constant 0 : i32
        %eq3A_155 = arith.cmpi eq, %jit3A_153, %eq3A_154 : i32
        %jit3A_156 = arith.constant 1 : i32
        %select_n3A_157 = arith.select %eq3A_155, %jit3A_156, %jit3A_153 : i32
        %rem3A_158 = arith.remsi %add3A_128, %select_n3A_157 : i32
        %ne3A_159 = arith.constant 0 : i32
        %ne3A_160 = arith.cmpi ne, %rem3A_158, %ne3A_159 : i32
        %lt3A_161 = arith.constant 0 : i32
        %lt3A_162 = arith.cmpi slt, %rem3A_158, %lt3A_161 : i32
        %lt3A_163 = arith.constant 0 : i32
        %lt3A_164 = arith.cmpi slt, %select_n3A_157, %lt3A_163 : i32
        %ne3A_165 = arith.xori %lt3A_162, %lt3A_164 : i1
        %and3A_166 = arith.andi %ne3A_165, %ne3A_160 : i1
        %add3A_167 = arith.addi %rem3A_158, %select_n3A_157 : i32
        %select_n3A_168 = arith.select %and3A_166, %add3A_167, %rem3A_158 : i32
        %mul3A_169 = arith.constant 512 : i32
        %mul3A_170 = arith.muli %select_n3A_168, %mul3A_169 : i32
        %multiple_of3A_171 = tpu.assume_multiple %mul3A_170, 512 : i32
        %dma_wait3A_172 = arith.constant 8 : i32
        %dma_wait3A_173 = arith.constant 0 : i32
        %dma_wait3A_174 = tpu.memref_slice %arg5[%dma_wait3A_172, %dma_wait3A_173] : memref<32x512xf32, #tpu.memory_space<vmem>> -> memref<8x512xf32, #tpu.memory_space<vmem>>
        %dma_wait3A_175 = arith.constant 8 : i32
        %dma_wait3A_176 = tpu.memref_slice %arg2[%select_n3A_152, %dma_wait3A_175, %multiple_of3A_171] : memref<26x32x100000xf32, #tpu.memory_space<hbm>> -> memref<1x8x512xf32, #tpu.memory_space<hbm>>
        %dma_wait3A_177 = tpu.memref_squeeze %dma_wait3A_176 : memref<1x8x512xf32, #tpu.memory_space<hbm>> -> memref<8x512xf32, #tpu.memory_space<hbm>>
        %dma_wait3A_178 = arith.constant 8 : i32
        %dma_wait3A_179 = arith.constant 0 : i32
        %dma_wait3A_180 = tpu.memref_slice %arg5[%dma_wait3A_178, %dma_wait3A_179] : memref<32x512xf32, #tpu.memory_space<vmem>> -> memref<8x512xf32, #tpu.memory_space<vmem>>
        %dma_wait3A_181 = arith.constant 8 : i32
        %dma_wait3A_182 = tpu.memref_slice %arg2[%select_n3A_152, %dma_wait3A_181, %multiple_of3A_171] : memref<26x32x100000xf32, #tpu.memory_space<hbm>> -> memref<1x8x512xf32, #tpu.memory_space<hbm>>
        %dma_wait3A_183 = tpu.memref_squeeze %dma_wait3A_182 : memref<1x8x512xf32, #tpu.memory_space<hbm>> -> memref<8x512xf32, #tpu.memory_space<hbm>>
        tpu.wait_dma2 semaphore(%arg12 : memref<!tpu.dma_semaphore, #tpu.memory_space<semaphore_mem>>) src(%dma_wait3A_183 : memref<8x512xf32, #tpu.memory_space<hbm>>) dst(%dma_wait3A_180 : memref<8x512xf32, #tpu.memory_space<vmem>>)
        %mul3A_184 = arith.constant 32 : i32
        %mul3A_185 = arith.muli %add3A_46, %mul3A_184 : i32
        %add3A_186 = arith.addi %add3A, %mul3A_185 : i32
        %jit3A_187 = arith.constant 195 : i32
        %div3A_188 = arith.divsi %add3A_186, %jit3A_187 : i32
        %sign3A_189 = arith.constant 0 : i32
        %sign3A_190 = arith.cmpi sgt, %add3A_186, %sign3A_189 : i32
        %sign3A_191 = arith.extui %sign3A_190 : i1 to i32
        %sign3A_192 = arith.constant 0 : i32
        %sign3A_193 = arith.cmpi slt, %add3A_186, %sign3A_192 : i32
        %sign3A_194 = arith.extui %sign3A_193 : i1 to i32
        %sign3A_195 = arith.subi %sign3A_191, %sign3A_194 : i32
        %sign3A_196 = arith.constant 0 : i32
        %sign3A_197 = arith.cmpi sgt, %jit3A_187, %sign3A_196 : i32
        %sign3A_198 = arith.extui %sign3A_197 : i1 to i32
        %sign3A_199 = arith.constant 0 : i32
        %sign3A_200 = arith.cmpi slt, %jit3A_187, %sign3A_199 : i32
        %sign3A_201 = arith.extui %sign3A_200 : i1 to i32
        %sign3A_202 = arith.subi %sign3A_198, %sign3A_201 : i32
        %ne3A_203 = arith.cmpi ne, %sign3A_195, %sign3A_202 : i32
        %rem3A_204 = arith.remsi %add3A_186, %jit3A_187 : i32
        %ne3A_205 = arith.constant 0 : i32
        %ne3A_206 = arith.cmpi ne, %rem3A_204, %ne3A_205 : i32
        %and3A_207 = arith.andi %ne3A_203, %ne3A_206 : i1
        %sub3A_208 = arith.constant 1 : i32
        %sub3A_209 = arith.subi %div3A_188, %sub3A_208 : i32
        %select_n3A_210 = arith.select %and3A_207, %sub3A_209, %div3A_188 : i32
        %jit3A_211 = arith.constant 195 : i32
        %eq3A_212 = arith.constant 0 : i32
        %eq3A_213 = arith.cmpi eq, %jit3A_211, %eq3A_212 : i32
        %jit3A_214 = arith.constant 1 : i32
        %select_n3A_215 = arith.select %eq3A_213, %jit3A_214, %jit3A_211 : i32
        %rem3A_216 = arith.remsi %add3A_186, %select_n3A_215 : i32
        %ne3A_217 = arith.constant 0 : i32
        %ne3A_218 = arith.cmpi ne, %rem3A_216, %ne3A_217 : i32
        %lt3A_219 = arith.constant 0 : i32
        %lt3A_220 = arith.cmpi slt, %rem3A_216, %lt3A_219 : i32
        %lt3A_221 = arith.constant 0 : i32
        %lt3A_222 = arith.cmpi slt, %select_n3A_215, %lt3A_221 : i32
        %ne3A_223 = arith.xori %lt3A_220, %lt3A_222 : i1
        %and3A_224 = arith.andi %ne3A_223, %ne3A_218 : i1
        %add3A_225 = arith.addi %rem3A_216, %select_n3A_215 : i32
        %select_n3A_226 = arith.select %and3A_224, %add3A_225, %rem3A_216 : i32
        %mul3A_227 = arith.constant 512 : i32
        %mul3A_228 = arith.muli %select_n3A_226, %mul3A_227 : i32
        %multiple_of3A_229 = tpu.assume_multiple %mul3A_228, 512 : i32
        %dma_wait3A_230 = arith.constant 16 : i32
        %dma_wait3A_231 = arith.constant 0 : i32
        %dma_wait3A_232 = tpu.memref_slice %arg5[%dma_wait3A_230, %dma_wait3A_231] : memref<32x512xf32, #tpu.memory_space<vmem>> -> memref<8x512xf32, #tpu.memory_space<vmem>>
        %dma_wait3A_233 = arith.constant 16 : i32
        %dma_wait3A_234 = tpu.memref_slice %arg2[%select_n3A_210, %dma_wait3A_233, %multiple_of3A_229] : memref<26x32x100000xf32, #tpu.memory_space<hbm>> -> memref<1x8x512xf32, #tpu.memory_space<hbm>>
        %dma_wait3A_235 = tpu.memref_squeeze %dma_wait3A_234 : memref<1x8x512xf32, #tpu.memory_space<hbm>> -> memref<8x512xf32, #tpu.memory_space<hbm>>
        %dma_wait3A_236 = arith.constant 16 : i32
        %dma_wait3A_237 = arith.constant 0 : i32
        %dma_wait3A_238 = tpu.memref_slice %arg5[%dma_wait3A_236, %dma_wait3A_237] : memref<32x512xf32, #tpu.memory_space<vmem>> -> memref<8x512xf32, #tpu.memory_space<vmem>>
        %dma_wait3A_239 = arith.constant 16 : i32
        %dma_wait3A_240 = tpu.memref_slice %arg2[%select_n3A_210, %dma_wait3A_239, %multiple_of3A_229] : memref<26x32x100000xf32, #tpu.memory_space<hbm>> -> memref<1x8x512xf32, #tpu.memory_space<hbm>>
        %dma_wait3A_241 = tpu.memref_squeeze %dma_wait3A_240 : memref<1x8x512xf32, #tpu.memory_space<hbm>> -> memref<8x512xf32, #tpu.memory_space<hbm>>
        tpu.wait_dma2 semaphore(%arg12 : memref<!tpu.dma_semaphore, #tpu.memory_space<semaphore_mem>>) src(%dma_wait3A_241 : memref<8x512xf32, #tpu.memory_space<hbm>>) dst(%dma_wait3A_238 : memref<8x512xf32, #tpu.memory_space<vmem>>)
        %mul3A_242 = arith.constant 32 : i32
        %mul3A_243 = arith.muli %add3A_46, %mul3A_242 : i32
        %add3A_244 = arith.addi %add3A, %mul3A_243 : i32
        %jit3A_245 = arith.constant 195 : i32
        %div3A_246 = arith.divsi %add3A_244, %jit3A_245 : i32
        %sign3A_247 = arith.constant 0 : i32
        %sign3A_248 = arith.cmpi sgt, %add3A_244, %sign3A_247 : i32
        %sign3A_249 = arith.extui %sign3A_248 : i1 to i32
        %sign3A_250 = arith.constant 0 : i32
        %sign3A_251 = arith.cmpi slt, %add3A_244, %sign3A_250 : i32
        %sign3A_252 = arith.extui %sign3A_251 : i1 to i32
        %sign3A_253 = arith.subi %sign3A_249, %sign3A_252 : i32
        %sign3A_254 = arith.constant 0 : i32
        %sign3A_255 = arith.cmpi sgt, %jit3A_245, %sign3A_254 : i32
        %sign3A_256 = arith.extui %sign3A_255 : i1 to i32
        %sign3A_257 = arith.constant 0 : i32
        %sign3A_258 = arith.cmpi slt, %jit3A_245, %sign3A_257 : i32
        %sign3A_259 = arith.extui %sign3A_258 : i1 to i32
        %sign3A_260 = arith.subi %sign3A_256, %sign3A_259 : i32
        %ne3A_261 = arith.cmpi ne, %sign3A_253, %sign3A_260 : i32
        %rem3A_262 = arith.remsi %add3A_244, %jit3A_245 : i32
        %ne3A_263 = arith.constant 0 : i32
        %ne3A_264 = arith.cmpi ne, %rem3A_262, %ne3A_263 : i32
        %and3A_265 = arith.andi %ne3A_261, %ne3A_264 : i1
        %sub3A_266 = arith.constant 1 : i32
        %sub3A_267 = arith.subi %div3A_246, %sub3A_266 : i32
        %select_n3A_268 = arith.select %and3A_265, %sub3A_267, %div3A_246 : i32
        %jit3A_269 = arith.constant 195 : i32
        %eq3A_270 = arith.constant 0 : i32
        %eq3A_271 = arith.cmpi eq, %jit3A_269, %eq3A_270 : i32
        %jit3A_272 = arith.constant 1 : i32
        %select_n3A_273 = arith.select %eq3A_271, %jit3A_272, %jit3A_269 : i32
        %rem3A_274 = arith.remsi %add3A_244, %select_n3A_273 : i32
        %ne3A_275 = arith.constant 0 : i32
        %ne3A_276 = arith.cmpi ne, %rem3A_274, %ne3A_275 : i32
        %lt3A_277 = arith.constant 0 : i32
        %lt3A_278 = arith.cmpi slt, %rem3A_274, %lt3A_277 : i32
        %lt3A_279 = arith.constant 0 : i32
        %lt3A_280 = arith.cmpi slt, %select_n3A_273, %lt3A_279 : i32
        %ne3A_281 = arith.xori %lt3A_278, %lt3A_280 : i1
        %and3A_282 = arith.andi %ne3A_281, %ne3A_276 : i1
        %add3A_283 = arith.addi %rem3A_274, %select_n3A_273 : i32
        %select_n3A_284 = arith.select %and3A_282, %add3A_283, %rem3A_274 : i32
        %mul3A_285 = arith.constant 512 : i32
        %mul3A_286 = arith.muli %select_n3A_284, %mul3A_285 : i32
        %multiple_of3A_287 = tpu.assume_multiple %mul3A_286, 512 : i32
        %dma_wait3A_288 = arith.constant 24 : i32
        %dma_wait3A_289 = arith.constant 0 : i32
        %dma_wait3A_290 = tpu.memref_slice %arg5[%dma_wait3A_288, %dma_wait3A_289] : memref<32x512xf32, #tpu.memory_space<vmem>> -> memref<8x512xf32, #tpu.memory_space<vmem>>
        %dma_wait3A_291 = arith.constant 24 : i32
        %dma_wait3A_292 = tpu.memref_slice %arg2[%select_n3A_268, %dma_wait3A_291, %multiple_of3A_287] : memref<26x32x100000xf32, #tpu.memory_space<hbm>> -> memref<1x8x512xf32, #tpu.memory_space<hbm>>
        %dma_wait3A_293 = tpu.memref_squeeze %dma_wait3A_292 : memref<1x8x512xf32, #tpu.memory_space<hbm>> -> memref<8x512xf32, #tpu.memory_space<hbm>>
        %dma_wait3A_294 = arith.constant 24 : i32
        %dma_wait3A_295 = arith.constant 0 : i32
        %dma_wait3A_296 = tpu.memref_slice %arg5[%dma_wait3A_294, %dma_wait3A_295] : memref<32x512xf32, #tpu.memory_space<vmem>> -> memref<8x512xf32, #tpu.memory_space<vmem>>
        %dma_wait3A_297 = arith.constant 24 : i32
        %dma_wait3A_298 = tpu.memref_slice %arg2[%select_n3A_268, %dma_wait3A_297, %multiple_of3A_287] : memref<26x32x100000xf32, #tpu.memory_space<hbm>> -> memref<1x8x512xf32, #tpu.memory_space<hbm>>
        %dma_wait3A_299 = tpu.memref_squeeze %dma_wait3A_298 : memref<1x8x512xf32, #tpu.memory_space<hbm>> -> memref<8x512xf32, #tpu.memory_space<hbm>>
        tpu.wait_dma2 semaphore(%arg12 : memref<!tpu.dma_semaphore, #tpu.memory_space<semaphore_mem>>) src(%dma_wait3A_299 : memref<8x512xf32, #tpu.memory_space<hbm>>) dst(%dma_wait3A_296 : memref<8x512xf32, #tpu.memory_space<vmem>>)
        %add3A_300 = arith.constant 2 : i32
        %add3A_301 = arith.addi %add3A_46, %add3A_300 : i32
        %mul3A_302 = arith.constant 32 : i32
        %mul3A_303 = arith.muli %add3A_301, %mul3A_302 : i32
        %add3A_304 = arith.addi %add3A, %mul3A_303 : i32
        %lt3A_305 = arith.constant 5070 : i32
        %lt3A_306 = arith.cmpi slt, %add3A_304, %lt3A_305 : i32
        %convert_element_type3A_307 = arith.extui %lt3A_306 : i1 to i32
        %cond3A_308 = arith.constant 0 : i32
        %cond3A_309 = arith.cmpi ne, %convert_element_type3A_307, %cond3A_308 : i32
        scf.if %cond3A_309 {
          %mul3A_374 = arith.constant 32 : i32
          %mul3A_375 = arith.muli %add3A_301, %mul3A_374 : i32
          %add3A_376 = arith.addi %add3A, %mul3A_375 : i32
          %jit3A_377 = arith.constant 195 : i32
          %div3A_378 = arith.divsi %add3A_376, %jit3A_377 : i32
          %sign3A_379 = arith.constant 0 : i32
          %sign3A_380 = arith.cmpi sgt, %add3A_376, %sign3A_379 : i32
          %sign3A_381 = arith.extui %sign3A_380 : i1 to i32
          %sign3A_382 = arith.constant 0 : i32
          %sign3A_383 = arith.cmpi slt, %add3A_376, %sign3A_382 : i32
          %sign3A_384 = arith.extui %sign3A_383 : i1 to i32
          %sign3A_385 = arith.subi %sign3A_381, %sign3A_384 : i32
          %sign3A_386 = arith.constant 0 : i32
          %sign3A_387 = arith.cmpi sgt, %jit3A_377, %sign3A_386 : i32
          %sign3A_388 = arith.extui %sign3A_387 : i1 to i32
          %sign3A_389 = arith.constant 0 : i32
          %sign3A_390 = arith.cmpi slt, %jit3A_377, %sign3A_389 : i32
          %sign3A_391 = arith.extui %sign3A_390 : i1 to i32
          %sign3A_392 = arith.subi %sign3A_388, %sign3A_391 : i32
          %ne3A_393 = arith.cmpi ne, %sign3A_385, %sign3A_392 : i32
          %rem3A_394 = arith.remsi %add3A_376, %jit3A_377 : i32
          %ne3A_395 = arith.constant 0 : i32
          %ne3A_396 = arith.cmpi ne, %rem3A_394, %ne3A_395 : i32
          %and3A_397 = arith.andi %ne3A_393, %ne3A_396 : i1
          %sub3A_398 = arith.constant 1 : i32
          %sub3A_399 = arith.subi %div3A_378, %sub3A_398 : i32
          %select_n3A_400 = arith.select %and3A_397, %sub3A_399, %div3A_378 : i32
          %jit3A_401 = arith.constant 195 : i32
          %eq3A_402 = arith.constant 0 : i32
          %eq3A_403 = arith.cmpi eq, %jit3A_401, %eq3A_402 : i32
          %jit3A_404 = arith.constant 1 : i32
          %select_n3A_405 = arith.select %eq3A_403, %jit3A_404, %jit3A_401 : i32
          %rem3A_406 = arith.remsi %add3A_376, %select_n3A_405 : i32
          %ne3A_407 = arith.constant 0 : i32
          %ne3A_408 = arith.cmpi ne, %rem3A_406, %ne3A_407 : i32
          %lt3A_409 = arith.constant 0 : i32
          %lt3A_410 = arith.cmpi slt, %rem3A_406, %lt3A_409 : i32
          %lt3A_411 = arith.constant 0 : i32
          %lt3A_412 = arith.cmpi slt, %select_n3A_405, %lt3A_411 : i32
          %ne3A_413 = arith.xori %lt3A_410, %lt3A_412 : i1
          %and3A_414 = arith.andi %ne3A_413, %ne3A_408 : i1
          %add3A_415 = arith.addi %rem3A_406, %select_n3A_405 : i32
          %select_n3A_416 = arith.select %and3A_414, %add3A_415, %rem3A_406 : i32
          %mul3A_417 = arith.constant 512 : i32
          %mul3A_418 = arith.muli %select_n3A_416, %mul3A_417 : i32
          %multiple_of3A_419 = tpu.assume_multiple %mul3A_418, 512 : i32
          %dma_start3A_420 = arith.constant 0 : i32
          %dma_start3A_421 = arith.constant 0 : i32
          %dma_start3A_422 = tpu.memref_slice %arg7[%dma_start3A_420, %dma_start3A_421] : memref<32x512xf32, #tpu.memory_space<vmem>> -> memref<8x512xf32, #tpu.memory_space<vmem>>
          %dma_start3A_423 = arith.constant 0 : i32
          %dma_start3A_424 = tpu.memref_slice %arg2[%select_n3A_400, %dma_start3A_423, %multiple_of3A_419] : memref<26x32x100000xf32, #tpu.memory_space<hbm>> -> memref<1x8x512xf32, #tpu.memory_space<hbm>>
          %dma_start3A_425 = tpu.memref_squeeze %dma_start3A_424 : memref<1x8x512xf32, #tpu.memory_space<hbm>> -> memref<8x512xf32, #tpu.memory_space<hbm>>
          %dma_start3A_426 = arith.constant 0 : i32
          %dma_start3A_427 = arith.constant 0 : i32
          %dma_start3A_428 = tpu.memref_slice %arg7[%dma_start3A_426, %dma_start3A_427] : memref<32x512xf32, #tpu.memory_space<vmem>> -> memref<8x512xf32, #tpu.memory_space<vmem>>
          %dma_start3A_429 = arith.constant 0 : i32
          %dma_start3A_430 = tpu.memref_slice %arg2[%select_n3A_400, %dma_start3A_429, %multiple_of3A_419] : memref<26x32x100000xf32, #tpu.memory_space<hbm>> -> memref<1x8x512xf32, #tpu.memory_space<hbm>>
          %dma_start3A_431 = tpu.memref_squeeze %dma_start3A_430 : memref<1x8x512xf32, #tpu.memory_space<hbm>> -> memref<8x512xf32, #tpu.memory_space<hbm>>
          tpu.enqueue_dma source(%dma_start3A_431 : memref<8x512xf32, #tpu.memory_space<hbm>>) target(%dma_start3A_428 : memref<8x512xf32, #tpu.memory_space<vmem>>) target_semaphore(%arg14 : memref<!tpu.dma_semaphore, #tpu.memory_space<semaphore_mem>>)
          %mul3A_432 = arith.constant 32 : i32
          %mul3A_433 = arith.muli %add3A_301, %mul3A_432 : i32
          %add3A_434 = arith.addi %add3A, %mul3A_433 : i32
          %jit3A_435 = arith.constant 195 : i32
          %div3A_436 = arith.divsi %add3A_434, %jit3A_435 : i32
          %sign3A_437 = arith.constant 0 : i32
          %sign3A_438 = arith.cmpi sgt, %add3A_434, %sign3A_437 : i32
          %sign3A_439 = arith.extui %sign3A_438 : i1 to i32
          %sign3A_440 = arith.constant 0 : i32
          %sign3A_441 = arith.cmpi slt, %add3A_434, %sign3A_440 : i32
          %sign3A_442 = arith.extui %sign3A_441 : i1 to i32
          %sign3A_443 = arith.subi %sign3A_439, %sign3A_442 : i32
          %sign3A_444 = arith.constant 0 : i32
          %sign3A_445 = arith.cmpi sgt, %jit3A_435, %sign3A_444 : i32
          %sign3A_446 = arith.extui %sign3A_445 : i1 to i32
          %sign3A_447 = arith.constant 0 : i32
          %sign3A_448 = arith.cmpi slt, %jit3A_435, %sign3A_447 : i32
          %sign3A_449 = arith.extui %sign3A_448 : i1 to i32
          %sign3A_450 = arith.subi %sign3A_446, %sign3A_449 : i32
          %ne3A_451 = arith.cmpi ne, %sign3A_443, %sign3A_450 : i32
          %rem3A_452 = arith.remsi %add3A_434, %jit3A_435 : i32
          %ne3A_453 = arith.constant 0 : i32
          %ne3A_454 = arith.cmpi ne, %rem3A_452, %ne3A_453 : i32
          %and3A_455 = arith.andi %ne3A_451, %ne3A_454 : i1
          %sub3A_456 = arith.constant 1 : i32
          %sub3A_457 = arith.subi %div3A_436, %sub3A_456 : i32
          %select_n3A_458 = arith.select %and3A_455, %sub3A_457, %div3A_436 : i32
          %jit3A_459 = arith.constant 195 : i32
          %eq3A_460 = arith.constant 0 : i32
          %eq3A_461 = arith.cmpi eq, %jit3A_459, %eq3A_460 : i32
          %jit3A_462 = arith.constant 1 : i32
          %select_n3A_463 = arith.select %eq3A_461, %jit3A_462, %jit3A_459 : i32
          %rem3A_464 = arith.remsi %add3A_434, %select_n3A_463 : i32
          %ne3A_465 = arith.constant 0 : i32
          %ne3A_466 = arith.cmpi ne, %rem3A_464, %ne3A_465 : i32
          %lt3A_467 = arith.constant 0 : i32
          %lt3A_468 = arith.cmpi slt, %rem3A_464, %lt3A_467 : i32
          %lt3A_469 = arith.constant 0 : i32
          %lt3A_470 = arith.cmpi slt, %select_n3A_463, %lt3A_469 : i32
          %ne3A_471 = arith.xori %lt3A_468, %lt3A_470 : i1
          %and3A_472 = arith.andi %ne3A_471, %ne3A_466 : i1
          %add3A_473 = arith.addi %rem3A_464, %select_n3A_463 : i32
          %select_n3A_474 = arith.select %and3A_472, %add3A_473, %rem3A_464 : i32
          %mul3A_475 = arith.constant 512 : i32
          %mul3A_476 = arith.muli %select_n3A_474, %mul3A_475 : i32
          %multiple_of3A_477 = tpu.assume_multiple %mul3A_476, 512 : i32
          %dma_start3A_478 = arith.constant 8 : i32
          %dma_start3A_479 = arith.constant 0 : i32
          %dma_start3A_480 = tpu.memref_slice %arg7[%dma_start3A_478, %dma_start3A_479] : memref<32x512xf32, #tpu.memory_space<vmem>> -> memref<8x512xf32, #tpu.memory_space<vmem>>
          %dma_start3A_481 = arith.constant 8 : i32
          %dma_start3A_482 = tpu.memref_slice %arg2[%select_n3A_458, %dma_start3A_481, %multiple_of3A_477] : memref<26x32x100000xf32, #tpu.memory_space<hbm>> -> memref<1x8x512xf32, #tpu.memory_space<hbm>>
          %dma_start3A_483 = tpu.memref_squeeze %dma_start3A_482 : memref<1x8x512xf32, #tpu.memory_space<hbm>> -> memref<8x512xf32, #tpu.memory_space<hbm>>
          %dma_start3A_484 = arith.constant 8 : i32
          %dma_start3A_485 = arith.constant 0 : i32
          %dma_start3A_486 = tpu.memref_slice %arg7[%dma_start3A_484, %dma_start3A_485] : memref<32x512xf32, #tpu.memory_space<vmem>> -> memref<8x512xf32, #tpu.memory_space<vmem>>
          %dma_start3A_487 = arith.constant 8 : i32
          %dma_start3A_488 = tpu.memref_slice %arg2[%select_n3A_458, %dma_start3A_487, %multiple_of3A_477] : memref<26x32x100000xf32, #tpu.memory_space<hbm>> -> memref<1x8x512xf32, #tpu.memory_space<hbm>>
          %dma_start3A_489 = tpu.memref_squeeze %dma_start3A_488 : memref<1x8x512xf32, #tpu.memory_space<hbm>> -> memref<8x512xf32, #tpu.memory_space<hbm>>
          tpu.enqueue_dma source(%dma_start3A_489 : memref<8x512xf32, #tpu.memory_space<hbm>>) target(%dma_start3A_486 : memref<8x512xf32, #tpu.memory_space<vmem>>) target_semaphore(%arg14 : memref<!tpu.dma_semaphore, #tpu.memory_space<semaphore_mem>>)
          %mul3A_490 = arith.constant 32 : i32
          %mul3A_491 = arith.muli %add3A_301, %mul3A_490 : i32
          %add3A_492 = arith.addi %add3A, %mul3A_491 : i32
          %jit3A_493 = arith.constant 195 : i32
          %div3A_494 = arith.divsi %add3A_492, %jit3A_493 : i32
          %sign3A_495 = arith.constant 0 : i32
          %sign3A_496 = arith.cmpi sgt, %add3A_492, %sign3A_495 : i32
          %sign3A_497 = arith.extui %sign3A_496 : i1 to i32
          %sign3A_498 = arith.constant 0 : i32
          %sign3A_499 = arith.cmpi slt, %add3A_492, %sign3A_498 : i32
          %sign3A_500 = arith.extui %sign3A_499 : i1 to i32
          %sign3A_501 = arith.subi %sign3A_497, %sign3A_500 : i32
          %sign3A_502 = arith.constant 0 : i32
          %sign3A_503 = arith.cmpi sgt, %jit3A_493, %sign3A_502 : i32
          %sign3A_504 = arith.extui %sign3A_503 : i1 to i32
          %sign3A_505 = arith.constant 0 : i32
          %sign3A_506 = arith.cmpi slt, %jit3A_493, %sign3A_505 : i32
          %sign3A_507 = arith.extui %sign3A_506 : i1 to i32
          %sign3A_508 = arith.subi %sign3A_504, %sign3A_507 : i32
          %ne3A_509 = arith.cmpi ne, %sign3A_501, %sign3A_508 : i32
          %rem3A_510 = arith.remsi %add3A_492, %jit3A_493 : i32
          %ne3A_511 = arith.constant 0 : i32
          %ne3A_512 = arith.cmpi ne, %rem3A_510, %ne3A_511 : i32
          %and3A_513 = arith.andi %ne3A_509, %ne3A_512 : i1
          %sub3A_514 = arith.constant 1 : i32
          %sub3A_515 = arith.subi %div3A_494, %sub3A_514 : i32
          %select_n3A_516 = arith.select %and3A_513, %sub3A_515, %div3A_494 : i32
          %jit3A_517 = arith.constant 195 : i32
          %eq3A_518 = arith.constant 0 : i32
          %eq3A_519 = arith.cmpi eq, %jit3A_517, %eq3A_518 : i32
          %jit3A_520 = arith.constant 1 : i32
          %select_n3A_521 = arith.select %eq3A_519, %jit3A_520, %jit3A_517 : i32
          %rem3A_522 = arith.remsi %add3A_492, %select_n3A_521 : i32
          %ne3A_523 = arith.constant 0 : i32
          %ne3A_524 = arith.cmpi ne, %rem3A_522, %ne3A_523 : i32
          %lt3A_525 = arith.constant 0 : i32
          %lt3A_526 = arith.cmpi slt, %rem3A_522, %lt3A_525 : i32
          %lt3A_527 = arith.constant 0 : i32
          %lt3A_528 = arith.cmpi slt, %select_n3A_521, %lt3A_527 : i32
          %ne3A_529 = arith.xori %lt3A_526, %lt3A_528 : i1
          %and3A_530 = arith.andi %ne3A_529, %ne3A_524 : i1
          %add3A_531 = arith.addi %rem3A_522, %select_n3A_521 : i32
          %select_n3A_532 = arith.select %and3A_530, %add3A_531, %rem3A_522 : i32
          %mul3A_533 = arith.constant 512 : i32
          %mul3A_534 = arith.muli %select_n3A_532, %mul3A_533 : i32
          %multiple_of3A_535 = tpu.assume_multiple %mul3A_534, 512 : i32
          %dma_start3A_536 = arith.constant 16 : i32
          %dma_start3A_537 = arith.constant 0 : i32
          %dma_start3A_538 = tpu.memref_slice %arg7[%dma_start3A_536, %dma_start3A_537] : memref<32x512xf32, #tpu.memory_space<vmem>> -> memref<8x512xf32, #tpu.memory_space<vmem>>
          %dma_start3A_539 = arith.constant 16 : i32
          %dma_start3A_540 = tpu.memref_slice %arg2[%select_n3A_516, %dma_start3A_539, %multiple_of3A_535] : memref<26x32x100000xf32, #tpu.memory_space<hbm>> -> memref<1x8x512xf32, #tpu.memory_space<hbm>>
          %dma_start3A_541 = tpu.memref_squeeze %dma_start3A_540 : memref<1x8x512xf32, #tpu.memory_space<hbm>> -> memref<8x512xf32, #tpu.memory_space<hbm>>
          %dma_start3A_542 = arith.constant 16 : i32
          %dma_start3A_543 = arith.constant 0 : i32
          %dma_start3A_544 = tpu.memref_slice %arg7[%dma_start3A_542, %dma_start3A_543] : memref<32x512xf32, #tpu.memory_space<vmem>> -> memref<8x512xf32, #tpu.memory_space<vmem>>
          %dma_start3A_545 = arith.constant 16 : i32
          %dma_start3A_546 = tpu.memref_slice %arg2[%select_n3A_516, %dma_start3A_545, %multiple_of3A_535] : memref<26x32x100000xf32, #tpu.memory_space<hbm>> -> memref<1x8x512xf32, #tpu.memory_space<hbm>>
          %dma_start3A_547 = tpu.memref_squeeze %dma_start3A_546 : memref<1x8x512xf32, #tpu.memory_space<hbm>> -> memref<8x512xf32, #tpu.memory_space<hbm>>
          tpu.enqueue_dma source(%dma_start3A_547 : memref<8x512xf32, #tpu.memory_space<hbm>>) target(%dma_start3A_544 : memref<8x512xf32, #tpu.memory_space<vmem>>) target_semaphore(%arg14 : memref<!tpu.dma_semaphore, #tpu.memory_space<semaphore_mem>>)
          %mul3A_548 = arith.constant 32 : i32
          %mul3A_549 = arith.muli %add3A_301, %mul3A_548 : i32
          %add3A_550 = arith.addi %add3A, %mul3A_549 : i32
          %jit3A_551 = arith.constant 195 : i32
          %div3A_552 = arith.divsi %add3A_550, %jit3A_551 : i32
          %sign3A_553 = arith.constant 0 : i32
          %sign3A_554 = arith.cmpi sgt, %add3A_550, %sign3A_553 : i32
          %sign3A_555 = arith.extui %sign3A_554 : i1 to i32
          %sign3A_556 = arith.constant 0 : i32
          %sign3A_557 = arith.cmpi slt, %add3A_550, %sign3A_556 : i32
          %sign3A_558 = arith.extui %sign3A_557 : i1 to i32
          %sign3A_559 = arith.subi %sign3A_555, %sign3A_558 : i32
          %sign3A_560 = arith.constant 0 : i32
          %sign3A_561 = arith.cmpi sgt, %jit3A_551, %sign3A_560 : i32
          %sign3A_562 = arith.extui %sign3A_561 : i1 to i32
          %sign3A_563 = arith.constant 0 : i32
          %sign3A_564 = arith.cmpi slt, %jit3A_551, %sign3A_563 : i32
          %sign3A_565 = arith.extui %sign3A_564 : i1 to i32
          %sign3A_566 = arith.subi %sign3A_562, %sign3A_565 : i32
          %ne3A_567 = arith.cmpi ne, %sign3A_559, %sign3A_566 : i32
          %rem3A_568 = arith.remsi %add3A_550, %jit3A_551 : i32
          %ne3A_569 = arith.constant 0 : i32
          %ne3A_570 = arith.cmpi ne, %rem3A_568, %ne3A_569 : i32
          %and3A_571 = arith.andi %ne3A_567, %ne3A_570 : i1
          %sub3A_572 = arith.constant 1 : i32
          %sub3A_573 = arith.subi %div3A_552, %sub3A_572 : i32
          %select_n3A_574 = arith.select %and3A_571, %sub3A_573, %div3A_552 : i32
          %jit3A_575 = arith.constant 195 : i32
          %eq3A_576 = arith.constant 0 : i32
          %eq3A_577 = arith.cmpi eq, %jit3A_575, %eq3A_576 : i32
          %jit3A_578 = arith.constant 1 : i32
          %select_n3A_579 = arith.select %eq3A_577, %jit3A_578, %jit3A_575 : i32
          %rem3A_580 = arith.remsi %add3A_550, %select_n3A_579 : i32
          %ne3A_581 = arith.constant 0 : i32
          %ne3A_582 = arith.cmpi ne, %rem3A_580, %ne3A_581 : i32
          %lt3A_583 = arith.constant 0 : i32
          %lt3A_584 = arith.cmpi slt, %rem3A_580, %lt3A_583 : i32
          %lt3A_585 = arith.constant 0 : i32
          %lt3A_586 = arith.cmpi slt, %select_n3A_579, %lt3A_585 : i32
          %ne3A_587 = arith.xori %lt3A_584, %lt3A_586 : i1
          %and3A_588 = arith.andi %ne3A_587, %ne3A_582 : i1
          %add3A_589 = arith.addi %rem3A_580, %select_n3A_579 : i32
          %select_n3A_590 = arith.select %and3A_588, %add3A_589, %rem3A_580 : i32
          %mul3A_591 = arith.constant 512 : i32
          %mul3A_592 = arith.muli %select_n3A_590, %mul3A_591 : i32
          %multiple_of3A_593 = tpu.assume_multiple %mul3A_592, 512 : i32
          %dma_start3A_594 = arith.constant 24 : i32
          %dma_start3A_595 = arith.constant 0 : i32
          %dma_start3A_596 = tpu.memref_slice %arg7[%dma_start3A_594, %dma_start3A_595] : memref<32x512xf32, #tpu.memory_space<vmem>> -> memref<8x512xf32, #tpu.memory_space<vmem>>
          %dma_start3A_597 = arith.constant 24 : i32
          %dma_start3A_598 = tpu.memref_slice %arg2[%select_n3A_574, %dma_start3A_597, %multiple_of3A_593] : memref<26x32x100000xf32, #tpu.memory_space<hbm>> -> memref<1x8x512xf32, #tpu.memory_space<hbm>>
          %dma_start3A_599 = tpu.memref_squeeze %dma_start3A_598 : memref<1x8x512xf32, #tpu.memory_space<hbm>> -> memref<8x512xf32, #tpu.memory_space<hbm>>
          %dma_start3A_600 = arith.constant 24 : i32
          %dma_start3A_601 = arith.constant 0 : i32
          %dma_start3A_602 = tpu.memref_slice %arg7[%dma_start3A_600, %dma_start3A_601] : memref<32x512xf32, #tpu.memory_space<vmem>> -> memref<8x512xf32, #tpu.memory_space<vmem>>
          %dma_start3A_603 = arith.constant 24 : i32
          %dma_start3A_604 = tpu.memref_slice %arg2[%select_n3A_574, %dma_start3A_603, %multiple_of3A_593] : memref<26x32x100000xf32, #tpu.memory_space<hbm>> -> memref<1x8x512xf32, #tpu.memory_space<hbm>>
          %dma_start3A_605 = tpu.memref_squeeze %dma_start3A_604 : memref<1x8x512xf32, #tpu.memory_space<hbm>> -> memref<8x512xf32, #tpu.memory_space<hbm>>
          tpu.enqueue_dma source(%dma_start3A_605 : memref<8x512xf32, #tpu.memory_space<hbm>>) target(%dma_start3A_602 : memref<8x512xf32, #tpu.memory_space<vmem>>) target_semaphore(%arg14 : memref<!tpu.dma_semaphore, #tpu.memory_space<semaphore_mem>>)
        } else {
        }
        %ge3A = arith.constant 3 : i32
        %ge3A_310 = arith.cmpi sge, %add3A_46, %ge3A : i32
        %convert_element_type3A_311 = arith.extui %ge3A_310 : i1 to i32
        %cond3A_312 = arith.constant 0 : i32
        %cond3A_313 = arith.cmpi ne, %convert_element_type3A_311, %cond3A_312 : i32
        scf.if %cond3A_313 {
          %sub3A_374 = arith.constant 3 : i32
          %sub3A_375 = arith.subi %add3A_46, %sub3A_374 : i32
          %mul3A_376 = arith.constant 32 : i32
          %mul3A_377 = arith.muli %sub3A_375, %mul3A_376 : i32
          %add3A_378 = arith.addi %add3A, %mul3A_377 : i32
          %jit3A_379 = arith.constant 195 : i32
          %div3A_380 = arith.divsi %add3A_378, %jit3A_379 : i32
          %sign3A_381 = arith.constant 0 : i32
          %sign3A_382 = arith.cmpi sgt, %add3A_378, %sign3A_381 : i32
          %sign3A_383 = arith.extui %sign3A_382 : i1 to i32
          %sign3A_384 = arith.constant 0 : i32
          %sign3A_385 = arith.cmpi slt, %add3A_378, %sign3A_384 : i32
          %sign3A_386 = arith.extui %sign3A_385 : i1 to i32
          %sign3A_387 = arith.subi %sign3A_383, %sign3A_386 : i32
          %sign3A_388 = arith.constant 0 : i32
          %sign3A_389 = arith.cmpi sgt, %jit3A_379, %sign3A_388 : i32
          %sign3A_390 = arith.extui %sign3A_389 : i1 to i32
          %sign3A_391 = arith.constant 0 : i32
          %sign3A_392 = arith.cmpi slt, %jit3A_379, %sign3A_391 : i32
          %sign3A_393 = arith.extui %sign3A_392 : i1 to i32
          %sign3A_394 = arith.subi %sign3A_390, %sign3A_393 : i32
          %ne3A_395 = arith.cmpi ne, %sign3A_387, %sign3A_394 : i32
          %rem3A_396 = arith.remsi %add3A_378, %jit3A_379 : i32
          %ne3A_397 = arith.constant 0 : i32
          %ne3A_398 = arith.cmpi ne, %rem3A_396, %ne3A_397 : i32
          %and3A_399 = arith.andi %ne3A_395, %ne3A_398 : i1
          %sub3A_400 = arith.constant 1 : i32
          %sub3A_401 = arith.subi %div3A_380, %sub3A_400 : i32
          %select_n3A_402 = arith.select %and3A_399, %sub3A_401, %div3A_380 : i32
          %jit3A_403 = arith.constant 195 : i32
          %eq3A_404 = arith.constant 0 : i32
          %eq3A_405 = arith.cmpi eq, %jit3A_403, %eq3A_404 : i32
          %jit3A_406 = arith.constant 1 : i32
          %select_n3A_407 = arith.select %eq3A_405, %jit3A_406, %jit3A_403 : i32
          %rem3A_408 = arith.remsi %add3A_378, %select_n3A_407 : i32
          %ne3A_409 = arith.constant 0 : i32
          %ne3A_410 = arith.cmpi ne, %rem3A_408, %ne3A_409 : i32
          %lt3A_411 = arith.constant 0 : i32
          %lt3A_412 = arith.cmpi slt, %rem3A_408, %lt3A_411 : i32
          %lt3A_413 = arith.constant 0 : i32
          %lt3A_414 = arith.cmpi slt, %select_n3A_407, %lt3A_413 : i32
          %ne3A_415 = arith.xori %lt3A_412, %lt3A_414 : i1
          %and3A_416 = arith.andi %ne3A_415, %ne3A_410 : i1
          %add3A_417 = arith.addi %rem3A_408, %select_n3A_407 : i32
          %select_n3A_418 = arith.select %and3A_416, %add3A_417, %rem3A_408 : i32
          %mul3A_419 = arith.constant 512 : i32
          %mul3A_420 = arith.muli %select_n3A_418, %mul3A_419 : i32
          %multiple_of3A_421 = tpu.assume_multiple %mul3A_420, 512 : i32
          %mul3A_422 = arith.constant 100000 : i32
          %mul3A_423 = arith.muli %select_n3A_402, %mul3A_422 : i32
          %add3A_424 = arith.addi %mul3A_423, %multiple_of3A_421 : i32
          %mul3A_425 = arith.constant 32 : i32
          %mul3A_426 = arith.muli %add3A_424, %mul3A_425 : i32
          %multiple_of3A_427 = tpu.assume_multiple %mul3A_426, 8 : i32
          %dma_wait3A_428 = tpu.memref_slice %arg4[%multiple_of3A_427] : memref<83200000xf32, #tpu.memory_space<hbm>> -> memref<16384xf32, #tpu.memory_space<hbm>>
          %dma_wait3A_429 = tpu.memref_slice %arg4[%multiple_of3A_427] : memref<83200000xf32, #tpu.memory_space<hbm>> -> memref<16384xf32, #tpu.memory_space<hbm>>
          tpu.wait_dma2 semaphore(%arg15 : memref<!tpu.dma_semaphore, #tpu.memory_space<semaphore_mem>>) src(%arg9 : memref<16384xf32, #tpu.memory_space<vmem>>) dst(%dma_wait3A_429 : memref<16384xf32, #tpu.memory_space<hbm>>)
        } else {
        }
        %iota3A = tpu.iota {dimensions = array<i32: 0>} : vector<16xi32>
        %scan3A_314 = arith.constant 0 : i32
        %scan3A_315 = arith.constant 32 : i32
        %scan3A_316 = arith.addi %scan3A_314, %scan3A_315 : i32
        %scan3A_317 = arith.constant 1 : i32
        scf.for %scan3A_374 = %scan3A_314 to %scan3A_316 step %scan3A_317  : i32 {
          %mul3A_375 = arith.constant 33 : i32
          %mul3A_376 = vector.broadcast %mul3A_375 : i32 to vector<16xi32>
          %mul3A_377 = arith.muli %iota3A, %mul3A_376 : vector<16xi32>
          %add3A_378 = vector.broadcast %scan3A_374 : i32 to vector<16xi32>
          %add3A_379 = arith.addi %mul3A_377, %add3A_378 : vector<16xi32>
          %parallel_loop3A_380 = arith.constant 0 : i32
          %parallel_loop3A_381 = arith.constant 32 : i32
          %parallel_loop3A_382 = arith.constant 1 : i32
          scf.for %parallel_loop3A_383 = %parallel_loop3A_380 to %parallel_loop3A_381 step %parallel_loop3A_382  : i32 {
            %parallel_loop3A_384 = arith.constant 16 : i32
            %parallel_loop3A_385 = arith.muli %parallel_loop3A_383, %parallel_loop3A_384 : i32
            %parallel_loop3A_386 = arith.index_cast %scan3A_374 : i32 to index
            %parallel_loop3A_387 = arith.index_cast %parallel_loop3A_385 : i32 to index
            %parallel_loop3A_388 = tpu.vector_load %arg5[%parallel_loop3A_386, %parallel_loop3A_387] {strides = array<i32>} : memref<32x512xf32, #tpu.memory_space<vmem>>, vector<16xf32>,
            %parallel_loop3A_389 = arith.constant 528 : i32
            %parallel_loop3A_390 = arith.muli %parallel_loop3A_383, %parallel_loop3A_389 : i32
            %parallel_loop3A_391 = vector.broadcast %parallel_loop3A_390 : i32 to vector<16xi32>
            %parallel_loop3A_392 = arith.addi %add3A_379, %parallel_loop3A_391 : vector<16xi32>
            tpu.vector_store_idx %arg8[%parallel_loop3A_392], %parallel_loop3A_388 : memref<16896xf32, #tpu.memory_space<vmem>>[vector<16xi32>], vector<16xf32>,
          } {sc.loop_unroll_factor = 8 : i64, sc.parallel_access}
        }
        %scan3A_318 = arith.constant 32 : i32
        %parallel_loop3A = arith.constant 0 : i32
        %parallel_loop3A_319 = arith.constant 512 : i32
        %parallel_loop3A_320 = arith.constant 1 : i32
        scf.for %parallel_loop3A_374 = %parallel_loop3A to %parallel_loop3A_319 step %parallel_loop3A_320  : i32 {
          %parallel_loop3A_375 = arith.constant 33 : i32
          %parallel_loop3A_376 = arith.muli %parallel_loop3A_374, %parallel_loop3A_375 : i32
          %parallel_loop3A_377 = vector.broadcast %parallel_loop3A_376 : i32 to vector<16xi32>
          %parallel_loop3A_378 = arith.addi %parallel_loop3A_377, %iota3A : vector<16xi32>
          %parallel_loop3A_379 = tpu.vector_load_idx %arg8[%parallel_loop3A_378] : memref<16896xf32, #tpu.memory_space<vmem>>[vector<16xi32>], vector<16xf32>,
          %parallel_loop3A_380 = arith.constant 33 : i32
          %parallel_loop3A_381 = arith.muli %parallel_loop3A_374, %parallel_loop3A_380 : i32
          %parallel_loop3A_382 = arith.constant 16 : i32
          %parallel_loop3A_383 = vector.broadcast %parallel_loop3A_382 : i32 to vector<16xi32>
          %parallel_loop3A_384 = arith.addi %iota3A, %parallel_loop3A_383 : vector<16xi32>
          %parallel_loop3A_385 = vector.broadcast %parallel_loop3A_381 : i32 to vector<16xi32>
          %parallel_loop3A_386 = arith.addi %parallel_loop3A_385, %parallel_loop3A_384 : vector<16xi32>
          %parallel_loop3A_387 = tpu.vector_load_idx %arg8[%parallel_loop3A_386] : memref<16896xf32, #tpu.memory_space<vmem>>[vector<16xi32>], vector<16xf32>,
          %parallel_loop3A_388 = arith.constant 32 : i32
          %parallel_loop3A_389 = arith.muli %parallel_loop3A_374, %parallel_loop3A_388 : i32
          %parallel_loop3A_390 = arith.index_cast %parallel_loop3A_389 : i32 to index
          %parallel_loop3A_391 = tpu.vector_load %arg9[%parallel_loop3A_390] {strides = array<i32>} : memref<16384xf32, #tpu.memory_space<vmem>>, vector<16xf32>,
          tpu.vector_store %arg9[%parallel_loop3A_390], %parallel_loop3A_379 {strides = array<i32>} : memref<16384xf32, #tpu.memory_space<vmem>>, vector<16xf32>,
          %parallel_loop3A_392 = arith.constant 32 : i32
          %parallel_loop3A_393 = arith.muli %parallel_loop3A_374, %parallel_loop3A_392 : i32
          %parallel_loop3A_394 = arith.constant 16 : i32
          %parallel_loop3A_395 = arith.addi %parallel_loop3A_393, %parallel_loop3A_394 : i32
          %parallel_loop3A_396 = arith.index_cast %parallel_loop3A_395 : i32 to index
          %parallel_loop3A_397 = tpu.vector_load %arg9[%parallel_loop3A_396] {strides = array<i32>} : memref<16384xf32, #tpu.memory_space<vmem>>, vector<16xf32>,
          tpu.vector_store %arg9[%parallel_loop3A_396], %parallel_loop3A_387 {strides = array<i32>} : memref<16384xf32, #tpu.memory_space<vmem>>, vector<16xf32>,
        } {sc.loop_unroll_factor = 8 : i64, sc.parallel_access}
        %mul3A_321 = arith.constant 32 : i32
        %mul3A_322 = arith.muli %add3A_46, %mul3A_321 : i32
        %add3A_323 = arith.addi %add3A, %mul3A_322 : i32
        %jit3A_324 = arith.constant 195 : i32
        %div3A_325 = arith.divsi %add3A_323, %jit3A_324 : i32
        %sign3A_326 = arith.constant 0 : i32
        %sign3A_327 = arith.cmpi sgt, %add3A_323, %sign3A_326 : i32
        %sign3A_328 = arith.extui %sign3A_327 : i1 to i32
        %sign3A_329 = arith.constant 0 : i32
        %sign3A_330 = arith.cmpi slt, %add3A_323, %sign3A_329 : i32
        %sign3A_331 = arith.extui %sign3A_330 : i1 to i32
        %sign3A_332 = arith.subi %sign3A_328, %sign3A_331 : i32
        %sign3A_333 = arith.constant 0 : i32
        %sign3A_334 = arith.cmpi sgt, %jit3A_324, %sign3A_333 : i32
        %sign3A_335 = arith.extui %sign3A_334 : i1 to i32
        %sign3A_336 = arith.constant 0 : i32
        %sign3A_337 = arith.cmpi slt, %jit3A_324, %sign3A_336 : i32
        %sign3A_338 = arith.extui %sign3A_337 : i1 to i32
        %sign3A_339 = arith.subi %sign3A_335, %sign3A_338 : i32
        %ne3A_340 = arith.cmpi ne, %sign3A_332, %sign3A_339 : i32
        %rem3A_341 = arith.remsi %add3A_323, %jit3A_324 : i32
        %ne3A_342 = arith.constant 0 : i32
        %ne3A_343 = arith.cmpi ne, %rem3A_341, %ne3A_342 : i32
        %and3A_344 = arith.andi %ne3A_340, %ne3A_343 : i1
        %sub3A_345 = arith.constant 1 : i32
        %sub3A_346 = arith.subi %div3A_325, %sub3A_345 : i32
        %select_n3A_347 = arith.select %and3A_344, %sub3A_346, %div3A_325 : i32
        %jit3A_348 = arith.constant 195 : i32
        %eq3A_349 = arith.constant 0 : i32
        %eq3A_350 = arith.cmpi eq, %jit3A_348, %eq3A_349 : i32
        %jit3A_351 = arith.constant 1 : i32
        %select_n3A_352 = arith.select %eq3A_350, %jit3A_351, %jit3A_348 : i32
        %rem3A_353 = arith.remsi %add3A_323, %select_n3A_352 : i32
        %ne3A_354 = arith.constant 0 : i32
        %ne3A_355 = arith.cmpi ne, %rem3A_353, %ne3A_354 : i32
        %lt3A_356 = arith.constant 0 : i32
        %lt3A_357 = arith.cmpi slt, %rem3A_353, %lt3A_356 : i32
        %lt3A_358 = arith.constant 0 : i32
        %lt3A_359 = arith.cmpi slt, %select_n3A_352, %lt3A_358 : i32
        %ne3A_360 = arith.xori %lt3A_357, %lt3A_359 : i1
        %and3A_361 = arith.andi %ne3A_360, %ne3A_355 : i1
        %add3A_362 = arith.addi %rem3A_353, %select_n3A_352 : i32
        %select_n3A_363 = arith.select %and3A_361, %add3A_362, %rem3A_353 : i32
        %mul3A_364 = arith.constant 512 : i32
        %mul3A_365 = arith.muli %select_n3A_363, %mul3A_364 : i32
        %multiple_of3A_366 = tpu.assume_multiple %mul3A_365, 512 : i32
        %mul3A_367 = arith.constant 100000 : i32
        %mul3A_368 = arith.muli %select_n3A_347, %mul3A_367 : i32
        %add3A_369 = arith.addi %mul3A_368, %multiple_of3A_366 : i32
        %mul3A_370 = arith.constant 32 : i32
        %mul3A_371 = arith.muli %add3A_369, %mul3A_370 : i32
        %multiple_of3A_372 = tpu.assume_multiple %mul3A_371, 8 : i32
        %dma_start3A = tpu.memref_slice %arg4[%multiple_of3A_372] : memref<83200000xf32, #tpu.memory_space<hbm>> -> memref<16384xf32, #tpu.memory_space<hbm>>
        %dma_start3A_373 = tpu.memref_slice %arg4[%multiple_of3A_372] : memref<83200000xf32, #tpu.memory_space<hbm>> -> memref<16384xf32, #tpu.memory_space<hbm>>
        tpu.enqueue_dma source(%arg9 : memref<16384xf32, #tpu.memory_space<vmem>>) target(%dma_start3A_373 : memref<16384xf32, #tpu.memory_space<hbm>>) target_semaphore(%arg15 : memref<!tpu.dma_semaphore, #tpu.memory_space<semaphore_mem>>)
      } else {
      }
      %mul3A_55 = arith.constant 3 : i32
      %mul3A_56 = arith.muli %scan3A_42, %mul3A_55 : i32
      %add3A_57 = arith.constant 1 : i32
      %add3A_58 = arith.addi %mul3A_56, %add3A_57 : i32
      %mul3A_59 = arith.constant 32 : i32
      %mul3A_60 = arith.muli %add3A_58, %mul3A_59 : i32
      %add3A_61 = arith.addi %add3A, %mul3A_60 : i32
      %lt3A_62 = arith.constant 5070 : i32
      %lt3A_63 = arith.cmpi slt, %add3A_61, %lt3A_62 : i32
      %convert_element_type3A_64 = arith.extui %lt3A_63 : i1 to i32
      %cond3A_65 = arith.constant 0 : i32
      %cond3A_66 = arith.cmpi ne, %convert_element_type3A_64, %cond3A_65 : i32
      scf.if %cond3A_66 {
        %mul3A_79 = arith.constant 32 : i32
        %mul3A_80 = arith.muli %add3A_58, %mul3A_79 : i32
        %add3A_81 = arith.addi %add3A, %mul3A_80 : i32
        %jit3A = arith.constant 195 : i32
        %div3A = arith.divsi %add3A_81, %jit3A : i32
        %sign3A = arith.constant 0 : i32
        %sign3A_82 = arith.cmpi sgt, %add3A_81, %sign3A : i32
        %sign3A_83 = arith.extui %sign3A_82 : i1 to i32
        %sign3A_84 = arith.constant 0 : i32
        %sign3A_85 = arith.cmpi slt, %add3A_81, %sign3A_84 : i32
        %sign3A_86 = arith.extui %sign3A_85 : i1 to i32
        %sign3A_87 = arith.subi %sign3A_83, %sign3A_86 : i32
        %sign3A_88 = arith.constant 0 : i32
        %sign3A_89 = arith.cmpi sgt, %jit3A, %sign3A_88 : i32
        %sign3A_90 = arith.extui %sign3A_89 : i1 to i32
        %sign3A_91 = arith.constant 0 : i32
        %sign3A_92 = arith.cmpi slt, %jit3A, %sign3A_91 : i32
        %sign3A_93 = arith.extui %sign3A_92 : i1 to i32
        %sign3A_94 = arith.subi %sign3A_90, %sign3A_93 : i32
        %ne3A = arith.cmpi ne, %sign3A_87, %sign3A_94 : i32
        %rem3A = arith.remsi %add3A_81, %jit3A : i32
        %ne3A_95 = arith.constant 0 : i32
        %ne3A_96 = arith.cmpi ne, %rem3A, %ne3A_95 : i32
        %and3A = arith.andi %ne3A, %ne3A_96 : i1
        %sub3A = arith.constant 1 : i32
        %sub3A_97 = arith.subi %div3A, %sub3A : i32
        %select_n3A = arith.select %and3A, %sub3A_97, %div3A : i32
        %jit3A_98 = arith.constant 195 : i32
        %eq3A = arith.constant 0 : i32
        %eq3A_99 = arith.cmpi eq, %jit3A_98, %eq3A : i32
        %jit3A_100 = arith.constant 1 : i32
        %select_n3A_101 = arith.select %eq3A_99, %jit3A_100, %jit3A_98 : i32
        %rem3A_102 = arith.remsi %add3A_81, %select_n3A_101 : i32
        %ne3A_103 = arith.constant 0 : i32
        %ne3A_104 = arith.cmpi ne, %rem3A_102, %ne3A_103 : i32
        %lt3A_105 = arith.constant 0 : i32
        %lt3A_106 = arith.cmpi slt, %rem3A_102, %lt3A_105 : i32
        %lt3A_107 = arith.constant 0 : i32
        %lt3A_108 = arith.cmpi slt, %select_n3A_101, %lt3A_107 : i32
        %ne3A_109 = arith.xori %lt3A_106, %lt3A_108 : i1
        %and3A_110 = arith.andi %ne3A_109, %ne3A_104 : i1
        %add3A_111 = arith.addi %rem3A_102, %select_n3A_101 : i32
        %select_n3A_112 = arith.select %and3A_110, %add3A_111, %rem3A_102 : i32
        %mul3A_113 = arith.constant 512 : i32
        %mul3A_114 = arith.muli %select_n3A_112, %mul3A_113 : i32
        %multiple_of3A = tpu.assume_multiple %mul3A_114, 512 : i32
        %dma_wait3A = arith.constant 0 : i32
        %dma_wait3A_115 = arith.constant 0 : i32
        %dma_wait3A_116 = tpu.memref_slice %arg6[%dma_wait3A, %dma_wait3A_115] : memref<32x512xf32, #tpu.memory_space<vmem>> -> memref<8x512xf32, #tpu.memory_space<vmem>>
        %dma_wait3A_117 = arith.constant 0 : i32
        %dma_wait3A_118 = tpu.memref_slice %arg2[%select_n3A, %dma_wait3A_117, %multiple_of3A] : memref<26x32x100000xf32, #tpu.memory_space<hbm>> -> memref<1x8x512xf32, #tpu.memory_space<hbm>>
        %dma_wait3A_119 = tpu.memref_squeeze %dma_wait3A_118 : memref<1x8x512xf32, #tpu.memory_space<hbm>> -> memref<8x512xf32, #tpu.memory_space<hbm>>
        %dma_wait3A_120 = arith.constant 0 : i32
        %dma_wait3A_121 = arith.constant 0 : i32
        %dma_wait3A_122 = tpu.memref_slice %arg6[%dma_wait3A_120, %dma_wait3A_121] : memref<32x512xf32, #tpu.memory_space<vmem>> -> memref<8x512xf32, #tpu.memory_space<vmem>>
        %dma_wait3A_123 = arith.constant 0 : i32
        %dma_wait3A_124 = tpu.memref_slice %arg2[%select_n3A, %dma_wait3A_123, %multiple_of3A] : memref<26x32x100000xf32, #tpu.memory_space<hbm>> -> memref<1x8x512xf32, #tpu.memory_space<hbm>>
        %dma_wait3A_125 = tpu.memref_squeeze %dma_wait3A_124 : memref<1x8x512xf32, #tpu.memory_space<hbm>> -> memref<8x512xf32, #tpu.memory_space<hbm>>
        tpu.wait_dma2 semaphore(%arg13 : memref<!tpu.dma_semaphore, #tpu.memory_space<semaphore_mem>>) src(%dma_wait3A_125 : memref<8x512xf32, #tpu.memory_space<hbm>>) dst(%dma_wait3A_122 : memref<8x512xf32, #tpu.memory_space<vmem>>)
        %mul3A_126 = arith.constant 32 : i32
        %mul3A_127 = arith.muli %add3A_58, %mul3A_126 : i32
        %add3A_128 = arith.addi %add3A, %mul3A_127 : i32
        %jit3A_129 = arith.constant 195 : i32
        %div3A_130 = arith.divsi %add3A_128, %jit3A_129 : i32
        %sign3A_131 = arith.constant 0 : i32
        %sign3A_132 = arith.cmpi sgt, %add3A_128, %sign3A_131 : i32
        %sign3A_133 = arith.extui %sign3A_132 : i1 to i32
        %sign3A_134 = arith.constant 0 : i32
        %sign3A_135 = arith.cmpi slt, %add3A_128, %sign3A_134 : i32
        %sign3A_136 = arith.extui %sign3A_135 : i1 to i32
        %sign3A_137 = arith.subi %sign3A_133, %sign3A_136 : i32
        %sign3A_138 = arith.constant 0 : i32
        %sign3A_139 = arith.cmpi sgt, %jit3A_129, %sign3A_138 : i32
        %sign3A_140 = arith.extui %sign3A_139 : i1 to i32
        %sign3A_141 = arith.constant 0 : i32
        %sign3A_142 = arith.cmpi slt, %jit3A_129, %sign3A_141 : i32
        %sign3A_143 = arith.extui %sign3A_142 : i1 to i32
        %sign3A_144 = arith.subi %sign3A_140, %sign3A_143 : i32
        %ne3A_145 = arith.cmpi ne, %sign3A_137, %sign3A_144 : i32
        %rem3A_146 = arith.remsi %add3A_128, %jit3A_129 : i32
        %ne3A_147 = arith.constant 0 : i32
        %ne3A_148 = arith.cmpi ne, %rem3A_146, %ne3A_147 : i32
        %and3A_149 = arith.andi %ne3A_145, %ne3A_148 : i1
        %sub3A_150 = arith.constant 1 : i32
        %sub3A_151 = arith.subi %div3A_130, %sub3A_150 : i32
        %select_n3A_152 = arith.select %and3A_149, %sub3A_151, %div3A_130 : i32
        %jit3A_153 = arith.constant 195 : i32
        %eq3A_154 = arith.constant 0 : i32
        %eq3A_155 = arith.cmpi eq, %jit3A_153, %eq3A_154 : i32
        %jit3A_156 = arith.constant 1 : i32
        %select_n3A_157 = arith.select %eq3A_155, %jit3A_156, %jit3A_153 : i32
        %rem3A_158 = arith.remsi %add3A_128, %select_n3A_157 : i32
        %ne3A_159 = arith.constant 0 : i32
        %ne3A_160 = arith.cmpi ne, %rem3A_158, %ne3A_159 : i32
        %lt3A_161 = arith.constant 0 : i32
        %lt3A_162 = arith.cmpi slt, %rem3A_158, %lt3A_161 : i32
        %lt3A_163 = arith.constant 0 : i32
        %lt3A_164 = arith.cmpi slt, %select_n3A_157, %lt3A_163 : i32
        %ne3A_165 = arith.xori %lt3A_162, %lt3A_164 : i1
        %and3A_166 = arith.andi %ne3A_165, %ne3A_160 : i1
        %add3A_167 = arith.addi %rem3A_158, %select_n3A_157 : i32
        %select_n3A_168 = arith.select %and3A_166, %add3A_167, %rem3A_158 : i32
        %mul3A_169 = arith.constant 512 : i32
        %mul3A_170 = arith.muli %select_n3A_168, %mul3A_169 : i32
        %multiple_of3A_171 = tpu.assume_multiple %mul3A_170, 512 : i32
        %dma_wait3A_172 = arith.constant 8 : i32
        %dma_wait3A_173 = arith.constant 0 : i32
        %dma_wait3A_174 = tpu.memref_slice %arg6[%dma_wait3A_172, %dma_wait3A_173] : memref<32x512xf32, #tpu.memory_space<vmem>> -> memref<8x512xf32, #tpu.memory_space<vmem>>
        %dma_wait3A_175 = arith.constant 8 : i32
        %dma_wait3A_176 = tpu.memref_slice %arg2[%select_n3A_152, %dma_wait3A_175, %multiple_of3A_171] : memref<26x32x100000xf32, #tpu.memory_space<hbm>> -> memref<1x8x512xf32, #tpu.memory_space<hbm>>
        %dma_wait3A_177 = tpu.memref_squeeze %dma_wait3A_176 : memref<1x8x512xf32, #tpu.memory_space<hbm>> -> memref<8x512xf32, #tpu.memory_space<hbm>>
        %dma_wait3A_178 = arith.constant 8 : i32
        %dma_wait3A_179 = arith.constant 0 : i32
        %dma_wait3A_180 = tpu.memref_slice %arg6[%dma_wait3A_178, %dma_wait3A_179] : memref<32x512xf32, #tpu.memory_space<vmem>> -> memref<8x512xf32, #tpu.memory_space<vmem>>
        %dma_wait3A_181 = arith.constant 8 : i32
        %dma_wait3A_182 = tpu.memref_slice %arg2[%select_n3A_152, %dma_wait3A_181, %multiple_of3A_171] : memref<26x32x100000xf32, #tpu.memory_space<hbm>> -> memref<1x8x512xf32, #tpu.memory_space<hbm>>
        %dma_wait3A_183 = tpu.memref_squeeze %dma_wait3A_182 : memref<1x8x512xf32, #tpu.memory_space<hbm>> -> memref<8x512xf32, #tpu.memory_space<hbm>>
        tpu.wait_dma2 semaphore(%arg13 : memref<!tpu.dma_semaphore, #tpu.memory_space<semaphore_mem>>) src(%dma_wait3A_183 : memref<8x512xf32, #tpu.memory_space<hbm>>) dst(%dma_wait3A_180 : memref<8x512xf32, #tpu.memory_space<vmem>>)
        %mul3A_184 = arith.constant 32 : i32
        %mul3A_185 = arith.muli %add3A_58, %mul3A_184 : i32
        %add3A_186 = arith.addi %add3A, %mul3A_185 : i32
        %jit3A_187 = arith.constant 195 : i32
        %div3A_188 = arith.divsi %add3A_186, %jit3A_187 : i32
        %sign3A_189 = arith.constant 0 : i32
        %sign3A_190 = arith.cmpi sgt, %add3A_186, %sign3A_189 : i32
        %sign3A_191 = arith.extui %sign3A_190 : i1 to i32
        %sign3A_192 = arith.constant 0 : i32
        %sign3A_193 = arith.cmpi slt, %add3A_186, %sign3A_192 : i32
        %sign3A_194 = arith.extui %sign3A_193 : i1 to i32
        %sign3A_195 = arith.subi %sign3A_191, %sign3A_194 : i32
        %sign3A_196 = arith.constant 0 : i32
        %sign3A_197 = arith.cmpi sgt, %jit3A_187, %sign3A_196 : i32
        %sign3A_198 = arith.extui %sign3A_197 : i1 to i32
        %sign3A_199 = arith.constant 0 : i32
        %sign3A_200 = arith.cmpi slt, %jit3A_187, %sign3A_199 : i32
        %sign3A_201 = arith.extui %sign3A_200 : i1 to i32
        %sign3A_202 = arith.subi %sign3A_198, %sign3A_201 : i32
        %ne3A_203 = arith.cmpi ne, %sign3A_195, %sign3A_202 : i32
        %rem3A_204 = arith.remsi %add3A_186, %jit3A_187 : i32
        %ne3A_205 = arith.constant 0 : i32
        %ne3A_206 = arith.cmpi ne, %rem3A_204, %ne3A_205 : i32
        %and3A_207 = arith.andi %ne3A_203, %ne3A_206 : i1
        %sub3A_208 = arith.constant 1 : i32
        %sub3A_209 = arith.subi %div3A_188, %sub3A_208 : i32
        %select_n3A_210 = arith.select %and3A_207, %sub3A_209, %div3A_188 : i32
        %jit3A_211 = arith.constant 195 : i32
        %eq3A_212 = arith.constant 0 : i32
        %eq3A_213 = arith.cmpi eq, %jit3A_211, %eq3A_212 : i32
        %jit3A_214 = arith.constant 1 : i32
        %select_n3A_215 = arith.select %eq3A_213, %jit3A_214, %jit3A_211 : i32
        %rem3A_216 = arith.remsi %add3A_186, %select_n3A_215 : i32
        %ne3A_217 = arith.constant 0 : i32
        %ne3A_218 = arith.cmpi ne, %rem3A_216, %ne3A_217 : i32
        %lt3A_219 = arith.constant 0 : i32
        %lt3A_220 = arith.cmpi slt, %rem3A_216, %lt3A_219 : i32
        %lt3A_221 = arith.constant 0 : i32
        %lt3A_222 = arith.cmpi slt, %select_n3A_215, %lt3A_221 : i32
        %ne3A_223 = arith.xori %lt3A_220, %lt3A_222 : i1
        %and3A_224 = arith.andi %ne3A_223, %ne3A_218 : i1
        %add3A_225 = arith.addi %rem3A_216, %select_n3A_215 : i32
        %select_n3A_226 = arith.select %and3A_224, %add3A_225, %rem3A_216 : i32
        %mul3A_227 = arith.constant 512 : i32
        %mul3A_228 = arith.muli %select_n3A_226, %mul3A_227 : i32
        %multiple_of3A_229 = tpu.assume_multiple %mul3A_228, 512 : i32
        %dma_wait3A_230 = arith.constant 16 : i32
        %dma_wait3A_231 = arith.constant 0 : i32
        %dma_wait3A_232 = tpu.memref_slice %arg6[%dma_wait3A_230, %dma_wait3A_231] : memref<32x512xf32, #tpu.memory_space<vmem>> -> memref<8x512xf32, #tpu.memory_space<vmem>>
        %dma_wait3A_233 = arith.constant 16 : i32
        %dma_wait3A_234 = tpu.memref_slice %arg2[%select_n3A_210, %dma_wait3A_233, %multiple_of3A_229] : memref<26x32x100000xf32, #tpu.memory_space<hbm>> -> memref<1x8x512xf32, #tpu.memory_space<hbm>>
        %dma_wait3A_235 = tpu.memref_squeeze %dma_wait3A_234 : memref<1x8x512xf32, #tpu.memory_space<hbm>> -> memref<8x512xf32, #tpu.memory_space<hbm>>
        %dma_wait3A_236 = arith.constant 16 : i32
        %dma_wait3A_237 = arith.constant 0 : i32
        %dma_wait3A_238 = tpu.memref_slice %arg6[%dma_wait3A_236, %dma_wait3A_237] : memref<32x512xf32, #tpu.memory_space<vmem>> -> memref<8x512xf32, #tpu.memory_space<vmem>>
        %dma_wait3A_239 = arith.constant 16 : i32
        %dma_wait3A_240 = tpu.memref_slice %arg2[%select_n3A_210, %dma_wait3A_239, %multiple_of3A_229] : memref<26x32x100000xf32, #tpu.memory_space<hbm>> -> memref<1x8x512xf32, #tpu.memory_space<hbm>>
        %dma_wait3A_241 = tpu.memref_squeeze %dma_wait3A_240 : memref<1x8x512xf32, #tpu.memory_space<hbm>> -> memref<8x512xf32, #tpu.memory_space<hbm>>
        tpu.wait_dma2 semaphore(%arg13 : memref<!tpu.dma_semaphore, #tpu.memory_space<semaphore_mem>>) src(%dma_wait3A_241 : memref<8x512xf32, #tpu.memory_space<hbm>>) dst(%dma_wait3A_238 : memref<8x512xf32, #tpu.memory_space<vmem>>)
        %mul3A_242 = arith.constant 32 : i32
        %mul3A_243 = arith.muli %add3A_58, %mul3A_242 : i32
        %add3A_244 = arith.addi %add3A, %mul3A_243 : i32
        %jit3A_245 = arith.constant 195 : i32
        %div3A_246 = arith.divsi %add3A_244, %jit3A_245 : i32
        %sign3A_247 = arith.constant 0 : i32
        %sign3A_248 = arith.cmpi sgt, %add3A_244, %sign3A_247 : i32
        %sign3A_249 = arith.extui %sign3A_248 : i1 to i32
        %sign3A_250 = arith.constant 0 : i32
        %sign3A_251 = arith.cmpi slt, %add3A_244, %sign3A_250 : i32
        %sign3A_252 = arith.extui %sign3A_251 : i1 to i32
        %sign3A_253 = arith.subi %sign3A_249, %sign3A_252 : i32
        %sign3A_254 = arith.constant 0 : i32
        %sign3A_255 = arith.cmpi sgt, %jit3A_245, %sign3A_254 : i32
        %sign3A_256 = arith.extui %sign3A_255 : i1 to i32
        %sign3A_257 = arith.constant 0 : i32
        %sign3A_258 = arith.cmpi slt, %jit3A_245, %sign3A_257 : i32
        %sign3A_259 = arith.extui %sign3A_258 : i1 to i32
        %sign3A_260 = arith.subi %sign3A_256, %sign3A_259 : i32
        %ne3A_261 = arith.cmpi ne, %sign3A_253, %sign3A_260 : i32
        %rem3A_262 = arith.remsi %add3A_244, %jit3A_245 : i32
        %ne3A_263 = arith.constant 0 : i32
        %ne3A_264 = arith.cmpi ne, %rem3A_262, %ne3A_263 : i32
        %and3A_265 = arith.andi %ne3A_261, %ne3A_264 : i1
        %sub3A_266 = arith.constant 1 : i32
        %sub3A_267 = arith.subi %div3A_246, %sub3A_266 : i32
        %select_n3A_268 = arith.select %and3A_265, %sub3A_267, %div3A_246 : i32
        %jit3A_269 = arith.constant 195 : i32
        %eq3A_270 = arith.constant 0 : i32
        %eq3A_271 = arith.cmpi eq, %jit3A_269, %eq3A_270 : i32
        %jit3A_272 = arith.constant 1 : i32
        %select_n3A_273 = arith.select %eq3A_271, %jit3A_272, %jit3A_269 : i32
        %rem3A_274 = arith.remsi %add3A_244, %select_n3A_273 : i32
        %ne3A_275 = arith.constant 0 : i32
        %ne3A_276 = arith.cmpi ne, %rem3A_274, %ne3A_275 : i32
        %lt3A_277 = arith.constant 0 : i32
        %lt3A_278 = arith.cmpi slt, %rem3A_274, %lt3A_277 : i32
        %lt3A_279 = arith.constant 0 : i32
        %lt3A_280 = arith.cmpi slt, %select_n3A_273, %lt3A_279 : i32
        %ne3A_281 = arith.xori %lt3A_278, %lt3A_280 : i1
        %and3A_282 = arith.andi %ne3A_281, %ne3A_276 : i1
        %add3A_283 = arith.addi %rem3A_274, %select_n3A_273 : i32
        %select_n3A_284 = arith.select %and3A_282, %add3A_283, %rem3A_274 : i32
        %mul3A_285 = arith.constant 512 : i32
        %mul3A_286 = arith.muli %select_n3A_284, %mul3A_285 : i32
        %multiple_of3A_287 = tpu.assume_multiple %mul3A_286, 512 : i32
        %dma_wait3A_288 = arith.constant 24 : i32
        %dma_wait3A_289 = arith.constant 0 : i32
        %dma_wait3A_290 = tpu.memref_slice %arg6[%dma_wait3A_288, %dma_wait3A_289] : memref<32x512xf32, #tpu.memory_space<vmem>> -> memref<8x512xf32, #tpu.memory_space<vmem>>
        %dma_wait3A_291 = arith.constant 24 : i32
        %dma_wait3A_292 = tpu.memref_slice %arg2[%select_n3A_268, %dma_wait3A_291, %multiple_of3A_287] : memref<26x32x100000xf32, #tpu.memory_space<hbm>> -> memref<1x8x512xf32, #tpu.memory_space<hbm>>
        %dma_wait3A_293 = tpu.memref_squeeze %dma_wait3A_292 : memref<1x8x512xf32, #tpu.memory_space<hbm>> -> memref<8x512xf32, #tpu.memory_space<hbm>>
        %dma_wait3A_294 = arith.constant 24 : i32
        %dma_wait3A_295 = arith.constant 0 : i32
        %dma_wait3A_296 = tpu.memref_slice %arg6[%dma_wait3A_294, %dma_wait3A_295] : memref<32x512xf32, #tpu.memory_space<vmem>> -> memref<8x512xf32, #tpu.memory_space<vmem>>
        %dma_wait3A_297 = arith.constant 24 : i32
        %dma_wait3A_298 = tpu.memref_slice %arg2[%select_n3A_268, %dma_wait3A_297, %multiple_of3A_287] : memref<26x32x100000xf32, #tpu.memory_space<hbm>> -> memref<1x8x512xf32, #tpu.memory_space<hbm>>
        %dma_wait3A_299 = tpu.memref_squeeze %dma_wait3A_298 : memref<1x8x512xf32, #tpu.memory_space<hbm>> -> memref<8x512xf32, #tpu.memory_space<hbm>>
        tpu.wait_dma2 semaphore(%arg13 : memref<!tpu.dma_semaphore, #tpu.memory_space<semaphore_mem>>) src(%dma_wait3A_299 : memref<8x512xf32, #tpu.memory_space<hbm>>) dst(%dma_wait3A_296 : memref<8x512xf32, #tpu.memory_space<vmem>>)
        %add3A_300 = arith.constant 2 : i32
        %add3A_301 = arith.addi %add3A_58, %add3A_300 : i32
        %mul3A_302 = arith.constant 32 : i32
        %mul3A_303 = arith.muli %add3A_301, %mul3A_302 : i32
        %add3A_304 = arith.addi %add3A, %mul3A_303 : i32
        %lt3A_305 = arith.constant 5070 : i32
        %lt3A_306 = arith.cmpi slt, %add3A_304, %lt3A_305 : i32
        %convert_element_type3A_307 = arith.extui %lt3A_306 : i1 to i32
        %cond3A_308 = arith.constant 0 : i32
        %cond3A_309 = arith.cmpi ne, %convert_element_type3A_307, %cond3A_308 : i32
        scf.if %cond3A_309 {
          %mul3A_374 = arith.constant 32 : i32
          %mul3A_375 = arith.muli %add3A_301, %mul3A_374 : i32
          %add3A_376 = arith.addi %add3A, %mul3A_375 : i32
          %jit3A_377 = arith.constant 195 : i32
          %div3A_378 = arith.divsi %add3A_376, %jit3A_377 : i32
          %sign3A_379 = arith.constant 0 : i32
          %sign3A_380 = arith.cmpi sgt, %add3A_376, %sign3A_379 : i32
          %sign3A_381 = arith.extui %sign3A_380 : i1 to i32
          %sign3A_382 = arith.constant 0 : i32
          %sign3A_383 = arith.cmpi slt, %add3A_376, %sign3A_382 : i32
          %sign3A_384 = arith.extui %sign3A_383 : i1 to i32
          %sign3A_385 = arith.subi %sign3A_381, %sign3A_384 : i32
          %sign3A_386 = arith.constant 0 : i32
          %sign3A_387 = arith.cmpi sgt, %jit3A_377, %sign3A_386 : i32
          %sign3A_388 = arith.extui %sign3A_387 : i1 to i32
          %sign3A_389 = arith.constant 0 : i32
          %sign3A_390 = arith.cmpi slt, %jit3A_377, %sign3A_389 : i32
          %sign3A_391 = arith.extui %sign3A_390 : i1 to i32
          %sign3A_392 = arith.subi %sign3A_388, %sign3A_391 : i32
          %ne3A_393 = arith.cmpi ne, %sign3A_385, %sign3A_392 : i32
          %rem3A_394 = arith.remsi %add3A_376, %jit3A_377 : i32
          %ne3A_395 = arith.constant 0 : i32
          %ne3A_396 = arith.cmpi ne, %rem3A_394, %ne3A_395 : i32
          %and3A_397 = arith.andi %ne3A_393, %ne3A_396 : i1
          %sub3A_398 = arith.constant 1 : i32
          %sub3A_399 = arith.subi %div3A_378, %sub3A_398 : i32
          %select_n3A_400 = arith.select %and3A_397, %sub3A_399, %div3A_378 : i32
          %jit3A_401 = arith.constant 195 : i32
          %eq3A_402 = arith.constant 0 : i32
          %eq3A_403 = arith.cmpi eq, %jit3A_401, %eq3A_402 : i32
          %jit3A_404 = arith.constant 1 : i32
          %select_n3A_405 = arith.select %eq3A_403, %jit3A_404, %jit3A_401 : i32
          %rem3A_406 = arith.remsi %add3A_376, %select_n3A_405 : i32
          %ne3A_407 = arith.constant 0 : i32
          %ne3A_408 = arith.cmpi ne, %rem3A_406, %ne3A_407 : i32
          %lt3A_409 = arith.constant 0 : i32
          %lt3A_410 = arith.cmpi slt, %rem3A_406, %lt3A_409 : i32
          %lt3A_411 = arith.constant 0 : i32
          %lt3A_412 = arith.cmpi slt, %select_n3A_405, %lt3A_411 : i32
          %ne3A_413 = arith.xori %lt3A_410, %lt3A_412 : i1
          %and3A_414 = arith.andi %ne3A_413, %ne3A_408 : i1
          %add3A_415 = arith.addi %rem3A_406, %select_n3A_405 : i32
          %select_n3A_416 = arith.select %and3A_414, %add3A_415, %rem3A_406 : i32
          %mul3A_417 = arith.constant 512 : i32
          %mul3A_418 = arith.muli %select_n3A_416, %mul3A_417 : i32
          %multiple_of3A_419 = tpu.assume_multiple %mul3A_418, 512 : i32
          %dma_start3A_420 = arith.constant 0 : i32
          %dma_start3A_421 = arith.constant 0 : i32
          %dma_start3A_422 = tpu.memref_slice %arg5[%dma_start3A_420, %dma_start3A_421] : memref<32x512xf32, #tpu.memory_space<vmem>> -> memref<8x512xf32, #tpu.memory_space<vmem>>
          %dma_start3A_423 = arith.constant 0 : i32
          %dma_start3A_424 = tpu.memref_slice %arg2[%select_n3A_400, %dma_start3A_423, %multiple_of3A_419] : memref<26x32x100000xf32, #tpu.memory_space<hbm>> -> memref<1x8x512xf32, #tpu.memory_space<hbm>>
          %dma_start3A_425 = tpu.memref_squeeze %dma_start3A_424 : memref<1x8x512xf32, #tpu.memory_space<hbm>> -> memref<8x512xf32, #tpu.memory_space<hbm>>
          %dma_start3A_426 = arith.constant 0 : i32
          %dma_start3A_427 = arith.constant 0 : i32
          %dma_start3A_428 = tpu.memref_slice %arg5[%dma_start3A_426, %dma_start3A_427] : memref<32x512xf32, #tpu.memory_space<vmem>> -> memref<8x512xf32, #tpu.memory_space<vmem>>
          %dma_start3A_429 = arith.constant 0 : i32
          %dma_start3A_430 = tpu.memref_slice %arg2[%select_n3A_400, %dma_start3A_429, %multiple_of3A_419] : memref<26x32x100000xf32, #tpu.memory_space<hbm>> -> memref<1x8x512xf32, #tpu.memory_space<hbm>>
          %dma_start3A_431 = tpu.memref_squeeze %dma_start3A_430 : memref<1x8x512xf32, #tpu.memory_space<hbm>> -> memref<8x512xf32, #tpu.memory_space<hbm>>
          tpu.enqueue_dma source(%dma_start3A_431 : memref<8x512xf32, #tpu.memory_space<hbm>>) target(%dma_start3A_428 : memref<8x512xf32, #tpu.memory_space<vmem>>) target_semaphore(%arg12 : memref<!tpu.dma_semaphore, #tpu.memory_space<semaphore_mem>>)
          %mul3A_432 = arith.constant 32 : i32
          %mul3A_433 = arith.muli %add3A_301, %mul3A_432 : i32
          %add3A_434 = arith.addi %add3A, %mul3A_433 : i32
          %jit3A_435 = arith.constant 195 : i32
          %div3A_436 = arith.divsi %add3A_434, %jit3A_435 : i32
          %sign3A_437 = arith.constant 0 : i32
          %sign3A_438 = arith.cmpi sgt, %add3A_434, %sign3A_437 : i32
          %sign3A_439 = arith.extui %sign3A_438 : i1 to i32
          %sign3A_440 = arith.constant 0 : i32
          %sign3A_441 = arith.cmpi slt, %add3A_434, %sign3A_440 : i32
          %sign3A_442 = arith.extui %sign3A_441 : i1 to i32
          %sign3A_443 = arith.subi %sign3A_439, %sign3A_442 : i32
          %sign3A_444 = arith.constant 0 : i32
          %sign3A_445 = arith.cmpi sgt, %jit3A_435, %sign3A_444 : i32
          %sign3A_446 = arith.extui %sign3A_445 : i1 to i32
          %sign3A_447 = arith.constant 0 : i32
          %sign3A_448 = arith.cmpi slt, %jit3A_435, %sign3A_447 : i32
          %sign3A_449 = arith.extui %sign3A_448 : i1 to i32
          %sign3A_450 = arith.subi %sign3A_446, %sign3A_449 : i32
          %ne3A_451 = arith.cmpi ne, %sign3A_443, %sign3A_450 : i32
          %rem3A_452 = arith.remsi %add3A_434, %jit3A_435 : i32
          %ne3A_453 = arith.constant 0 : i32
          %ne3A_454 = arith.cmpi ne, %rem3A_452, %ne3A_453 : i32
          %and3A_455 = arith.andi %ne3A_451, %ne3A_454 : i1
          %sub3A_456 = arith.constant 1 : i32
          %sub3A_457 = arith.subi %div3A_436, %sub3A_456 : i32
          %select_n3A_458 = arith.select %and3A_455, %sub3A_457, %div3A_436 : i32
          %jit3A_459 = arith.constant 195 : i32
          %eq3A_460 = arith.constant 0 : i32
          %eq3A_461 = arith.cmpi eq, %jit3A_459, %eq3A_460 : i32
          %jit3A_462 = arith.constant 1 : i32
          %select_n3A_463 = arith.select %eq3A_461, %jit3A_462, %jit3A_459 : i32
          %rem3A_464 = arith.remsi %add3A_434, %select_n3A_463 : i32
          %ne3A_465 = arith.constant 0 : i32
          %ne3A_466 = arith.cmpi ne, %rem3A_464, %ne3A_465 : i32
          %lt3A_467 = arith.constant 0 : i32
          %lt3A_468 = arith.cmpi slt, %rem3A_464, %lt3A_467 : i32
          %lt3A_469 = arith.constant 0 : i32
          %lt3A_470 = arith.cmpi slt, %select_n3A_463, %lt3A_469 : i32
          %ne3A_471 = arith.xori %lt3A_468, %lt3A_470 : i1
          %and3A_472 = arith.andi %ne3A_471, %ne3A_466 : i1
          %add3A_473 = arith.addi %rem3A_464, %select_n3A_463 : i32
          %select_n3A_474 = arith.select %and3A_472, %add3A_473, %rem3A_464 : i32
          %mul3A_475 = arith.constant 512 : i32
          %mul3A_476 = arith.muli %select_n3A_474, %mul3A_475 : i32
          %multiple_of3A_477 = tpu.assume_multiple %mul3A_476, 512 : i32
          %dma_start3A_478 = arith.constant 8 : i32
          %dma_start3A_479 = arith.constant 0 : i32
          %dma_start3A_480 = tpu.memref_slice %arg5[%dma_start3A_478, %dma_start3A_479] : memref<32x512xf32, #tpu.memory_space<vmem>> -> memref<8x512xf32, #tpu.memory_space<vmem>>
          %dma_start3A_481 = arith.constant 8 : i32
          %dma_start3A_482 = tpu.memref_slice %arg2[%select_n3A_458, %dma_start3A_481, %multiple_of3A_477] : memref<26x32x100000xf32, #tpu.memory_space<hbm>> -> memref<1x8x512xf32, #tpu.memory_space<hbm>>
          %dma_start3A_483 = tpu.memref_squeeze %dma_start3A_482 : memref<1x8x512xf32, #tpu.memory_space<hbm>> -> memref<8x512xf32, #tpu.memory_space<hbm>>
          %dma_start3A_484 = arith.constant 8 : i32
          %dma_start3A_485 = arith.constant 0 : i32
          %dma_start3A_486 = tpu.memref_slice %arg5[%dma_start3A_484, %dma_start3A_485] : memref<32x512xf32, #tpu.memory_space<vmem>> -> memref<8x512xf32, #tpu.memory_space<vmem>>
          %dma_start3A_487 = arith.constant 8 : i32
          %dma_start3A_488 = tpu.memref_slice %arg2[%select_n3A_458, %dma_start3A_487, %multiple_of3A_477] : memref<26x32x100000xf32, #tpu.memory_space<hbm>> -> memref<1x8x512xf32, #tpu.memory_space<hbm>>
          %dma_start3A_489 = tpu.memref_squeeze %dma_start3A_488 : memref<1x8x512xf32, #tpu.memory_space<hbm>> -> memref<8x512xf32, #tpu.memory_space<hbm>>
          tpu.enqueue_dma source(%dma_start3A_489 : memref<8x512xf32, #tpu.memory_space<hbm>>) target(%dma_start3A_486 : memref<8x512xf32, #tpu.memory_space<vmem>>) target_semaphore(%arg12 : memref<!tpu.dma_semaphore, #tpu.memory_space<semaphore_mem>>)
          %mul3A_490 = arith.constant 32 : i32
          %mul3A_491 = arith.muli %add3A_301, %mul3A_490 : i32
          %add3A_492 = arith.addi %add3A, %mul3A_491 : i32
          %jit3A_493 = arith.constant 195 : i32
          %div3A_494 = arith.divsi %add3A_492, %jit3A_493 : i32
          %sign3A_495 = arith.constant 0 : i32
          %sign3A_496 = arith.cmpi sgt, %add3A_492, %sign3A_495 : i32
          %sign3A_497 = arith.extui %sign3A_496 : i1 to i32
          %sign3A_498 = arith.constant 0 : i32
          %sign3A_499 = arith.cmpi slt, %add3A_492, %sign3A_498 : i32
          %sign3A_500 = arith.extui %sign3A_499 : i1 to i32
          %sign3A_501 = arith.subi %sign3A_497, %sign3A_500 : i32
          %sign3A_502 = arith.constant 0 : i32
          %sign3A_503 = arith.cmpi sgt, %jit3A_493, %sign3A_502 : i32
          %sign3A_504 = arith.extui %sign3A_503 : i1 to i32
          %sign3A_505 = arith.constant 0 : i32
          %sign3A_506 = arith.cmpi slt, %jit3A_493, %sign3A_505 : i32
          %sign3A_507 = arith.extui %sign3A_506 : i1 to i32
          %sign3A_508 = arith.subi %sign3A_504, %sign3A_507 : i32
          %ne3A_509 = arith.cmpi ne, %sign3A_501, %sign3A_508 : i32
          %rem3A_510 = arith.remsi %add3A_492, %jit3A_493 : i32
          %ne3A_511 = arith.constant 0 : i32
          %ne3A_512 = arith.cmpi ne, %rem3A_510, %ne3A_511 : i32
          %and3A_513 = arith.andi %ne3A_509, %ne3A_512 : i1
          %sub3A_514 = arith.constant 1 : i32
          %sub3A_515 = arith.subi %div3A_494, %sub3A_514 : i32
          %select_n3A_516 = arith.select %and3A_513, %sub3A_515, %div3A_494 : i32
          %jit3A_517 = arith.constant 195 : i32
          %eq3A_518 = arith.constant 0 : i32
          %eq3A_519 = arith.cmpi eq, %jit3A_517, %eq3A_518 : i32
          %jit3A_520 = arith.constant 1 : i32
          %select_n3A_521 = arith.select %eq3A_519, %jit3A_520, %jit3A_517 : i32
          %rem3A_522 = arith.remsi %add3A_492, %select_n3A_521 : i32
          %ne3A_523 = arith.constant 0 : i32
          %ne3A_524 = arith.cmpi ne, %rem3A_522, %ne3A_523 : i32
          %lt3A_525 = arith.constant 0 : i32
          %lt3A_526 = arith.cmpi slt, %rem3A_522, %lt3A_525 : i32
          %lt3A_527 = arith.constant 0 : i32
          %lt3A_528 = arith.cmpi slt, %select_n3A_521, %lt3A_527 : i32
          %ne3A_529 = arith.xori %lt3A_526, %lt3A_528 : i1
          %and3A_530 = arith.andi %ne3A_529, %ne3A_524 : i1
          %add3A_531 = arith.addi %rem3A_522, %select_n3A_521 : i32
          %select_n3A_532 = arith.select %and3A_530, %add3A_531, %rem3A_522 : i32
          %mul3A_533 = arith.constant 512 : i32
          %mul3A_534 = arith.muli %select_n3A_532, %mul3A_533 : i32
          %multiple_of3A_535 = tpu.assume_multiple %mul3A_534, 512 : i32
          %dma_start3A_536 = arith.constant 16 : i32
          %dma_start3A_537 = arith.constant 0 : i32
          %dma_start3A_538 = tpu.memref_slice %arg5[%dma_start3A_536, %dma_start3A_537] : memref<32x512xf32, #tpu.memory_space<vmem>> -> memref<8x512xf32, #tpu.memory_space<vmem>>
          %dma_start3A_539 = arith.constant 16 : i32
          %dma_start3A_540 = tpu.memref_slice %arg2[%select_n3A_516, %dma_start3A_539, %multiple_of3A_535] : memref<26x32x100000xf32, #tpu.memory_space<hbm>> -> memref<1x8x512xf32, #tpu.memory_space<hbm>>
          %dma_start3A_541 = tpu.memref_squeeze %dma_start3A_540 : memref<1x8x512xf32, #tpu.memory_space<hbm>> -> memref<8x512xf32, #tpu.memory_space<hbm>>
          %dma_start3A_542 = arith.constant 16 : i32
          %dma_start3A_543 = arith.constant 0 : i32
          %dma_start3A_544 = tpu.memref_slice %arg5[%dma_start3A_542, %dma_start3A_543] : memref<32x512xf32, #tpu.memory_space<vmem>> -> memref<8x512xf32, #tpu.memory_space<vmem>>
          %dma_start3A_545 = arith.constant 16 : i32
          %dma_start3A_546 = tpu.memref_slice %arg2[%select_n3A_516, %dma_start3A_545, %multiple_of3A_535] : memref<26x32x100000xf32, #tpu.memory_space<hbm>> -> memref<1x8x512xf32, #tpu.memory_space<hbm>>
          %dma_start3A_547 = tpu.memref_squeeze %dma_start3A_546 : memref<1x8x512xf32, #tpu.memory_space<hbm>> -> memref<8x512xf32, #tpu.memory_space<hbm>>
          tpu.enqueue_dma source(%dma_start3A_547 : memref<8x512xf32, #tpu.memory_space<hbm>>) target(%dma_start3A_544 : memref<8x512xf32, #tpu.memory_space<vmem>>) target_semaphore(%arg12 : memref<!tpu.dma_semaphore, #tpu.memory_space<semaphore_mem>>)
          %mul3A_548 = arith.constant 32 : i32
          %mul3A_549 = arith.muli %add3A_301, %mul3A_548 : i32
          %add3A_550 = arith.addi %add3A, %mul3A_549 : i32
          %jit3A_551 = arith.constant 195 : i32
          %div3A_552 = arith.divsi %add3A_550, %jit3A_551 : i32
          %sign3A_553 = arith.constant 0 : i32
          %sign3A_554 = arith.cmpi sgt, %add3A_550, %sign3A_553 : i32
          %sign3A_555 = arith.extui %sign3A_554 : i1 to i32
          %sign3A_556 = arith.constant 0 : i32
          %sign3A_557 = arith.cmpi slt, %add3A_550, %sign3A_556 : i32
          %sign3A_558 = arith.extui %sign3A_557 : i1 to i32
          %sign3A_559 = arith.subi %sign3A_555, %sign3A_558 : i32
          %sign3A_560 = arith.constant 0 : i32
          %sign3A_561 = arith.cmpi sgt, %jit3A_551, %sign3A_560 : i32
          %sign3A_562 = arith.extui %sign3A_561 : i1 to i32
          %sign3A_563 = arith.constant 0 : i32
          %sign3A_564 = arith.cmpi slt, %jit3A_551, %sign3A_563 : i32
          %sign3A_565 = arith.extui %sign3A_564 : i1 to i32
          %sign3A_566 = arith.subi %sign3A_562, %sign3A_565 : i32
          %ne3A_567 = arith.cmpi ne, %sign3A_559, %sign3A_566 : i32
          %rem3A_568 = arith.remsi %add3A_550, %jit3A_551 : i32
          %ne3A_569 = arith.constant 0 : i32
          %ne3A_570 = arith.cmpi ne, %rem3A_568, %ne3A_569 : i32
          %and3A_571 = arith.andi %ne3A_567, %ne3A_570 : i1
          %sub3A_572 = arith.constant 1 : i32
          %sub3A_573 = arith.subi %div3A_552, %sub3A_572 : i32
          %select_n3A_574 = arith.select %and3A_571, %sub3A_573, %div3A_552 : i32
          %jit3A_575 = arith.constant 195 : i32
          %eq3A_576 = arith.constant 0 : i32
          %eq3A_577 = arith.cmpi eq, %jit3A_575, %eq3A_576 : i32
          %jit3A_578 = arith.constant 1 : i32
          %select_n3A_579 = arith.select %eq3A_577, %jit3A_578, %jit3A_575 : i32
          %rem3A_580 = arith.remsi %add3A_550, %select_n3A_579 : i32
          %ne3A_581 = arith.constant 0 : i32
          %ne3A_582 = arith.cmpi ne, %rem3A_580, %ne3A_581 : i32
          %lt3A_583 = arith.constant 0 : i32
          %lt3A_584 = arith.cmpi slt, %rem3A_580, %lt3A_583 : i32
          %lt3A_585 = arith.constant 0 : i32
          %lt3A_586 = arith.cmpi slt, %select_n3A_579, %lt3A_585 : i32
          %ne3A_587 = arith.xori %lt3A_584, %lt3A_586 : i1
          %and3A_588 = arith.andi %ne3A_587, %ne3A_582 : i1
          %add3A_589 = arith.addi %rem3A_580, %select_n3A_579 : i32
          %select_n3A_590 = arith.select %and3A_588, %add3A_589, %rem3A_580 : i32
          %mul3A_591 = arith.constant 512 : i32
          %mul3A_592 = arith.muli %select_n3A_590, %mul3A_591 : i32
          %multiple_of3A_593 = tpu.assume_multiple %mul3A_592, 512 : i32
          %dma_start3A_594 = arith.constant 24 : i32
          %dma_start3A_595 = arith.constant 0 : i32
          %dma_start3A_596 = tpu.memref_slice %arg5[%dma_start3A_594, %dma_start3A_595] : memref<32x512xf32, #tpu.memory_space<vmem>> -> memref<8x512xf32, #tpu.memory_space<vmem>>
          %dma_start3A_597 = arith.constant 24 : i32
          %dma_start3A_598 = tpu.memref_slice %arg2[%select_n3A_574, %dma_start3A_597, %multiple_of3A_593] : memref<26x32x100000xf32, #tpu.memory_space<hbm>> -> memref<1x8x512xf32, #tpu.memory_space<hbm>>
          %dma_start3A_599 = tpu.memref_squeeze %dma_start3A_598 : memref<1x8x512xf32, #tpu.memory_space<hbm>> -> memref<8x512xf32, #tpu.memory_space<hbm>>
          %dma_start3A_600 = arith.constant 24 : i32
          %dma_start3A_601 = arith.constant 0 : i32
          %dma_start3A_602 = tpu.memref_slice %arg5[%dma_start3A_600, %dma_start3A_601] : memref<32x512xf32, #tpu.memory_space<vmem>> -> memref<8x512xf32, #tpu.memory_space<vmem>>
          %dma_start3A_603 = arith.constant 24 : i32
          %dma_start3A_604 = tpu.memref_slice %arg2[%select_n3A_574, %dma_start3A_603, %multiple_of3A_593] : memref<26x32x100000xf32, #tpu.memory_space<hbm>> -> memref<1x8x512xf32, #tpu.memory_space<hbm>>
          %dma_start3A_605 = tpu.memref_squeeze %dma_start3A_604 : memref<1x8x512xf32, #tpu.memory_space<hbm>> -> memref<8x512xf32, #tpu.memory_space<hbm>>
          tpu.enqueue_dma source(%dma_start3A_605 : memref<8x512xf32, #tpu.memory_space<hbm>>) target(%dma_start3A_602 : memref<8x512xf32, #tpu.memory_space<vmem>>) target_semaphore(%arg12 : memref<!tpu.dma_semaphore, #tpu.memory_space<semaphore_mem>>)
        } else {
        }
        %ge3A = arith.constant 3 : i32
        %ge3A_310 = arith.cmpi sge, %add3A_58, %ge3A : i32
        %convert_element_type3A_311 = arith.extui %ge3A_310 : i1 to i32
        %cond3A_312 = arith.constant 0 : i32
        %cond3A_313 = arith.cmpi ne, %convert_element_type3A_311, %cond3A_312 : i32
        scf.if %cond3A_313 {
          %sub3A_374 = arith.constant 3 : i32
          %sub3A_375 = arith.subi %add3A_58, %sub3A_374 : i32
          %mul3A_376 = arith.constant 32 : i32
          %mul3A_377 = arith.muli %sub3A_375, %mul3A_376 : i32
          %add3A_378 = arith.addi %add3A, %mul3A_377 : i32
          %jit3A_379 = arith.constant 195 : i32
          %div3A_380 = arith.divsi %add3A_378, %jit3A_379 : i32
          %sign3A_381 = arith.constant 0 : i32
          %sign3A_382 = arith.cmpi sgt, %add3A_378, %sign3A_381 : i32
          %sign3A_383 = arith.extui %sign3A_382 : i1 to i32
          %sign3A_384 = arith.constant 0 : i32
          %sign3A_385 = arith.cmpi slt, %add3A_378, %sign3A_384 : i32
          %sign3A_386 = arith.extui %sign3A_385 : i1 to i32
          %sign3A_387 = arith.subi %sign3A_383, %sign3A_386 : i32
          %sign3A_388 = arith.constant 0 : i32
          %sign3A_389 = arith.cmpi sgt, %jit3A_379, %sign3A_388 : i32
          %sign3A_390 = arith.extui %sign3A_389 : i1 to i32
          %sign3A_391 = arith.constant 0 : i32
          %sign3A_392 = arith.cmpi slt, %jit3A_379, %sign3A_391 : i32
          %sign3A_393 = arith.extui %sign3A_392 : i1 to i32
          %sign3A_394 = arith.subi %sign3A_390, %sign3A_393 : i32
          %ne3A_395 = arith.cmpi ne, %sign3A_387, %sign3A_394 : i32
          %rem3A_396 = arith.remsi %add3A_378, %jit3A_379 : i32
          %ne3A_397 = arith.constant 0 : i32
          %ne3A_398 = arith.cmpi ne, %rem3A_396, %ne3A_397 : i32
          %and3A_399 = arith.andi %ne3A_395, %ne3A_398 : i1
          %sub3A_400 = arith.constant 1 : i32
          %sub3A_401 = arith.subi %div3A_380, %sub3A_400 : i32
          %select_n3A_402 = arith.select %and3A_399, %sub3A_401, %div3A_380 : i32
          %jit3A_403 = arith.constant 195 : i32
          %eq3A_404 = arith.constant 0 : i32
          %eq3A_405 = arith.cmpi eq, %jit3A_403, %eq3A_404 : i32
          %jit3A_406 = arith.constant 1 : i32
          %select_n3A_407 = arith.select %eq3A_405, %jit3A_406, %jit3A_403 : i32
          %rem3A_408 = arith.remsi %add3A_378, %select_n3A_407 : i32
          %ne3A_409 = arith.constant 0 : i32
          %ne3A_410 = arith.cmpi ne, %rem3A_408, %ne3A_409 : i32
          %lt3A_411 = arith.constant 0 : i32
          %lt3A_412 = arith.cmpi slt, %rem3A_408, %lt3A_411 : i32
          %lt3A_413 = arith.constant 0 : i32
          %lt3A_414 = arith.cmpi slt, %select_n3A_407, %lt3A_413 : i32
          %ne3A_415 = arith.xori %lt3A_412, %lt3A_414 : i1
          %and3A_416 = arith.andi %ne3A_415, %ne3A_410 : i1
          %add3A_417 = arith.addi %rem3A_408, %select_n3A_407 : i32
          %select_n3A_418 = arith.select %and3A_416, %add3A_417, %rem3A_408 : i32
          %mul3A_419 = arith.constant 512 : i32
          %mul3A_420 = arith.muli %select_n3A_418, %mul3A_419 : i32
          %multiple_of3A_421 = tpu.assume_multiple %mul3A_420, 512 : i32
          %mul3A_422 = arith.constant 100000 : i32
          %mul3A_423 = arith.muli %select_n3A_402, %mul3A_422 : i32
          %add3A_424 = arith.addi %mul3A_423, %multiple_of3A_421 : i32
          %mul3A_425 = arith.constant 32 : i32
          %mul3A_426 = arith.muli %add3A_424, %mul3A_425 : i32
          %multiple_of3A_427 = tpu.assume_multiple %mul3A_426, 8 : i32
          %dma_wait3A_428 = tpu.memref_slice %arg4[%multiple_of3A_427] : memref<83200000xf32, #tpu.memory_space<hbm>> -> memref<16384xf32, #tpu.memory_space<hbm>>
          %dma_wait3A_429 = tpu.memref_slice %arg4[%multiple_of3A_427] : memref<83200000xf32, #tpu.memory_space<hbm>> -> memref<16384xf32, #tpu.memory_space<hbm>>
          tpu.wait_dma2 semaphore(%arg16 : memref<!tpu.dma_semaphore, #tpu.memory_space<semaphore_mem>>) src(%arg10 : memref<16384xf32, #tpu.memory_space<vmem>>) dst(%dma_wait3A_429 : memref<16384xf32, #tpu.memory_space<hbm>>)
        } else {
        }
        %iota3A = tpu.iota {dimensions = array<i32: 0>} : vector<16xi32>
        %scan3A_314 = arith.constant 0 : i32
        %scan3A_315 = arith.constant 32 : i32
        %scan3A_316 = arith.addi %scan3A_314, %scan3A_315 : i32
        %scan3A_317 = arith.constant 1 : i32
        scf.for %scan3A_374 = %scan3A_314 to %scan3A_316 step %scan3A_317  : i32 {
          %mul3A_375 = arith.constant 33 : i32
          %mul3A_376 = vector.broadcast %mul3A_375 : i32 to vector<16xi32>
          %mul3A_377 = arith.muli %iota3A, %mul3A_376 : vector<16xi32>
          %add3A_378 = vector.broadcast %scan3A_374 : i32 to vector<16xi32>
          %add3A_379 = arith.addi %mul3A_377, %add3A_378 : vector<16xi32>
          %parallel_loop3A_380 = arith.constant 0 : i32
          %parallel_loop3A_381 = arith.constant 32 : i32
          %parallel_loop3A_382 = arith.constant 1 : i32
          scf.for %parallel_loop3A_383 = %parallel_loop3A_380 to %parallel_loop3A_381 step %parallel_loop3A_382  : i32 {
            %parallel_loop3A_384 = arith.constant 16 : i32
            %parallel_loop3A_385 = arith.muli %parallel_loop3A_383, %parallel_loop3A_384 : i32
            %parallel_loop3A_386 = arith.index_cast %scan3A_374 : i32 to index
            %parallel_loop3A_387 = arith.index_cast %parallel_loop3A_385 : i32 to index
            %parallel_loop3A_388 = tpu.vector_load %arg6[%parallel_loop3A_386, %parallel_loop3A_387] {strides = array<i32>} : memref<32x512xf32, #tpu.memory_space<vmem>>, vector<16xf32>,
            %parallel_loop3A_389 = arith.constant 528 : i32
            %parallel_loop3A_390 = arith.muli %parallel_loop3A_383, %parallel_loop3A_389 : i32
            %parallel_loop3A_391 = vector.broadcast %parallel_loop3A_390 : i32 to vector<16xi32>
            %parallel_loop3A_392 = arith.addi %add3A_379, %parallel_loop3A_391 : vector<16xi32>
            tpu.vector_store_idx %arg8[%parallel_loop3A_392], %parallel_loop3A_388 : memref<16896xf32, #tpu.memory_space<vmem>>[vector<16xi32>], vector<16xf32>,
          } {sc.loop_unroll_factor = 8 : i64, sc.parallel_access}
        }
        %scan3A_318 = arith.constant 32 : i32
        %parallel_loop3A = arith.constant 0 : i32
        %parallel_loop3A_319 = arith.constant 512 : i32
        %parallel_loop3A_320 = arith.constant 1 : i32
        scf.for %parallel_loop3A_374 = %parallel_loop3A to %parallel_loop3A_319 step %parallel_loop3A_320  : i32 {
          %parallel_loop3A_375 = arith.constant 33 : i32
          %parallel_loop3A_376 = arith.muli %parallel_loop3A_374, %parallel_loop3A_375 : i32
          %parallel_loop3A_377 = vector.broadcast %parallel_loop3A_376 : i32 to vector<16xi32>
          %parallel_loop3A_378 = arith.addi %parallel_loop3A_377, %iota3A : vector<16xi32>
          %parallel_loop3A_379 = tpu.vector_load_idx %arg8[%parallel_loop3A_378] : memref<16896xf32, #tpu.memory_space<vmem>>[vector<16xi32>], vector<16xf32>,
          %parallel_loop3A_380 = arith.constant 33 : i32
          %parallel_loop3A_381 = arith.muli %parallel_loop3A_374, %parallel_loop3A_380 : i32
          %parallel_loop3A_382 = arith.constant 16 : i32
          %parallel_loop3A_383 = vector.broadcast %parallel_loop3A_382 : i32 to vector<16xi32>
          %parallel_loop3A_384 = arith.addi %iota3A, %parallel_loop3A_383 : vector<16xi32>
          %parallel_loop3A_385 = vector.broadcast %parallel_loop3A_381 : i32 to vector<16xi32>
          %parallel_loop3A_386 = arith.addi %parallel_loop3A_385, %parallel_loop3A_384 : vector<16xi32>
          %parallel_loop3A_387 = tpu.vector_load_idx %arg8[%parallel_loop3A_386] : memref<16896xf32, #tpu.memory_space<vmem>>[vector<16xi32>], vector<16xf32>,
          %parallel_loop3A_388 = arith.constant 32 : i32
          %parallel_loop3A_389 = arith.muli %parallel_loop3A_374, %parallel_loop3A_388 : i32
          %parallel_loop3A_390 = arith.index_cast %parallel_loop3A_389 : i32 to index
          %parallel_loop3A_391 = tpu.vector_load %arg10[%parallel_loop3A_390] {strides = array<i32>} : memref<16384xf32, #tpu.memory_space<vmem>>, vector<16xf32>,
          tpu.vector_store %arg10[%parallel_loop3A_390], %parallel_loop3A_379 {strides = array<i32>} : memref<16384xf32, #tpu.memory_space<vmem>>, vector<16xf32>,
          %parallel_loop3A_392 = arith.constant 32 : i32
          %parallel_loop3A_393 = arith.muli %parallel_loop3A_374, %parallel_loop3A_392 : i32
          %parallel_loop3A_394 = arith.constant 16 : i32
          %parallel_loop3A_395 = arith.addi %parallel_loop3A_393, %parallel_loop3A_394 : i32
          %parallel_loop3A_396 = arith.index_cast %parallel_loop3A_395 : i32 to index
          %parallel_loop3A_397 = tpu.vector_load %arg10[%parallel_loop3A_396] {strides = array<i32>} : memref<16384xf32, #tpu.memory_space<vmem>>, vector<16xf32>,
          tpu.vector_store %arg10[%parallel_loop3A_396], %parallel_loop3A_387 {strides = array<i32>} : memref<16384xf32, #tpu.memory_space<vmem>>, vector<16xf32>,
        } {sc.loop_unroll_factor = 8 : i64, sc.parallel_access}
        %mul3A_321 = arith.constant 32 : i32
        %mul3A_322 = arith.muli %add3A_58, %mul3A_321 : i32
        %add3A_323 = arith.addi %add3A, %mul3A_322 : i32
        %jit3A_324 = arith.constant 195 : i32
        %div3A_325 = arith.divsi %add3A_323, %jit3A_324 : i32
        %sign3A_326 = arith.constant 0 : i32
        %sign3A_327 = arith.cmpi sgt, %add3A_323, %sign3A_326 : i32
        %sign3A_328 = arith.extui %sign3A_327 : i1 to i32
        %sign3A_329 = arith.constant 0 : i32
        %sign3A_330 = arith.cmpi slt, %add3A_323, %sign3A_329 : i32
        %sign3A_331 = arith.extui %sign3A_330 : i1 to i32
        %sign3A_332 = arith.subi %sign3A_328, %sign3A_331 : i32
        %sign3A_333 = arith.constant 0 : i32
        %sign3A_334 = arith.cmpi sgt, %jit3A_324, %sign3A_333 : i32
        %sign3A_335 = arith.extui %sign3A_334 : i1 to i32
        %sign3A_336 = arith.constant 0 : i32
        %sign3A_337 = arith.cmpi slt, %jit3A_324, %sign3A_336 : i32
        %sign3A_338 = arith.extui %sign3A_337 : i1 to i32
        %sign3A_339 = arith.subi %sign3A_335, %sign3A_338 : i32
        %ne3A_340 = arith.cmpi ne, %sign3A_332, %sign3A_339 : i32
        %rem3A_341 = arith.remsi %add3A_323, %jit3A_324 : i32
        %ne3A_342 = arith.constant 0 : i32
        %ne3A_343 = arith.cmpi ne, %rem3A_341, %ne3A_342 : i32
        %and3A_344 = arith.andi %ne3A_340, %ne3A_343 : i1
        %sub3A_345 = arith.constant 1 : i32
        %sub3A_346 = arith.subi %div3A_325, %sub3A_345 : i32
        %select_n3A_347 = arith.select %and3A_344, %sub3A_346, %div3A_325 : i32
        %jit3A_348 = arith.constant 195 : i32
        %eq3A_349 = arith.constant 0 : i32
        %eq3A_350 = arith.cmpi eq, %jit3A_348, %eq3A_349 : i32
        %jit3A_351 = arith.constant 1 : i32
        %select_n3A_352 = arith.select %eq3A_350, %jit3A_351, %jit3A_348 : i32
        %rem3A_353 = arith.remsi %add3A_323, %select_n3A_352 : i32
        %ne3A_354 = arith.constant 0 : i32
        %ne3A_355 = arith.cmpi ne, %rem3A_353, %ne3A_354 : i32
        %lt3A_356 = arith.constant 0 : i32
        %lt3A_357 = arith.cmpi slt, %rem3A_353, %lt3A_356 : i32
        %lt3A_358 = arith.constant 0 : i32
        %lt3A_359 = arith.cmpi slt, %select_n3A_352, %lt3A_358 : i32
        %ne3A_360 = arith.xori %lt3A_357, %lt3A_359 : i1
        %and3A_361 = arith.andi %ne3A_360, %ne3A_355 : i1
        %add3A_362 = arith.addi %rem3A_353, %select_n3A_352 : i32
        %select_n3A_363 = arith.select %and3A_361, %add3A_362, %rem3A_353 : i32
        %mul3A_364 = arith.constant 512 : i32
        %mul3A_365 = arith.muli %select_n3A_363, %mul3A_364 : i32
        %multiple_of3A_366 = tpu.assume_multiple %mul3A_365, 512 : i32
        %mul3A_367 = arith.constant 100000 : i32
        %mul3A_368 = arith.muli %select_n3A_347, %mul3A_367 : i32
        %add3A_369 = arith.addi %mul3A_368, %multiple_of3A_366 : i32
        %mul3A_370 = arith.constant 32 : i32
        %mul3A_371 = arith.muli %add3A_369, %mul3A_370 : i32
        %multiple_of3A_372 = tpu.assume_multiple %mul3A_371, 8 : i32
        %dma_start3A = tpu.memref_slice %arg4[%multiple_of3A_372] : memref<83200000xf32, #tpu.memory_space<hbm>> -> memref<16384xf32, #tpu.memory_space<hbm>>
        %dma_start3A_373 = tpu.memref_slice %arg4[%multiple_of3A_372] : memref<83200000xf32, #tpu.memory_space<hbm>> -> memref<16384xf32, #tpu.memory_space<hbm>>
        tpu.enqueue_dma source(%arg10 : memref<16384xf32, #tpu.memory_space<vmem>>) target(%dma_start3A_373 : memref<16384xf32, #tpu.memory_space<hbm>>) target_semaphore(%arg16 : memref<!tpu.dma_semaphore, #tpu.memory_space<semaphore_mem>>)
      } else {
      }
      %mul3A_67 = arith.constant 3 : i32
      %mul3A_68 = arith.muli %scan3A_42, %mul3A_67 : i32
      %add3A_69 = arith.constant 2 : i32
      %add3A_70 = arith.addi %mul3A_68, %add3A_69 : i32
      %mul3A_71 = arith.constant 32 : i32
      %mul3A_72 = arith.muli %add3A_70, %mul3A_71 : i32
      %add3A_73 = arith.addi %add3A, %mul3A_72 : i32
      %lt3A_74 = arith.constant 5070 : i32
      %lt3A_75 = arith.cmpi slt, %add3A_73, %lt3A_74 : i32
      %convert_element_type3A_76 = arith.extui %lt3A_75 : i1 to i32
      %cond3A_77 = arith.constant 0 : i32
      %cond3A_78 = arith.cmpi ne, %convert_element_type3A_76, %cond3A_77 : i32
      scf.if %cond3A_78 {
        %mul3A_79 = arith.constant 32 : i32
        %mul3A_80 = arith.muli %add3A_70, %mul3A_79 : i32
        %add3A_81 = arith.addi %add3A, %mul3A_80 : i32
        %jit3A = arith.constant 195 : i32
        %div3A = arith.divsi %add3A_81, %jit3A : i32
        %sign3A = arith.constant 0 : i32
        %sign3A_82 = arith.cmpi sgt, %add3A_81, %sign3A : i32
        %sign3A_83 = arith.extui %sign3A_82 : i1 to i32
        %sign3A_84 = arith.constant 0 : i32
        %sign3A_85 = arith.cmpi slt, %add3A_81, %sign3A_84 : i32
        %sign3A_86 = arith.extui %sign3A_85 : i1 to i32
        %sign3A_87 = arith.subi %sign3A_83, %sign3A_86 : i32
        %sign3A_88 = arith.constant 0 : i32
        %sign3A_89 = arith.cmpi sgt, %jit3A, %sign3A_88 : i32
        %sign3A_90 = arith.extui %sign3A_89 : i1 to i32
        %sign3A_91 = arith.constant 0 : i32
        %sign3A_92 = arith.cmpi slt, %jit3A, %sign3A_91 : i32
        %sign3A_93 = arith.extui %sign3A_92 : i1 to i32
        %sign3A_94 = arith.subi %sign3A_90, %sign3A_93 : i32
        %ne3A = arith.cmpi ne, %sign3A_87, %sign3A_94 : i32
        %rem3A = arith.remsi %add3A_81, %jit3A : i32
        %ne3A_95 = arith.constant 0 : i32
        %ne3A_96 = arith.cmpi ne, %rem3A, %ne3A_95 : i32
        %and3A = arith.andi %ne3A, %ne3A_96 : i1
        %sub3A = arith.constant 1 : i32
        %sub3A_97 = arith.subi %div3A, %sub3A : i32
        %select_n3A = arith.select %and3A, %sub3A_97, %div3A : i32
        %jit3A_98 = arith.constant 195 : i32
        %eq3A = arith.constant 0 : i32
        %eq3A_99 = arith.cmpi eq, %jit3A_98, %eq3A : i32
        %jit3A_100 = arith.constant 1 : i32
        %select_n3A_101 = arith.select %eq3A_99, %jit3A_100, %jit3A_98 : i32
        %rem3A_102 = arith.remsi %add3A_81, %select_n3A_101 : i32
        %ne3A_103 = arith.constant 0 : i32
        %ne3A_104 = arith.cmpi ne, %rem3A_102, %ne3A_103 : i32
        %lt3A_105 = arith.constant 0 : i32
        %lt3A_106 = arith.cmpi slt, %rem3A_102, %lt3A_105 : i32
        %lt3A_107 = arith.constant 0 : i32
        %lt3A_108 = arith.cmpi slt, %select_n3A_101, %lt3A_107 : i32
        %ne3A_109 = arith.xori %lt3A_106, %lt3A_108 : i1
        %and3A_110 = arith.andi %ne3A_109, %ne3A_104 : i1
        %add3A_111 = arith.addi %rem3A_102, %select_n3A_101 : i32
        %select_n3A_112 = arith.select %and3A_110, %add3A_111, %rem3A_102 : i32
        %mul3A_113 = arith.constant 512 : i32
        %mul3A_114 = arith.muli %select_n3A_112, %mul3A_113 : i32
        %multiple_of3A = tpu.assume_multiple %mul3A_114, 512 : i32
        %dma_wait3A = arith.constant 0 : i32
        %dma_wait3A_115 = arith.constant 0 : i32
        %dma_wait3A_116 = tpu.memref_slice %arg7[%dma_wait3A, %dma_wait3A_115] : memref<32x512xf32, #tpu.memory_space<vmem>> -> memref<8x512xf32, #tpu.memory_space<vmem>>
        %dma_wait3A_117 = arith.constant 0 : i32
        %dma_wait3A_118 = tpu.memref_slice %arg2[%select_n3A, %dma_wait3A_117, %multiple_of3A] : memref<26x32x100000xf32, #tpu.memory_space<hbm>> -> memref<1x8x512xf32, #tpu.memory_space<hbm>>
        %dma_wait3A_119 = tpu.memref_squeeze %dma_wait3A_118 : memref<1x8x512xf32, #tpu.memory_space<hbm>> -> memref<8x512xf32, #tpu.memory_space<hbm>>
        %dma_wait3A_120 = arith.constant 0 : i32
        %dma_wait3A_121 = arith.constant 0 : i32
        %dma_wait3A_122 = tpu.memref_slice %arg7[%dma_wait3A_120, %dma_wait3A_121] : memref<32x512xf32, #tpu.memory_space<vmem>> -> memref<8x512xf32, #tpu.memory_space<vmem>>
        %dma_wait3A_123 = arith.constant 0 : i32
        %dma_wait3A_124 = tpu.memref_slice %arg2[%select_n3A, %dma_wait3A_123, %multiple_of3A] : memref<26x32x100000xf32, #tpu.memory_space<hbm>> -> memref<1x8x512xf32, #tpu.memory_space<hbm>>
        %dma_wait3A_125 = tpu.memref_squeeze %dma_wait3A_124 : memref<1x8x512xf32, #tpu.memory_space<hbm>> -> memref<8x512xf32, #tpu.memory_space<hbm>>
        tpu.wait_dma2 semaphore(%arg14 : memref<!tpu.dma_semaphore, #tpu.memory_space<semaphore_mem>>) src(%dma_wait3A_125 : memref<8x512xf32, #tpu.memory_space<hbm>>) dst(%dma_wait3A_122 : memref<8x512xf32, #tpu.memory_space<vmem>>)
        %mul3A_126 = arith.constant 32 : i32
        %mul3A_127 = arith.muli %add3A_70, %mul3A_126 : i32
        %add3A_128 = arith.addi %add3A, %mul3A_127 : i32
        %jit3A_129 = arith.constant 195 : i32
        %div3A_130 = arith.divsi %add3A_128, %jit3A_129 : i32
        %sign3A_131 = arith.constant 0 : i32
        %sign3A_132 = arith.cmpi sgt, %add3A_128, %sign3A_131 : i32
        %sign3A_133 = arith.extui %sign3A_132 : i1 to i32
        %sign3A_134 = arith.constant 0 : i32
        %sign3A_135 = arith.cmpi slt, %add3A_128, %sign3A_134 : i32
        %sign3A_136 = arith.extui %sign3A_135 : i1 to i32
        %sign3A_137 = arith.subi %sign3A_133, %sign3A_136 : i32
        %sign3A_138 = arith.constant 0 : i32
        %sign3A_139 = arith.cmpi sgt, %jit3A_129, %sign3A_138 : i32
        %sign3A_140 = arith.extui %sign3A_139 : i1 to i32
        %sign3A_141 = arith.constant 0 : i32
        %sign3A_142 = arith.cmpi slt, %jit3A_129, %sign3A_141 : i32
        %sign3A_143 = arith.extui %sign3A_142 : i1 to i32
        %sign3A_144 = arith.subi %sign3A_140, %sign3A_143 : i32
        %ne3A_145 = arith.cmpi ne, %sign3A_137, %sign3A_144 : i32
        %rem3A_146 = arith.remsi %add3A_128, %jit3A_129 : i32
        %ne3A_147 = arith.constant 0 : i32
        %ne3A_148 = arith.cmpi ne, %rem3A_146, %ne3A_147 : i32
        %and3A_149 = arith.andi %ne3A_145, %ne3A_148 : i1
        %sub3A_150 = arith.constant 1 : i32
        %sub3A_151 = arith.subi %div3A_130, %sub3A_150 : i32
        %select_n3A_152 = arith.select %and3A_149, %sub3A_151, %div3A_130 : i32
        %jit3A_153 = arith.constant 195 : i32
        %eq3A_154 = arith.constant 0 : i32
        %eq3A_155 = arith.cmpi eq, %jit3A_153, %eq3A_154 : i32
        %jit3A_156 = arith.constant 1 : i32
        %select_n3A_157 = arith.select %eq3A_155, %jit3A_156, %jit3A_153 : i32
        %rem3A_158 = arith.remsi %add3A_128, %select_n3A_157 : i32
        %ne3A_159 = arith.constant 0 : i32
        %ne3A_160 = arith.cmpi ne, %rem3A_158, %ne3A_159 : i32
        %lt3A_161 = arith.constant 0 : i32
        %lt3A_162 = arith.cmpi slt, %rem3A_158, %lt3A_161 : i32
        %lt3A_163 = arith.constant 0 : i32
        %lt3A_164 = arith.cmpi slt, %select_n3A_157, %lt3A_163 : i32
        %ne3A_165 = arith.xori %lt3A_162, %lt3A_164 : i1
        %and3A_166 = arith.andi %ne3A_165, %ne3A_160 : i1
        %add3A_167 = arith.addi %rem3A_158, %select_n3A_157 : i32
        %select_n3A_168 = arith.select %and3A_166, %add3A_167, %rem3A_158 : i32
        %mul3A_169 = arith.constant 512 : i32
        %mul3A_170 = arith.muli %select_n3A_168, %mul3A_169 : i32
        %multiple_of3A_171 = tpu.assume_multiple %mul3A_170, 512 : i32
        %dma_wait3A_172 = arith.constant 8 : i32
        %dma_wait3A_173 = arith.constant 0 : i32
        %dma_wait3A_174 = tpu.memref_slice %arg7[%dma_wait3A_172, %dma_wait3A_173] : memref<32x512xf32, #tpu.memory_space<vmem>> -> memref<8x512xf32, #tpu.memory_space<vmem>>
        %dma_wait3A_175 = arith.constant 8 : i32
        %dma_wait3A_176 = tpu.memref_slice %arg2[%select_n3A_152, %dma_wait3A_175, %multiple_of3A_171] : memref<26x32x100000xf32, #tpu.memory_space<hbm>> -> memref<1x8x512xf32, #tpu.memory_space<hbm>>
        %dma_wait3A_177 = tpu.memref_squeeze %dma_wait3A_176 : memref<1x8x512xf32, #tpu.memory_space<hbm>> -> memref<8x512xf32, #tpu.memory_space<hbm>>
        %dma_wait3A_178 = arith.constant 8 : i32
        %dma_wait3A_179 = arith.constant 0 : i32
        %dma_wait3A_180 = tpu.memref_slice %arg7[%dma_wait3A_178, %dma_wait3A_179] : memref<32x512xf32, #tpu.memory_space<vmem>> -> memref<8x512xf32, #tpu.memory_space<vmem>>
        %dma_wait3A_181 = arith.constant 8 : i32
        %dma_wait3A_182 = tpu.memref_slice %arg2[%select_n3A_152, %dma_wait3A_181, %multiple_of3A_171] : memref<26x32x100000xf32, #tpu.memory_space<hbm>> -> memref<1x8x512xf32, #tpu.memory_space<hbm>>
        %dma_wait3A_183 = tpu.memref_squeeze %dma_wait3A_182 : memref<1x8x512xf32, #tpu.memory_space<hbm>> -> memref<8x512xf32, #tpu.memory_space<hbm>>
        tpu.wait_dma2 semaphore(%arg14 : memref<!tpu.dma_semaphore, #tpu.memory_space<semaphore_mem>>) src(%dma_wait3A_183 : memref<8x512xf32, #tpu.memory_space<hbm>>) dst(%dma_wait3A_180 : memref<8x512xf32, #tpu.memory_space<vmem>>)
        %mul3A_184 = arith.constant 32 : i32
        %mul3A_185 = arith.muli %add3A_70, %mul3A_184 : i32
        %add3A_186 = arith.addi %add3A, %mul3A_185 : i32
        %jit3A_187 = arith.constant 195 : i32
        %div3A_188 = arith.divsi %add3A_186, %jit3A_187 : i32
        %sign3A_189 = arith.constant 0 : i32
        %sign3A_190 = arith.cmpi sgt, %add3A_186, %sign3A_189 : i32
        %sign3A_191 = arith.extui %sign3A_190 : i1 to i32
        %sign3A_192 = arith.constant 0 : i32
        %sign3A_193 = arith.cmpi slt, %add3A_186, %sign3A_192 : i32
        %sign3A_194 = arith.extui %sign3A_193 : i1 to i32
        %sign3A_195 = arith.subi %sign3A_191, %sign3A_194 : i32
        %sign3A_196 = arith.constant 0 : i32
        %sign3A_197 = arith.cmpi sgt, %jit3A_187, %sign3A_196 : i32
        %sign3A_198 = arith.extui %sign3A_197 : i1 to i32
        %sign3A_199 = arith.constant 0 : i32
        %sign3A_200 = arith.cmpi slt, %jit3A_187, %sign3A_199 : i32
        %sign3A_201 = arith.extui %sign3A_200 : i1 to i32
        %sign3A_202 = arith.subi %sign3A_198, %sign3A_201 : i32
        %ne3A_203 = arith.cmpi ne, %sign3A_195, %sign3A_202 : i32
        %rem3A_204 = arith.remsi %add3A_186, %jit3A_187 : i32
        %ne3A_205 = arith.constant 0 : i32
        %ne3A_206 = arith.cmpi ne, %rem3A_204, %ne3A_205 : i32
        %and3A_207 = arith.andi %ne3A_203, %ne3A_206 : i1
        %sub3A_208 = arith.constant 1 : i32
        %sub3A_209 = arith.subi %div3A_188, %sub3A_208 : i32
        %select_n3A_210 = arith.select %and3A_207, %sub3A_209, %div3A_188 : i32
        %jit3A_211 = arith.constant 195 : i32
        %eq3A_212 = arith.constant 0 : i32
        %eq3A_213 = arith.cmpi eq, %jit3A_211, %eq3A_212 : i32
        %jit3A_214 = arith.constant 1 : i32
        %select_n3A_215 = arith.select %eq3A_213, %jit3A_214, %jit3A_211 : i32
        %rem3A_216 = arith.remsi %add3A_186, %select_n3A_215 : i32
        %ne3A_217 = arith.constant 0 : i32
        %ne3A_218 = arith.cmpi ne, %rem3A_216, %ne3A_217 : i32
        %lt3A_219 = arith.constant 0 : i32
        %lt3A_220 = arith.cmpi slt, %rem3A_216, %lt3A_219 : i32
        %lt3A_221 = arith.constant 0 : i32
        %lt3A_222 = arith.cmpi slt, %select_n3A_215, %lt3A_221 : i32
        %ne3A_223 = arith.xori %lt3A_220, %lt3A_222 : i1
        %and3A_224 = arith.andi %ne3A_223, %ne3A_218 : i1
        %add3A_225 = arith.addi %rem3A_216, %select_n3A_215 : i32
        %select_n3A_226 = arith.select %and3A_224, %add3A_225, %rem3A_216 : i32
        %mul3A_227 = arith.constant 512 : i32
        %mul3A_228 = arith.muli %select_n3A_226, %mul3A_227 : i32
        %multiple_of3A_229 = tpu.assume_multiple %mul3A_228, 512 : i32
        %dma_wait3A_230 = arith.constant 16 : i32
        %dma_wait3A_231 = arith.constant 0 : i32
        %dma_wait3A_232 = tpu.memref_slice %arg7[%dma_wait3A_230, %dma_wait3A_231] : memref<32x512xf32, #tpu.memory_space<vmem>> -> memref<8x512xf32, #tpu.memory_space<vmem>>
        %dma_wait3A_233 = arith.constant 16 : i32
        %dma_wait3A_234 = tpu.memref_slice %arg2[%select_n3A_210, %dma_wait3A_233, %multiple_of3A_229] : memref<26x32x100000xf32, #tpu.memory_space<hbm>> -> memref<1x8x512xf32, #tpu.memory_space<hbm>>
        %dma_wait3A_235 = tpu.memref_squeeze %dma_wait3A_234 : memref<1x8x512xf32, #tpu.memory_space<hbm>> -> memref<8x512xf32, #tpu.memory_space<hbm>>
        %dma_wait3A_236 = arith.constant 16 : i32
        %dma_wait3A_237 = arith.constant 0 : i32
        %dma_wait3A_238 = tpu.memref_slice %arg7[%dma_wait3A_236, %dma_wait3A_237] : memref<32x512xf32, #tpu.memory_space<vmem>> -> memref<8x512xf32, #tpu.memory_space<vmem>>
        %dma_wait3A_239 = arith.constant 16 : i32
        %dma_wait3A_240 = tpu.memref_slice %arg2[%select_n3A_210, %dma_wait3A_239, %multiple_of3A_229] : memref<26x32x100000xf32, #tpu.memory_space<hbm>> -> memref<1x8x512xf32, #tpu.memory_space<hbm>>
        %dma_wait3A_241 = tpu.memref_squeeze %dma_wait3A_240 : memref<1x8x512xf32, #tpu.memory_space<hbm>> -> memref<8x512xf32, #tpu.memory_space<hbm>>
        tpu.wait_dma2 semaphore(%arg14 : memref<!tpu.dma_semaphore, #tpu.memory_space<semaphore_mem>>) src(%dma_wait3A_241 : memref<8x512xf32, #tpu.memory_space<hbm>>) dst(%dma_wait3A_238 : memref<8x512xf32, #tpu.memory_space<vmem>>)
        %mul3A_242 = arith.constant 32 : i32
        %mul3A_243 = arith.muli %add3A_70, %mul3A_242 : i32
        %add3A_244 = arith.addi %add3A, %mul3A_243 : i32
        %jit3A_245 = arith.constant 195 : i32
        %div3A_246 = arith.divsi %add3A_244, %jit3A_245 : i32
        %sign3A_247 = arith.constant 0 : i32
        %sign3A_248 = arith.cmpi sgt, %add3A_244, %sign3A_247 : i32
        %sign3A_249 = arith.extui %sign3A_248 : i1 to i32
        %sign3A_250 = arith.constant 0 : i32
        %sign3A_251 = arith.cmpi slt, %add3A_244, %sign3A_250 : i32
        %sign3A_252 = arith.extui %sign3A_251 : i1 to i32
        %sign3A_253 = arith.subi %sign3A_249, %sign3A_252 : i32
        %sign3A_254 = arith.constant 0 : i32
        %sign3A_255 = arith.cmpi sgt, %jit3A_245, %sign3A_254 : i32
        %sign3A_256 = arith.extui %sign3A_255 : i1 to i32
        %sign3A_257 = arith.constant 0 : i32
        %sign3A_258 = arith.cmpi slt, %jit3A_245, %sign3A_257 : i32
        %sign3A_259 = arith.extui %sign3A_258 : i1 to i32
        %sign3A_260 = arith.subi %sign3A_256, %sign3A_259 : i32
        %ne3A_261 = arith.cmpi ne, %sign3A_253, %sign3A_260 : i32
        %rem3A_262 = arith.remsi %add3A_244, %jit3A_245 : i32
        %ne3A_263 = arith.constant 0 : i32
        %ne3A_264 = arith.cmpi ne, %rem3A_262, %ne3A_263 : i32
        %and3A_265 = arith.andi %ne3A_261, %ne3A_264 : i1
        %sub3A_266 = arith.constant 1 : i32
        %sub3A_267 = arith.subi %div3A_246, %sub3A_266 : i32
        %select_n3A_268 = arith.select %and3A_265, %sub3A_267, %div3A_246 : i32
        %jit3A_269 = arith.constant 195 : i32
        %eq3A_270 = arith.constant 0 : i32
        %eq3A_271 = arith.cmpi eq, %jit3A_269, %eq3A_270 : i32
        %jit3A_272 = arith.constant 1 : i32
        %select_n3A_273 = arith.select %eq3A_271, %jit3A_272, %jit3A_269 : i32
        %rem3A_274 = arith.remsi %add3A_244, %select_n3A_273 : i32
        %ne3A_275 = arith.constant 0 : i32
        %ne3A_276 = arith.cmpi ne, %rem3A_274, %ne3A_275 : i32
        %lt3A_277 = arith.constant 0 : i32
        %lt3A_278 = arith.cmpi slt, %rem3A_274, %lt3A_277 : i32
        %lt3A_279 = arith.constant 0 : i32
        %lt3A_280 = arith.cmpi slt, %select_n3A_273, %lt3A_279 : i32
        %ne3A_281 = arith.xori %lt3A_278, %lt3A_280 : i1
        %and3A_282 = arith.andi %ne3A_281, %ne3A_276 : i1
        %add3A_283 = arith.addi %rem3A_274, %select_n3A_273 : i32
        %select_n3A_284 = arith.select %and3A_282, %add3A_283, %rem3A_274 : i32
        %mul3A_285 = arith.constant 512 : i32
        %mul3A_286 = arith.muli %select_n3A_284, %mul3A_285 : i32
        %multiple_of3A_287 = tpu.assume_multiple %mul3A_286, 512 : i32
        %dma_wait3A_288 = arith.constant 24 : i32
        %dma_wait3A_289 = arith.constant 0 : i32
        %dma_wait3A_290 = tpu.memref_slice %arg7[%dma_wait3A_288, %dma_wait3A_289] : memref<32x512xf32, #tpu.memory_space<vmem>> -> memref<8x512xf32, #tpu.memory_space<vmem>>
        %dma_wait3A_291 = arith.constant 24 : i32
        %dma_wait3A_292 = tpu.memref_slice %arg2[%select_n3A_268, %dma_wait3A_291, %multiple_of3A_287] : memref<26x32x100000xf32, #tpu.memory_space<hbm>> -> memref<1x8x512xf32, #tpu.memory_space<hbm>>
        %dma_wait3A_293 = tpu.memref_squeeze %dma_wait3A_292 : memref<1x8x512xf32, #tpu.memory_space<hbm>> -> memref<8x512xf32, #tpu.memory_space<hbm>>
        %dma_wait3A_294 = arith.constant 24 : i32
        %dma_wait3A_295 = arith.constant 0 : i32
        %dma_wait3A_296 = tpu.memref_slice %arg7[%dma_wait3A_294, %dma_wait3A_295] : memref<32x512xf32, #tpu.memory_space<vmem>> -> memref<8x512xf32, #tpu.memory_space<vmem>>
        %dma_wait3A_297 = arith.constant 24 : i32
        %dma_wait3A_298 = tpu.memref_slice %arg2[%select_n3A_268, %dma_wait3A_297, %multiple_of3A_287] : memref<26x32x100000xf32, #tpu.memory_space<hbm>> -> memref<1x8x512xf32, #tpu.memory_space<hbm>>
        %dma_wait3A_299 = tpu.memref_squeeze %dma_wait3A_298 : memref<1x8x512xf32, #tpu.memory_space<hbm>> -> memref<8x512xf32, #tpu.memory_space<hbm>>
        tpu.wait_dma2 semaphore(%arg14 : memref<!tpu.dma_semaphore, #tpu.memory_space<semaphore_mem>>) src(%dma_wait3A_299 : memref<8x512xf32, #tpu.memory_space<hbm>>) dst(%dma_wait3A_296 : memref<8x512xf32, #tpu.memory_space<vmem>>)
        %add3A_300 = arith.constant 2 : i32
        %add3A_301 = arith.addi %add3A_70, %add3A_300 : i32
        %mul3A_302 = arith.constant 32 : i32
        %mul3A_303 = arith.muli %add3A_301, %mul3A_302 : i32
        %add3A_304 = arith.addi %add3A, %mul3A_303 : i32
        %lt3A_305 = arith.constant 5070 : i32
        %lt3A_306 = arith.cmpi slt, %add3A_304, %lt3A_305 : i32
        %convert_element_type3A_307 = arith.extui %lt3A_306 : i1 to i32
        %cond3A_308 = arith.constant 0 : i32
        %cond3A_309 = arith.cmpi ne, %convert_element_type3A_307, %cond3A_308 : i32
        scf.if %cond3A_309 {
          %mul3A_374 = arith.constant 32 : i32
          %mul3A_375 = arith.muli %add3A_301, %mul3A_374 : i32
          %add3A_376 = arith.addi %add3A, %mul3A_375 : i32
          %jit3A_377 = arith.constant 195 : i32
          %div3A_378 = arith.divsi %add3A_376, %jit3A_377 : i32
          %sign3A_379 = arith.constant 0 : i32
          %sign3A_380 = arith.cmpi sgt, %add3A_376, %sign3A_379 : i32
          %sign3A_381 = arith.extui %sign3A_380 : i1 to i32
          %sign3A_382 = arith.constant 0 : i32
          %sign3A_383 = arith.cmpi slt, %add3A_376, %sign3A_382 : i32
          %sign3A_384 = arith.extui %sign3A_383 : i1 to i32
          %sign3A_385 = arith.subi %sign3A_381, %sign3A_384 : i32
          %sign3A_386 = arith.constant 0 : i32
          %sign3A_387 = arith.cmpi sgt, %jit3A_377, %sign3A_386 : i32
          %sign3A_388 = arith.extui %sign3A_387 : i1 to i32
          %sign3A_389 = arith.constant 0 : i32
          %sign3A_390 = arith.cmpi slt, %jit3A_377, %sign3A_389 : i32
          %sign3A_391 = arith.extui %sign3A_390 : i1 to i32
          %sign3A_392 = arith.subi %sign3A_388, %sign3A_391 : i32
          %ne3A_393 = arith.cmpi ne, %sign3A_385, %sign3A_392 : i32
          %rem3A_394 = arith.remsi %add3A_376, %jit3A_377 : i32
          %ne3A_395 = arith.constant 0 : i32
          %ne3A_396 = arith.cmpi ne, %rem3A_394, %ne3A_395 : i32
          %and3A_397 = arith.andi %ne3A_393, %ne3A_396 : i1
          %sub3A_398 = arith.constant 1 : i32
          %sub3A_399 = arith.subi %div3A_378, %sub3A_398 : i32
          %select_n3A_400 = arith.select %and3A_397, %sub3A_399, %div3A_378 : i32
          %jit3A_401 = arith.constant 195 : i32
          %eq3A_402 = arith.constant 0 : i32
          %eq3A_403 = arith.cmpi eq, %jit3A_401, %eq3A_402 : i32
          %jit3A_404 = arith.constant 1 : i32
          %select_n3A_405 = arith.select %eq3A_403, %jit3A_404, %jit3A_401 : i32
          %rem3A_406 = arith.remsi %add3A_376, %select_n3A_405 : i32
          %ne3A_407 = arith.constant 0 : i32
          %ne3A_408 = arith.cmpi ne, %rem3A_406, %ne3A_407 : i32
          %lt3A_409 = arith.constant 0 : i32
          %lt3A_410 = arith.cmpi slt, %rem3A_406, %lt3A_409 : i32
          %lt3A_411 = arith.constant 0 : i32
          %lt3A_412 = arith.cmpi slt, %select_n3A_405, %lt3A_411 : i32
          %ne3A_413 = arith.xori %lt3A_410, %lt3A_412 : i1
          %and3A_414 = arith.andi %ne3A_413, %ne3A_408 : i1
          %add3A_415 = arith.addi %rem3A_406, %select_n3A_405 : i32
          %select_n3A_416 = arith.select %and3A_414, %add3A_415, %rem3A_406 : i32
          %mul3A_417 = arith.constant 512 : i32
          %mul3A_418 = arith.muli %select_n3A_416, %mul3A_417 : i32
          %multiple_of3A_419 = tpu.assume_multiple %mul3A_418, 512 : i32
          %dma_start3A_420 = arith.constant 0 : i32
          %dma_start3A_421 = arith.constant 0 : i32
          %dma_start3A_422 = tpu.memref_slice %arg6[%dma_start3A_420, %dma_start3A_421] : memref<32x512xf32, #tpu.memory_space<vmem>> -> memref<8x512xf32, #tpu.memory_space<vmem>>
          %dma_start3A_423 = arith.constant 0 : i32
          %dma_start3A_424 = tpu.memref_slice %arg2[%select_n3A_400, %dma_start3A_423, %multiple_of3A_419] : memref<26x32x100000xf32, #tpu.memory_space<hbm>> -> memref<1x8x512xf32, #tpu.memory_space<hbm>>
          %dma_start3A_425 = tpu.memref_squeeze %dma_start3A_424 : memref<1x8x512xf32, #tpu.memory_space<hbm>> -> memref<8x512xf32, #tpu.memory_space<hbm>>
          %dma_start3A_426 = arith.constant 0 : i32
          %dma_start3A_427 = arith.constant 0 : i32
          %dma_start3A_428 = tpu.memref_slice %arg6[%dma_start3A_426, %dma_start3A_427] : memref<32x512xf32, #tpu.memory_space<vmem>> -> memref<8x512xf32, #tpu.memory_space<vmem>>
          %dma_start3A_429 = arith.constant 0 : i32
          %dma_start3A_430 = tpu.memref_slice %arg2[%select_n3A_400, %dma_start3A_429, %multiple_of3A_419] : memref<26x32x100000xf32, #tpu.memory_space<hbm>> -> memref<1x8x512xf32, #tpu.memory_space<hbm>>
          %dma_start3A_431 = tpu.memref_squeeze %dma_start3A_430 : memref<1x8x512xf32, #tpu.memory_space<hbm>> -> memref<8x512xf32, #tpu.memory_space<hbm>>
          tpu.enqueue_dma source(%dma_start3A_431 : memref<8x512xf32, #tpu.memory_space<hbm>>) target(%dma_start3A_428 : memref<8x512xf32, #tpu.memory_space<vmem>>) target_semaphore(%arg13 : memref<!tpu.dma_semaphore, #tpu.memory_space<semaphore_mem>>)
          %mul3A_432 = arith.constant 32 : i32
          %mul3A_433 = arith.muli %add3A_301, %mul3A_432 : i32
          %add3A_434 = arith.addi %add3A, %mul3A_433 : i32
          %jit3A_435 = arith.constant 195 : i32
          %div3A_436 = arith.divsi %add3A_434, %jit3A_435 : i32
          %sign3A_437 = arith.constant 0 : i32
          %sign3A_438 = arith.cmpi sgt, %add3A_434, %sign3A_437 : i32
          %sign3A_439 = arith.extui %sign3A_438 : i1 to i32
          %sign3A_440 = arith.constant 0 : i32
          %sign3A_441 = arith.cmpi slt, %add3A_434, %sign3A_440 : i32
          %sign3A_442 = arith.extui %sign3A_441 : i1 to i32
          %sign3A_443 = arith.subi %sign3A_439, %sign3A_442 : i32
          %sign3A_444 = arith.constant 0 : i32
          %sign3A_445 = arith.cmpi sgt, %jit3A_435, %sign3A_444 : i32
          %sign3A_446 = arith.extui %sign3A_445 : i1 to i32
          %sign3A_447 = arith.constant 0 : i32
          %sign3A_448 = arith.cmpi slt, %jit3A_435, %sign3A_447 : i32
          %sign3A_449 = arith.extui %sign3A_448 : i1 to i32
          %sign3A_450 = arith.subi %sign3A_446, %sign3A_449 : i32
          %ne3A_451 = arith.cmpi ne, %sign3A_443, %sign3A_450 : i32
          %rem3A_452 = arith.remsi %add3A_434, %jit3A_435 : i32
          %ne3A_453 = arith.constant 0 : i32
          %ne3A_454 = arith.cmpi ne, %rem3A_452, %ne3A_453 : i32
          %and3A_455 = arith.andi %ne3A_451, %ne3A_454 : i1
          %sub3A_456 = arith.constant 1 : i32
          %sub3A_457 = arith.subi %div3A_436, %sub3A_456 : i32
          %select_n3A_458 = arith.select %and3A_455, %sub3A_457, %div3A_436 : i32
          %jit3A_459 = arith.constant 195 : i32
          %eq3A_460 = arith.constant 0 : i32
          %eq3A_461 = arith.cmpi eq, %jit3A_459, %eq3A_460 : i32
          %jit3A_462 = arith.constant 1 : i32
          %select_n3A_463 = arith.select %eq3A_461, %jit3A_462, %jit3A_459 : i32
          %rem3A_464 = arith.remsi %add3A_434, %select_n3A_463 : i32
          %ne3A_465 = arith.constant 0 : i32
          %ne3A_466 = arith.cmpi ne, %rem3A_464, %ne3A_465 : i32
          %lt3A_467 = arith.constant 0 : i32
          %lt3A_468 = arith.cmpi slt, %rem3A_464, %lt3A_467 : i32
          %lt3A_469 = arith.constant 0 : i32
          %lt3A_470 = arith.cmpi slt, %select_n3A_463, %lt3A_469 : i32
          %ne3A_471 = arith.xori %lt3A_468, %lt3A_470 : i1
          %and3A_472 = arith.andi %ne3A_471, %ne3A_466 : i1
          %add3A_473 = arith.addi %rem3A_464, %select_n3A_463 : i32
          %select_n3A_474 = arith.select %and3A_472, %add3A_473, %rem3A_464 : i32
          %mul3A_475 = arith.constant 512 : i32
          %mul3A_476 = arith.muli %select_n3A_474, %mul3A_475 : i32
          %multiple_of3A_477 = tpu.assume_multiple %mul3A_476, 512 : i32
          %dma_start3A_478 = arith.constant 8 : i32
          %dma_start3A_479 = arith.constant 0 : i32
          %dma_start3A_480 = tpu.memref_slice %arg6[%dma_start3A_478, %dma_start3A_479] : memref<32x512xf32, #tpu.memory_space<vmem>> -> memref<8x512xf32, #tpu.memory_space<vmem>>
          %dma_start3A_481 = arith.constant 8 : i32
          %dma_start3A_482 = tpu.memref_slice %arg2[%select_n3A_458, %dma_start3A_481, %multiple_of3A_477] : memref<26x32x100000xf32, #tpu.memory_space<hbm>> -> memref<1x8x512xf32, #tpu.memory_space<hbm>>
          %dma_start3A_483 = tpu.memref_squeeze %dma_start3A_482 : memref<1x8x512xf32, #tpu.memory_space<hbm>> -> memref<8x512xf32, #tpu.memory_space<hbm>>
          %dma_start3A_484 = arith.constant 8 : i32
          %dma_start3A_485 = arith.constant 0 : i32
          %dma_start3A_486 = tpu.memref_slice %arg6[%dma_start3A_484, %dma_start3A_485] : memref<32x512xf32, #tpu.memory_space<vmem>> -> memref<8x512xf32, #tpu.memory_space<vmem>>
          %dma_start3A_487 = arith.constant 8 : i32
          %dma_start3A_488 = tpu.memref_slice %arg2[%select_n3A_458, %dma_start3A_487, %multiple_of3A_477] : memref<26x32x100000xf32, #tpu.memory_space<hbm>> -> memref<1x8x512xf32, #tpu.memory_space<hbm>>
          %dma_start3A_489 = tpu.memref_squeeze %dma_start3A_488 : memref<1x8x512xf32, #tpu.memory_space<hbm>> -> memref<8x512xf32, #tpu.memory_space<hbm>>
          tpu.enqueue_dma source(%dma_start3A_489 : memref<8x512xf32, #tpu.memory_space<hbm>>) target(%dma_start3A_486 : memref<8x512xf32, #tpu.memory_space<vmem>>) target_semaphore(%arg13 : memref<!tpu.dma_semaphore, #tpu.memory_space<semaphore_mem>>)
          %mul3A_490 = arith.constant 32 : i32
          %mul3A_491 = arith.muli %add3A_301, %mul3A_490 : i32
          %add3A_492 = arith.addi %add3A, %mul3A_491 : i32
          %jit3A_493 = arith.constant 195 : i32
          %div3A_494 = arith.divsi %add3A_492, %jit3A_493 : i32
          %sign3A_495 = arith.constant 0 : i32
          %sign3A_496 = arith.cmpi sgt, %add3A_492, %sign3A_495 : i32
          %sign3A_497 = arith.extui %sign3A_496 : i1 to i32
          %sign3A_498 = arith.constant 0 : i32
          %sign3A_499 = arith.cmpi slt, %add3A_492, %sign3A_498 : i32
          %sign3A_500 = arith.extui %sign3A_499 : i1 to i32
          %sign3A_501 = arith.subi %sign3A_497, %sign3A_500 : i32
          %sign3A_502 = arith.constant 0 : i32
          %sign3A_503 = arith.cmpi sgt, %jit3A_493, %sign3A_502 : i32
          %sign3A_504 = arith.extui %sign3A_503 : i1 to i32
          %sign3A_505 = arith.constant 0 : i32
          %sign3A_506 = arith.cmpi slt, %jit3A_493, %sign3A_505 : i32
          %sign3A_507 = arith.extui %sign3A_506 : i1 to i32
          %sign3A_508 = arith.subi %sign3A_504, %sign3A_507 : i32
          %ne3A_509 = arith.cmpi ne, %sign3A_501, %sign3A_508 : i32
          %rem3A_510 = arith.remsi %add3A_492, %jit3A_493 : i32
          %ne3A_511 = arith.constant 0 : i32
          %ne3A_512 = arith.cmpi ne, %rem3A_510, %ne3A_511 : i32
          %and3A_513 = arith.andi %ne3A_509, %ne3A_512 : i1
          %sub3A_514 = arith.constant 1 : i32
          %sub3A_515 = arith.subi %div3A_494, %sub3A_514 : i32
          %select_n3A_516 = arith.select %and3A_513, %sub3A_515, %div3A_494 : i32
          %jit3A_517 = arith.constant 195 : i32
          %eq3A_518 = arith.constant 0 : i32
          %eq3A_519 = arith.cmpi eq, %jit3A_517, %eq3A_518 : i32
          %jit3A_520 = arith.constant 1 : i32
          %select_n3A_521 = arith.select %eq3A_519, %jit3A_520, %jit3A_517 : i32
          %rem3A_522 = arith.remsi %add3A_492, %select_n3A_521 : i32
          %ne3A_523 = arith.constant 0 : i32
          %ne3A_524 = arith.cmpi ne, %rem3A_522, %ne3A_523 : i32
          %lt3A_525 = arith.constant 0 : i32
          %lt3A_526 = arith.cmpi slt, %rem3A_522, %lt3A_525 : i32
          %lt3A_527 = arith.constant 0 : i32
          %lt3A_528 = arith.cmpi slt, %select_n3A_521, %lt3A_527 : i32
          %ne3A_529 = arith.xori %lt3A_526, %lt3A_528 : i1
          %and3A_530 = arith.andi %ne3A_529, %ne3A_524 : i1
          %add3A_531 = arith.addi %rem3A_522, %select_n3A_521 : i32
          %select_n3A_532 = arith.select %and3A_530, %add3A_531, %rem3A_522 : i32
          %mul3A_533 = arith.constant 512 : i32
          %mul3A_534 = arith.muli %select_n3A_532, %mul3A_533 : i32
          %multiple_of3A_535 = tpu.assume_multiple %mul3A_534, 512 : i32
          %dma_start3A_536 = arith.constant 16 : i32
          %dma_start3A_537 = arith.constant 0 : i32
          %dma_start3A_538 = tpu.memref_slice %arg6[%dma_start3A_536, %dma_start3A_537] : memref<32x512xf32, #tpu.memory_space<vmem>> -> memref<8x512xf32, #tpu.memory_space<vmem>>
          %dma_start3A_539 = arith.constant 16 : i32
          %dma_start3A_540 = tpu.memref_slice %arg2[%select_n3A_516, %dma_start3A_539, %multiple_of3A_535] : memref<26x32x100000xf32, #tpu.memory_space<hbm>> -> memref<1x8x512xf32, #tpu.memory_space<hbm>>
          %dma_start3A_541 = tpu.memref_squeeze %dma_start3A_540 : memref<1x8x512xf32, #tpu.memory_space<hbm>> -> memref<8x512xf32, #tpu.memory_space<hbm>>
          %dma_start3A_542 = arith.constant 16 : i32
          %dma_start3A_543 = arith.constant 0 : i32
          %dma_start3A_544 = tpu.memref_slice %arg6[%dma_start3A_542, %dma_start3A_543] : memref<32x512xf32, #tpu.memory_space<vmem>> -> memref<8x512xf32, #tpu.memory_space<vmem>>
          %dma_start3A_545 = arith.constant 16 : i32
          %dma_start3A_546 = tpu.memref_slice %arg2[%select_n3A_516, %dma_start3A_545, %multiple_of3A_535] : memref<26x32x100000xf32, #tpu.memory_space<hbm>> -> memref<1x8x512xf32, #tpu.memory_space<hbm>>
          %dma_start3A_547 = tpu.memref_squeeze %dma_start3A_546 : memref<1x8x512xf32, #tpu.memory_space<hbm>> -> memref<8x512xf32, #tpu.memory_space<hbm>>
          tpu.enqueue_dma source(%dma_start3A_547 : memref<8x512xf32, #tpu.memory_space<hbm>>) target(%dma_start3A_544 : memref<8x512xf32, #tpu.memory_space<vmem>>) target_semaphore(%arg13 : memref<!tpu.dma_semaphore, #tpu.memory_space<semaphore_mem>>)
          %mul3A_548 = arith.constant 32 : i32
          %mul3A_549 = arith.muli %add3A_301, %mul3A_548 : i32
          %add3A_550 = arith.addi %add3A, %mul3A_549 : i32
          %jit3A_551 = arith.constant 195 : i32
          %div3A_552 = arith.divsi %add3A_550, %jit3A_551 : i32
          %sign3A_553 = arith.constant 0 : i32
          %sign3A_554 = arith.cmpi sgt, %add3A_550, %sign3A_553 : i32
          %sign3A_555 = arith.extui %sign3A_554 : i1 to i32
          %sign3A_556 = arith.constant 0 : i32
          %sign3A_557 = arith.cmpi slt, %add3A_550, %sign3A_556 : i32
          %sign3A_558 = arith.extui %sign3A_557 : i1 to i32
          %sign3A_559 = arith.subi %sign3A_555, %sign3A_558 : i32
          %sign3A_560 = arith.constant 0 : i32
          %sign3A_561 = arith.cmpi sgt, %jit3A_551, %sign3A_560 : i32
          %sign3A_562 = arith.extui %sign3A_561 : i1 to i32
          %sign3A_563 = arith.constant 0 : i32
          %sign3A_564 = arith.cmpi slt, %jit3A_551, %sign3A_563 : i32
          %sign3A_565 = arith.extui %sign3A_564 : i1 to i32
          %sign3A_566 = arith.subi %sign3A_562, %sign3A_565 : i32
          %ne3A_567 = arith.cmpi ne, %sign3A_559, %sign3A_566 : i32
          %rem3A_568 = arith.remsi %add3A_550, %jit3A_551 : i32
          %ne3A_569 = arith.constant 0 : i32
          %ne3A_570 = arith.cmpi ne, %rem3A_568, %ne3A_569 : i32
          %and3A_571 = arith.andi %ne3A_567, %ne3A_570 : i1
          %sub3A_572 = arith.constant 1 : i32
          %sub3A_573 = arith.subi %div3A_552, %sub3A_572 : i32
          %select_n3A_574 = arith.select %and3A_571, %sub3A_573, %div3A_552 : i32
          %jit3A_575 = arith.constant 195 : i32
          %eq3A_576 = arith.constant 0 : i32
          %eq3A_577 = arith.cmpi eq, %jit3A_575, %eq3A_576 : i32
          %jit3A_578 = arith.constant 1 : i32
          %select_n3A_579 = arith.select %eq3A_577, %jit3A_578, %jit3A_575 : i32
          %rem3A_580 = arith.remsi %add3A_550, %select_n3A_579 : i32
          %ne3A_581 = arith.constant 0 : i32
          %ne3A_582 = arith.cmpi ne, %rem3A_580, %ne3A_581 : i32
          %lt3A_583 = arith.constant 0 : i32
          %lt3A_584 = arith.cmpi slt, %rem3A_580, %lt3A_583 : i32
          %lt3A_585 = arith.constant 0 : i32
          %lt3A_586 = arith.cmpi slt, %select_n3A_579, %lt3A_585 : i32
          %ne3A_587 = arith.xori %lt3A_584, %lt3A_586 : i1
          %and3A_588 = arith.andi %ne3A_587, %ne3A_582 : i1
          %add3A_589 = arith.addi %rem3A_580, %select_n3A_579 : i32
          %select_n3A_590 = arith.select %and3A_588, %add3A_589, %rem3A_580 : i32
          %mul3A_591 = arith.constant 512 : i32
          %mul3A_592 = arith.muli %select_n3A_590, %mul3A_591 : i32
          %multiple_of3A_593 = tpu.assume_multiple %mul3A_592, 512 : i32
          %dma_start3A_594 = arith.constant 24 : i32
          %dma_start3A_595 = arith.constant 0 : i32
          %dma_start3A_596 = tpu.memref_slice %arg6[%dma_start3A_594, %dma_start3A_595] : memref<32x512xf32, #tpu.memory_space<vmem>> -> memref<8x512xf32, #tpu.memory_space<vmem>>
          %dma_start3A_597 = arith.constant 24 : i32
          %dma_start3A_598 = tpu.memref_slice %arg2[%select_n3A_574, %dma_start3A_597, %multiple_of3A_593] : memref<26x32x100000xf32, #tpu.memory_space<hbm>> -> memref<1x8x512xf32, #tpu.memory_space<hbm>>
          %dma_start3A_599 = tpu.memref_squeeze %dma_start3A_598 : memref<1x8x512xf32, #tpu.memory_space<hbm>> -> memref<8x512xf32, #tpu.memory_space<hbm>>
          %dma_start3A_600 = arith.constant 24 : i32
          %dma_start3A_601 = arith.constant 0 : i32
          %dma_start3A_602 = tpu.memref_slice %arg6[%dma_start3A_600, %dma_start3A_601] : memref<32x512xf32, #tpu.memory_space<vmem>> -> memref<8x512xf32, #tpu.memory_space<vmem>>
          %dma_start3A_603 = arith.constant 24 : i32
          %dma_start3A_604 = tpu.memref_slice %arg2[%select_n3A_574, %dma_start3A_603, %multiple_of3A_593] : memref<26x32x100000xf32, #tpu.memory_space<hbm>> -> memref<1x8x512xf32, #tpu.memory_space<hbm>>
          %dma_start3A_605 = tpu.memref_squeeze %dma_start3A_604 : memref<1x8x512xf32, #tpu.memory_space<hbm>> -> memref<8x512xf32, #tpu.memory_space<hbm>>
          tpu.enqueue_dma source(%dma_start3A_605 : memref<8x512xf32, #tpu.memory_space<hbm>>) target(%dma_start3A_602 : memref<8x512xf32, #tpu.memory_space<vmem>>) target_semaphore(%arg13 : memref<!tpu.dma_semaphore, #tpu.memory_space<semaphore_mem>>)
        } else {
        }
        %ge3A = arith.constant 3 : i32
        %ge3A_310 = arith.cmpi sge, %add3A_70, %ge3A : i32
        %convert_element_type3A_311 = arith.extui %ge3A_310 : i1 to i32
        %cond3A_312 = arith.constant 0 : i32
        %cond3A_313 = arith.cmpi ne, %convert_element_type3A_311, %cond3A_312 : i32
        scf.if %cond3A_313 {
          %sub3A_374 = arith.constant 3 : i32
          %sub3A_375 = arith.subi %add3A_70, %sub3A_374 : i32
          %mul3A_376 = arith.constant 32 : i32
          %mul3A_377 = arith.muli %sub3A_375, %mul3A_376 : i32
          %add3A_378 = arith.addi %add3A, %mul3A_377 : i32
          %jit3A_379 = arith.constant 195 : i32
          %div3A_380 = arith.divsi %add3A_378, %jit3A_379 : i32
          %sign3A_381 = arith.constant 0 : i32
          %sign3A_382 = arith.cmpi sgt, %add3A_378, %sign3A_381 : i32
          %sign3A_383 = arith.extui %sign3A_382 : i1 to i32
          %sign3A_384 = arith.constant 0 : i32
          %sign3A_385 = arith.cmpi slt, %add3A_378, %sign3A_384 : i32
          %sign3A_386 = arith.extui %sign3A_385 : i1 to i32
          %sign3A_387 = arith.subi %sign3A_383, %sign3A_386 : i32
          %sign3A_388 = arith.constant 0 : i32
          %sign3A_389 = arith.cmpi sgt, %jit3A_379, %sign3A_388 : i32
          %sign3A_390 = arith.extui %sign3A_389 : i1 to i32
          %sign3A_391 = arith.constant 0 : i32
          %sign3A_392 = arith.cmpi slt, %jit3A_379, %sign3A_391 : i32
          %sign3A_393 = arith.extui %sign3A_392 : i1 to i32
          %sign3A_394 = arith.subi %sign3A_390, %sign3A_393 : i32
          %ne3A_395 = arith.cmpi ne, %sign3A_387, %sign3A_394 : i32
          %rem3A_396 = arith.remsi %add3A_378, %jit3A_379 : i32
          %ne3A_397 = arith.constant 0 : i32
          %ne3A_398 = arith.cmpi ne, %rem3A_396, %ne3A_397 : i32
          %and3A_399 = arith.andi %ne3A_395, %ne3A_398 : i1
          %sub3A_400 = arith.constant 1 : i32
          %sub3A_401 = arith.subi %div3A_380, %sub3A_400 : i32
          %select_n3A_402 = arith.select %and3A_399, %sub3A_401, %div3A_380 : i32
          %jit3A_403 = arith.constant 195 : i32
          %eq3A_404 = arith.constant 0 : i32
          %eq3A_405 = arith.cmpi eq, %jit3A_403, %eq3A_404 : i32
          %jit3A_406 = arith.constant 1 : i32
          %select_n3A_407 = arith.select %eq3A_405, %jit3A_406, %jit3A_403 : i32
          %rem3A_408 = arith.remsi %add3A_378, %select_n3A_407 : i32
          %ne3A_409 = arith.constant 0 : i32
          %ne3A_410 = arith.cmpi ne, %rem3A_408, %ne3A_409 : i32
          %lt3A_411 = arith.constant 0 : i32
          %lt3A_412 = arith.cmpi slt, %rem3A_408, %lt3A_411 : i32
          %lt3A_413 = arith.constant 0 : i32
          %lt3A_414 = arith.cmpi slt, %select_n3A_407, %lt3A_413 : i32
          %ne3A_415 = arith.xori %lt3A_412, %lt3A_414 : i1
          %and3A_416 = arith.andi %ne3A_415, %ne3A_410 : i1
          %add3A_417 = arith.addi %rem3A_408, %select_n3A_407 : i32
          %select_n3A_418 = arith.select %and3A_416, %add3A_417, %rem3A_408 : i32
          %mul3A_419 = arith.constant 512 : i32
          %mul3A_420 = arith.muli %select_n3A_418, %mul3A_419 : i32
          %multiple_of3A_421 = tpu.assume_multiple %mul3A_420, 512 : i32
          %mul3A_422 = arith.constant 100000 : i32
          %mul3A_423 = arith.muli %select_n3A_402, %mul3A_422 : i32
          %add3A_424 = arith.addi %mul3A_423, %multiple_of3A_421 : i32
          %mul3A_425 = arith.constant 32 : i32
          %mul3A_426 = arith.muli %add3A_424, %mul3A_425 : i32
          %multiple_of3A_427 = tpu.assume_multiple %mul3A_426, 8 : i32
          %dma_wait3A_428 = tpu.memref_slice %arg4[%multiple_of3A_427] : memref<83200000xf32, #tpu.memory_space<hbm>> -> memref<16384xf32, #tpu.memory_space<hbm>>
          %dma_wait3A_429 = tpu.memref_slice %arg4[%multiple_of3A_427] : memref<83200000xf32, #tpu.memory_space<hbm>> -> memref<16384xf32, #tpu.memory_space<hbm>>
          tpu.wait_dma2 semaphore(%arg17 : memref<!tpu.dma_semaphore, #tpu.memory_space<semaphore_mem>>) src(%arg11 : memref<16384xf32, #tpu.memory_space<vmem>>) dst(%dma_wait3A_429 : memref<16384xf32, #tpu.memory_space<hbm>>)
        } else {
        }
        %iota3A = tpu.iota {dimensions = array<i32: 0>} : vector<16xi32>
        %scan3A_314 = arith.constant 0 : i32
        %scan3A_315 = arith.constant 32 : i32
        %scan3A_316 = arith.addi %scan3A_314, %scan3A_315 : i32
        %scan3A_317 = arith.constant 1 : i32
        scf.for %scan3A_374 = %scan3A_314 to %scan3A_316 step %scan3A_317  : i32 {
          %mul3A_375 = arith.constant 33 : i32
          %mul3A_376 = vector.broadcast %mul3A_375 : i32 to vector<16xi32>
          %mul3A_377 = arith.muli %iota3A, %mul3A_376 : vector<16xi32>
          %add3A_378 = vector.broadcast %scan3A_374 : i32 to vector<16xi32>
          %add3A_379 = arith.addi %mul3A_377, %add3A_378 : vector<16xi32>
          %parallel_loop3A_380 = arith.constant 0 : i32
          %parallel_loop3A_381 = arith.constant 32 : i32
          %parallel_loop3A_382 = arith.constant 1 : i32
          scf.for %parallel_loop3A_383 = %parallel_loop3A_380 to %parallel_loop3A_381 step %parallel_loop3A_382  : i32 {
            %parallel_loop3A_384 = arith.constant 16 : i32
            %parallel_loop3A_385 = arith.muli %parallel_loop3A_383, %parallel_loop3A_384 : i32
            %parallel_loop3A_386 = arith.index_cast %scan3A_374 : i32 to index
            %parallel_loop3A_387 = arith.index_cast %parallel_loop3A_385 : i32 to index
            %parallel_loop3A_388 = tpu.vector_load %arg7[%parallel_loop3A_386, %parallel_loop3A_387] {strides = array<i32>} : memref<32x512xf32, #tpu.memory_space<vmem>>, vector<16xf32>,
            %parallel_loop3A_389 = arith.constant 528 : i32
            %parallel_loop3A_390 = arith.muli %parallel_loop3A_383, %parallel_loop3A_389 : i32
            %parallel_loop3A_391 = vector.broadcast %parallel_loop3A_390 : i32 to vector<16xi32>
            %parallel_loop3A_392 = arith.addi %add3A_379, %parallel_loop3A_391 : vector<16xi32>
            tpu.vector_store_idx %arg8[%parallel_loop3A_392], %parallel_loop3A_388 : memref<16896xf32, #tpu.memory_space<vmem>>[vector<16xi32>], vector<16xf32>,
          } {sc.loop_unroll_factor = 8 : i64, sc.parallel_access}
        }
        %scan3A_318 = arith.constant 32 : i32
        %parallel_loop3A = arith.constant 0 : i32
        %parallel_loop3A_319 = arith.constant 512 : i32
        %parallel_loop3A_320 = arith.constant 1 : i32
        scf.for %parallel_loop3A_374 = %parallel_loop3A to %parallel_loop3A_319 step %parallel_loop3A_320  : i32 {
          %parallel_loop3A_375 = arith.constant 33 : i32
          %parallel_loop3A_376 = arith.muli %parallel_loop3A_374, %parallel_loop3A_375 : i32
          %parallel_loop3A_377 = vector.broadcast %parallel_loop3A_376 : i32 to vector<16xi32>
          %parallel_loop3A_378 = arith.addi %parallel_loop3A_377, %iota3A : vector<16xi32>
          %parallel_loop3A_379 = tpu.vector_load_idx %arg8[%parallel_loop3A_378] : memref<16896xf32, #tpu.memory_space<vmem>>[vector<16xi32>], vector<16xf32>,
          %parallel_loop3A_380 = arith.constant 33 : i32
          %parallel_loop3A_381 = arith.muli %parallel_loop3A_374, %parallel_loop3A_380 : i32
          %parallel_loop3A_382 = arith.constant 16 : i32
          %parallel_loop3A_383 = vector.broadcast %parallel_loop3A_382 : i32 to vector<16xi32>
          %parallel_loop3A_384 = arith.addi %iota3A, %parallel_loop3A_383 : vector<16xi32>
          %parallel_loop3A_385 = vector.broadcast %parallel_loop3A_381 : i32 to vector<16xi32>
          %parallel_loop3A_386 = arith.addi %parallel_loop3A_385, %parallel_loop3A_384 : vector<16xi32>
          %parallel_loop3A_387 = tpu.vector_load_idx %arg8[%parallel_loop3A_386] : memref<16896xf32, #tpu.memory_space<vmem>>[vector<16xi32>], vector<16xf32>,
          %parallel_loop3A_388 = arith.constant 32 : i32
          %parallel_loop3A_389 = arith.muli %parallel_loop3A_374, %parallel_loop3A_388 : i32
          %parallel_loop3A_390 = arith.index_cast %parallel_loop3A_389 : i32 to index
          %parallel_loop3A_391 = tpu.vector_load %arg11[%parallel_loop3A_390] {strides = array<i32>} : memref<16384xf32, #tpu.memory_space<vmem>>, vector<16xf32>,
          tpu.vector_store %arg11[%parallel_loop3A_390], %parallel_loop3A_379 {strides = array<i32>} : memref<16384xf32, #tpu.memory_space<vmem>>, vector<16xf32>,
          %parallel_loop3A_392 = arith.constant 32 : i32
          %parallel_loop3A_393 = arith.muli %parallel_loop3A_374, %parallel_loop3A_392 : i32
          %parallel_loop3A_394 = arith.constant 16 : i32
          %parallel_loop3A_395 = arith.addi %parallel_loop3A_393, %parallel_loop3A_394 : i32
          %parallel_loop3A_396 = arith.index_cast %parallel_loop3A_395 : i32 to index
          %parallel_loop3A_397 = tpu.vector_load %arg11[%parallel_loop3A_396] {strides = array<i32>} : memref<16384xf32, #tpu.memory_space<vmem>>, vector<16xf32>,
          tpu.vector_store %arg11[%parallel_loop3A_396], %parallel_loop3A_387 {strides = array<i32>} : memref<16384xf32, #tpu.memory_space<vmem>>, vector<16xf32>,
        } {sc.loop_unroll_factor = 8 : i64, sc.parallel_access}
        %mul3A_321 = arith.constant 32 : i32
        %mul3A_322 = arith.muli %add3A_70, %mul3A_321 : i32
        %add3A_323 = arith.addi %add3A, %mul3A_322 : i32
        %jit3A_324 = arith.constant 195 : i32
        %div3A_325 = arith.divsi %add3A_323, %jit3A_324 : i32
        %sign3A_326 = arith.constant 0 : i32
        %sign3A_327 = arith.cmpi sgt, %add3A_323, %sign3A_326 : i32
        %sign3A_328 = arith.extui %sign3A_327 : i1 to i32
        %sign3A_329 = arith.constant 0 : i32
        %sign3A_330 = arith.cmpi slt, %add3A_323, %sign3A_329 : i32
        %sign3A_331 = arith.extui %sign3A_330 : i1 to i32
        %sign3A_332 = arith.subi %sign3A_328, %sign3A_331 : i32
        %sign3A_333 = arith.constant 0 : i32
        %sign3A_334 = arith.cmpi sgt, %jit3A_324, %sign3A_333 : i32
        %sign3A_335 = arith.extui %sign3A_334 : i1 to i32
        %sign3A_336 = arith.constant 0 : i32
        %sign3A_337 = arith.cmpi slt, %jit3A_324, %sign3A_336 : i32
        %sign3A_338 = arith.extui %sign3A_337 : i1 to i32
        %sign3A_339 = arith.subi %sign3A_335, %sign3A_338 : i32
        %ne3A_340 = arith.cmpi ne, %sign3A_332, %sign3A_339 : i32
        %rem3A_341 = arith.remsi %add3A_323, %jit3A_324 : i32
        %ne3A_342 = arith.constant 0 : i32
        %ne3A_343 = arith.cmpi ne, %rem3A_341, %ne3A_342 : i32
        %and3A_344 = arith.andi %ne3A_340, %ne3A_343 : i1
        %sub3A_345 = arith.constant 1 : i32
        %sub3A_346 = arith.subi %div3A_325, %sub3A_345 : i32
        %select_n3A_347 = arith.select %and3A_344, %sub3A_346, %div3A_325 : i32
        %jit3A_348 = arith.constant 195 : i32
        %eq3A_349 = arith.constant 0 : i32
        %eq3A_350 = arith.cmpi eq, %jit3A_348, %eq3A_349 : i32
        %jit3A_351 = arith.constant 1 : i32
        %select_n3A_352 = arith.select %eq3A_350, %jit3A_351, %jit3A_348 : i32
        %rem3A_353 = arith.remsi %add3A_323, %select_n3A_352 : i32
        %ne3A_354 = arith.constant 0 : i32
        %ne3A_355 = arith.cmpi ne, %rem3A_353, %ne3A_354 : i32
        %lt3A_356 = arith.constant 0 : i32
        %lt3A_357 = arith.cmpi slt, %rem3A_353, %lt3A_356 : i32
        %lt3A_358 = arith.constant 0 : i32
        %lt3A_359 = arith.cmpi slt, %select_n3A_352, %lt3A_358 : i32
        %ne3A_360 = arith.xori %lt3A_357, %lt3A_359 : i1
        %and3A_361 = arith.andi %ne3A_360, %ne3A_355 : i1
        %add3A_362 = arith.addi %rem3A_353, %select_n3A_352 : i32
        %select_n3A_363 = arith.select %and3A_361, %add3A_362, %rem3A_353 : i32
        %mul3A_364 = arith.constant 512 : i32
        %mul3A_365 = arith.muli %select_n3A_363, %mul3A_364 : i32
        %multiple_of3A_366 = tpu.assume_multiple %mul3A_365, 512 : i32
        %mul3A_367 = arith.constant 100000 : i32
        %mul3A_368 = arith.muli %select_n3A_347, %mul3A_367 : i32
        %add3A_369 = arith.addi %mul3A_368, %multiple_of3A_366 : i32
        %mul3A_370 = arith.constant 32 : i32
        %mul3A_371 = arith.muli %add3A_369, %mul3A_370 : i32
        %multiple_of3A_372 = tpu.assume_multiple %mul3A_371, 8 : i32
        %dma_start3A = tpu.memref_slice %arg4[%multiple_of3A_372] : memref<83200000xf32, #tpu.memory_space<hbm>> -> memref<16384xf32, #tpu.memory_space<hbm>>
        %dma_start3A_373 = tpu.memref_slice %arg4[%multiple_of3A_372] : memref<83200000xf32, #tpu.memory_space<hbm>> -> memref<16384xf32, #tpu.memory_space<hbm>>
        tpu.enqueue_dma source(%arg11 : memref<16384xf32, #tpu.memory_space<vmem>>) target(%dma_start3A_373 : memref<16384xf32, #tpu.memory_space<hbm>>) target_semaphore(%arg17 : memref<!tpu.dma_semaphore, #tpu.memory_space<semaphore_mem>>)
      } else {
      }
    }
    %scan3A_15 = arith.constant 53 : i32
    %add3A_16 = arith.constant 4992 : i32
    %add3A_17 = arith.addi %add3A, %add3A_16 : i32
    %lt3A_18 = arith.constant 5070 : i32
    %lt3A_19 = arith.cmpi slt, %add3A_17, %lt3A_18 : i32
    %convert_element_type3A_20 = arith.extui %lt3A_19 : i1 to i32
    %cond3A_21 = arith.constant 0 : i32
    %cond3A_22 = arith.cmpi ne, %convert_element_type3A_20, %cond3A_21 : i32
    scf.if %cond3A_22 {
      %add3A_42 = arith.constant 4992 : i32
      %add3A_43 = arith.addi %add3A, %add3A_42 : i32
      %jit3A = arith.constant 195 : i32
      %div3A = arith.divsi %add3A_43, %jit3A : i32
      %sign3A = arith.constant 0 : i32
      %sign3A_44 = arith.cmpi sgt, %add3A_43, %sign3A : i32
      %sign3A_45 = arith.extui %sign3A_44 : i1 to i32
      %sign3A_46 = arith.constant 0 : i32
      %sign3A_47 = arith.cmpi slt, %add3A_43, %sign3A_46 : i32
      %sign3A_48 = arith.extui %sign3A_47 : i1 to i32
      %sign3A_49 = arith.subi %sign3A_45, %sign3A_48 : i32
      %sign3A_50 = arith.constant 0 : i32
      %sign3A_51 = arith.cmpi sgt, %jit3A, %sign3A_50 : i32
      %sign3A_52 = arith.extui %sign3A_51 : i1 to i32
      %sign3A_53 = arith.constant 0 : i32
      %sign3A_54 = arith.cmpi slt, %jit3A, %sign3A_53 : i32
      %sign3A_55 = arith.extui %sign3A_54 : i1 to i32
      %sign3A_56 = arith.subi %sign3A_52, %sign3A_55 : i32
      %ne3A = arith.cmpi ne, %sign3A_49, %sign3A_56 : i32
      %rem3A = arith.remsi %add3A_43, %jit3A : i32
      %ne3A_57 = arith.constant 0 : i32
      %ne3A_58 = arith.cmpi ne, %rem3A, %ne3A_57 : i32
      %and3A = arith.andi %ne3A, %ne3A_58 : i1
      %sub3A = arith.constant 1 : i32
      %sub3A_59 = arith.subi %div3A, %sub3A : i32
      %select_n3A = arith.select %and3A, %sub3A_59, %div3A : i32
      %jit3A_60 = arith.constant 195 : i32
      %eq3A = arith.constant 0 : i32
      %eq3A_61 = arith.cmpi eq, %jit3A_60, %eq3A : i32
      %jit3A_62 = arith.constant 1 : i32
      %select_n3A_63 = arith.select %eq3A_61, %jit3A_62, %jit3A_60 : i32
      %rem3A_64 = arith.remsi %add3A_43, %select_n3A_63 : i32
      %ne3A_65 = arith.constant 0 : i32
      %ne3A_66 = arith.cmpi ne, %rem3A_64, %ne3A_65 : i32
      %lt3A_67 = arith.constant 0 : i32
      %lt3A_68 = arith.cmpi slt, %rem3A_64, %lt3A_67 : i32
      %lt3A_69 = arith.constant 0 : i32
      %lt3A_70 = arith.cmpi slt, %select_n3A_63, %lt3A_69 : i32
      %ne3A_71 = arith.xori %lt3A_68, %lt3A_70 : i1
      %and3A_72 = arith.andi %ne3A_71, %ne3A_66 : i1
      %add3A_73 = arith.addi %rem3A_64, %select_n3A_63 : i32
      %select_n3A_74 = arith.select %and3A_72, %add3A_73, %rem3A_64 : i32
      %mul3A_75 = arith.constant 512 : i32
      %mul3A_76 = arith.muli %select_n3A_74, %mul3A_75 : i32
      %multiple_of3A = tpu.assume_multiple %mul3A_76, 512 : i32
      %mul3A_77 = arith.constant 100000 : i32
      %mul3A_78 = arith.muli %select_n3A, %mul3A_77 : i32
      %add3A_79 = arith.addi %mul3A_78, %multiple_of3A : i32
      %mul3A_80 = arith.constant 32 : i32
      %mul3A_81 = arith.muli %add3A_79, %mul3A_80 : i32
      %multiple_of3A_82 = tpu.assume_multiple %mul3A_81, 8 : i32
      %dma_wait3A = tpu.memref_slice %arg4[%multiple_of3A_82] : memref<83200000xf32, #tpu.memory_space<hbm>> -> memref<16384xf32, #tpu.memory_space<hbm>>
      %dma_wait3A_83 = tpu.memref_slice %arg4[%multiple_of3A_82] : memref<83200000xf32, #tpu.memory_space<hbm>> -> memref<16384xf32, #tpu.memory_space<hbm>>
      tpu.wait_dma2 semaphore(%arg15 : memref<!tpu.dma_semaphore, #tpu.memory_space<semaphore_mem>>) src(%arg9 : memref<16384xf32, #tpu.memory_space<vmem>>) dst(%dma_wait3A_83 : memref<16384xf32, #tpu.memory_space<hbm>>)
    } else {
    }
    %add3A_23 = arith.constant 5024 : i32
    %add3A_24 = arith.addi %add3A, %add3A_23 : i32
    %lt3A_25 = arith.constant 5070 : i32
    %lt3A_26 = arith.cmpi slt, %add3A_24, %lt3A_25 : i32
    %convert_element_type3A_27 = arith.extui %lt3A_26 : i1 to i32
    %cond3A_28 = arith.constant 0 : i32
    %cond3A_29 = arith.cmpi ne, %convert_element_type3A_27, %cond3A_28 : i32
    scf.if %cond3A_29 {
      %add3A_42 = arith.constant 5024 : i32
      %add3A_43 = arith.addi %add3A, %add3A_42 : i32
      %jit3A = arith.constant 195 : i32
      %div3A = arith.divsi %add3A_43, %jit3A : i32
      %sign3A = arith.constant 0 : i32
      %sign3A_44 = arith.cmpi sgt, %add3A_43, %sign3A : i32
      %sign3A_45 = arith.extui %sign3A_44 : i1 to i32
      %sign3A_46 = arith.constant 0 : i32
      %sign3A_47 = arith.cmpi slt, %add3A_43, %sign3A_46 : i32
      %sign3A_48 = arith.extui %sign3A_47 : i1 to i32
      %sign3A_49 = arith.subi %sign3A_45, %sign3A_48 : i32
      %sign3A_50 = arith.constant 0 : i32
      %sign3A_51 = arith.cmpi sgt, %jit3A, %sign3A_50 : i32
      %sign3A_52 = arith.extui %sign3A_51 : i1 to i32
      %sign3A_53 = arith.constant 0 : i32
      %sign3A_54 = arith.cmpi slt, %jit3A, %sign3A_53 : i32
      %sign3A_55 = arith.extui %sign3A_54 : i1 to i32
      %sign3A_56 = arith.subi %sign3A_52, %sign3A_55 : i32
      %ne3A = arith.cmpi ne, %sign3A_49, %sign3A_56 : i32
      %rem3A = arith.remsi %add3A_43, %jit3A : i32
      %ne3A_57 = arith.constant 0 : i32
      %ne3A_58 = arith.cmpi ne, %rem3A, %ne3A_57 : i32
      %and3A = arith.andi %ne3A, %ne3A_58 : i1
      %sub3A = arith.constant 1 : i32
      %sub3A_59 = arith.subi %div3A, %sub3A : i32
      %select_n3A = arith.select %and3A, %sub3A_59, %div3A : i32
      %jit3A_60 = arith.constant 195 : i32
      %eq3A = arith.constant 0 : i32
      %eq3A_61 = arith.cmpi eq, %jit3A_60, %eq3A : i32
      %jit3A_62 = arith.constant 1 : i32
      %select_n3A_63 = arith.select %eq3A_61, %jit3A_62, %jit3A_60 : i32
      %rem3A_64 = arith.remsi %add3A_43, %select_n3A_63 : i32
      %ne3A_65 = arith.constant 0 : i32
      %ne3A_66 = arith.cmpi ne, %rem3A_64, %ne3A_65 : i32
      %lt3A_67 = arith.constant 0 : i32
      %lt3A_68 = arith.cmpi slt, %rem3A_64, %lt3A_67 : i32
      %lt3A_69 = arith.constant 0 : i32
      %lt3A_70 = arith.cmpi slt, %select_n3A_63, %lt3A_69 : i32
      %ne3A_71 = arith.xori %lt3A_68, %lt3A_70 : i1
      %and3A_72 = arith.andi %ne3A_71, %ne3A_66 : i1
      %add3A_73 = arith.addi %rem3A_64, %select_n3A_63 : i32
      %select_n3A_74 = arith.select %and3A_72, %add3A_73, %rem3A_64 : i32
      %mul3A_75 = arith.constant 512 : i32
      %mul3A_76 = arith.muli %select_n3A_74, %mul3A_75 : i32
      %multiple_of3A = tpu.assume_multiple %mul3A_76, 512 : i32
      %mul3A_77 = arith.constant 100000 : i32
      %mul3A_78 = arith.muli %select_n3A, %mul3A_77 : i32
      %add3A_79 = arith.addi %mul3A_78, %multiple_of3A : i32
      %mul3A_80 = arith.constant 32 : i32
      %mul3A_81 = arith.muli %add3A_79, %mul3A_80 : i32
      %multiple_of3A_82 = tpu.assume_multiple %mul3A_81, 8 : i32
      %dma_wait3A = tpu.memref_slice %arg4[%multiple_of3A_82] : memref<83200000xf32, #tpu.memory_space<hbm>> -> memref<16384xf32, #tpu.memory_space<hbm>>
      %dma_wait3A_83 = tpu.memref_slice %arg4[%multiple_of3A_82] : memref<83200000xf32, #tpu.memory_space<hbm>> -> memref<16384xf32, #tpu.memory_space<hbm>>
      tpu.wait_dma2 semaphore(%arg16 : memref<!tpu.dma_semaphore, #tpu.memory_space<semaphore_mem>>) src(%arg10 : memref<16384xf32, #tpu.memory_space<vmem>>) dst(%dma_wait3A_83 : memref<16384xf32, #tpu.memory_space<hbm>>)
    } else {
    }
    %add3A_30 = arith.constant 5056 : i32
    %add3A_31 = arith.addi %add3A, %add3A_30 : i32
    %lt3A_32 = arith.constant 5070 : i32
    %lt3A_33 = arith.cmpi slt, %add3A_31, %lt3A_32 : i32
    %convert_element_type3A_34 = arith.extui %lt3A_33 : i1 to i32
    %cond3A_35 = arith.constant 0 : i32
    %cond3A_36 = arith.cmpi ne, %convert_element_type3A_34, %cond3A_35 : i32
    scf.if %cond3A_36 {
      %add3A_42 = arith.constant 5056 : i32
      %add3A_43 = arith.addi %add3A, %add3A_42 : i32
      %jit3A = arith.constant 195 : i32
      %div3A = arith.divsi %add3A_43, %jit3A : i32
      %sign3A = arith.constant 0 : i32
      %sign3A_44 = arith.cmpi sgt, %add3A_43, %sign3A : i32
      %sign3A_45 = arith.extui %sign3A_44 : i1 to i32
      %sign3A_46 = arith.constant 0 : i32
      %sign3A_47 = arith.cmpi slt, %add3A_43, %sign3A_46 : i32
      %sign3A_48 = arith.extui %sign3A_47 : i1 to i32
      %sign3A_49 = arith.subi %sign3A_45, %sign3A_48 : i32
      %sign3A_50 = arith.constant 0 : i32
      %sign3A_51 = arith.cmpi sgt, %jit3A, %sign3A_50 : i32
      %sign3A_52 = arith.extui %sign3A_51 : i1 to i32
      %sign3A_53 = arith.constant 0 : i32
      %sign3A_54 = arith.cmpi slt, %jit3A, %sign3A_53 : i32
      %sign3A_55 = arith.extui %sign3A_54 : i1 to i32
      %sign3A_56 = arith.subi %sign3A_52, %sign3A_55 : i32
      %ne3A = arith.cmpi ne, %sign3A_49, %sign3A_56 : i32
      %rem3A = arith.remsi %add3A_43, %jit3A : i32
      %ne3A_57 = arith.constant 0 : i32
      %ne3A_58 = arith.cmpi ne, %rem3A, %ne3A_57 : i32
      %and3A = arith.andi %ne3A, %ne3A_58 : i1
      %sub3A = arith.constant 1 : i32
      %sub3A_59 = arith.subi %div3A, %sub3A : i32
      %select_n3A = arith.select %and3A, %sub3A_59, %div3A : i32
      %jit3A_60 = arith.constant 195 : i32
      %eq3A = arith.constant 0 : i32
      %eq3A_61 = arith.cmpi eq, %jit3A_60, %eq3A : i32
      %jit3A_62 = arith.constant 1 : i32
      %select_n3A_63 = arith.select %eq3A_61, %jit3A_62, %jit3A_60 : i32
      %rem3A_64 = arith.remsi %add3A_43, %select_n3A_63 : i32
      %ne3A_65 = arith.constant 0 : i32
      %ne3A_66 = arith.cmpi ne, %rem3A_64, %ne3A_65 : i32
      %lt3A_67 = arith.constant 0 : i32
      %lt3A_68 = arith.cmpi slt, %rem3A_64, %lt3A_67 : i32
      %lt3A_69 = arith.constant 0 : i32
      %lt3A_70 = arith.cmpi slt, %select_n3A_63, %lt3A_69 : i32
      %ne3A_71 = arith.xori %lt3A_68, %lt3A_70 : i1
      %and3A_72 = arith.andi %ne3A_71, %ne3A_66 : i1
      %add3A_73 = arith.addi %rem3A_64, %select_n3A_63 : i32
      %select_n3A_74 = arith.select %and3A_72, %add3A_73, %rem3A_64 : i32
      %mul3A_75 = arith.constant 512 : i32
      %mul3A_76 = arith.muli %select_n3A_74, %mul3A_75 : i32
      %multiple_of3A = tpu.assume_multiple %mul3A_76, 512 : i32
      %mul3A_77 = arith.constant 100000 : i32
      %mul3A_78 = arith.muli %select_n3A, %mul3A_77 : i32
      %add3A_79 = arith.addi %mul3A_78, %multiple_of3A : i32
      %mul3A_80 = arith.constant 32 : i32
      %mul3A_81 = arith.muli %add3A_79, %mul3A_80 : i32
      %multiple_of3A_82 = tpu.assume_multiple %mul3A_81, 8 : i32
      %dma_wait3A = tpu.memref_slice %arg4[%multiple_of3A_82] : memref<83200000xf32, #tpu.memory_space<hbm>> -> memref<16384xf32, #tpu.memory_space<hbm>>
      %dma_wait3A_83 = tpu.memref_slice %arg4[%multiple_of3A_82] : memref<83200000xf32, #tpu.memory_space<hbm>> -> memref<16384xf32, #tpu.memory_space<hbm>>
      tpu.wait_dma2 semaphore(%arg17 : memref<!tpu.dma_semaphore, #tpu.memory_space<semaphore_mem>>) src(%arg11 : memref<16384xf32, #tpu.memory_space<vmem>>) dst(%dma_wait3A_83 : memref<16384xf32, #tpu.memory_space<hbm>>)
    } else {
    }
    %lt3A_37 = arith.constant 26 : i32
    %lt3A_38 = arith.cmpi slt, %add3A, %lt3A_37 : i32
    %convert_element_type3A_39 = arith.extui %lt3A_38 : i1 to i32
    %cond3A_40 = arith.constant 0 : i32
    %cond3A_41 = arith.cmpi ne, %convert_element_type3A_39, %cond3A_40 : i32
    scf.if %cond3A_41 {
      %multiple_of3A = arith.constant 99840 : i32
      %multiple_of3A_42 = tpu.assume_multiple %multiple_of3A, 128 : i32
      "tpu.region"() ({
        %run_scoped3A = tpu.sem_alloc : memref<!tpu.dma_semaphore, #tpu.memory_space<semaphore_mem>>
        %dma_start3A = arith.constant 0 : i32
        %dma_start3A_69 = arith.constant 0 : i32
        %dma_start3A_70 = tpu.memref_slice %arg5[%dma_start3A, %dma_start3A_69] : memref<32x512xf32, #tpu.memory_space<vmem>> -> memref<32x128xf32, #tpu.memory_space<vmem>>
        %dma_start3A_71 = arith.constant 0 : i32
        %dma_start3A_72 = tpu.memref_slice %arg2[%add3A, %dma_start3A_71, %multiple_of3A_42] : memref<26x32x100000xf32, #tpu.memory_space<hbm>> -> memref<1x32x128xf32, #tpu.memory_space<hbm>>
        %dma_start3A_73 = tpu.memref_squeeze %dma_start3A_72 : memref<1x32x128xf32, #tpu.memory_space<hbm>> -> memref<32x128xf32, #tpu.memory_space<hbm>>
        %dma_start3A_74 = arith.constant 0 : i32
        %dma_start3A_75 = arith.constant 0 : i32
        %dma_start3A_76 = tpu.memref_slice %arg5[%dma_start3A_74, %dma_start3A_75] : memref<32x512xf32, #tpu.memory_space<vmem>> -> memref<32x128xf32, #tpu.memory_space<vmem>>
        %dma_start3A_77 = arith.constant 0 : i32
        %dma_start3A_78 = tpu.memref_slice %arg2[%add3A, %dma_start3A_77, %multiple_of3A_42] : memref<26x32x100000xf32, #tpu.memory_space<hbm>> -> memref<1x32x128xf32, #tpu.memory_space<hbm>>
        %dma_start3A_79 = tpu.memref_squeeze %dma_start3A_78 : memref<1x32x128xf32, #tpu.memory_space<hbm>> -> memref<32x128xf32, #tpu.memory_space<hbm>>
        tpu.enqueue_dma source(%dma_start3A_79 : memref<32x128xf32, #tpu.memory_space<hbm>>) target(%dma_start3A_76 : memref<32x128xf32, #tpu.memory_space<vmem>>) target_semaphore(%run_scoped3A : memref<!tpu.dma_semaphore, #tpu.memory_space<semaphore_mem>>)
        %dma_wait3A = arith.constant 0 : i32
        %dma_wait3A_80 = arith.constant 0 : i32
        %dma_wait3A_81 = tpu.memref_slice %arg5[%dma_wait3A, %dma_wait3A_80] : memref<32x512xf32, #tpu.memory_space<vmem>> -> memref<32x128xf32, #tpu.memory_space<vmem>>
        %dma_wait3A_82 = arith.constant 0 : i32
        %dma_wait3A_83 = tpu.memref_slice %arg2[%add3A, %dma_wait3A_82, %multiple_of3A_42] : memref<26x32x100000xf32, #tpu.memory_space<hbm>> -> memref<1x32x128xf32, #tpu.memory_space<hbm>>
        %dma_wait3A_84 = tpu.memref_squeeze %dma_wait3A_83 : memref<1x32x128xf32, #tpu.memory_space<hbm>> -> memref<32x128xf32, #tpu.memory_space<hbm>>
        %dma_wait3A_85 = arith.constant 0 : i32
        %dma_wait3A_86 = arith.constant 0 : i32
        %dma_wait3A_87 = tpu.memref_slice %arg5[%dma_wait3A_85, %dma_wait3A_86] : memref<32x512xf32, #tpu.memory_space<vmem>> -> memref<32x128xf32, #tpu.memory_space<vmem>>
        %dma_wait3A_88 = arith.constant 0 : i32
        %dma_wait3A_89 = tpu.memref_slice %arg2[%add3A, %dma_wait3A_88, %multiple_of3A_42] : memref<26x32x100000xf32, #tpu.memory_space<hbm>> -> memref<1x32x128xf32, #tpu.memory_space<hbm>>
        %dma_wait3A_90 = tpu.memref_squeeze %dma_wait3A_89 : memref<1x32x128xf32, #tpu.memory_space<hbm>> -> memref<32x128xf32, #tpu.memory_space<hbm>>
        tpu.wait_dma2 semaphore(%run_scoped3A : memref<!tpu.dma_semaphore, #tpu.memory_space<semaphore_mem>>) src(%dma_wait3A_90 : memref<32x128xf32, #tpu.memory_space<hbm>>) dst(%dma_wait3A_87 : memref<32x128xf32, #tpu.memory_space<vmem>>)
        tpu.yield
      }) : () -> ()
      %iota3A = tpu.iota {dimensions = array<i32: 0>} : vector<16xi32>
      %scan3A_43 = arith.constant 0 : i32
      %scan3A_44 = arith.constant 32 : i32
      %scan3A_45 = arith.addi %scan3A_43, %scan3A_44 : i32
      %scan3A_46 = arith.constant 1 : i32
      scf.for %scan3A_69 = %scan3A_43 to %scan3A_45 step %scan3A_46  : i32 {
        %mul3A_70 = arith.constant 33 : i32
        %mul3A_71 = vector.broadcast %mul3A_70 : i32 to vector<16xi32>
        %mul3A_72 = arith.muli %iota3A, %mul3A_71 : vector<16xi32>
        %add3A_73 = vector.broadcast %scan3A_69 : i32 to vector<16xi32>
        %add3A_74 = arith.addi %mul3A_72, %add3A_73 : vector<16xi32>
        %parallel_loop3A_75 = arith.constant 0 : i32
        %parallel_loop3A_76 = arith.constant 8 : i32
        %parallel_loop3A_77 = arith.constant 1 : i32
        scf.for %parallel_loop3A_78 = %parallel_loop3A_75 to %parallel_loop3A_76 step %parallel_loop3A_77  : i32 {
          %parallel_loop3A_79 = arith.constant 16 : i32
          %parallel_loop3A_80 = arith.muli %parallel_loop3A_78, %parallel_loop3A_79 : i32
          %parallel_loop3A_81 = arith.index_cast %scan3A_69 : i32 to index
          %parallel_loop3A_82 = arith.index_cast %parallel_loop3A_80 : i32 to index
          %parallel_loop3A_83 = tpu.vector_load %arg5[%parallel_loop3A_81, %parallel_loop3A_82] {strides = array<i32>} : memref<32x512xf32, #tpu.memory_space<vmem>>, vector<16xf32>,
          %parallel_loop3A_84 = arith.constant 528 : i32
          %parallel_loop3A_85 = arith.muli %parallel_loop3A_78, %parallel_loop3A_84 : i32
          %parallel_loop3A_86 = vector.broadcast %parallel_loop3A_85 : i32 to vector<16xi32>
          %parallel_loop3A_87 = arith.addi %add3A_74, %parallel_loop3A_86 : vector<16xi32>
          tpu.vector_store_idx %arg8[%parallel_loop3A_87], %parallel_loop3A_83 : memref<16896xf32, #tpu.memory_space<vmem>>[vector<16xi32>], vector<16xf32>,
        } {sc.loop_unroll_factor = 8 : i64, sc.parallel_access}
      }
      %scan3A_47 = arith.constant 32 : i32
      %parallel_loop3A = arith.constant 0 : i32
      %parallel_loop3A_48 = arith.constant 128 : i32
      %parallel_loop3A_49 = arith.constant 1 : i32
      scf.for %parallel_loop3A_69 = %parallel_loop3A to %parallel_loop3A_48 step %parallel_loop3A_49  : i32 {
        %parallel_loop3A_70 = arith.constant 33 : i32
        %parallel_loop3A_71 = arith.muli %parallel_loop3A_69, %parallel_loop3A_70 : i32
        %parallel_loop3A_72 = vector.broadcast %parallel_loop3A_71 : i32 to vector<16xi32>
        %parallel_loop3A_73 = arith.addi %parallel_loop3A_72, %iota3A : vector<16xi32>
        %parallel_loop3A_74 = tpu.vector_load_idx %arg8[%parallel_loop3A_73] : memref<16896xf32, #tpu.memory_space<vmem>>[vector<16xi32>], vector<16xf32>,
        %parallel_loop3A_75 = arith.constant 33 : i32
        %parallel_loop3A_76 = arith.muli %parallel_loop3A_69, %parallel_loop3A_75 : i32
        %parallel_loop3A_77 = arith.constant 16 : i32
        %parallel_loop3A_78 = vector.broadcast %parallel_loop3A_77 : i32 to vector<16xi32>
        %parallel_loop3A_79 = arith.addi %iota3A, %parallel_loop3A_78 : vector<16xi32>
        %parallel_loop3A_80 = vector.broadcast %parallel_loop3A_76 : i32 to vector<16xi32>
        %parallel_loop3A_81 = arith.addi %parallel_loop3A_80, %parallel_loop3A_79 : vector<16xi32>
        %parallel_loop3A_82 = tpu.vector_load_idx %arg8[%parallel_loop3A_81] : memref<16896xf32, #tpu.memory_space<vmem>>[vector<16xi32>], vector<16xf32>,
        %parallel_loop3A_83 = arith.constant 32 : i32
        %parallel_loop3A_84 = arith.muli %parallel_loop3A_69, %parallel_loop3A_83 : i32
        %parallel_loop3A_85 = arith.index_cast %parallel_loop3A_84 : i32 to index
        %parallel_loop3A_86 = tpu.vector_load %arg9[%parallel_loop3A_85] {strides = array<i32>} : memref<16384xf32, #tpu.memory_space<vmem>>, vector<16xf32>,
        tpu.vector_store %arg9[%parallel_loop3A_85], %parallel_loop3A_74 {strides = array<i32>} : memref<16384xf32, #tpu.memory_space<vmem>>, vector<16xf32>,
        %parallel_loop3A_87 = arith.constant 32 : i32
        %parallel_loop3A_88 = arith.muli %parallel_loop3A_69, %parallel_loop3A_87 : i32
        %parallel_loop3A_89 = arith.constant 16 : i32
        %parallel_loop3A_90 = arith.addi %parallel_loop3A_88, %parallel_loop3A_89 : i32
        %parallel_loop3A_91 = arith.index_cast %parallel_loop3A_90 : i32 to index
        %parallel_loop3A_92 = tpu.vector_load %arg9[%parallel_loop3A_91] {strides = array<i32>} : memref<16384xf32, #tpu.memory_space<vmem>>, vector<16xf32>,
        tpu.vector_store %arg9[%parallel_loop3A_91], %parallel_loop3A_82 {strides = array<i32>} : memref<16384xf32, #tpu.memory_space<vmem>>, vector<16xf32>,
      } {sc.loop_unroll_factor = 8 : i64, sc.parallel_access}
      %mul3A_50 = arith.constant 100000 : i32
      %mul3A_51 = arith.muli %add3A, %mul3A_50 : i32
      %add3A_52 = arith.constant 99840 : i32
      %add3A_53 = arith.addi %mul3A_51, %add3A_52 : i32
      %mul3A_54 = arith.constant 32 : i32
      %mul3A_55 = arith.muli %add3A_53, %mul3A_54 : i32
      %multiple_of3A_56 = tpu.assume_multiple %mul3A_55, 8 : i32
      "tpu.region"() ({
        %run_scoped3A = tpu.sem_alloc : memref<!tpu.dma_semaphore, #tpu.memory_space<semaphore_mem>>
        %dma_start3A = arith.constant 0 : i32
        %dma_start3A_69 = tpu.memref_slice %arg9[%dma_start3A] : memref<16384xf32, #tpu.memory_space<vmem>> -> memref<4096xf32, #tpu.memory_space<vmem>>
        %dma_start3A_70 = tpu.memref_slice %arg4[%multiple_of3A_56] : memref<83200000xf32, #tpu.memory_space<hbm>> -> memref<4096xf32, #tpu.memory_space<hbm>>
        %dma_start3A_71 = tpu.memref_slice %arg4[%multiple_of3A_56] : memref<83200000xf32, #tpu.memory_space<hbm>> -> memref<4096xf32, #tpu.memory_space<hbm>>
        %dma_start3A_72 = arith.constant 0 : i32
        %dma_start3A_73 = tpu.memref_slice %arg9[%dma_start3A_72] : memref<16384xf32, #tpu.memory_space<vmem>> -> memref<4096xf32, #tpu.memory_space<vmem>>
        tpu.enqueue_dma source(%dma_start3A_73 : memref<4096xf32, #tpu.memory_space<vmem>>) target(%dma_start3A_71 : memref<4096xf32, #tpu.memory_space<hbm>>) target_semaphore(%run_scoped3A : memref<!tpu.dma_semaphore, #tpu.memory_space<semaphore_mem>>)
        %dma_wait3A = arith.constant 0 : i32
        %dma_wait3A_74 = tpu.memref_slice %arg9[%dma_wait3A] : memref<16384xf32, #tpu.memory_space<vmem>> -> memref<4096xf32, #tpu.memory_space<vmem>>
        %dma_wait3A_75 = tpu.memref_slice %arg4[%multiple_of3A_56] : memref<83200000xf32, #tpu.memory_space<hbm>> -> memref<4096xf32, #tpu.memory_space<hbm>>
        %dma_wait3A_76 = tpu.memref_slice %arg4[%multiple_of3A_56] : memref<83200000xf32, #tpu.memory_space<hbm>> -> memref<4096xf32, #tpu.memory_space<hbm>>
        %dma_wait3A_77 = arith.constant 0 : i32
        %dma_wait3A_78 = tpu.memref_slice %arg9[%dma_wait3A_77] : memref<16384xf32, #tpu.memory_space<vmem>> -> memref<4096xf32, #tpu.memory_space<vmem>>
        tpu.wait_dma2 semaphore(%run_scoped3A : memref<!tpu.dma_semaphore, #tpu.memory_space<semaphore_mem>>) src(%dma_wait3A_78 : memref<4096xf32, #tpu.memory_space<vmem>>) dst(%dma_wait3A_76 : memref<4096xf32, #tpu.memory_space<hbm>>)
        tpu.yield
      }) : () -> ()
      %mul3A_57 = arith.constant 1024 : i32
      %mul3A_58 = arith.muli %add3A, %mul3A_57 : i32
      %multiple_of3A_59 = tpu.assume_multiple %mul3A_58, 8 : i32
      "tpu.region"() ({
        %run_scoped3A = tpu.sem_alloc : memref<!tpu.dma_semaphore, #tpu.memory_space<semaphore_mem>>
        %dma_start3A = arith.constant 0 : i32
        %dma_start3A_69 = tpu.memref_slice %arg9[%dma_start3A] : memref<16384xf32, #tpu.memory_space<vmem>> -> memref<1024xf32, #tpu.memory_space<vmem>>
        %dma_start3A_70 = tpu.memref_slice %arg3[%multiple_of3A_59] : memref<26624xf32, #tpu.memory_space<hbm>> -> memref<1024xf32, #tpu.memory_space<hbm>>
        %dma_start3A_71 = arith.constant 0 : i32
        %dma_start3A_72 = tpu.memref_slice %arg9[%dma_start3A_71] : memref<16384xf32, #tpu.memory_space<vmem>> -> memref<1024xf32, #tpu.memory_space<vmem>>
        %dma_start3A_73 = tpu.memref_slice %arg3[%multiple_of3A_59] : memref<26624xf32, #tpu.memory_space<hbm>> -> memref<1024xf32, #tpu.memory_space<hbm>>
        tpu.enqueue_dma source(%dma_start3A_73 : memref<1024xf32, #tpu.memory_space<hbm>>) target(%dma_start3A_72 : memref<1024xf32, #tpu.memory_space<vmem>>) target_semaphore(%run_scoped3A : memref<!tpu.dma_semaphore, #tpu.memory_space<semaphore_mem>>)
        %dma_wait3A = arith.constant 0 : i32
        %dma_wait3A_74 = tpu.memref_slice %arg9[%dma_wait3A] : memref<16384xf32, #tpu.memory_space<vmem>> -> memref<1024xf32, #tpu.memory_space<vmem>>
        %dma_wait3A_75 = tpu.memref_slice %arg3[%multiple_of3A_59] : memref<26624xf32, #tpu.memory_space<hbm>> -> memref<1024xf32, #tpu.memory_space<hbm>>
        %dma_wait3A_76 = arith.constant 0 : i32
        %dma_wait3A_77 = tpu.memref_slice %arg9[%dma_wait3A_76] : memref<16384xf32, #tpu.memory_space<vmem>> -> memref<1024xf32, #tpu.memory_space<vmem>>
        %dma_wait3A_78 = tpu.memref_slice %arg3[%multiple_of3A_59] : memref<26624xf32, #tpu.memory_space<hbm>> -> memref<1024xf32, #tpu.memory_space<hbm>>
        tpu.wait_dma2 semaphore(%run_scoped3A : memref<!tpu.dma_semaphore, #tpu.memory_space<semaphore_mem>>) src(%dma_wait3A_78 : memref<1024xf32, #tpu.memory_space<hbm>>) dst(%dma_wait3A_77 : memref<1024xf32, #tpu.memory_space<vmem>>)
        tpu.yield
      }) : () -> ()
      %mul3A_60 = arith.constant 100000 : i32
      %mul3A_61 = arith.muli %add3A, %mul3A_60 : i32
      %add3A_62 = arith.constant 99840 : i32
      %add3A_63 = arith.addi %mul3A_61, %add3A_62 : i32
      %add3A_64 = arith.constant 128 : i32
      %add3A_65 = arith.addi %add3A_63, %add3A_64 : i32
      %mul3A_66 = arith.constant 32 : i32
      %mul3A_67 = arith.muli %add3A_65, %mul3A_66 : i32
      %multiple_of3A_68 = tpu.assume_multiple %mul3A_67, 8 : i32
      "tpu.region"() ({
        %run_scoped3A = tpu.sem_alloc : memref<!tpu.dma_semaphore, #tpu.memory_space<semaphore_mem>>
        %dma_start3A = arith.constant 0 : i32
        %dma_start3A_69 = tpu.memref_slice %arg9[%dma_start3A] : memref<16384xf32, #tpu.memory_space<vmem>> -> memref<1024xf32, #tpu.memory_space<vmem>>
        %dma_start3A_70 = tpu.memref_slice %arg4[%multiple_of3A_68] : memref<83200000xf32, #tpu.memory_space<hbm>> -> memref<1024xf32, #tpu.memory_space<hbm>>
        %dma_start3A_71 = tpu.memref_slice %arg4[%multiple_of3A_68] : memref<83200000xf32, #tpu.memory_space<hbm>> -> memref<1024xf32, #tpu.memory_space<hbm>>
        %dma_start3A_72 = arith.constant 0 : i32
        %dma_start3A_73 = tpu.memref_slice %arg9[%dma_start3A_72] : memref<16384xf32, #tpu.memory_space<vmem>> -> memref<1024xf32, #tpu.memory_space<vmem>>
        tpu.enqueue_dma source(%dma_start3A_73 : memref<1024xf32, #tpu.memory_space<vmem>>) target(%dma_start3A_71 : memref<1024xf32, #tpu.memory_space<hbm>>) target_semaphore(%run_scoped3A : memref<!tpu.dma_semaphore, #tpu.memory_space<semaphore_mem>>)
        %dma_wait3A = arith.constant 0 : i32
        %dma_wait3A_74 = tpu.memref_slice %arg9[%dma_wait3A] : memref<16384xf32, #tpu.memory_space<vmem>> -> memref<1024xf32, #tpu.memory_space<vmem>>
        %dma_wait3A_75 = tpu.memref_slice %arg4[%multiple_of3A_68] : memref<83200000xf32, #tpu.memory_space<hbm>> -> memref<1024xf32, #tpu.memory_space<hbm>>
        %dma_wait3A_76 = tpu.memref_slice %arg4[%multiple_of3A_68] : memref<83200000xf32, #tpu.memory_space<hbm>> -> memref<1024xf32, #tpu.memory_space<hbm>>
        %dma_wait3A_77 = arith.constant 0 : i32
        %dma_wait3A_78 = tpu.memref_slice %arg9[%dma_wait3A_77] : memref<16384xf32, #tpu.memory_space<vmem>> -> memref<1024xf32, #tpu.memory_space<vmem>>
        tpu.wait_dma2 semaphore(%run_scoped3A : memref<!tpu.dma_semaphore, #tpu.memory_space<semaphore_mem>>) src(%dma_wait3A_78 : memref<1024xf32, #tpu.memory_space<vmem>>) dst(%dma_wait3A_76 : memref<1024xf32, #tpu.memory_space<hbm>>)
        tpu.yield
      }) : () -> ()
    } else {
    }
    return
  }
}

#map = affine_map<(d0, d1) -> (0, 0)>
module attributes {stable_mosaic.version = 14 : i64} {
  func.func @_gather_body(%arg0: i32, %arg1: i32, %arg2: memref<2600000x32xf32, #tpu.memory_space<hbm>>, %arg3: memref<1664x128xi32, #tpu.memory_space<hbm>>, %arg4: memref<212992x32xf32, #tpu.memory_space<hbm>>, %arg5: memref<4x128xi32, #tpu.memory_space<vmem>>, %arg6: memref<512x32xf32, #tpu.memory_space<vmem>>, %arg7: memref<!tpu.dma_semaphore, #tpu.memory_space<semaphore_mem>>) attributes {dimension_semantics = [#tpu.dimension_semantics<core_parallel>, #tpu.dimension_semantics<subcore_parallel>], iteration_bounds = array<i64: 2, 16>, scalar_prefetch = 0 : i64, scratch_operands = 3 : i64, tpu.core_type = #tpu.core_type<sc_vector_subcore>, window_params = [{transform_indices = #map}, {transform_indices = #map}, {transform_indices = #map}]} {
    %mul3A = arith.constant 2 : i32
    %mul3A_0 = arith.muli %arg1, %mul3A : i32
    %add3A = arith.addi %mul3A_0, %arg0 : i32
    %mul3A_1 = arith.constant 6656 : i32
    %mul3A_2 = arith.muli %add3A, %mul3A_1 : i32
    %scan3A = arith.constant 0 : i32
    %scan3A_3 = arith.constant 13 : i32
    %scan3A_4 = arith.addi %scan3A, %scan3A_3 : i32
    %scan3A_5 = arith.constant 1 : i32
    scf.for %scan3A_7 = %scan3A to %scan3A_4 step %scan3A_5  : i32 {
      %mul3A_8 = arith.constant 512 : i32
      %mul3A_9 = arith.muli %scan3A_7, %mul3A_8 : i32
      %add3A_10 = arith.addi %mul3A_2, %mul3A_9 : i32
      %multiple_of3A = tpu.assume_multiple %add3A_10, 512 : i32
      %jit3A = arith.constant 128 : i32
      %div3A = arith.divsi %multiple_of3A, %jit3A : i32
      %sign3A = arith.constant 0 : i32
      %sign3A_11 = arith.cmpi sgt, %multiple_of3A, %sign3A : i32
      %sign3A_12 = arith.extui %sign3A_11 : i1 to i32
      %sign3A_13 = arith.constant 0 : i32
      %sign3A_14 = arith.cmpi slt, %multiple_of3A, %sign3A_13 : i32
      %sign3A_15 = arith.extui %sign3A_14 : i1 to i32
      %sign3A_16 = arith.subi %sign3A_12, %sign3A_15 : i32
      %sign3A_17 = arith.constant 0 : i32
      %sign3A_18 = arith.cmpi sgt, %jit3A, %sign3A_17 : i32
      %sign3A_19 = arith.extui %sign3A_18 : i1 to i32
      %sign3A_20 = arith.constant 0 : i32
      %sign3A_21 = arith.cmpi slt, %jit3A, %sign3A_20 : i32
      %sign3A_22 = arith.extui %sign3A_21 : i1 to i32
      %sign3A_23 = arith.subi %sign3A_19, %sign3A_22 : i32
      %ne3A = arith.cmpi ne, %sign3A_16, %sign3A_23 : i32
      %rem3A = arith.remsi %multiple_of3A, %jit3A : i32
      %ne3A_24 = arith.constant 0 : i32
      %ne3A_25 = arith.cmpi ne, %rem3A, %ne3A_24 : i32
      %and3A = arith.andi %ne3A, %ne3A_25 : i1
      %sub3A = arith.constant 1 : i32
      %sub3A_26 = arith.subi %div3A, %sub3A : i32
      %select_n3A = arith.select %and3A, %sub3A_26, %div3A : i32
      %multiple_of3A_27 = tpu.assume_multiple %select_n3A, 4 : i32
      "tpu.region"() ({
        %run_scoped3A = tpu.sem_alloc : memref<!tpu.dma_semaphore, #tpu.memory_space<semaphore_mem>>
        %dma_start3A_106 = arith.constant 0 : i32
        %dma_start3A_107 = tpu.memref_slice %arg3[%multiple_of3A_27, %dma_start3A_106] : memref<1664x128xi32, #tpu.memory_space<hbm>> -> memref<4x128xi32, #tpu.memory_space<hbm>>
        %dma_start3A_108 = arith.constant 0 : i32
        %dma_start3A_109 = tpu.memref_slice %arg3[%multiple_of3A_27, %dma_start3A_108] : memref<1664x128xi32, #tpu.memory_space<hbm>> -> memref<4x128xi32, #tpu.memory_space<hbm>>
        tpu.enqueue_dma source(%dma_start3A_109 : memref<4x128xi32, #tpu.memory_space<hbm>>) target(%arg5 : memref<4x128xi32, #tpu.memory_space<vmem>>) target_semaphore(%run_scoped3A : memref<!tpu.dma_semaphore, #tpu.memory_space<semaphore_mem>>)
        %dma_wait3A_110 = arith.constant 0 : i32
        %dma_wait3A_111 = tpu.memref_slice %arg3[%multiple_of3A_27, %dma_wait3A_110] : memref<1664x128xi32, #tpu.memory_space<hbm>> -> memref<4x128xi32, #tpu.memory_space<hbm>>
        %dma_wait3A_112 = arith.constant 0 : i32
        %dma_wait3A_113 = tpu.memref_slice %arg3[%multiple_of3A_27, %dma_wait3A_112] : memref<1664x128xi32, #tpu.memory_space<hbm>> -> memref<4x128xi32, #tpu.memory_space<hbm>>
        tpu.wait_dma2 semaphore(%run_scoped3A : memref<!tpu.dma_semaphore, #tpu.memory_space<semaphore_mem>>) src(%dma_wait3A_113 : memref<4x128xi32, #tpu.memory_space<hbm>>) dst(%arg5 : memref<4x128xi32, #tpu.memory_space<vmem>>)
        tpu.yield
      }) : () -> ()
      %dma_start3A = arith.constant 0 : i32
      %dma_start3A_28 = arith.constant 0 : i32
      %dma_start3A_29 = arith.constant 0 : i32
      %dma_start3A_30 = tpu.memref_slice %arg6[%dma_start3A_28, %dma_start3A_29] : memref<512x32xf32, #tpu.memory_space<vmem>> -> memref<128x32xf32, #tpu.memory_space<vmem>>
      %dma_start3A_31 = arith.constant 0 : i32
      %dma_start3A_32 = tpu.memref_slice %arg5[%dma_start3A, %dma_start3A_31] : memref<4x128xi32, #tpu.memory_space<vmem>> -> memref<1x128xi32, #tpu.memory_space<vmem>>
      %dma_start3A_33 = tpu.memref_squeeze %dma_start3A_32 : memref<1x128xi32, #tpu.memory_space<vmem>> -> memref<128xi32, #tpu.memory_space<vmem>>
      %dma_start3A_34 = arith.constant 0 : i32
      %dma_start3A_35 = arith.constant 0 : i32
      %dma_start3A_36 = tpu.memref_slice %arg2[%dma_start3A_34, %dma_start3A_35] : memref<2600000x32xf32, #tpu.memory_space<hbm>> -> memref<2600000x32xf32, #tpu.memory_space<hbm>>
      tpu.enqueue_indirect_dma source(%dma_start3A_36 : memref<2600000x32xf32, #tpu.memory_space<hbm>>) target(%dma_start3A_30 : memref<128x32xf32, #tpu.memory_space<vmem>>) offsets(%dma_start3A_33 : memref<128xi32, #tpu.memory_space<vmem>>) semaphore(%arg7 : memref<!tpu.dma_semaphore, #tpu.memory_space<semaphore_mem>>)
      %dma_start3A_37 = arith.constant 1 : i32
      %dma_start3A_38 = arith.constant 128 : i32
      %dma_start3A_39 = arith.constant 0 : i32
      %dma_start3A_40 = tpu.memref_slice %arg6[%dma_start3A_38, %dma_start3A_39] : memref<512x32xf32, #tpu.memory_space<vmem>> -> memref<128x32xf32, #tpu.memory_space<vmem>>
      %dma_start3A_41 = arith.constant 0 : i32
      %dma_start3A_42 = tpu.memref_slice %arg5[%dma_start3A_37, %dma_start3A_41] : memref<4x128xi32, #tpu.memory_space<vmem>> -> memref<1x128xi32, #tpu.memory_space<vmem>>
      %dma_start3A_43 = tpu.memref_squeeze %dma_start3A_42 : memref<1x128xi32, #tpu.memory_space<vmem>> -> memref<128xi32, #tpu.memory_space<vmem>>
      %dma_start3A_44 = arith.constant 0 : i32
      %dma_start3A_45 = arith.constant 0 : i32
      %dma_start3A_46 = tpu.memref_slice %arg2[%dma_start3A_44, %dma_start3A_45] : memref<2600000x32xf32, #tpu.memory_space<hbm>> -> memref<2600000x32xf32, #tpu.memory_space<hbm>>
      tpu.enqueue_indirect_dma source(%dma_start3A_46 : memref<2600000x32xf32, #tpu.memory_space<hbm>>) target(%dma_start3A_40 : memref<128x32xf32, #tpu.memory_space<vmem>>) offsets(%dma_start3A_43 : memref<128xi32, #tpu.memory_space<vmem>>) semaphore(%arg7 : memref<!tpu.dma_semaphore, #tpu.memory_space<semaphore_mem>>)
      %dma_start3A_47 = arith.constant 2 : i32
      %dma_start3A_48 = arith.constant 256 : i32
      %dma_start3A_49 = arith.constant 0 : i32
      %dma_start3A_50 = tpu.memref_slice %arg6[%dma_start3A_48, %dma_start3A_49] : memref<512x32xf32, #tpu.memory_space<vmem>> -> memref<128x32xf32, #tpu.memory_space<vmem>>
      %dma_start3A_51 = arith.constant 0 : i32
      %dma_start3A_52 = tpu.memref_slice %arg5[%dma_start3A_47, %dma_start3A_51] : memref<4x128xi32, #tpu.memory_space<vmem>> -> memref<1x128xi32, #tpu.memory_space<vmem>>
      %dma_start3A_53 = tpu.memref_squeeze %dma_start3A_52 : memref<1x128xi32, #tpu.memory_space<vmem>> -> memref<128xi32, #tpu.memory_space<vmem>>
      %dma_start3A_54 = arith.constant 0 : i32
      %dma_start3A_55 = arith.constant 0 : i32
      %dma_start3A_56 = tpu.memref_slice %arg2[%dma_start3A_54, %dma_start3A_55] : memref<2600000x32xf32, #tpu.memory_space<hbm>> -> memref<2600000x32xf32, #tpu.memory_space<hbm>>
      tpu.enqueue_indirect_dma source(%dma_start3A_56 : memref<2600000x32xf32, #tpu.memory_space<hbm>>) target(%dma_start3A_50 : memref<128x32xf32, #tpu.memory_space<vmem>>) offsets(%dma_start3A_53 : memref<128xi32, #tpu.memory_space<vmem>>) semaphore(%arg7 : memref<!tpu.dma_semaphore, #tpu.memory_space<semaphore_mem>>)
      %dma_start3A_57 = arith.constant 3 : i32
      %dma_start3A_58 = arith.constant 384 : i32
      %dma_start3A_59 = arith.constant 0 : i32
      %dma_start3A_60 = tpu.memref_slice %arg6[%dma_start3A_58, %dma_start3A_59] : memref<512x32xf32, #tpu.memory_space<vmem>> -> memref<128x32xf32, #tpu.memory_space<vmem>>
      %dma_start3A_61 = arith.constant 0 : i32
      %dma_start3A_62 = tpu.memref_slice %arg5[%dma_start3A_57, %dma_start3A_61] : memref<4x128xi32, #tpu.memory_space<vmem>> -> memref<1x128xi32, #tpu.memory_space<vmem>>
      %dma_start3A_63 = tpu.memref_squeeze %dma_start3A_62 : memref<1x128xi32, #tpu.memory_space<vmem>> -> memref<128xi32, #tpu.memory_space<vmem>>
      %dma_start3A_64 = arith.constant 0 : i32
      %dma_start3A_65 = arith.constant 0 : i32
      %dma_start3A_66 = tpu.memref_slice %arg2[%dma_start3A_64, %dma_start3A_65] : memref<2600000x32xf32, #tpu.memory_space<hbm>> -> memref<2600000x32xf32, #tpu.memory_space<hbm>>
      tpu.enqueue_indirect_dma source(%dma_start3A_66 : memref<2600000x32xf32, #tpu.memory_space<hbm>>) target(%dma_start3A_60 : memref<128x32xf32, #tpu.memory_space<vmem>>) offsets(%dma_start3A_63 : memref<128xi32, #tpu.memory_space<vmem>>) semaphore(%arg7 : memref<!tpu.dma_semaphore, #tpu.memory_space<semaphore_mem>>)
      %dma_wait3A = arith.constant 0 : i32
      %dma_wait3A_67 = arith.constant 0 : i32
      %dma_wait3A_68 = arith.constant 0 : i32
      %dma_wait3A_69 = tpu.memref_slice %arg6[%dma_wait3A_67, %dma_wait3A_68] : memref<512x32xf32, #tpu.memory_space<vmem>> -> memref<128x32xf32, #tpu.memory_space<vmem>>
      %dma_wait3A_70 = arith.constant 0 : i32
      %dma_wait3A_71 = tpu.memref_slice %arg5[%dma_wait3A, %dma_wait3A_70] : memref<4x128xi32, #tpu.memory_space<vmem>> -> memref<1x128xi32, #tpu.memory_space<vmem>>
      %dma_wait3A_72 = tpu.memref_squeeze %dma_wait3A_71 : memref<1x128xi32, #tpu.memory_space<vmem>> -> memref<128xi32, #tpu.memory_space<vmem>>
      %dma_wait3A_73 = arith.constant 0 : i32
      %dma_wait3A_74 = arith.constant 0 : i32
      %dma_wait3A_75 = tpu.memref_slice %arg2[%dma_wait3A_73, %dma_wait3A_74] : memref<2600000x32xf32, #tpu.memory_space<hbm>> -> memref<2600000x32xf32, #tpu.memory_space<hbm>>
      tpu.wait_indirect_dma semaphore(%arg7 : memref<!tpu.dma_semaphore, #tpu.memory_space<semaphore_mem>>) src(%dma_wait3A_75 : memref<2600000x32xf32, #tpu.memory_space<hbm>>) dst(%dma_wait3A_69 : memref<128x32xf32, #tpu.memory_space<vmem>>)
      %dma_wait3A_76 = arith.constant 1 : i32
      %dma_wait3A_77 = arith.constant 128 : i32
      %dma_wait3A_78 = arith.constant 0 : i32
      %dma_wait3A_79 = tpu.memref_slice %arg6[%dma_wait3A_77, %dma_wait3A_78] : memref<512x32xf32, #tpu.memory_space<vmem>> -> memref<128x32xf32, #tpu.memory_space<vmem>>
      %dma_wait3A_80 = arith.constant 0 : i32
      %dma_wait3A_81 = tpu.memref_slice %arg5[%dma_wait3A_76, %dma_wait3A_80] : memref<4x128xi32, #tpu.memory_space<vmem>> -> memref<1x128xi32, #tpu.memory_space<vmem>>
      %dma_wait3A_82 = tpu.memref_squeeze %dma_wait3A_81 : memref<1x128xi32, #tpu.memory_space<vmem>> -> memref<128xi32, #tpu.memory_space<vmem>>
      %dma_wait3A_83 = arith.constant 0 : i32
      %dma_wait3A_84 = arith.constant 0 : i32
      %dma_wait3A_85 = tpu.memref_slice %arg2[%dma_wait3A_83, %dma_wait3A_84] : memref<2600000x32xf32, #tpu.memory_space<hbm>> -> memref<2600000x32xf32, #tpu.memory_space<hbm>>
      tpu.wait_indirect_dma semaphore(%arg7 : memref<!tpu.dma_semaphore, #tpu.memory_space<semaphore_mem>>) src(%dma_wait3A_85 : memref<2600000x32xf32, #tpu.memory_space<hbm>>) dst(%dma_wait3A_79 : memref<128x32xf32, #tpu.memory_space<vmem>>)
      %dma_wait3A_86 = arith.constant 2 : i32
      %dma_wait3A_87 = arith.constant 256 : i32
      %dma_wait3A_88 = arith.constant 0 : i32
      %dma_wait3A_89 = tpu.memref_slice %arg6[%dma_wait3A_87, %dma_wait3A_88] : memref<512x32xf32, #tpu.memory_space<vmem>> -> memref<128x32xf32, #tpu.memory_space<vmem>>
      %dma_wait3A_90 = arith.constant 0 : i32
      %dma_wait3A_91 = tpu.memref_slice %arg5[%dma_wait3A_86, %dma_wait3A_90] : memref<4x128xi32, #tpu.memory_space<vmem>> -> memref<1x128xi32, #tpu.memory_space<vmem>>
      %dma_wait3A_92 = tpu.memref_squeeze %dma_wait3A_91 : memref<1x128xi32, #tpu.memory_space<vmem>> -> memref<128xi32, #tpu.memory_space<vmem>>
      %dma_wait3A_93 = arith.constant 0 : i32
      %dma_wait3A_94 = arith.constant 0 : i32
      %dma_wait3A_95 = tpu.memref_slice %arg2[%dma_wait3A_93, %dma_wait3A_94] : memref<2600000x32xf32, #tpu.memory_space<hbm>> -> memref<2600000x32xf32, #tpu.memory_space<hbm>>
      tpu.wait_indirect_dma semaphore(%arg7 : memref<!tpu.dma_semaphore, #tpu.memory_space<semaphore_mem>>) src(%dma_wait3A_95 : memref<2600000x32xf32, #tpu.memory_space<hbm>>) dst(%dma_wait3A_89 : memref<128x32xf32, #tpu.memory_space<vmem>>)
      %dma_wait3A_96 = arith.constant 3 : i32
      %dma_wait3A_97 = arith.constant 384 : i32
      %dma_wait3A_98 = arith.constant 0 : i32
      %dma_wait3A_99 = tpu.memref_slice %arg6[%dma_wait3A_97, %dma_wait3A_98] : memref<512x32xf32, #tpu.memory_space<vmem>> -> memref<128x32xf32, #tpu.memory_space<vmem>>
      %dma_wait3A_100 = arith.constant 0 : i32
      %dma_wait3A_101 = tpu.memref_slice %arg5[%dma_wait3A_96, %dma_wait3A_100] : memref<4x128xi32, #tpu.memory_space<vmem>> -> memref<1x128xi32, #tpu.memory_space<vmem>>
      %dma_wait3A_102 = tpu.memref_squeeze %dma_wait3A_101 : memref<1x128xi32, #tpu.memory_space<vmem>> -> memref<128xi32, #tpu.memory_space<vmem>>
      %dma_wait3A_103 = arith.constant 0 : i32
      %dma_wait3A_104 = arith.constant 0 : i32
      %dma_wait3A_105 = tpu.memref_slice %arg2[%dma_wait3A_103, %dma_wait3A_104] : memref<2600000x32xf32, #tpu.memory_space<hbm>> -> memref<2600000x32xf32, #tpu.memory_space<hbm>>
      tpu.wait_indirect_dma semaphore(%arg7 : memref<!tpu.dma_semaphore, #tpu.memory_space<semaphore_mem>>) src(%dma_wait3A_105 : memref<2600000x32xf32, #tpu.memory_space<hbm>>) dst(%dma_wait3A_99 : memref<128x32xf32, #tpu.memory_space<vmem>>)
      "tpu.region"() ({
        %run_scoped3A = tpu.sem_alloc : memref<!tpu.dma_semaphore, #tpu.memory_space<semaphore_mem>>
        %dma_start3A_106 = arith.constant 0 : i32
        %dma_start3A_107 = tpu.memref_slice %arg4[%multiple_of3A, %dma_start3A_106] : memref<212992x32xf32, #tpu.memory_space<hbm>> -> memref<512x32xf32, #tpu.memory_space<hbm>>
        %dma_start3A_108 = arith.constant 0 : i32
        %dma_start3A_109 = tpu.memref_slice %arg4[%multiple_of3A, %dma_start3A_108] : memref<212992x32xf32, #tpu.memory_space<hbm>> -> memref<512x32xf32, #tpu.memory_space<hbm>>
        tpu.enqueue_dma source(%arg6 : memref<512x32xf32, #tpu.memory_space<vmem>>) target(%dma_start3A_109 : memref<512x32xf32, #tpu.memory_space<hbm>>) target_semaphore(%run_scoped3A : memref<!tpu.dma_semaphore, #tpu.memory_space<semaphore_mem>>)
        %dma_wait3A_110 = arith.constant 0 : i32
        %dma_wait3A_111 = tpu.memref_slice %arg4[%multiple_of3A, %dma_wait3A_110] : memref<212992x32xf32, #tpu.memory_space<hbm>> -> memref<512x32xf32, #tpu.memory_space<hbm>>
        %dma_wait3A_112 = arith.constant 0 : i32
        %dma_wait3A_113 = tpu.memref_slice %arg4[%multiple_of3A, %dma_wait3A_112] : memref<212992x32xf32, #tpu.memory_space<hbm>> -> memref<512x32xf32, #tpu.memory_space<hbm>>
        tpu.wait_dma2 semaphore(%run_scoped3A : memref<!tpu.dma_semaphore, #tpu.memory_space<semaphore_mem>>) src(%arg6 : memref<512x32xf32, #tpu.memory_space<vmem>>) dst(%dma_wait3A_113 : memref<512x32xf32, #tpu.memory_space<hbm>>)
        tpu.yield
      }) : () -> ()
    }
    %scan3A_6 = arith.constant 13 : i32
    return
  }
}

#map = affine_map<(d0, d1) -> (0, 0)>
module attributes {stable_mosaic.version = 14 : i64} {
  func.func @_gather_body(%arg0: i32, %arg1: i32, %arg2: memref<2600000x32xf32, #tpu.memory_space<hbm>>, %arg3: memref<1664x128xi32, #tpu.memory_space<hbm>>, %arg4: memref<212992x32xf32, #tpu.memory_space<hbm>>, %arg5: memref<4x128xi32, #tpu.memory_space<vmem>>, %arg6: memref<512x32xf32, #tpu.memory_space<vmem>>, %arg7: memref<!tpu.dma_semaphore, #tpu.memory_space<semaphore_mem>>) attributes {dimension_semantics = [#tpu.dimension_semantics<core_parallel>, #tpu.dimension_semantics<subcore_parallel>], iteration_bounds = array<i64: 2, 16>, scalar_prefetch = 0 : i64, scratch_operands = 3 : i64, tpu.core_type = #tpu.core_type<sc_vector_subcore>, window_params = [{transform_indices = #map}, {transform_indices = #map}, {transform_indices = #map}]} {
    %mul3A = arith.constant 2 : i32
    %mul3A_0 = arith.muli %arg1, %mul3A : i32
    %add3A = arith.addi %mul3A_0, %arg0 : i32
    %mul3A_1 = arith.constant 6656 : i32
    %mul3A_2 = arith.muli %add3A, %mul3A_1 : i32
    %scan3A = arith.constant 0 : i32
    %scan3A_3 = arith.constant 13 : i32
    %scan3A_4 = arith.addi %scan3A, %scan3A_3 : i32
    %scan3A_5 = arith.constant 1 : i32
    scf.for %scan3A_7 = %scan3A to %scan3A_4 step %scan3A_5  : i32 {
      %mul3A_8 = arith.constant 512 : i32
      %mul3A_9 = arith.muli %scan3A_7, %mul3A_8 : i32
      %add3A_10 = arith.addi %mul3A_2, %mul3A_9 : i32
      %multiple_of3A = tpu.assume_multiple %add3A_10, 512 : i32
      %jit3A = arith.constant 128 : i32
      %div3A = arith.divsi %multiple_of3A, %jit3A : i32
      %sign3A = arith.constant 0 : i32
      %sign3A_11 = arith.cmpi sgt, %multiple_of3A, %sign3A : i32
      %sign3A_12 = arith.extui %sign3A_11 : i1 to i32
      %sign3A_13 = arith.constant 0 : i32
      %sign3A_14 = arith.cmpi slt, %multiple_of3A, %sign3A_13 : i32
      %sign3A_15 = arith.extui %sign3A_14 : i1 to i32
      %sign3A_16 = arith.subi %sign3A_12, %sign3A_15 : i32
      %sign3A_17 = arith.constant 0 : i32
      %sign3A_18 = arith.cmpi sgt, %jit3A, %sign3A_17 : i32
      %sign3A_19 = arith.extui %sign3A_18 : i1 to i32
      %sign3A_20 = arith.constant 0 : i32
      %sign3A_21 = arith.cmpi slt, %jit3A, %sign3A_20 : i32
      %sign3A_22 = arith.extui %sign3A_21 : i1 to i32
      %sign3A_23 = arith.subi %sign3A_19, %sign3A_22 : i32
      %ne3A = arith.cmpi ne, %sign3A_16, %sign3A_23 : i32
      %rem3A = arith.remsi %multiple_of3A, %jit3A : i32
      %ne3A_24 = arith.constant 0 : i32
      %ne3A_25 = arith.cmpi ne, %rem3A, %ne3A_24 : i32
      %and3A = arith.andi %ne3A, %ne3A_25 : i1
      %sub3A = arith.constant 1 : i32
      %sub3A_26 = arith.subi %div3A, %sub3A : i32
      %select_n3A = arith.select %and3A, %sub3A_26, %div3A : i32
      %multiple_of3A_27 = tpu.assume_multiple %select_n3A, 4 : i32
      "tpu.region"() ({
        %run_scoped3A = tpu.sem_alloc : memref<!tpu.dma_semaphore, #tpu.memory_space<semaphore_mem>>
        %dma_start3A_106 = arith.constant 0 : i32
        %dma_start3A_107 = tpu.memref_slice %arg3[%multiple_of3A_27, %dma_start3A_106] : memref<1664x128xi32, #tpu.memory_space<hbm>> -> memref<4x128xi32, #tpu.memory_space<hbm>>
        %dma_start3A_108 = arith.constant 0 : i32
        %dma_start3A_109 = tpu.memref_slice %arg3[%multiple_of3A_27, %dma_start3A_108] : memref<1664x128xi32, #tpu.memory_space<hbm>> -> memref<4x128xi32, #tpu.memory_space<hbm>>
        tpu.enqueue_dma source(%dma_start3A_109 : memref<4x128xi32, #tpu.memory_space<hbm>>) target(%arg5 : memref<4x128xi32, #tpu.memory_space<vmem>>) target_semaphore(%run_scoped3A : memref<!tpu.dma_semaphore, #tpu.memory_space<semaphore_mem>>)
        %dma_wait3A_110 = arith.constant 0 : i32
        %dma_wait3A_111 = tpu.memref_slice %arg3[%multiple_of3A_27, %dma_wait3A_110] : memref<1664x128xi32, #tpu.memory_space<hbm>> -> memref<4x128xi32, #tpu.memory_space<hbm>>
        %dma_wait3A_112 = arith.constant 0 : i32
        %dma_wait3A_113 = tpu.memref_slice %arg3[%multiple_of3A_27, %dma_wait3A_112] : memref<1664x128xi32, #tpu.memory_space<hbm>> -> memref<4x128xi32, #tpu.memory_space<hbm>>
        tpu.wait_dma2 semaphore(%run_scoped3A : memref<!tpu.dma_semaphore, #tpu.memory_space<semaphore_mem>>) src(%dma_wait3A_113 : memref<4x128xi32, #tpu.memory_space<hbm>>) dst(%arg5 : memref<4x128xi32, #tpu.memory_space<vmem>>)
        tpu.yield
      }) : () -> ()
      %dma_start3A = arith.constant 0 : i32
      %dma_start3A_28 = arith.constant 0 : i32
      %dma_start3A_29 = arith.constant 0 : i32
      %dma_start3A_30 = tpu.memref_slice %arg6[%dma_start3A_28, %dma_start3A_29] : memref<512x32xf32, #tpu.memory_space<vmem>> -> memref<128x32xf32, #tpu.memory_space<vmem>>
      %dma_start3A_31 = arith.constant 0 : i32
      %dma_start3A_32 = tpu.memref_slice %arg5[%dma_start3A, %dma_start3A_31] : memref<4x128xi32, #tpu.memory_space<vmem>> -> memref<1x128xi32, #tpu.memory_space<vmem>>
      %dma_start3A_33 = tpu.memref_squeeze %dma_start3A_32 : memref<1x128xi32, #tpu.memory_space<vmem>> -> memref<128xi32, #tpu.memory_space<vmem>>
      %dma_start3A_34 = arith.constant 0 : i32
      %dma_start3A_35 = arith.constant 0 : i32
      %dma_start3A_36 = tpu.memref_slice %arg2[%dma_start3A_34, %dma_start3A_35] : memref<2600000x32xf32, #tpu.memory_space<hbm>> -> memref<2600000x32xf32, #tpu.memory_space<hbm>>
      tpu.enqueue_indirect_dma source(%dma_start3A_36 : memref<2600000x32xf32, #tpu.memory_space<hbm>>) target(%dma_start3A_30 : memref<128x32xf32, #tpu.memory_space<vmem>>) offsets(%dma_start3A_33 : memref<128xi32, #tpu.memory_space<vmem>>) semaphore(%arg7 : memref<!tpu.dma_semaphore, #tpu.memory_space<semaphore_mem>>)
      %dma_start3A_37 = arith.constant 1 : i32
      %dma_start3A_38 = arith.constant 128 : i32
      %dma_start3A_39 = arith.constant 0 : i32
      %dma_start3A_40 = tpu.memref_slice %arg6[%dma_start3A_38, %dma_start3A_39] : memref<512x32xf32, #tpu.memory_space<vmem>> -> memref<128x32xf32, #tpu.memory_space<vmem>>
      %dma_start3A_41 = arith.constant 0 : i32
      %dma_start3A_42 = tpu.memref_slice %arg5[%dma_start3A_37, %dma_start3A_41] : memref<4x128xi32, #tpu.memory_space<vmem>> -> memref<1x128xi32, #tpu.memory_space<vmem>>
      %dma_start3A_43 = tpu.memref_squeeze %dma_start3A_42 : memref<1x128xi32, #tpu.memory_space<vmem>> -> memref<128xi32, #tpu.memory_space<vmem>>
      %dma_start3A_44 = arith.constant 0 : i32
      %dma_start3A_45 = arith.constant 0 : i32
      %dma_start3A_46 = tpu.memref_slice %arg2[%dma_start3A_44, %dma_start3A_45] : memref<2600000x32xf32, #tpu.memory_space<hbm>> -> memref<2600000x32xf32, #tpu.memory_space<hbm>>
      tpu.enqueue_indirect_dma source(%dma_start3A_46 : memref<2600000x32xf32, #tpu.memory_space<hbm>>) target(%dma_start3A_40 : memref<128x32xf32, #tpu.memory_space<vmem>>) offsets(%dma_start3A_43 : memref<128xi32, #tpu.memory_space<vmem>>) semaphore(%arg7 : memref<!tpu.dma_semaphore, #tpu.memory_space<semaphore_mem>>)
      %dma_start3A_47 = arith.constant 2 : i32
      %dma_start3A_48 = arith.constant 256 : i32
      %dma_start3A_49 = arith.constant 0 : i32
      %dma_start3A_50 = tpu.memref_slice %arg6[%dma_start3A_48, %dma_start3A_49] : memref<512x32xf32, #tpu.memory_space<vmem>> -> memref<128x32xf32, #tpu.memory_space<vmem>>
      %dma_start3A_51 = arith.constant 0 : i32
      %dma_start3A_52 = tpu.memref_slice %arg5[%dma_start3A_47, %dma_start3A_51] : memref<4x128xi32, #tpu.memory_space<vmem>> -> memref<1x128xi32, #tpu.memory_space<vmem>>
      %dma_start3A_53 = tpu.memref_squeeze %dma_start3A_52 : memref<1x128xi32, #tpu.memory_space<vmem>> -> memref<128xi32, #tpu.memory_space<vmem>>
      %dma_start3A_54 = arith.constant 0 : i32
      %dma_start3A_55 = arith.constant 0 : i32
      %dma_start3A_56 = tpu.memref_slice %arg2[%dma_start3A_54, %dma_start3A_55] : memref<2600000x32xf32, #tpu.memory_space<hbm>> -> memref<2600000x32xf32, #tpu.memory_space<hbm>>
      tpu.enqueue_indirect_dma source(%dma_start3A_56 : memref<2600000x32xf32, #tpu.memory_space<hbm>>) target(%dma_start3A_50 : memref<128x32xf32, #tpu.memory_space<vmem>>) offsets(%dma_start3A_53 : memref<128xi32, #tpu.memory_space<vmem>>) semaphore(%arg7 : memref<!tpu.dma_semaphore, #tpu.memory_space<semaphore_mem>>)
      %dma_start3A_57 = arith.constant 3 : i32
      %dma_start3A_58 = arith.constant 384 : i32
      %dma_start3A_59 = arith.constant 0 : i32
      %dma_start3A_60 = tpu.memref_slice %arg6[%dma_start3A_58, %dma_start3A_59] : memref<512x32xf32, #tpu.memory_space<vmem>> -> memref<128x32xf32, #tpu.memory_space<vmem>>
      %dma_start3A_61 = arith.constant 0 : i32
      %dma_start3A_62 = tpu.memref_slice %arg5[%dma_start3A_57, %dma_start3A_61] : memref<4x128xi32, #tpu.memory_space<vmem>> -> memref<1x128xi32, #tpu.memory_space<vmem>>
      %dma_start3A_63 = tpu.memref_squeeze %dma_start3A_62 : memref<1x128xi32, #tpu.memory_space<vmem>> -> memref<128xi32, #tpu.memory_space<vmem>>
      %dma_start3A_64 = arith.constant 0 : i32
      %dma_start3A_65 = arith.constant 0 : i32
      %dma_start3A_66 = tpu.memref_slice %arg2[%dma_start3A_64, %dma_start3A_65] : memref<2600000x32xf32, #tpu.memory_space<hbm>> -> memref<2600000x32xf32, #tpu.memory_space<hbm>>
      tpu.enqueue_indirect_dma source(%dma_start3A_66 : memref<2600000x32xf32, #tpu.memory_space<hbm>>) target(%dma_start3A_60 : memref<128x32xf32, #tpu.memory_space<vmem>>) offsets(%dma_start3A_63 : memref<128xi32, #tpu.memory_space<vmem>>) semaphore(%arg7 : memref<!tpu.dma_semaphore, #tpu.memory_space<semaphore_mem>>)
      %dma_wait3A = arith.constant 0 : i32
      %dma_wait3A_67 = arith.constant 0 : i32
      %dma_wait3A_68 = arith.constant 0 : i32
      %dma_wait3A_69 = tpu.memref_slice %arg6[%dma_wait3A_67, %dma_wait3A_68] : memref<512x32xf32, #tpu.memory_space<vmem>> -> memref<128x32xf32, #tpu.memory_space<vmem>>
      %dma_wait3A_70 = arith.constant 0 : i32
      %dma_wait3A_71 = tpu.memref_slice %arg5[%dma_wait3A, %dma_wait3A_70] : memref<4x128xi32, #tpu.memory_space<vmem>> -> memref<1x128xi32, #tpu.memory_space<vmem>>
      %dma_wait3A_72 = tpu.memref_squeeze %dma_wait3A_71 : memref<1x128xi32, #tpu.memory_space<vmem>> -> memref<128xi32, #tpu.memory_space<vmem>>
      %dma_wait3A_73 = arith.constant 0 : i32
      %dma_wait3A_74 = arith.constant 0 : i32
      %dma_wait3A_75 = tpu.memref_slice %arg2[%dma_wait3A_73, %dma_wait3A_74] : memref<2600000x32xf32, #tpu.memory_space<hbm>> -> memref<2600000x32xf32, #tpu.memory_space<hbm>>
      tpu.wait_indirect_dma semaphore(%arg7 : memref<!tpu.dma_semaphore, #tpu.memory_space<semaphore_mem>>) src(%dma_wait3A_75 : memref<2600000x32xf32, #tpu.memory_space<hbm>>) dst(%dma_wait3A_69 : memref<128x32xf32, #tpu.memory_space<vmem>>)
      %dma_wait3A_76 = arith.constant 1 : i32
      %dma_wait3A_77 = arith.constant 128 : i32
      %dma_wait3A_78 = arith.constant 0 : i32
      %dma_wait3A_79 = tpu.memref_slice %arg6[%dma_wait3A_77, %dma_wait3A_78] : memref<512x32xf32, #tpu.memory_space<vmem>> -> memref<128x32xf32, #tpu.memory_space<vmem>>
      %dma_wait3A_80 = arith.constant 0 : i32
      %dma_wait3A_81 = tpu.memref_slice %arg5[%dma_wait3A_76, %dma_wait3A_80] : memref<4x128xi32, #tpu.memory_space<vmem>> -> memref<1x128xi32, #tpu.memory_space<vmem>>
      %dma_wait3A_82 = tpu.memref_squeeze %dma_wait3A_81 : memref<1x128xi32, #tpu.memory_space<vmem>> -> memref<128xi32, #tpu.memory_space<vmem>>
      %dma_wait3A_83 = arith.constant 0 : i32
      %dma_wait3A_84 = arith.constant 0 : i32
      %dma_wait3A_85 = tpu.memref_slice %arg2[%dma_wait3A_83, %dma_wait3A_84] : memref<2600000x32xf32, #tpu.memory_space<hbm>> -> memref<2600000x32xf32, #tpu.memory_space<hbm>>
      tpu.wait_indirect_dma semaphore(%arg7 : memref<!tpu.dma_semaphore, #tpu.memory_space<semaphore_mem>>) src(%dma_wait3A_85 : memref<2600000x32xf32, #tpu.memory_space<hbm>>) dst(%dma_wait3A_79 : memref<128x32xf32, #tpu.memory_space<vmem>>)
      %dma_wait3A_86 = arith.constant 2 : i32
      %dma_wait3A_87 = arith.constant 256 : i32
      %dma_wait3A_88 = arith.constant 0 : i32
      %dma_wait3A_89 = tpu.memref_slice %arg6[%dma_wait3A_87, %dma_wait3A_88] : memref<512x32xf32, #tpu.memory_space<vmem>> -> memref<128x32xf32, #tpu.memory_space<vmem>>
      %dma_wait3A_90 = arith.constant 0 : i32
      %dma_wait3A_91 = tpu.memref_slice %arg5[%dma_wait3A_86, %dma_wait3A_90] : memref<4x128xi32, #tpu.memory_space<vmem>> -> memref<1x128xi32, #tpu.memory_space<vmem>>
      %dma_wait3A_92 = tpu.memref_squeeze %dma_wait3A_91 : memref<1x128xi32, #tpu.memory_space<vmem>> -> memref<128xi32, #tpu.memory_space<vmem>>
      %dma_wait3A_93 = arith.constant 0 : i32
      %dma_wait3A_94 = arith.constant 0 : i32
      %dma_wait3A_95 = tpu.memref_slice %arg2[%dma_wait3A_93, %dma_wait3A_94] : memref<2600000x32xf32, #tpu.memory_space<hbm>> -> memref<2600000x32xf32, #tpu.memory_space<hbm>>
      tpu.wait_indirect_dma semaphore(%arg7 : memref<!tpu.dma_semaphore, #tpu.memory_space<semaphore_mem>>) src(%dma_wait3A_95 : memref<2600000x32xf32, #tpu.memory_space<hbm>>) dst(%dma_wait3A_89 : memref<128x32xf32, #tpu.memory_space<vmem>>)
      %dma_wait3A_96 = arith.constant 3 : i32
      %dma_wait3A_97 = arith.constant 384 : i32
      %dma_wait3A_98 = arith.constant 0 : i32
      %dma_wait3A_99 = tpu.memref_slice %arg6[%dma_wait3A_97, %dma_wait3A_98] : memref<512x32xf32, #tpu.memory_space<vmem>> -> memref<128x32xf32, #tpu.memory_space<vmem>>
      %dma_wait3A_100 = arith.constant 0 : i32
      %dma_wait3A_101 = tpu.memref_slice %arg5[%dma_wait3A_96, %dma_wait3A_100] : memref<4x128xi32, #tpu.memory_space<vmem>> -> memref<1x128xi32, #tpu.memory_space<vmem>>
      %dma_wait3A_102 = tpu.memref_squeeze %dma_wait3A_101 : memref<1x128xi32, #tpu.memory_space<vmem>> -> memref<128xi32, #tpu.memory_space<vmem>>
      %dma_wait3A_103 = arith.constant 0 : i32
      %dma_wait3A_104 = arith.constant 0 : i32
      %dma_wait3A_105 = tpu.memref_slice %arg2[%dma_wait3A_103, %dma_wait3A_104] : memref<2600000x32xf32, #tpu.memory_space<hbm>> -> memref<2600000x32xf32, #tpu.memory_space<hbm>>
      tpu.wait_indirect_dma semaphore(%arg7 : memref<!tpu.dma_semaphore, #tpu.memory_space<semaphore_mem>>) src(%dma_wait3A_105 : memref<2600000x32xf32, #tpu.memory_space<hbm>>) dst(%dma_wait3A_99 : memref<128x32xf32, #tpu.memory_space<vmem>>)
      "tpu.region"() ({
        %run_scoped3A = tpu.sem_alloc : memref<!tpu.dma_semaphore, #tpu.memory_space<semaphore_mem>>
        %dma_start3A_106 = arith.constant 0 : i32
        %dma_start3A_107 = tpu.memref_slice %arg4[%multiple_of3A, %dma_start3A_106] : memref<212992x32xf32, #tpu.memory_space<hbm>> -> memref<512x32xf32, #tpu.memory_space<hbm>>
        %dma_start3A_108 = arith.constant 0 : i32
        %dma_start3A_109 = tpu.memref_slice %arg4[%multiple_of3A, %dma_start3A_108] : memref<212992x32xf32, #tpu.memory_space<hbm>> -> memref<512x32xf32, #tpu.memory_space<hbm>>
        tpu.enqueue_dma source(%arg6 : memref<512x32xf32, #tpu.memory_space<vmem>>) target(%dma_start3A_109 : memref<512x32xf32, #tpu.memory_space<hbm>>) target_semaphore(%run_scoped3A : memref<!tpu.dma_semaphore, #tpu.memory_space<semaphore_mem>>)
        %dma_wait3A_110 = arith.constant 0 : i32
        %dma_wait3A_111 = tpu.memref_slice %arg4[%multiple_of3A, %dma_wait3A_110] : memref<212992x32xf32, #tpu.memory_space<hbm>> -> memref<512x32xf32, #tpu.memory_space<hbm>>
        %dma_wait3A_112 = arith.constant 0 : i32
        %dma_wait3A_113 = tpu.memref_slice %arg4[%multiple_of3A, %dma_wait3A_112] : memref<212992x32xf32, #tpu.memory_space<hbm>> -> memref<512x32xf32, #tpu.memory_space<hbm>>
        tpu.wait_dma2 semaphore(%run_scoped3A : memref<!tpu.dma_semaphore, #tpu.memory_space<semaphore_mem>>) src(%arg6 : memref<512x32xf32, #tpu.memory_space<vmem>>) dst(%dma_wait3A_113 : memref<512x32xf32, #tpu.memory_space<hbm>>)
        tpu.yield
      }) : () -> ()
    }
    %scan3A_6 = arith.constant 13 : i32
    return
  }
}

module attributes {stable_mosaic.version = 14 : i64} {
  func.func @_mlp_body(%arg0: i32, %arg1: memref<2048x832xf32, #tpu.memory_space<vmem>>, %arg2: memref<2048x13xf32, #tpu.memory_space<vmem>>, %arg3: memref<256x832xf32, #tpu.memory_space<vmem>>, %arg4: memref<256x13xf32, #tpu.memory_space<vmem>>, %arg5: memref<1x256xf32, #tpu.memory_space<vmem>>, %arg6: memref<128x256xf32, #tpu.memory_space<vmem>>, %arg7: memref<1x128xf32, #tpu.memory_space<vmem>>, %arg8: memref<128x1xf32, #tpu.memory_space<vmem>>, %arg9: memref<1x1xf32, #tpu.memory_space<smem>>, %arg10: memref<2048x1xf32, #tpu.memory_space<vmem>>) attributes {dimension_semantics = [#tpu.dimension_semantics<arbitrary>], iteration_bounds = array<i64: 4>, scalar_prefetch = 0 : i64, scratch_operands = 0 : i64, tpu.core_type = #tpu.core_type<tc>, window_params = [{transform_indices = @transform_0, window_bounds = array<i64: 2048, 832>}, {transform_indices = @transform_1, window_bounds = array<i64: 2048, 13>}, {pipeline_mode = #tpu.pipeline_mode<synchronous>, transform_indices = @transform_2, window_bounds = array<i64: 256, 832>}, {pipeline_mode = #tpu.pipeline_mode<synchronous>, transform_indices = @transform_3, window_bounds = array<i64: 256, 13>}, {pipeline_mode = #tpu.pipeline_mode<synchronous>, transform_indices = @transform_4, window_bounds = array<i64: 1, 256>}, {pipeline_mode = #tpu.pipeline_mode<synchronous>, transform_indices = @transform_5, window_bounds = array<i64: 128, 256>}, {pipeline_mode = #tpu.pipeline_mode<synchronous>, transform_indices = @transform_6, window_bounds = array<i64: 1, 128>}, {pipeline_mode = #tpu.pipeline_mode<synchronous>, transform_indices = @transform_7, window_bounds = array<i64: 128, 1>}, {transform_indices = @transform_8, window_bounds = array<i64: 1, 1>}, {transform_indices = @transform_9, window_bounds = array<i64: 2048, 1>}]} {
    %get3A = arith.constant 0 : index
    %get3A_0 = arith.constant 0 : index
    %get3A_1 = vector.load %arg1[%get3A, %get3A_0] : memref<2048x832xf32, #tpu.memory_space<vmem>>, vector<2048x832xf32>
    %get3A_2 = arith.constant 0 : index
    %get3A_3 = arith.constant 0 : index
    %get3A_4 = vector.load %arg2[%get3A_2, %get3A_3] : memref<2048x13xf32, #tpu.memory_space<vmem>>, vector<2048x13xf32>
    %mul3A = arith.constant 0.999994993 : f32
    %mul3A_5 = vector.broadcast %mul3A : f32 to vector<2048x13xf32>
    %mul3A_6 = arith.mulf %get3A_4, %mul3A_5 : vector<2048x13xf32>
    %get3A_7 = arith.constant 0 : index
    %get3A_8 = arith.constant 0 : index
    %get3A_9 = vector.load %arg3[%get3A_7, %get3A_8] : memref<256x832xf32, #tpu.memory_space<vmem>>, vector<256x832xf32>
    %dot_general3A = arith.constant dense<0.000000e+00> : vector<2048x256xf32>
    %dot_general3A_10 = tpu.matmul %get3A_1, %get3A_9, %dot_general3A {dimension_numbers = #tpu.dot_dimension_numbers<[1], [1], [0], [0], [0, 0, 1, 0], [], []>, transpose_lhs_hint = false} : vector<2048x832xf32>, vector<256x832xf32>, vector<2048x256xf32> -> vector<2048x256xf32>
    %get3A_11 = arith.constant 0 : index
    %get3A_12 = arith.constant 0 : index
    %get3A_13 = vector.load %arg4[%get3A_11, %get3A_12] : memref<256x13xf32, #tpu.memory_space<vmem>>, vector<256x13xf32>
    %dot_general3A_14 = arith.constant dense<0.000000e+00> : vector<2048x256xf32>
    %dot_general3A_15 = tpu.matmul %mul3A_6, %get3A_13, %dot_general3A_14 {dimension_numbers = #tpu.dot_dimension_numbers<[1], [1], [0], [0], [0, 0, 1, 0], [], []>, transpose_lhs_hint = false} : vector<2048x13xf32>, vector<256x13xf32>, vector<2048x256xf32> -> vector<2048x256xf32>
    %add3A = arith.addf %dot_general3A_10, %dot_general3A_15 : vector<2048x256xf32>
    %get3A_16 = arith.constant 0 : index
    %get3A_17 = arith.constant 0 : index
    %get3A_18 = vector.load %arg5[%get3A_16, %get3A_17] : memref<1x256xf32, #tpu.memory_space<vmem>>, vector<1x256xf32>
    %add3A_19 = vector.broadcast %get3A_18 : vector<1x256xf32> to vector<2048x256xf32>
    %add3A_20 = arith.addf %add3A, %add3A_19 : vector<2048x256xf32>
    %max3A = arith.constant 0.000000e+00 : f32
    %max3A_21 = vector.broadcast %max3A : f32 to vector<2048x256xf32>
    %max3A_22 = arith.maximumf %add3A_20, %max3A_21 : vector<2048x256xf32>
    %get3A_23 = arith.constant 0 : index
    %get3A_24 = arith.constant 0 : index
    %get3A_25 = vector.load %arg6[%get3A_23, %get3A_24] : memref<128x256xf32, #tpu.memory_space<vmem>>, vector<128x256xf32>
    %dot_general3A_26 = arith.constant dense<0.000000e+00> : vector<2048x128xf32>
    %dot_general3A_27 = tpu.matmul %max3A_22, %get3A_25, %dot_general3A_26 {dimension_numbers = #tpu.dot_dimension_numbers<[1], [1], [0], [0], [0, 0, 1, 0], [], []>, transpose_lhs_hint = false} : vector<2048x256xf32>, vector<128x256xf32>, vector<2048x128xf32> -> vector<2048x128xf32>
    %get3A_28 = arith.constant 0 : index
    %get3A_29 = arith.constant 0 : index
    %get3A_30 = vector.load %arg7[%get3A_28, %get3A_29] : memref<1x128xf32, #tpu.memory_space<vmem>>, vector<1x128xf32>
    %add3A_31 = vector.broadcast %get3A_30 : vector<1x128xf32> to vector<2048x128xf32>
    %add3A_32 = arith.addf %dot_general3A_27, %add3A_31 : vector<2048x128xf32>
    %max3A_33 = arith.constant 0.000000e+00 : f32
    %max3A_34 = vector.broadcast %max3A_33 : f32 to vector<2048x128xf32>
    %max3A_35 = arith.maximumf %add3A_32, %max3A_34 : vector<2048x128xf32>
    %get3A_36 = arith.constant 0 : index
    %get3A_37 = arith.constant 0 : index
    %get3A_38 = vector.load %arg8[%get3A_36, %get3A_37] : memref<128x1xf32, #tpu.memory_space<vmem>>, vector<128x1xf32>
    %dot_general3A_39 = arith.constant dense<0.000000e+00> : vector<2048x1xf32>
    %dot_general3A_40 = tpu.matmul %max3A_35, %get3A_38, %dot_general3A_39 {dimension_numbers = #tpu.dot_dimension_numbers<[1], [0], [0], [1], [0, 0, 1, 1], [], []>, transpose_lhs_hint = false} : vector<2048x128xf32>, vector<128x1xf32>, vector<2048x1xf32> -> vector<2048x1xf32>
    %get3A_41 = arith.constant 0 : index
    %get3A_42 = arith.constant 0 : index
    %get3A_43 = memref.load %arg9[%get3A_41, %get3A_42] : memref<1x1xf32, #tpu.memory_space<smem>>
    %add3A_44 = vector.broadcast %get3A_43 : f32 to vector<2048x1xf32>
    %add3A_45 = arith.addf %dot_general3A_40, %add3A_44 : vector<2048x1xf32>
    %swap3A = arith.constant 0 : index
    %swap3A_46 = arith.constant 0 : index
    %swap3A_47 = vector.load %arg10[%swap3A, %swap3A_46] : memref<2048x1xf32, #tpu.memory_space<vmem>>, vector<2048x1xf32>
    tpu.vector_store %arg10[%swap3A, %swap3A_46], %add3A_45 {strides = array<i32>} : memref<2048x1xf32, #tpu.memory_space<vmem>>, vector<2048x1xf32>,
    return
  }
  func.func @transform_0(%arg0: i32) -> (i32, i32) {
    %c0_i32 = arith.constant 0 : i32
    %c0_i32_0 = arith.constant 0 : i32
    return %arg0, %c0_i32 : i32, i32
  }
  func.func @transform_1(%arg0: i32) -> (i32, i32) {
    %c0_i32 = arith.constant 0 : i32
    %c0_i32_0 = arith.constant 0 : i32
    return %arg0, %c0_i32 : i32, i32
  }
  func.func @transform_2(%arg0: i32) -> (i32, i32) {
    %c0_i32 = arith.constant 0 : i32
    %c0_i32_0 = arith.constant 0 : i32
    %c0_i32_1 = arith.constant 0 : i32
    return %c0_i32, %c0_i32_0 : i32, i32
  }
  func.func @transform_3(%arg0: i32) -> (i32, i32) {
    %c0_i32 = arith.constant 0 : i32
    %c0_i32_0 = arith.constant 0 : i32
    %c0_i32_1 = arith.constant 0 : i32
    return %c0_i32, %c0_i32_0 : i32, i32
  }
  func.func @transform_4(%arg0: i32) -> (i32, i32) {
    %c0_i32 = arith.constant 0 : i32
    %c0_i32_0 = arith.constant 0 : i32
    %c0_i32_1 = arith.constant 0 : i32
    return %c0_i32, %c0_i32_0 : i32, i32
  }
  func.func @transform_5(%arg0: i32) -> (i32, i32) {
    %c0_i32 = arith.constant 0 : i32
    %c0_i32_0 = arith.constant 0 : i32
    %c0_i32_1 = arith.constant 0 : i32
    return %c0_i32, %c0_i32_0 : i32, i32
  }
  func.func @transform_6(%arg0: i32) -> (i32, i32) {
    %c0_i32 = arith.constant 0 : i32
    %c0_i32_0 = arith.constant 0 : i32
    %c0_i32_1 = arith.constant 0 : i32
    return %c0_i32, %c0_i32_0 : i32, i32
  }
  func.func @transform_7(%arg0: i32) -> (i32, i32) {
    %c0_i32 = arith.constant 0 : i32
    %c0_i32_0 = arith.constant 0 : i32
    %c0_i32_1 = arith.constant 0 : i32
    return %c0_i32, %c0_i32_0 : i32, i32
  }
  func.func @transform_8(%arg0: i32) -> (i32, i32) {
    %c0_i32 = arith.constant 0 : i32
    %c0_i32_0 = arith.constant 0 : i32
    %c0_i32_1 = arith.constant 0 : i32
    return %c0_i32, %c0_i32_0 : i32, i32
  }
  func.func @transform_9(%arg0: i32) -> (i32, i32) {
    %c0_i32 = arith.constant 0 : i32
    %c0_i32_0 = arith.constant 0 : i32
    return %arg0, %c0_i32 : i32, i32
  }
}

</mosaic_0001>

<sc_bundles>
// kernel: kernel.10.cloned.1.call-start
scs
__scs_entry_jumppad:
0x0: {  	(pc) =	sbr.rel $0x88, $3  }
0x1: {  	(tag) =	ssettag $0x0;
	lr =	simm.s32 $0x1  }
0x2: {  	[smem:$0x3F98] =	sst lr;
	_ =	strace $0xD0000000  }
0x3: {  	_ = 	snop  }
0x4: {  	_ = 	snop  }
0x5: {  	_ = 	snop  }
0x6: {  	_ = 	snop  }
0x7: {  	_ = 	snop  }
__scs_overlays_trampoline_lowered:
0x8: {  	[smem:$0x3FA7] =	sst s0  }
0x9: {  	[smem:$0x3FA8] =	sst s1  }
0xa: {  	[smem:$0x3FA9] =	sst s2  }
0xb: {  	[smem:$0x3FAA] =	sst s3  }
0xc: {  	[smem:$0x3FAB] =	sst s4  }
0xd: {  	[smem:$0x3FAC] =	sst s5  }
0xe: {  	[smem:$0x3FAD] =	sst s6  }
0xf: {  	[smem:$0x3FAE] =	sst s7  }
0x10: {  	[smem:$0x3FAF] =	sst s8  }
0x11: {  	[smem:$0x3FB0] =	sst s9;
	s0 =	simm.s32 @!p0 $0x0  }
0x12: {  	s1 =	sld [smem:$0x3F96];
	s0 =	simm.s32 @p0 $0x1  }
0x13: {  	[smem:$0x3FB1] =	sst s0;
	s0 =	simm.s32 @!p1 $0x0  }
0x14: {  	s2 =	sld [smem:$0x3F95];
	s0 =	simm.s32 @p1 $0x1  }
0x15: {  	[smem:$0x3FB2] =	sst s0;
	s0 =	simm.s32 @!p2 $0x0  }
0x16: {  	s3 =	sld [smem:$0x3FDB];
	s0 =	simm.s32 @p2 $0x1  }
0x17: {  	s4 =	simm.s32 $0x1BF5;
	[smem:$0x3FB4] =	sst s0  }
0x18: {  	s0 =	sld [smem:$0x3F97];
	_ =	swait.ge [sflag:s4], $0x0  }
0x19: {  	s7 =	sld [smem:$0x3F98]  }
0x1a: {  	s8 =	sadd.s32 $0xFFFFE003, lr  }
0x1b: {  	s9 =	sadd.s32 $0xFFFFFEF7, lr;
	s5 =	simm.s32 $0xFFFFFFFF;
	p2 =	slt.u32 s8, $0xFFFFF086  }
0x1c: {  	p1 =	slt.u32 s9, $0xF7A;
	s5 =	simm.s32 @!p2 $0x0  }
0x1d: {  	s5 =	simm.s32 @p1 $0x1;
	p0 =	seq.s32 s7, s2  }
0x1e: {  	s7 =	smul.u32 @!p0 $0xF7A, s2;
	p2 =	seq.s32 @!p0 s5, $0x0  }
0x1f: {  	s9 =	smul.u32 $0xF7A, s1;
	s8 =	simm.s32 @!p0 $0x1BF5;
	p2 =	por !p2, p0  }
0x20: {  	[sflag:s8] =	ssyncset.s32 @!p0 $0xFFFFF086;
	s6 =	sadd.s32 @!p0 s3, s7;
	s7 =	simm.s32 @!p0 $0x108  }
0x21: {  	s3 =	sadd.s32 s3, s9;
	s6 =	sadd.s32 @!p0 $0x88, s6;
	s7 =	simm.s32 @p2 $0x1082  }
0x22: {  	[simem:s7], [sflag:s8] =	dma.local @!p0 [hbm:s6], $0xF7A  }
0x23: {  	s9 =	sor.u32 $0xD0000000, s2;
	s6 =	simm.s32 $0x108;
	_ =	swait.ge @!p0 [sflag:s8], $0x0  }
0x24: {  	s3 =	sadd.s32 $0x88, s3;
	s6 =	simm.s32 @!p1 $0x1082;
	[sflag:s4] =	ssyncset.s32 $0xFFFFF086  }
0x25: {  	[simem:s6], [sflag:s4] =	dma.local [hbm:s3], $0xF7A  }
0x26: {  	[smem:$0x3F98] =	sst s1;
	(tag) =	ssettag s2;
	_ =	strace s9  }
0x27: {  	s1 =	sld [smem:$0x3FA8]  }
0x28: {  	s2 =	sld [smem:$0x3FA9]  }
0x29: {  	s4 =	sld [smem:$0x3FAB]  }
0x2a: {  	p0 =	seq.s32 s5, $0x0;
	s5 =	sld [smem:$0x3FAC]  }
0x2b: {  	s6 =	sld [smem:$0x3FAD]  }
0x2c: {  	s7 =	sld [smem:$0x3FAE]  }
0x2d: {  	s3 =	simm.s32 $0x108;
	s8 =	sld [smem:$0x3FAF]  }
0x2e: {  	s3 =	simm.s32 @!p0 $0x1082;
	s9 =	sld [smem:$0x3FB0]  }
0x2f: {  	lr =	sadd.s32 s0, s3;
	s0 =	sld [smem:$0x3FA7]  }
0x30: {  	s3 =	sld [smem:$0x3FAA]  }
0x31: {  	[smem:$0x3FB3] =	sst s10  }
0x32: {  	s10 =	sld [smem:$0x3FB1];
	_ =	sdelay $0x3  }
0x33: {  	p0 =	seq.s32 s10, $0x1;
	s10 =	sld [smem:$0x3FB3];
	_ =	sdelay $0x3  }
0x34: {  	[smem:$0x3FB3] =	sst s10  }
0x35: {  	s10 =	sld [smem:$0x3FB2];
	_ =	sdelay $0x3  }
0x36: {  	p1 =	seq.s32 s10, $0x1;
	s10 =	sld [smem:$0x3FB3];
	_ =	sdelay $0x3  }
0x37: {  	[smem:$0x3FB3] =	sst s10  }
0x38: {  	s10 =	sld [smem:$0x3FB4]  }
0x39: {  	_ = 	snop;
	(pc) =	sbr.ind lr, $3  }
0x3a: {  	_ = 	snop  }
0x3b: {  	_ = 	snop  }
0x3c: {  	p2 =	seq.s32 s10, $0x1;
	s10 =	sld [smem:$0x3FB3]  }
0x3d: {  	_ =	shalt  }
0x3e: {  	_ =	shalt  }
0x3f: {  	_ =	shalt  }
0x40: {  	_ =	shalt  }
0x41: {  	_ =	shalt  }
0x42: {  	_ =	shalt  }
0x43: {  	_ =	shalt  }
0x44: {  	_ =	shalt  }
0x45: {  	_ =	shalt  }
0x46: {  	_ =	shalt  }
0x47: {  	_ =	shalt  }
0x48: {  	_ =	shalt  }
0x49: {  	_ =	shalt  }
0x4a: {  	_ =	shalt  }
0x4b: {  	_ =	shalt  }
0x4c: {  	_ =	shalt  }
0x4d: {  	_ =	shalt  }
0x4e: {  	_ =	shalt  }
0x4f: {  	_ =	shalt  }
0x50: {  	_ =	shalt  }
0x51: {  	_ =	shalt  }
0x52: {  	_ =	shalt  }
0x53: {  	_ =	shalt  }
0x54: {  	_ =	shalt  }
0x55: {  	_ =	shalt  }
0x56: {  	_ =	shalt  }
0x57: {  	_ =	shalt  }
0x58: {  	_ =	shalt  }
0x59: {  	_ =	shalt  }
0x5a: {  	_ =	shalt  }
0x5b: {  	_ =	shalt  }
0x5c: {  	_ =	shalt  }
0x5d: {  	_ =	shalt  }
0x5e: {  	_ =	shalt  }
0x5f: {  	_ =	shalt  }
0x60: {  	_ =	shalt  }
0x61: {  	_ =	shalt  }
0x62: {  	_ =	shalt  }
0x63: {  	_ =	shalt  }
0x64: {  	_ =	shalt  }
0x65: {  	_ =	shalt  }
0x66: {  	_ =	shalt  }
0x67: {  	_ =	shalt  }
0x68: {  	_ =	shalt  }
0x69: {  	_ =	shalt  }
0x6a: {  	_ =	shalt  }
0x6b: {  	_ =	shalt  }
0x6c: {  	_ =	shalt  }
0x6d: {  	_ =	shalt  }
0x6e: {  	_ =	shalt  }
0x6f: {  	_ =	shalt  }
0x70: {  	_ =	shalt  }
0x71: {  	_ =	shalt  }
0x72: {  	_ =	shalt  }
0x73: {  	_ =	shalt  }
0x74: {  	_ =	shalt  }
0x75: {  	_ =	shalt  }
0x76: {  	_ =	shalt  }
0x77: {  	_ =	shalt  }
0x78: {  	_ =	shalt  }
0x79: {  	_ =	shalt  }
0x7a: {  	_ =	shalt  }
0x7b: {  	_ =	shalt  }
0x7c: {  	_ =	shalt  }
0x7d: {  	_ =	shalt  }
0x7e: {  	_ =	shalt  }
0x7f: {  	_ =	shalt  }
0x80: {  	_ =	shalt  }
0x81: {  	_ =	shalt  }
0x82: {  	_ =	shalt  }
0x83: {  	_ =	shalt  }
0x84: {  	_ =	shalt  }
0x85: {  	_ =	shalt  }
0x86: {  	_ =	shalt  }
0x87: {  	_ =	shalt  }
.Lfunc_end0:
.L_simem_size_0:
called_computation.1_lowered:
.L_overlay_start_0:
0x88: {  	s2 =	sld [smem:$0x3FD9]  }
0x89: {  	s3 =	sld [smem:$0x3FFE];
	_ =	sdelay $0x1  }
0x8a: {  	s1 =	srdreg.scid  }
0x8b: {  	s0 =	sand.u32 $0x1, s1  }
0x8c: {  	s17 =	sshll.u32 s0, $0xA;
	s2 =	sadd.s32 s3, s2  }
0x8d: {  	s2 =	sadd.s32 s2, s17  }
0x8e: {  	[smem:$0x3FBF] =	sst s2  }
0x8f: {  	_ = 	snop  }
0x90: {  	(tm) =	ssettm $0x1  }
0x91: {  	s18 =	sld [smem:$0x3FFB];
	_ =	sdelay $0x3  }
0x92: {  	_ =	strace s18  }
0x93: {  	s2 =	sld [smem:$0x3FFC];
	_ =	sdelay $0x3  }
0x94: {  	_ =	strace s2  }
0x95: {  	s2 =	sld [smem:$0x3FFD];
	_ =	sdelay $0x3  }
0x96: {  	_ =	strace s2  }
0x97: {  	_ =	strace $0x8FFFFFFF  }
0x98: {  	s19 =	sld [smem:$0x3FDB];
	_ =	sdelay $0x1  }
0x99: {  	s20 =	simm.s32 $_scs_section_size  }
0x9a: {  	s4 =	simm.s32 $_size__tile_overlayer_lowered;
	s5 =	simm.s32 $_tile_overlayer_lowered  }
0x9b: {  	s6 =	simm.s32 $0x1BFF;
	s21 =	sshll.u32 s5, $0x1;
	s3 =	sadd.s32 s20, s19  }
0x9c: {  	s22 =	simm.s32 $0x0;
	s4 =	sshll.u32 s4, $0x1;
	s5 =	sadd.s32 s21, s3  }
0x9d: {  	[timem:s22], [sflag:s6] =	dma.local [hbm:s5], s4  }
0x9e: {  	_ =	swait.ge [sflag:s6], s4  }
0x9f: {  	s4 =	ssub.s32 $0x0, s4;
	[sflag:s6] =	ssyncset.done $0x0  }
0xa0: {  	[sflag:s6] =	ssyncadd.s32 s4;
	_ =	sdelay $0x1  }
0xa1: {  	s23 =	simm.s32 $0x1B8B  }
0xa2: {  	_ =	swait.ge [sflag:s23], $0x1  }
0xa3: {  	[sflag:s23] =	ssyncset.done $0x0  }
0xa4: {  	[sflag:s23] =	ssyncadd.s32 $0xFFFFFFFF  }
0xa5: {  	s4 =	sld [smem:$0x0]  }
0xa6: {  	s5 =	sand.u32 $0xFFFFFFFE, s1  }
0xa7: {  	p0 =	sne.s32 s1, s5  }
0xa8: {  	s5 =	sshll.u32 @p0 s5, $0xE  }
0xa9: {  	s5 =	sadd.s32 @p0 $0x11B8D, s5;
	s6 =	sshll.u32 @p0 s4, $0x11  }
0xaa: {  	s5 =	sor.u32 @p0 s6, s5  }
0xab: {  	[sflag:s5] =	ssyncadd.remote.s32 @p0 $0x1;
	_ =	sdelay $0x1  }
0xac: {  	s5 =	simm.s32 @p0 $0x1B8D  }
0xad: {  	_ =	swait.eq @p0 [sflag:s5], $0x1  }
0xae: {  	[sflag:s5] =	ssyncadd.s32 @p0 $0xFFFFFFFF  }
0xaf: {  	s6 =	sshll.u32 @!p0 s1, $0xE  }
0xb0: {  	s6 =	sor.u32 @!p0 $0x4000, s6;
	s5 =	simm.s32 @!p0 $0x1B8D  }
0xb1: {  	s4 =	sshll.u32 @!p0 s4, $0x11;
	s6 =	sadd.s32 @!p0 $0x11B8D, s6;
	_ =	swait.eq @!p0 [sflag:s5], $0x1  }
0xb2: {  	s4 =	sor.u32 @!p0 s4, s6;
	[sflag:s5] =	ssyncadd.s32 @!p0 $0xFFFFFFFF  }
0xb3: {  	s25 =	simm.s32 $0x1B8E;
	s24 =	sld [smem:$0x3FFE];
	[sflag:s4] =	ssyncadd.remote.s32 @!p0 $0x1  }
0xb4: {  	s26 =	simm.s32 $execute0_lowered;
	[smem:$0x3FD2] =	sst s25  }
0xb5: {  	s5 =	sshll.u32 s26, $0x1;
	_ =	strace $0x8000004C;
	[dreg:$0x1] =	wrdreg $0xFFFFFFFF  }
0xb6: {  	s28 =	simm.s32 $_size_execute0_lowered;
	s3 =	sadd.s32 s3, s5;
	[dreg:$0x0] =	wrdreg $0x0  }
0xb7: {  	s5 =	sshll.u32 s28, $0x1;
	[dreg:$0x2] =	wrdreg s3  }
0xb8: {  	[dreg:$0x3] =	wrdreg s5  }
0xb9: {  	[dreg:$0x4] =	wrdreg $0xC0  }
0xba: {  	_ =	task [dreg:s22], $0x5FFFF  }
0xbb: {  	[dreg:$0x1] =	wrdreg $0xFFFFFFFF  }
0xbc: {  	[dreg:$0x0] =	wrdreg $0x60  }
0xbd: {  	[dreg:$0x2] =	wrdreg s24  }
0xbe: {  	[dreg:$0x3] =	wrdreg $0x9  }
0xbf: {  	_ =	task.clear_ibuf [dreg:s22], $0x4FFFF;
	_ =	strace $0x9000004C  }
0xc0: {  	s29 =	simm.s32 $0x9;
	_ =	strace $0x8000004E  }
0xc1: {  	_ =	swait.ge [sflag:s29], $0x1  }
0xc2: {  	[sflag:s29] =	ssyncadd.s32 $0xFFFFFFFF  }
0xc3: {  	_ =	strace $0x9000004E  }
0xc4: {  	_ =	sfence  }
0xc5: {  	s30 =	sld [smem:$0x0];
	_ =	sdelay $0x2  }
0xc6: {  	s31 =	sshll.u32 s1, $0xD;
	s1 =	sshrl.u32 s1, $0x2  }
0xc7: {  	s4 =	sand.u32 $0x4000, s31;
	s1 =	sadd.s32 s1, s30  }
0xc8: {  	s0 =	sor.u32 s4, s0;
	s1 =	sshll.u32 s1, $0x11  }
0xc9: {  	s0 =	sor.u32 s1, s0  }
0xca: {  	s0 =	sadd.s32 $0x8F2B, s0  }
0xcb: {  	[sflag:s0] =	ssyncadd.remote.s32 $0x1  }
0xcc: {  	_ =	sfence.sel $0xFFFF  }
0xcd: {  	[dreg:$0x0] =	wrdreg $0xFFFFFFFF;
	(pc) =	sbr.abs _section_cstart, $3  }
0xce: {  	[dreg:$0x1] =	wrdreg $0xFFFFFFFF  }
0xcf: {  	_ =	task.clear_ibuf [dreg:s22], $0x2FFFF;
	_ =	strace $0x9FFFFFFF  }
0xd0: {  	(tm) =	ssettm $0x7FFFFFFF  }
0xd1: {  	_ =	shalt  }
tec
execute0_lowered:
.L_overlay_start_1:
0x0: {  	(tag) =	ssettag $0x1  }
0x1: {  	s4 =	rddreg [dreg:$0x0]  }
0x2: {  	s0 =	rddreg [dreg:$0x1];
	s2 =	simm.s32 $0x0;
	s3 =	srdreg.scid  }
0x3: {  	s1 =	stileid.u32;
	s10 =	simm.s32 $0x1200;
	s11 =	simm.s32 $0x100  }
0x4: {  	s12 =	simm.s32 $0x2200;
	s13 =	simm.s32 $0x180;
	s14 =	simm.s32 $0x3200  }
0x5: {  	s15 =	simm.s32 $0x1;
	s16 =	simm.s32 $0x0;
	s6 =	smul.u32 $0x3400, s1  }
0x6: {  	[smem:$0x7FF] =	sst s2;
	s5 =	sand.u32 $0x1, s3;
	s8 =	smul.u32 $0xD000, s1  }
0x7: {  	s3 =	sadd.s32 $0x3600, s4;
	s7 =	smul.u32 $0x1A00, s5;
	s9 =	ssub.s32 $0x2, s5  }
0x8: {  	_ =	strace $0x8000004D;
	s5 =	smul.u32 $0x6800, s5;
	s31 =	sshrl.u32 s9, $0x1  }
0x9: {  	s8 =	sadd.s32 s8, s4;
	s6 =	sadd.s32 s7, s6;
	s7 =	ssub.s32 s9, s31  }
0xa: {  	s5 =	sadd.s32 s5, s8;
	s8 =	simm.s32 $0x80;
	s6 =	sshrl.u32 s6, $0x3  }
0xb: {  	s9 =	simm.s32 $0x200;
	s5 =	sadd.s32 $0xAD5000, s5;
	s6 =	sadd.s32 s6, s4  }
0xc: {  	s4 =	smax.u32 s7, $0x1;
	s7 =	simm.s32 $0x2;
	s6 =	sadd.s32 $0x9EE800, s6  }
.LBB2_1:
0xd: {  	s17 =	sadd.s32 $0x0, s6  }
0xe: {  	[tilespmem:s2], [sflag:$0x2] =	stream.linear.gather [hbm4b:s17+s2], $0x200, $0x38;
	[tilespmem:$0x4200] =	vst v63  }
0xf: {  	_ =	swait.ge [sflag:s7], $0x200  }
0x10: {  	[sflag:s7] =	ssyncset.done $0x0  }
0x11: {  	[sflag:s7] =	ssyncadd.s32 $0xFFFFFE00  }
0x12: {  	[tilespmem:s9], [sflag:$0x1] =	stream.indirect.gather [hbm4b:s3+s8], $0x20, s2, s8, $0xb8;
	[tilespmem:$0x4200] =	vst v63  }
0x13: {  	_ = 	snop  }
0x14: {  	[tilespmem:s10], [sflag:$0x1] =	stream.indirect.gather [hbm4b:s3+s8], $0x20, s8, s8, $0xb8;
	[tilespmem:$0x4200] =	vst v63  }
0x15: {  	_ = 	snop  }
0x16: {  	[tilespmem:s12], [sflag:$0x1] =	stream.indirect.gather [hbm4b:s3+s8], $0x20, s11, s8, $0xb8;
	[tilespmem:$0x4200] =	vst v63  }
0x17: {  	_ = 	snop  }
0x18: {  	[tilespmem:s14], [sflag:$0x1] =	stream.indirect.gather [hbm4b:s3+s8], $0x20, s13, s8, $0xb8;
	[tilespmem:$0x4200] =	vst v63  }
0x19: {  	_ =	swait.ge [sflag:s15], $0x1000  }
0x1a: {  	[sflag:s15] =	ssyncset.done $0x0  }
0x1b: {  	[sflag:s15] =	ssyncadd.s32 $0xFFFFF000  }
0x1c: {  	_ =	swait.ge [sflag:s15], $0x1000  }
0x1d: {  	[sflag:s15] =	ssyncset.done $0x0  }
0x1e: {  	[sflag:s15] =	ssyncadd.s32 $0xFFFFF000  }
0x1f: {  	_ =	swait.ge [sflag:s15], $0x1000  }
0x20: {  	[sflag:s15] =	ssyncset.done $0x0  }
0x21: {  	[sflag:s15] =	ssyncadd.s32 $0xFFFFF000  }
0x22: {  	_ =	swait.ge [sflag:s15], $0x1000  }
0x23: {  	[sflag:s15] =	ssyncset.done $0x0  }
0x24: {  	[sflag:s15] =	ssyncadd.s32 $0xFFFFF000  }
0x25: {  	[hbm4b:s5+s2] =	stream.linear.scatter [tilespmem:s9], [sflag:$0x2], $0x4000, $0x38;
	[tilespmem:$0x4200] =	vst v63  }
0x26: {  	s18 =	simm.s32 $0x40;
	_ =	swait.ge [sflag:s7], $0x4000  }
0x27: {  	s19 =	simm.s32 $0x80;
	s17 =	sadd.s32 $0x800, s5;
	[sflag:s7] =	ssyncset.done $0x0  }
.LBB2_2:
0x28: {  	s20 =	sadd.s32 s18, s6  }
0x29: {  	[sflag:s7] =	ssyncadd.s32 $0xFFFFC000;
	s18 =	smov.u32 s19;
	s21 =	sadd.s32 $0x40, s19  }
0x2a: {  	[tilespmem:s2], [sflag:$0x2] =	stream.linear.gather [hbm4b:s20+s2], $0x200, $0x38;
	[tilespmem:$0x4200] =	vst v63  }
0x2b: {  	p0 =	sne.s32 s19, $0x300;
	_ =	swait.ge [sflag:s7], $0x200  }
0x2c: {  	[sflag:s7] =	ssyncset.done $0x0  }
0x2d: {  	[sflag:s7] =	ssyncadd.s32 $0xFFFFFE00  }
0x2e: {  	[tilespmem:s9], [sflag:$0x1] =	stream.indirect.gather [hbm4b:s3+s8], $0x20, s2, s8, $0xb8;
	[tilespmem:$0x4200] =	vst v63  }
0x2f: {  	_ = 	snop  }
0x30: {  	[tilespmem:s10], [sflag:$0x1] =	stream.indirect.gather [hbm4b:s3+s8], $0x20, s8, s8, $0xb8;
	[tilespmem:$0x4200] =	vst v63  }
0x31: {  	_ = 	snop  }
0x32: {  	[tilespmem:s12], [sflag:$0x1] =	stream.indirect.gather [hbm4b:s3+s8], $0x20, s11, s8, $0xb8;
	[tilespmem:$0x4200] =	vst v63  }
0x33: {  	_ = 	snop  }
0x34: {  	[tilespmem:s14], [sflag:$0x1] =	stream.indirect.gather [hbm4b:s3+s8], $0x20, s13, s8, $0xb8;
	[tilespmem:$0x4200] =	vst v63  }
0x35: {  	_ =	swait.ge [sflag:s15], $0x1000  }
0x36: {  	[sflag:s15] =	ssyncset.done $0x0  }
0x37: {  	[sflag:s15] =	ssyncadd.s32 $0xFFFFF000  }
0x38: {  	_ =	swait.ge [sflag:s15], $0x1000  }
0x39: {  	[sflag:s15] =	ssyncset.done $0x0  }
0x3a: {  	[sflag:s15] =	ssyncadd.s32 $0xFFFFF000  }
0x3b: {  	_ =	swait.ge [sflag:s15], $0x1000  }
0x3c: {  	[sflag:s15] =	ssyncset.done $0x0  }
0x3d: {  	[sflag:s15] =	ssyncadd.s32 $0xFFFFF000  }
0x3e: {  	_ =	swait.ge [sflag:s15], $0x1000  }
.Ltmp0:
0x3f: {  	[sflag:s15] =	ssyncset.done $0x0;
	(pc) =	sbr.rel @p0 .LBB2_2-.Ltmp0, $4  }
0x40: {  	[sflag:s15] =	ssyncadd.s32 $0xFFFFF000  }
0x41: {  	[hbm4b:s17+s2] =	stream.linear.scatter [tilespmem:s9], [sflag:$0x2], $0x4000, $0x38;
	[tilespmem:$0x4200] =	vst v63  }
0x42: {  	_ =	swait.ge [sflag:s7], $0x4000  }
0x43: {  	s19 =	smov.u32 s21;
	s17 =	sadd.s32 $0x800, s17;
	[sflag:s7] =	ssyncset.done $0x0  }
0x44: {  	s18 =	sadd.s32 s18, s6;
	[sflag:s7] =	ssyncadd.s32 $0xFFFFC000  }
0x45: {  	[tilespmem:s2], [sflag:$0x2] =	stream.linear.gather [hbm4b:s18+s2], $0x200, $0x38;
	[tilespmem:$0x4200] =	vst v63  }
0x46: {  	_ =	swait.ge [sflag:s7], $0x200  }
0x47: {  	[sflag:s7] =	ssyncset.done $0x0  }
0x48: {  	[sflag:s7] =	ssyncadd.s32 $0xFFFFFE00  }
0x49: {  	[tilespmem:s9], [sflag:$0x1] =	stream.indirect.gather [hbm4b:s3+s8], $0x20, s2, s8, $0xb8;
	[tilespmem:$0x4200] =	vst v63  }
0x4a: {  	_ = 	snop  }
0x4b: {  	[tilespmem:s10], [sflag:$0x1] =	stream.indirect.gather [hbm4b:s3+s8], $0x20, s8, s8, $0xb8;
	[tilespmem:$0x4200] =	vst v63  }
0x4c: {  	_ = 	snop  }
0x4d: {  	[tilespmem:s12], [sflag:$0x1] =	stream.indirect.gather [hbm4b:s3+s8], $0x20, s11, s8, $0xb8;
	[tilespmem:$0x4200] =	vst v63  }
0x4e: {  	_ = 	snop  }
0x4f: {  	[tilespmem:s14], [sflag:$0x1] =	stream.indirect.gather [hbm4b:s3+s8], $0x20, s13, s8, $0xb8;
	[tilespmem:$0x4200] =	vst v63  }
0x50: {  	_ =	swait.ge [sflag:s15], $0x1000  }
0x51: {  	[sflag:s15] =	ssyncset.done $0x0  }
0x52: {  	[sflag:s15] =	ssyncadd.s32 $0xFFFFF000  }
0x53: {  	_ =	swait.ge [sflag:s15], $0x1000  }
0x54: {  	[sflag:s15] =	ssyncset.done $0x0  }
0x55: {  	[sflag:s15] =	ssyncadd.s32 $0xFFFFF000  }
0x56: {  	_ =	swait.ge [sflag:s15], $0x1000  }
0x57: {  	[sflag:s15] =	ssyncset.done $0x0  }
0x58: {  	[sflag:s15] =	ssyncadd.s32 $0xFFFFF000  }
0x59: {  	s16 =	sadd.s32 $0x1, s16;
	_ =	swait.ge [sflag:s15], $0x1000  }
0x5a: {  	p0 =	sne.s32 s16, s4;
	[sflag:s15] =	ssyncset.done $0x0  }
.Ltmp1:
0x5b: {  	[sflag:s15] =	ssyncadd.s32 $0xFFFFF000;
	(pc) =	sbr.rel @p0 .LBB2_1-.Ltmp1, $4  }
0x5c: {  	[hbm4b:s17+s2] =	stream.linear.scatter [tilespmem:s9], [sflag:$0x2], $0x4000, $0x38;
	[tilespmem:$0x4200] =	vst v63  }
0x5d: {  	_ =	swait.ge [sflag:s7], $0x4000  }
0x5e: {  	[sflag:s7] =	ssyncset.done $0x0  }
0x5f: {  	[sflag:s7] =	ssyncadd.s32 $0xFFFFC000  }
0x60: {  	_ =	sfence.sel $0x180000  }
0x61: {  	[bflag:$0x0] =	sbarrier.arrive $0xFFFF  }
0x62: {  	p0 =	sne.s32 s1, $0x0;
	_ =	strace $0x9000004D  }
0x63: {  	s0 =	sadd.s32 @!p0 $0x100000, s0;
	[bflag:$0x2] =	sbarrier.arrive $0xFFFF  }
0x64: {  	[sflag:s0] =	ssyncadd.tile.s32 @!p0 $0x1;
	_ =	shalt  }
.Lfunc_end2:
_tile_overlayer_lowered:
.L_overlay_start_2:
0x65: {  	(tag) =	ssettag $0x2  }
0x66: {  	s0 =	rddreg [dreg:$0x0];
	s2 =	stileid.u32  }
0x67: {  	s1 =	rddreg [dreg:$0x1];
	p0 =	sne.s32 s2, $0x0  }
0x68: {  	s3 =	rddreg [dreg:$0x2];
	[bflag:$0x3] =	sbarrier.arrive $0xFFFF;
	s2 =	simm.s32 @!p0 $0x1C02  }
0x69: {  	[timem:s3], [sflag:s2] =	dma.local @!p0 [hbm:s0], s1  }
0x6a: {  	s0 =	simm.s32 @!p0 $0x2  }
0x6b: {  	_ =	swait.ge @!p0 [sflag:s0], s1  }
0x6c: {  	s1 =	ssub.s32 @!p0 $0x0, s1;
	[sflag:s0] =	ssyncset.done @!p0 $0x0  }
0x6d: {  	[sflag:s0] =	ssyncadd.s32 @!p0 s1  }
0x6e: {  	[bflag:$0x3] =	sbarrier.arrive $0xFFFF  }
0x6f: {  	_ =	shalt  }

// kernel: kernel.13.cloned.1.call-start
scs
__scs_entry_jumppad:
0x0: {  	(pc) =	sbr.rel $0x88, $3  }
0x1: {  	(tag) =	ssettag $0x0;
	lr =	simm.s32 $0x1  }
0x2: {  	[smem:$0x3F98] =	sst lr;
	_ =	strace $0xD0000000  }
0x3: {  	_ = 	snop  }
0x4: {  	_ = 	snop  }
0x5: {  	_ = 	snop  }
0x6: {  	_ = 	snop  }
0x7: {  	_ = 	snop  }
__scs_overlays_trampoline_lowered:
0x8: {  	[smem:$0x3FA7] =	sst s0  }
0x9: {  	[smem:$0x3FA8] =	sst s1  }
0xa: {  	[smem:$0x3FA9] =	sst s2  }
0xb: {  	[smem:$0x3FAA] =	sst s3  }
0xc: {  	[smem:$0x3FAB] =	sst s4  }
0xd: {  	[smem:$0x3FAC] =	sst s5  }
0xe: {  	[smem:$0x3FAD] =	sst s6  }
0xf: {  	[smem:$0x3FAE] =	sst s7  }
0x10: {  	[smem:$0x3FAF] =	sst s8  }
0x11: {  	[smem:$0x3FB0] =	sst s9;
	s0 =	simm.s32 @!p0 $0x0  }
0x12: {  	s1 =	sld [smem:$0x3F96];
	s0 =	simm.s32 @p0 $0x1  }
0x13: {  	[smem:$0x3FB1] =	sst s0;
	s0 =	simm.s32 @!p1 $0x0  }
0x14: {  	s2 =	sld [smem:$0x3F95];
	s0 =	simm.s32 @p1 $0x1  }
0x15: {  	[smem:$0x3FB2] =	sst s0;
	s0 =	simm.s32 @!p2 $0x0  }
0x16: {  	s3 =	sld [smem:$0x3FDB];
	s0 =	simm.s32 @p2 $0x1  }
0x17: {  	s4 =	simm.s32 $0x1BF5;
	[smem:$0x3FB4] =	sst s0  }
0x18: {  	s0 =	sld [smem:$0x3F97];
	_ =	swait.ge [sflag:s4], $0x0  }
0x19: {  	s7 =	sld [smem:$0x3F98]  }
0x1a: {  	s8 =	sadd.s32 $0xFFFFE003, lr  }
0x1b: {  	s9 =	sadd.s32 $0xFFFFFEF7, lr;
	s5 =	simm.s32 $0xFFFFFFFF;
	p2 =	slt.u32 s8, $0xFFFFF086  }
0x1c: {  	p1 =	slt.u32 s9, $0xF7A;
	s5 =	simm.s32 @!p2 $0x0  }
0x1d: {  	s5 =	simm.s32 @p1 $0x1;
	p0 =	seq.s32 s7, s2  }
0x1e: {  	s7 =	smul.u32 @!p0 $0xF7A, s2;
	p2 =	seq.s32 @!p0 s5, $0x0  }
0x1f: {  	s9 =	smul.u32 $0xF7A, s1;
	s8 =	simm.s32 @!p0 $0x1BF5;
	p2 =	por !p2, p0  }
0x20: {  	[sflag:s8] =	ssyncset.s32 @!p0 $0xFFFFF086;
	s6 =	sadd.s32 @!p0 s3, s7;
	s7 =	simm.s32 @!p0 $0x108  }
0x21: {  	s3 =	sadd.s32 s3, s9;
	s6 =	sadd.s32 @!p0 $0x88, s6;
	s7 =	simm.s32 @p2 $0x1082  }
0x22: {  	[simem:s7], [sflag:s8] =	dma.local @!p0 [hbm:s6], $0xF7A  }
0x23: {  	s9 =	sor.u32 $0xD0000000, s2;
	s6 =	simm.s32 $0x108;
	_ =	swait.ge @!p0 [sflag:s8], $0x0  }
0x24: {  	s3 =	sadd.s32 $0x88, s3;
	s6 =	simm.s32 @!p1 $0x1082;
	[sflag:s4] =	ssyncset.s32 $0xFFFFF086  }
0x25: {  	[simem:s6], [sflag:s4] =	dma.local [hbm:s3], $0xF7A  }
0x26: {  	[smem:$0x3F98] =	sst s1;
	(tag) =	ssettag s2;
	_ =	strace s9  }
0x27: {  	s1 =	sld [smem:$0x3FA8]  }
0x28: {  	s2 =	sld [smem:$0x3FA9]  }
0x29: {  	s4 =	sld [smem:$0x3FAB]  }
0x2a: {  	p0 =	seq.s32 s5, $0x0;
	s5 =	sld [smem:$0x3FAC]  }
0x2b: {  	s6 =	sld [smem:$0x3FAD]  }
0x2c: {  	s7 =	sld [smem:$0x3FAE]  }
0x2d: {  	s3 =	simm.s32 $0x108;
	s8 =	sld [smem:$0x3FAF]  }
0x2e: {  	s3 =	simm.s32 @!p0 $0x1082;
	s9 =	sld [smem:$0x3FB0]  }
0x2f: {  	lr =	sadd.s32 s0, s3;
	s0 =	sld [smem:$0x3FA7]  }
0x30: {  	s3 =	sld [smem:$0x3FAA]  }
0x31: {  	[smem:$0x3FB3] =	sst s10  }
0x32: {  	s10 =	sld [smem:$0x3FB1];
	_ =	sdelay $0x3  }
0x33: {  	p0 =	seq.s32 s10, $0x1;
	s10 =	sld [smem:$0x3FB3];
	_ =	sdelay $0x3  }
0x34: {  	[smem:$0x3FB3] =	sst s10  }
0x35: {  	s10 =	sld [smem:$0x3FB2];
	_ =	sdelay $0x3  }
0x36: {  	p1 =	seq.s32 s10, $0x1;
	s10 =	sld [smem:$0x3FB3];
	_ =	sdelay $0x3  }
0x37: {  	[smem:$0x3FB3] =	sst s10  }
0x38: {  	s10 =	sld [smem:$0x3FB4]  }
0x39: {  	_ = 	snop;
	(pc) =	sbr.ind lr, $3  }
0x3a: {  	_ = 	snop  }
0x3b: {  	_ = 	snop  }
0x3c: {  	p2 =	seq.s32 s10, $0x1;
	s10 =	sld [smem:$0x3FB3]  }
0x3d: {  	_ =	shalt  }
0x3e: {  	_ =	shalt  }
0x3f: {  	_ =	shalt  }
0x40: {  	_ =	shalt  }
0x41: {  	_ =	shalt  }
0x42: {  	_ =	shalt  }
0x43: {  	_ =	shalt  }
0x44: {  	_ =	shalt  }
0x45: {  	_ =	shalt  }
0x46: {  	_ =	shalt  }
0x47: {  	_ =	shalt  }
0x48: {  	_ =	shalt  }
0x49: {  	_ =	shalt  }
0x4a: {  	_ =	shalt  }
0x4b: {  	_ =	shalt  }
0x4c: {  	_ =	shalt  }
0x4d: {  	_ =	shalt  }
0x4e: {  	_ =	shalt  }
0x4f: {  	_ =	shalt  }
0x50: {  	_ =	shalt  }
0x51: {  	_ =	shalt  }
0x52: {  	_ =	shalt  }
0x53: {  	_ =	shalt  }
0x54: {  	_ =	shalt  }
0x55: {  	_ =	shalt  }
0x56: {  	_ =	shalt  }
0x57: {  	_ =	shalt  }
0x58: {  	_ =	shalt  }
0x59: {  	_ =	shalt  }
0x5a: {  	_ =	shalt  }
0x5b: {  	_ =	shalt  }
0x5c: {  	_ =	shalt  }
0x5d: {  	_ =	shalt  }
0x5e: {  	_ =	shalt  }
0x5f: {  	_ =	shalt  }
0x60: {  	_ =	shalt  }
0x61: {  	_ =	shalt  }
0x62: {  	_ =	shalt  }
0x63: {  	_ =	shalt  }
0x64: {  	_ =	shalt  }
0x65: {  	_ =	shalt  }
0x66: {  	_ =	shalt  }
0x67: {  	_ =	shalt  }
0x68: {  	_ =	shalt  }
0x69: {  	_ =	shalt  }
0x6a: {  	_ =	shalt  }
0x6b: {  	_ =	shalt  }
0x6c: {  	_ =	shalt  }
0x6d: {  	_ =	shalt  }
0x6e: {  	_ =	shalt  }
0x6f: {  	_ =	shalt  }
0x70: {  	_ =	shalt  }
0x71: {  	_ =	shalt  }
0x72: {  	_ =	shalt  }
0x73: {  	_ =	shalt  }
0x74: {  	_ =	shalt  }
0x75: {  	_ =	shalt  }
0x76: {  	_ =	shalt  }
0x77: {  	_ =	shalt  }
0x78: {  	_ =	shalt  }
0x79: {  	_ =	shalt  }
0x7a: {  	_ =	shalt  }
0x7b: {  	_ =	shalt  }
0x7c: {  	_ =	shalt  }
0x7d: {  	_ =	shalt  }
0x7e: {  	_ =	shalt  }
0x7f: {  	_ =	shalt  }
0x80: {  	_ =	shalt  }
0x81: {  	_ =	shalt  }
0x82: {  	_ =	shalt  }
0x83: {  	_ =	shalt  }
0x84: {  	_ =	shalt  }
0x85: {  	_ =	shalt  }
0x86: {  	_ =	shalt  }
0x87: {  	_ =	shalt  }
.Lfunc_end0:
.L_simem_size_0:
called_computation.2_lowered:
.L_overlay_start_0:
0x88: {  	s2 =	sld [smem:$0x3FD9]  }
0x89: {  	s3 =	sld [smem:$0x3FFE];
	_ =	sdelay $0x1  }
0x8a: {  	s1 =	srdreg.scid  }
0x8b: {  	s0 =	sand.u32 $0x1, s1  }
0x8c: {  	s16 =	sshll.u32 s0, $0xA;
	s2 =	sadd.s32 s3, s2  }
0x8d: {  	s2 =	sadd.s32 s2, s16  }
0x8e: {  	[smem:$0x3FBF] =	sst s2  }
0x8f: {  	_ = 	snop  }
0x90: {  	(tm) =	ssettm $0x1  }
0x91: {  	s17 =	sld [smem:$0x3FFB];
	_ =	sdelay $0x3  }
0x92: {  	_ =	strace s17  }
0x93: {  	s2 =	sld [smem:$0x3FFC];
	_ =	sdelay $0x3  }
0x94: {  	_ =	strace s2  }
0x95: {  	s2 =	sld [smem:$0x3FFD];
	_ =	sdelay $0x3  }
0x96: {  	_ =	strace s2  }
0x97: {  	_ =	strace $0x8FFFFFFF  }
0x98: {  	s18 =	sld [smem:$0x3FDB];
	_ =	sdelay $0x1  }
0x99: {  	s19 =	simm.s32 $_scs_section_size  }
0x9a: {  	s4 =	simm.s32 $_size__tile_overlayer_lowered;
	s5 =	simm.s32 $_tile_overlayer_lowered  }
0x9b: {  	s22 =	simm.s32 $0x1BFF;
	s21 =	sshll.u32 s5, $0x1;
	s2 =	sadd.s32 s19, s18  }
0x9c: {  	s6 =	simm.s32 $0x0;
	s20 =	sshll.u32 s4, $0x1;
	s4 =	sadd.s32 s21, s2  }
0x9d: {  	[timem:s6], [sflag:s22] =	dma.local [hbm:s4], s20  }
0x9e: {  	_ =	swait.ge [sflag:s22], s20  }
0x9f: {  	s3 =	ssub.s32 $0x0, s20;
	[sflag:s22] =	ssyncset.done $0x0  }
0xa0: {  	[sflag:s22] =	ssyncadd.s32 s3;
	_ =	sdelay $0x1  }
0xa1: {  	s23 =	simm.s32 $0x1B8B  }
0xa2: {  	_ =	swait.ge [sflag:s23], $0x1  }
0xa3: {  	[sflag:s23] =	ssyncset.done $0x0  }
0xa4: {  	s25 =	simm.s32 $0x1B8E;
	s24 =	sld [smem:$0x3FFE];
	[sflag:s23] =	ssyncadd.s32 $0xFFFFFFFF  }
0xa5: {  	s26 =	simm.s32 $execute0_lowered;
	[smem:$0x3FD2] =	sst s25  }
0xa6: {  	s4 =	sshll.u32 s26, $0x1;
	_ =	strace $0x80000049;
	[dreg:$0x1] =	wrdreg $0xFFFFFFFF  }
0xa7: {  	s28 =	simm.s32 $_size_execute0_lowered;
	s2 =	sadd.s32 s2, s4;
	[dreg:$0x0] =	wrdreg $0x0  }
0xa8: {  	s4 =	sshll.u32 s28, $0x1;
	[dreg:$0x2] =	wrdreg s2  }
0xa9: {  	[dreg:$0x3] =	wrdreg s4  }
0xaa: {  	[dreg:$0x4] =	wrdreg $0xC0  }
0xab: {  	_ =	task [dreg:s6], $0x5FFFF  }
0xac: {  	[dreg:$0x1] =	wrdreg $0xFFFFFFFF  }
0xad: {  	[dreg:$0x0] =	wrdreg $0x60  }
0xae: {  	[dreg:$0x2] =	wrdreg s24  }
0xaf: {  	[dreg:$0x3] =	wrdreg $0xA  }
0xb0: {  	_ =	task.clear_ibuf [dreg:s6], $0x4FFFF;
	_ =	strace $0x90000049  }
0xb1: {  	s29 =	simm.s32 $0xA;
	_ =	strace $0x8000004B  }
0xb2: {  	_ =	swait.ge [sflag:s29], $0x1  }
0xb3: {  	[sflag:s29] =	ssyncadd.s32 $0xFFFFFFFF  }
0xb4: {  	_ =	strace $0x9000004B  }
0xb5: {  	_ =	sfence  }
0xb6: {  	s30 =	sld [smem:$0x0];
	_ =	sdelay $0x2  }
0xb7: {  	s31 =	sshll.u32 s1, $0xD;
	s1 =	sshrl.u32 s1, $0x2  }
0xb8: {  	s3 =	sand.u32 $0x4000, s31;
	s1 =	sadd.s32 s1, s30  }
0xb9: {  	s0 =	sor.u32 s3, s0;
	s1 =	sshll.u32 s1, $0x11  }
0xba: {  	s0 =	sor.u32 s1, s0  }
0xbb: {  	s0 =	sadd.s32 $0x8F2B, s0  }
0xbc: {  	[sflag:s0] =	ssyncadd.remote.s32 $0x1  }
0xbd: {  	_ =	sfence.sel $0xFFFF  }
0xbe: {  	[dreg:$0x0] =	wrdreg $0xFFFFFFFF;
	(pc) =	sbr.abs _section_cstart, $3  }
0xbf: {  	[dreg:$0x1] =	wrdreg $0xFFFFFFFF  }
0xc0: {  	_ =	task.clear_ibuf [dreg:s6], $0x2FFFF;
	_ =	strace $0x9FFFFFFF  }
0xc1: {  	(tm) =	ssettm $0x7FFFFFFF  }
tec
execute0_lowered:
.L_overlay_start_1:
0x0: {  	(tag) =	ssettag $0x1  }
0x1: {  	s4 =	rddreg [dreg:$0x0]  }
0x2: {  	s0 =	rddreg [dreg:$0x1];
	s2 =	simm.s32 $0x0;
	s3 =	srdreg.scid  }
0x3: {  	s1 =	stileid.u32;
	s10 =	simm.s32 $0x1200;
	s11 =	simm.s32 $0x100  }
0x4: {  	s12 =	simm.s32 $0x2200;
	s13 =	simm.s32 $0x180;
	s14 =	simm.s32 $0x3200  }
0x5: {  	s15 =	simm.s32 $0x1;
	s16 =	simm.s32 $0x0;
	s6 =	smul.u32 $0x3400, s1  }
0x6: {  	[smem:$0x7FF] =	sst s2;
	s5 =	sand.u32 $0x1, s3;
	s8 =	smul.u32 $0xD000, s1  }
0x7: {  	s3 =	sadd.s32 $0x3600, s4;
	s7 =	smul.u32 $0x1A00, s5;
	s9 =	ssub.s32 $0x2, s5  }
0x8: {  	_ =	strace $0x8000004A;
	s5 =	smul.u32 $0x6800, s5;
	s31 =	sshrl.u32 s9, $0x1  }
0x9: {  	s8 =	sadd.s32 s8, s4;
	s6 =	sadd.s32 s7, s6;
	s7 =	ssub.s32 s9, s31  }
0xa: {  	s5 =	sadd.s32 s5, s8;
	s8 =	simm.s32 $0x80;
	s6 =	sshrl.u32 s6, $0x3  }
0xb: {  	s9 =	simm.s32 $0x200;
	s5 =	sadd.s32 $0xA05000, s5;
	s6 =	sadd.s32 s6, s4  }
0xc: {  	s4 =	smax.u32 s7, $0x1;
	s7 =	simm.s32 $0x2;
	s6 =	sadd.s32 $0x9FE800, s6  }
.LBB2_1:
0xd: {  	s17 =	sadd.s32 $0x0, s6  }
0xe: {  	[tilespmem:s2], [sflag:$0x2] =	stream.linear.gather [hbm4b:s17+s2], $0x200, $0x38;
	[tilespmem:$0x4200] =	vst v63  }
0xf: {  	_ =	swait.ge [sflag:s7], $0x200  }
0x10: {  	[sflag:s7] =	ssyncset.done $0x0  }
0x11: {  	[sflag:s7] =	ssyncadd.s32 $0xFFFFFE00  }
0x12: {  	[tilespmem:s9], [sflag:$0x1] =	stream.indirect.gather [hbm4b:s3+s8], $0x20, s2, s8, $0xb8;
	[tilespmem:$0x4200] =	vst v63  }
0x13: {  	_ = 	snop  }
0x14: {  	[tilespmem:s10], [sflag:$0x1] =	stream.indirect.gather [hbm4b:s3+s8], $0x20, s8, s8, $0xb8;
	[tilespmem:$0x4200] =	vst v63  }
0x15: {  	_ = 	snop  }
0x16: {  	[tilespmem:s12], [sflag:$0x1] =	stream.indirect.gather [hbm4b:s3+s8], $0x20, s11, s8, $0xb8;
	[tilespmem:$0x4200] =	vst v63  }
0x17: {  	_ = 	snop  }
0x18: {  	[tilespmem:s14], [sflag:$0x1] =	stream.indirect.gather [hbm4b:s3+s8], $0x20, s13, s8, $0xb8;
	[tilespmem:$0x4200] =	vst v63  }
0x19: {  	_ =	swait.ge [sflag:s15], $0x1000  }
0x1a: {  	[sflag:s15] =	ssyncset.done $0x0  }
0x1b: {  	[sflag:s15] =	ssyncadd.s32 $0xFFFFF000  }
0x1c: {  	_ =	swait.ge [sflag:s15], $0x1000  }
0x1d: {  	[sflag:s15] =	ssyncset.done $0x0  }
0x1e: {  	[sflag:s15] =	ssyncadd.s32 $0xFFFFF000  }
0x1f: {  	_ =	swait.ge [sflag:s15], $0x1000  }
0x20: {  	[sflag:s15] =	ssyncset.done $0x0  }
0x21: {  	[sflag:s15] =	ssyncadd.s32 $0xFFFFF000  }
0x22: {  	_ =	swait.ge [sflag:s15], $0x1000  }
0x23: {  	[sflag:s15] =	ssyncset.done $0x0  }
0x24: {  	[sflag:s15] =	ssyncadd.s32 $0xFFFFF000  }
0x25: {  	[hbm4b:s5+s2] =	stream.linear.scatter [tilespmem:s9], [sflag:$0x2], $0x4000, $0x38;
	[tilespmem:$0x4200] =	vst v63  }
0x26: {  	s18 =	simm.s32 $0x40;
	_ =	swait.ge [sflag:s7], $0x4000  }
0x27: {  	s19 =	simm.s32 $0x80;
	s17 =	sadd.s32 $0x800, s5;
	[sflag:s7] =	ssyncset.done $0x0  }
.LBB2_2:
0x28: {  	s20 =	sadd.s32 s18, s6  }
0x29: {  	[sflag:s7] =	ssyncadd.s32 $0xFFFFC000;
	s18 =	smov.u32 s19;
	s21 =	sadd.s32 $0x40, s19  }
0x2a: {  	[tilespmem:s2], [sflag:$0x2] =	stream.linear.gather [hbm4b:s20+s2], $0x200, $0x38;
	[tilespmem:$0x4200] =	vst v63  }
0x2b: {  	p0 =	sne.s32 s19, $0x300;
	_ =	swait.ge [sflag:s7], $0x200  }
0x2c: {  	[sflag:s7] =	ssyncset.done $0x0  }
0x2d: {  	[sflag:s7] =	ssyncadd.s32 $0xFFFFFE00  }
0x2e: {  	[tilespmem:s9], [sflag:$0x1] =	stream.indirect.gather [hbm4b:s3+s8], $0x20, s2, s8, $0xb8;
	[tilespmem:$0x4200] =	vst v63  }
0x2f: {  	_ = 	snop  }
0x30: {  	[tilespmem:s10], [sflag:$0x1] =	stream.indirect.gather [hbm4b:s3+s8], $0x20, s8, s8, $0xb8;
	[tilespmem:$0x4200] =	vst v63  }
0x31: {  	_ = 	snop  }
0x32: {  	[tilespmem:s12], [sflag:$0x1] =	stream.indirect.gather [hbm4b:s3+s8], $0x20, s11, s8, $0xb8;
	[tilespmem:$0x4200] =	vst v63  }
0x33: {  	_ = 	snop  }
0x34: {  	[tilespmem:s14], [sflag:$0x1] =	stream.indirect.gather [hbm4b:s3+s8], $0x20, s13, s8, $0xb8;
	[tilespmem:$0x4200] =	vst v63  }
0x35: {  	_ =	swait.ge [sflag:s15], $0x1000  }
0x36: {  	[sflag:s15] =	ssyncset.done $0x0  }
0x37: {  	[sflag:s15] =	ssyncadd.s32 $0xFFFFF000  }
0x38: {  	_ =	swait.ge [sflag:s15], $0x1000  }
0x39: {  	[sflag:s15] =	ssyncset.done $0x0  }
0x3a: {  	[sflag:s15] =	ssyncadd.s32 $0xFFFFF000  }
0x3b: {  	_ =	swait.ge [sflag:s15], $0x1000  }
0x3c: {  	[sflag:s15] =	ssyncset.done $0x0  }
0x3d: {  	[sflag:s15] =	ssyncadd.s32 $0xFFFFF000  }
0x3e: {  	_ =	swait.ge [sflag:s15], $0x1000  }
.Ltmp0:
0x3f: {  	[sflag:s15] =	ssyncset.done $0x0;
	(pc) =	sbr.rel @p0 .LBB2_2-.Ltmp0, $4  }
0x40: {  	[sflag:s15] =	ssyncadd.s32 $0xFFFFF000  }
0x41: {  	[hbm4b:s17+s2] =	stream.linear.scatter [tilespmem:s9], [sflag:$0x2], $0x4000, $0x38;
	[tilespmem:$0x4200] =	vst v63  }
0x42: {  	_ =	swait.ge [sflag:s7], $0x4000  }
0x43: {  	s19 =	smov.u32 s21;
	s17 =	sadd.s32 $0x800, s17;
	[sflag:s7] =	ssyncset.done $0x0  }
0x44: {  	s18 =	sadd.s32 s18, s6;
	[sflag:s7] =	ssyncadd.s32 $0xFFFFC000  }
0x45: {  	[tilespmem:s2], [sflag:$0x2] =	stream.linear.gather [hbm4b:s18+s2], $0x200, $0x38;
	[tilespmem:$0x4200] =	vst v63  }
0x46: {  	_ =	swait.ge [sflag:s7], $0x200  }
0x47: {  	[sflag:s7] =	ssyncset.done $0x0  }
0x48: {  	[sflag:s7] =	ssyncadd.s32 $0xFFFFFE00  }
0x49: {  	[tilespmem:s9], [sflag:$0x1] =	stream.indirect.gather [hbm4b:s3+s8], $0x20, s2, s8, $0xb8;
	[tilespmem:$0x4200] =	vst v63  }
0x4a: {  	_ = 	snop  }
0x4b: {  	[tilespmem:s10], [sflag:$0x1] =	stream.indirect.gather [hbm4b:s3+s8], $0x20, s8, s8, $0xb8;
	[tilespmem:$0x4200] =	vst v63  }
0x4c: {  	_ = 	snop  }
0x4d: {  	[tilespmem:s12], [sflag:$0x1] =	stream.indirect.gather [hbm4b:s3+s8], $0x20, s11, s8, $0xb8;
	[tilespmem:$0x4200] =	vst v63  }
0x4e: {  	_ = 	snop  }
0x4f: {  	[tilespmem:s14], [sflag:$0x1] =	stream.indirect.gather [hbm4b:s3+s8], $0x20, s13, s8, $0xb8;
	[tilespmem:$0x4200] =	vst v63  }
0x50: {  	_ =	swait.ge [sflag:s15], $0x1000  }
0x51: {  	[sflag:s15] =	ssyncset.done $0x0  }
0x52: {  	[sflag:s15] =	ssyncadd.s32 $0xFFFFF000  }
0x53: {  	_ =	swait.ge [sflag:s15], $0x1000  }
0x54: {  	[sflag:s15] =	ssyncset.done $0x0  }
0x55: {  	[sflag:s15] =	ssyncadd.s32 $0xFFFFF000  }
0x56: {  	_ =	swait.ge [sflag:s15], $0x1000  }
0x57: {  	[sflag:s15] =	ssyncset.done $0x0  }
0x58: {  	[sflag:s15] =	ssyncadd.s32 $0xFFFFF000  }
0x59: {  	s16 =	sadd.s32 $0x1, s16;
	_ =	swait.ge [sflag:s15], $0x1000  }
0x5a: {  	p0 =	sne.s32 s16, s4;
	[sflag:s15] =	ssyncset.done $0x0  }
.Ltmp1:
0x5b: {  	[sflag:s15] =	ssyncadd.s32 $0xFFFFF000;
	(pc) =	sbr.rel @p0 .LBB2_1-.Ltmp1, $4  }
0x5c: {  	[hbm4b:s17+s2] =	stream.linear.scatter [tilespmem:s9], [sflag:$0x2], $0x4000, $0x38;
	[tilespmem:$0x4200] =	vst v63  }
0x5d: {  	_ =	swait.ge [sflag:s7], $0x4000  }
0x5e: {  	[sflag:s7] =	ssyncset.done $0x0  }
0x5f: {  	[sflag:s7] =	ssyncadd.s32 $0xFFFFC000  }
0x60: {  	_ =	sfence.sel $0x180000  }
0x61: {  	[bflag:$0x0] =	sbarrier.arrive $0xFFFF  }
0x62: {  	p0 =	sne.s32 s1, $0x0;
	_ =	strace $0x9000004A  }
0x63: {  	s0 =	sadd.s32 @!p0 $0x100000, s0;
	[bflag:$0x2] =	sbarrier.arrive $0xFFFF  }
0x64: {  	[sflag:s0] =	ssyncadd.tile.s32 @!p0 $0x1;
	_ =	shalt  }
.Lfunc_end2:
_tile_overlayer_lowered:
.L_overlay_start_2:
0x65: {  	(tag) =	ssettag $0x2  }
0x66: {  	s0 =	rddreg [dreg:$0x0];
	s2 =	stileid.u32  }
0x67: {  	s1 =	rddreg [dreg:$0x1];
	p0 =	sne.s32 s2, $0x0  }
0x68: {  	s3 =	rddreg [dreg:$0x2];
	[bflag:$0x3] =	sbarrier.arrive $0xFFFF;
	s2 =	simm.s32 @!p0 $0x1C02  }
0x69: {  	[timem:s3], [sflag:s2] =	dma.local @!p0 [hbm:s0], s1  }
0x6a: {  	s0 =	simm.s32 @!p0 $0x2  }
0x6b: {  	_ =	swait.ge @!p0 [sflag:s0], s1  }
0x6c: {  	s1 =	ssub.s32 @!p0 $0x0, s1;
	[sflag:s0] =	ssyncset.done @!p0 $0x0  }
0x6d: {  	[sflag:s0] =	ssyncadd.s32 @!p0 s1  }
0x6e: {  	[bflag:$0x3] =	sbarrier.arrive $0xFFFF  }
0x6f: {  	_ =	shalt  }

// kernel: kernel.7.cloned.1.call-start
scs
__scs_entry_jumppad:
0x0: {  	(pc) =	sbr.rel $0x88, $3  }
0x1: {  	(tag) =	ssettag $0x0;
	lr =	simm.s32 $0x1  }
0x2: {  	[smem:$0x3F98] =	sst lr;
	_ =	strace $0xD0000000  }
0x3: {  	_ = 	snop  }
0x4: {  	_ = 	snop  }
0x5: {  	_ = 	snop  }
0x6: {  	_ = 	snop  }
0x7: {  	_ = 	snop  }
__scs_overlays_trampoline_lowered:
0x8: {  	[smem:$0x3FA7] =	sst s0  }
0x9: {  	[smem:$0x3FA8] =	sst s1  }
0xa: {  	[smem:$0x3FA9] =	sst s2  }
0xb: {  	[smem:$0x3FAA] =	sst s3  }
0xc: {  	[smem:$0x3FAB] =	sst s4  }
0xd: {  	[smem:$0x3FAC] =	sst s5  }
0xe: {  	[smem:$0x3FAD] =	sst s6  }
0xf: {  	[smem:$0x3FAE] =	sst s7  }
0x10: {  	[smem:$0x3FAF] =	sst s8  }
0x11: {  	[smem:$0x3FB0] =	sst s9;
	s0 =	simm.s32 @!p0 $0x0  }
0x12: {  	s1 =	sld [smem:$0x3F96];
	s0 =	simm.s32 @p0 $0x1  }
0x13: {  	[smem:$0x3FB1] =	sst s0;
	s0 =	simm.s32 @!p1 $0x0  }
0x14: {  	s2 =	sld [smem:$0x3F95];
	s0 =	simm.s32 @p1 $0x1  }
0x15: {  	[smem:$0x3FB2] =	sst s0;
	s0 =	simm.s32 @!p2 $0x0  }
0x16: {  	s3 =	sld [smem:$0x3FDB];
	s0 =	simm.s32 @p2 $0x1  }
0x17: {  	s4 =	simm.s32 $0x1BF5;
	[smem:$0x3FB4] =	sst s0  }
0x18: {  	s0 =	sld [smem:$0x3F97];
	_ =	swait.ge [sflag:s4], $0x0  }
0x19: {  	s7 =	sld [smem:$0x3F98]  }
0x1a: {  	s8 =	sadd.s32 $0xFFFFE003, lr  }
0x1b: {  	s9 =	sadd.s32 $0xFFFFFEF7, lr;
	s5 =	simm.s32 $0xFFFFFFFF;
	p2 =	slt.u32 s8, $0xFFFFF086  }
0x1c: {  	p1 =	slt.u32 s9, $0xF7A;
	s5 =	simm.s32 @!p2 $0x0  }
0x1d: {  	s5 =	simm.s32 @p1 $0x1;
	p0 =	seq.s32 s7, s2  }
0x1e: {  	s7 =	smul.u32 @!p0 $0xF7A, s2;
	p2 =	seq.s32 @!p0 s5, $0x0  }
0x1f: {  	s9 =	smul.u32 $0xF7A, s1;
	s8 =	simm.s32 @!p0 $0x1BF5;
	p2 =	por !p2, p0  }
0x20: {  	[sflag:s8] =	ssyncset.s32 @!p0 $0xFFFFF086;
	s6 =	sadd.s32 @!p0 s3, s7;
	s7 =	simm.s32 @!p0 $0x108  }
0x21: {  	s3 =	sadd.s32 s3, s9;
	s6 =	sadd.s32 @!p0 $0x88, s6;
	s7 =	simm.s32 @p2 $0x1082  }
0x22: {  	[simem:s7], [sflag:s8] =	dma.local @!p0 [hbm:s6], $0xF7A  }
0x23: {  	s9 =	sor.u32 $0xD0000000, s2;
	s6 =	simm.s32 $0x108;
	_ =	swait.ge @!p0 [sflag:s8], $0x0  }
0x24: {  	s3 =	sadd.s32 $0x88, s3;
	s6 =	simm.s32 @!p1 $0x1082;
	[sflag:s4] =	ssyncset.s32 $0xFFFFF086  }
0x25: {  	[simem:s6], [sflag:s4] =	dma.local [hbm:s3], $0xF7A  }
0x26: {  	[smem:$0x3F98] =	sst s1;
	(tag) =	ssettag s2;
	_ =	strace s9  }
0x27: {  	s1 =	sld [smem:$0x3FA8]  }
0x28: {  	s2 =	sld [smem:$0x3FA9]  }
0x29: {  	s4 =	sld [smem:$0x3FAB]  }
0x2a: {  	p0 =	seq.s32 s5, $0x0;
	s5 =	sld [smem:$0x3FAC]  }
0x2b: {  	s6 =	sld [smem:$0x3FAD]  }
0x2c: {  	s7 =	sld [smem:$0x3FAE]  }
0x2d: {  	s3 =	simm.s32 $0x108;
	s8 =	sld [smem:$0x3FAF]  }
0x2e: {  	s3 =	simm.s32 @!p0 $0x1082;
	s9 =	sld [smem:$0x3FB0]  }
0x2f: {  	lr =	sadd.s32 s0, s3;
	s0 =	sld [smem:$0x3FA7]  }
0x30: {  	s3 =	sld [smem:$0x3FAA]  }
0x31: {  	[smem:$0x3FB3] =	sst s10  }
0x32: {  	s10 =	sld [smem:$0x3FB1];
	_ =	sdelay $0x3  }
0x33: {  	p0 =	seq.s32 s10, $0x1;
	s10 =	sld [smem:$0x3FB3];
	_ =	sdelay $0x3  }
0x34: {  	[smem:$0x3FB3] =	sst s10  }
0x35: {  	s10 =	sld [smem:$0x3FB2];
	_ =	sdelay $0x3  }
0x36: {  	p1 =	seq.s32 s10, $0x1;
	s10 =	sld [smem:$0x3FB3];
	_ =	sdelay $0x3  }
0x37: {  	[smem:$0x3FB3] =	sst s10  }
0x38: {  	s10 =	sld [smem:$0x3FB4]  }
0x39: {  	_ = 	snop;
	(pc) =	sbr.ind lr, $3  }
0x3a: {  	_ = 	snop  }
0x3b: {  	_ = 	snop  }
0x3c: {  	p2 =	seq.s32 s10, $0x1;
	s10 =	sld [smem:$0x3FB3]  }
0x3d: {  	_ =	shalt  }
0x3e: {  	_ =	shalt  }
0x3f: {  	_ =	shalt  }
0x40: {  	_ =	shalt  }
0x41: {  	_ =	shalt  }
0x42: {  	_ =	shalt  }
0x43: {  	_ =	shalt  }
0x44: {  	_ =	shalt  }
0x45: {  	_ =	shalt  }
0x46: {  	_ =	shalt  }
0x47: {  	_ =	shalt  }
0x48: {  	_ =	shalt  }
0x49: {  	_ =	shalt  }
0x4a: {  	_ =	shalt  }
0x4b: {  	_ =	shalt  }
0x4c: {  	_ =	shalt  }
0x4d: {  	_ =	shalt  }
0x4e: {  	_ =	shalt  }
0x4f: {  	_ =	shalt  }
0x50: {  	_ =	shalt  }
0x51: {  	_ =	shalt  }
0x52: {  	_ =	shalt  }
0x53: {  	_ =	shalt  }
0x54: {  	_ =	shalt  }
0x55: {  	_ =	shalt  }
0x56: {  	_ =	shalt  }
0x57: {  	_ =	shalt  }
0x58: {  	_ =	shalt  }
0x59: {  	_ =	shalt  }
0x5a: {  	_ =	shalt  }
0x5b: {  	_ =	shalt  }
0x5c: {  	_ =	shalt  }
0x5d: {  	_ =	shalt  }
0x5e: {  	_ =	shalt  }
0x5f: {  	_ =	shalt  }
0x60: {  	_ =	shalt  }
0x61: {  	_ =	shalt  }
0x62: {  	_ =	shalt  }
0x63: {  	_ =	shalt  }
0x64: {  	_ =	shalt  }
0x65: {  	_ =	shalt  }
0x66: {  	_ =	shalt  }
0x67: {  	_ =	shalt  }
0x68: {  	_ =	shalt  }
0x69: {  	_ =	shalt  }
0x6a: {  	_ =	shalt  }
0x6b: {  	_ =	shalt  }
0x6c: {  	_ =	shalt  }
0x6d: {  	_ =	shalt  }
0x6e: {  	_ =	shalt  }
0x6f: {  	_ =	shalt  }
0x70: {  	_ =	shalt  }
0x71: {  	_ =	shalt  }
0x72: {  	_ =	shalt  }
0x73: {  	_ =	shalt  }
0x74: {  	_ =	shalt  }
0x75: {  	_ =	shalt  }
0x76: {  	_ =	shalt  }
0x77: {  	_ =	shalt  }
0x78: {  	_ =	shalt  }
0x79: {  	_ =	shalt  }
0x7a: {  	_ =	shalt  }
0x7b: {  	_ =	shalt  }
0x7c: {  	_ =	shalt  }
0x7d: {  	_ =	shalt  }
0x7e: {  	_ =	shalt  }
0x7f: {  	_ =	shalt  }
0x80: {  	_ =	shalt  }
0x81: {  	_ =	shalt  }
0x82: {  	_ =	shalt  }
0x83: {  	_ =	shalt  }
0x84: {  	_ =	shalt  }
0x85: {  	_ =	shalt  }
0x86: {  	_ =	shalt  }
0x87: {  	_ =	shalt  }
.Lfunc_end0:
.L_simem_size_0:
called_computation_lowered:
.L_overlay_start_0:
0x88: {  	s2 =	sld [smem:$0x3FD9]  }
0x89: {  	s3 =	sld [smem:$0x3FFE];
	_ =	sdelay $0x1  }
0x8a: {  	s1 =	srdreg.scid  }
0x8b: {  	s0 =	sand.u32 $0x1, s1  }
0x8c: {  	s17 =	sshll.u32 s0, $0xA;
	s2 =	sadd.s32 s3, s2  }
0x8d: {  	s2 =	sadd.s32 s2, s17  }
0x8e: {  	[smem:$0x3FBF] =	sst s2  }
0x8f: {  	_ = 	snop  }
0x90: {  	s2 =	sld [smem:$0x3FC7];
	(tm) =	ssettm $0x1  }
0x91: {  	s18 =	sld [smem:$0x3FFB];
	_ =	sdelay $0x3  }
0x92: {  	_ =	strace s18  }
0x93: {  	s3 =	sld [smem:$0x3FFC];
	_ =	sdelay $0x3  }
0x94: {  	_ =	strace s3  }
0x95: {  	s3 =	sld [smem:$0x3FFD];
	_ =	sdelay $0x3  }
0x96: {  	_ =	strace s3  }
0x97: {  	_ =	strace $0x8FFFFFFF  }
0x98: {  	s19 =	sld [smem:$0x3FDB];
	_ =	sdelay $0x1  }
0x99: {  	s4 =	simm.s32 $_scs_section_size  }
0x9a: {  	s5 =	simm.s32 $_size__tile_overlayer_lowered;
	s6 =	simm.s32 $_tile_overlayer_lowered  }
0x9b: {  	s22 =	simm.s32 $0x1BFF;
	s21 =	sshll.u32 s6, $0x1;
	s3 =	sadd.s32 s4, s19  }
0x9c: {  	s7 =	simm.s32 $0x0;
	s20 =	sshll.u32 s5, $0x1;
	s5 =	sadd.s32 s21, s3  }
0x9d: {  	[timem:s7], [sflag:s22] =	dma.local [hbm:s5], s20  }
0x9e: {  	_ =	swait.ge [sflag:s22], s20  }
0x9f: {  	s4 =	ssub.s32 $0x0, s20;
	[sflag:s22] =	ssyncset.done $0x0  }
0xa0: {  	[sflag:s22] =	ssyncadd.s32 s4;
	_ =	sdelay $0x1  }
0xa1: {  	s23 =	simm.s32 $0x1B8B  }
0xa2: {  	_ =	swait.ge [sflag:s23], $0x1  }
0xa3: {  	[sflag:s23] =	ssyncset.done $0x0  }
0xa4: {  	s25 =	simm.s32 $0x1B8E;
	s24 =	sld [smem:$0x3FFE];
	[sflag:s23] =	ssyncadd.s32 $0xFFFFFFFF  }
0xa5: {  	s26 =	simm.s32 $execute0_lowered;
	[smem:$0x3FD2] =	sst s25  }
0xa6: {  	s5 =	sshll.u32 s26, $0x1;
	_ =	strace $0x80000046;
	[dreg:$0x1] =	wrdreg $0xFFFFFFFF  }
0xa7: {  	s28 =	simm.s32 $_size_execute0_lowered;
	s3 =	sadd.s32 s3, s5;
	[dreg:$0x0] =	wrdreg $0x0  }
0xa8: {  	s5 =	sshll.u32 s28, $0x1;
	[dreg:$0x2] =	wrdreg s3  }
0xa9: {  	[dreg:$0x3] =	wrdreg s5  }
0xaa: {  	[dreg:$0x4] =	wrdreg $0xC0  }
0xab: {  	_ =	task [dreg:s7], $0x5FFFF  }
0xac: {  	[dreg:$0x1] =	wrdreg $0xFFFFFFFF  }
0xad: {  	[dreg:$0x0] =	wrdreg $0x60  }
0xae: {  	[dreg:$0x2] =	wrdreg s2  }
0xaf: {  	[dreg:$0x3] =	wrdreg s24  }
0xb0: {  	[dreg:$0x4] =	wrdreg $0x9  }
0xb1: {  	_ =	task.clear_ibuf [dreg:s7], $0x5FFFF;
	_ =	strace $0x90000046  }
0xb2: {  	s29 =	simm.s32 $0x9;
	_ =	strace $0x80000048  }
0xb3: {  	_ =	swait.ge [sflag:s29], $0x1  }
0xb4: {  	[sflag:s29] =	ssyncadd.s32 $0xFFFFFFFF  }
0xb5: {  	_ =	strace $0x90000048  }
0xb6: {  	_ =	sfence  }
0xb7: {  	s30 =	sld [smem:$0x0];
	_ =	sdelay $0x2  }
0xb8: {  	s31 =	sshll.u32 s1, $0xD;
	s1 =	sshrl.u32 s1, $0x2  }
0xb9: {  	s3 =	sand.u32 $0x4000, s31;
	s1 =	sadd.s32 s1, s30  }
0xba: {  	s0 =	sor.u32 s3, s0;
	s1 =	sshll.u32 s1, $0x11  }
0xbb: {  	s0 =	sor.u32 s1, s0  }
0xbc: {  	s0 =	sadd.s32 $0x8F2B, s0  }
0xbd: {  	[sflag:s0] =	ssyncadd.remote.s32 $0x1  }
0xbe: {  	_ =	sfence.sel $0xFFFF  }
0xbf: {  	[dreg:$0x0] =	wrdreg $0xFFFFFFFF;
	(pc) =	sbr.abs _section_cstart, $3  }
0xc0: {  	[dreg:$0x1] =	wrdreg $0xFFFFFFFF  }
0xc1: {  	_ =	task.clear_ibuf [dreg:s7], $0x2FFFF;
	_ =	strace $0x9FFFFFFF  }
0xc2: {  	(tm) =	ssettm $0x7FFFFFFF  }
0xc3: {  	_ =	shalt  }
tec
execute0_lowered:
.L_overlay_start_1:
0x0: {  	(tag) =	ssettag $0x1  }
0x1: {  	s2 =	rddreg [dreg:$0x0]  }
0x2: {  	s0 =	rddreg [dreg:$0x1]  }
0x3: {  	s1 =	srdreg.scid;
	s9 =	stileid.u32;
	s3 =	simm.s32 $0x0  }
0x4: {  	s31 =	simm.s32 $0x1;
	s28 =	simm.s32 $0x14200;
	s29 =	simm.s32 $0x3  }
0x5: {  	s1 =	sand.u32 $0x1, s1;
	s4 =	sshll.u32 s9, $0x1;
	[smem:$0x7FF] =	sst s3  }
0x6: {  	p0 =	sgt.u32 s9, $0x6;
	p1 =	sgt.u32 s9, $0xC;
	s4 =	sor.u32 s1, s4  }
0x7: {  	_ =	strace $0x80000047;
	s1 =	ssub.s32 $0x2, s1;
	s5 =	sshll.u32 s4, $0x7  }
0x8: {  	s7 =	sshll.u32 s4, $0x9;
	s18 =	sshrl.u32 s1, $0x1;
	s22 =	smul.u32 $0x30E000, s4  }
0x9: {  	s8 =	sor.u32 $0x20, s4;
	s24 =	smul.u32 $0x30D400, s4;
	s26 =	sor.u32 $0x80, s4  }
0xa: {  	s15 =	sor.u32 $0x40, s4;
	s10 =	sadd.s32 s2, s7;
	[dreg:$0xb] =	wrdreg s26  }
0xb: {  	s16 =	sor.u32 $0x60, s4;
	s19 =	sadd.s32 $0x18700, s10;
	[dreg:$0x3] =	wrdreg s10  }
0xc: {  	s6 =	sadd.s32 s5, s0;
	s20 =	sadd.s32 $0x30E00, s10;
	[dreg:$0x4] =	wrdreg s19  }
0xd: {  	s21 =	sshll.u32 s8, $0x9;
	s10 =	sadd.s32 $0x49500, s10;
	[dreg:$0x5] =	wrdreg s20  }
0xe: {  	s5 =	sadd.s32 $0x3600, s0;
	s23 =	sadd.s32 s2, s21;
	[dreg:$0x6] =	wrdreg s10  }
0xf: {  	s0 =	ssub.s32 s1, s18;
	s6 =	sadd.s32 $0x2800, s6;
	[dreg:$0x7] =	wrdreg s23  }
0x10: {  	s7 =	sshrl.u32 s22, $0x3;
	s0 =	smax.u32 s0, $0x1;
	[dreg:$0xe] =	wrdreg s6  }
0x11: {  	s1 =	sshrl.u32 s24, $0x3;
	s11 =	sadd.s32 $0x18700, s23;
	[dreg:$0x10] =	wrdreg s0  }
0x12: {  	v0 =	vlaneseq.u32;
	s25 =	sadd.s32 $0x30E00, s23;
	s10 =	sadd.s32 $0x49500, s23;
	[dreg:$0x8] =	wrdreg s11  }
.Ltmp0:
0x13: {  	v1 =	vmul.u32 $0x21, v0;
	s7 =	sadd.s32 s2, s7;
	[dreg:$0x9] =	wrdreg s25;
	(pc) =	sbr.rel .LBB2_1-.Ltmp0, $4  }
0x14: {  	s1 =	sadd.s32 s5, s1;
	[dreg:$0xa] =	wrdreg s10;
	s7 =	sadd.s32 $0x18600, s7  }
0x15: {  	v2 =	vor.u32 $0x10, v0;
	v3 =	vadd.s32 $0x210, v1;
	s26 =	simm.s32 $0x2;
	s30 =	sadd.s32 $0x61800, s1;
	[dreg:$0xc] =	wrdreg s7  }
0x16: {  	v4 =	vadd.s32 $0x420, v1;
	v5 =	vadd.s32 $0x630, v1;
	v6 =	vadd.s32 $0x840, v1;
	s0 =	simm.s32 $0xC000;
	s1 =	sadd.s32 $0x61A00, s1;
	[dreg:$0xd] =	wrdreg s30  }
0x17: {  	v7 =	vadd.s32 $0xA50, v1;
	v8 =	vadd.s32 $0xC60, v1;
	v9 =	vadd.s32 $0xE70, v1;
	[dreg:$0xf] =	wrdreg s1;
	s1 =	simm.s32 $0x10200;
	s7 =	simm.s32 $0x0  }
.LBB2_31:
0x18: {  	s7 =	sadd.s32 $0x1, s7;
	s6 =	rddreg [dreg:$0x10]  }
0x19: {  	p2 =	sne.s32 s7, s6  }
.Ltmp1:
0x1a: {  	_ = 	snop;
	(pc) =	sbr.rel @!p2 .LBB2_32-.Ltmp1, $1  }
0x1b: {  	_ =	sdelay $0x3  }
.LBB2_1:
0x1c: {  	s6 =	rddreg [dreg:$0x3]  }
0x1d: {  	[tilespmem:s3], [sflag:$0x1] =	stream.linear.gather [hbm4b:s6+s3], $0x1000, $0x38;
	[tilespmem:$0x1C200] =	vst v63  }
0x1e: {  	s11 =	rddreg [dreg:$0x4];
	s12 =	simm.s32 $0x1000  }
0x1f: {  	[tilespmem:s12], [sflag:$0x1] =	stream.linear.gather [hbm4b:s11+s3], $0x1000, $0x38;
	[tilespmem:$0x1C200] =	vst v63  }
0x20: {  	s13 =	rddreg [dreg:$0x5];
	s14 =	simm.s32 $0x2000  }
0x21: {  	[tilespmem:s14], [sflag:$0x1] =	stream.linear.gather [hbm4b:s13+s3], $0x1000, $0x38;
	[tilespmem:$0x1C200] =	vst v63  }
0x22: {  	s17 =	rddreg [dreg:$0x6];
	s18 =	simm.s32 $0x3000  }
0x23: {  	[tilespmem:s18], [sflag:$0x1] =	stream.linear.gather [hbm4b:s17+s3], $0x1000, $0x38;
	[tilespmem:$0x1C200] =	vst v63  }
0x24: {  	s19 =	rddreg [dreg:$0x7];
	s20 =	simm.s32 $0x4000  }
0x25: {  	[tilespmem:s20], [sflag:$0x2] =	stream.linear.gather [hbm4b:s19+s3], $0x1000, $0x38;
	[tilespmem:$0x1C200] =	vst v63  }
0x26: {  	s21 =	rddreg [dreg:$0x8];
	s22 =	simm.s32 $0x5000  }
0x27: {  	[tilespmem:s22], [sflag:$0x2] =	stream.linear.gather [hbm4b:s21+s3], $0x1000, $0x38;
	[tilespmem:$0x1C200] =	vst v63  }
.Ltmp2:
0x28: {  	[dreg:$0x11] =	wrdreg s7;
	(pc) =	sbr.rel .LBB2_2-.Ltmp2, $4  }
0x29: {  	s23 =	rddreg [dreg:$0x9];
	s24 =	simm.s32 $0x6000  }
0x2a: {  	[tilespmem:s24], [sflag:$0x2] =	stream.linear.gather [hbm4b:s23+s3], $0x1000, $0x38;
	[tilespmem:$0x1C200] =	vst v63  }
0x2b: {  	s25 =	rddreg [dreg:$0xa];
	s30 =	simm.s32 $0x7000;
	s24 =	simm.s32 $0x0  }
0x2c: {  	[tilespmem:s30], [sflag:$0x2] =	stream.linear.gather [hbm4b:s25+s3], $0x1000, $0x38;
	[tilespmem:$0x1C200] =	vst v63  }
.LBB2_22:
0x2d: {  	s24 =	sadd.s32 $0x1, s24  }
0x2e: {  	p2 =	sne.s32 s24, $0x35  }
.Ltmp3:
0x2f: {  	_ = 	snop;
	(pc) =	sbr.rel @!p2 .LBB2_23-.Ltmp3, $1  }
0x30: {  	_ =	sdelay $0x3  }
.LBB2_2:
0x31: {  	s7 =	smul.u32 $0x60, s24;
	_ =	sdelay $0x1  }
0x32: {  	s25 =	sadd.s32 s15, s7  }
0x33: {  	_ =	swait.ge [sflag:s31], $0x1000;
	p3 =	sgt.u32 s25, $0x13CD  }
0x34: {  	[sflag:s31] =	ssyncset.done $0x0;
	s6 =	smul.u32 @!p3 $0xA80B, s25  }
0x35: {  	[sflag:s31] =	ssyncadd.s32 $0xFFFFF000  }
0x36: {  	_ =	swait.ge [sflag:s31], $0x1000;
	s6 =	sshrl.u32 @!p3 s6, $0x17  }
0x37: {  	[sflag:s31] =	ssyncset.done $0x0;
	s9 =	smul.u32 @!p3 $0xC3, s6  }
0x38: {  	[sflag:s31] =	ssyncadd.s32 $0xFFFFF000  }
0x39: {  	_ =	swait.ge [sflag:s31], $0x1000;
	s9 =	ssub.s32 @!p3 s25, s9  }
0x3a: {  	[sflag:s31] =	ssyncset.done $0x0;
	s6 =	smul.u32 @!p3 $0x30E000, s6;
	s9 =	sand.u32 @!p3 $0xFFFF, s9  }
0x3b: {  	[sflag:s31] =	ssyncadd.s32 $0xFFFFF000;
	s9 =	sshll.u32 @!p3 s9, $0xC  }
0x3c: {  	_ =	swait.ge [sflag:s31], $0x1000;
	s6 =	sadd.s32 @!p3 s9, s6  }
0x3d: {  	s10 =	simm.s32 @!p3 $0x8000;
	[sflag:s31] =	ssyncset.done $0x0;
	s6 =	sshrl.u32 @!p3 s6, $0x3  }
0x3e: {  	[sflag:s31] =	ssyncadd.s32 $0xFFFFF000;
	s9 =	simm.s32 @!p3 $0x0;
	s6 =	sadd.s32 @!p3 s2, s6  }
0x3f: {  	[tilespmem:s10], [sflag:$0x3] =	stream.linear.gather @!p3 [hbm4b:s6+s9], $0x1000, $0x38;
	[tilespmem:$0x1C200] =	vst v63  }
0x40: {  	s11 =	simm.s32 @!p3 $0x9000;
	s10 =	sadd.s32 @!p3 $0x18700, s6  }
0x41: {  	[tilespmem:s11], [sflag:$0x3] =	stream.linear.gather @!p3 [hbm4b:s10+s9], $0x1000, $0x38;
	[tilespmem:$0x1C200] =	vst v63  }
0x42: {  	s22 =	sor.u32 s4, s7;
	s12 =	simm.s32 @!p3 $0xA000;
	s11 =	sadd.s32 @!p3 $0x30E00, s6  }
0x43: {  	[tilespmem:s12], [sflag:$0x3] =	stream.linear.gather @!p3 [hbm4b:s11+s9], $0x1000, $0x38;
	[tilespmem:$0x1C200] =	vst v63  }
0x44: {  	s23 =	smul.u32 $0xA80B, s22;
	s6 =	sadd.s32 @!p3 $0x49500, s6;
	s12 =	simm.s32 @!p3 $0xB000  }
0x45: {  	[tilespmem:s12], [sflag:$0x3] =	stream.linear.gather @!p3 [hbm4b:s6+s9], $0x1000, $0x38;
	[tilespmem:$0x1C200] =	vst v63  }
0x46: {  	p2 =	seq.s32 s24, $0x0;
	s9 =	sshrl.u32 s23, $0x17  }
0x47: {  	s11 =	simm.s32 @!p2 $0x4;
	s30 =	smul.u32 $0xC3, s9  }
0x48: {  	s13 =	simm.s32 $0x0;
	_ =	swait.ge @!p2 [sflag:s11], $0x4000  }
0x49: {  	s14 =	simm.s32 $0x0;
	[sflag:s11] =	ssyncset.done @!p2 $0x0;
	s6 =	ssub.s32 s22, s30  }
0x4a: {  	s12 =	simm.s32 $0x0;
	[sflag:s11] =	ssyncadd.s32 @!p2 $0xFFFFC000;
	s10 =	sand.u32 $0xFFFF, s6  }
.LBB2_3:
0x4b: {  	s6 =	sshll.u32 s13, $0x2;
	s11 =	sand.u32 $0x7, s12  }
0x4c: {  	s6 =	sand.u32 $0xFFFFC000, s6;
	s11 =	sshll.u32 s11, $0x9  }
0x4d: {  	s6 =	sor.u32 s11, s6  }
0x4e: {  	s6 =	sshrl.u32 s6, $0x2  }
0x4f: {  	v10 =	vadd.s32 s14, v1;
	s19 =	simm.s32 $0x840;
	s18 =	sor.u32 $0x40, s6  }
0x50: {  	v21 =	vadd.s32 s19, v10;
	v18 =	vld [tilespmem:s18+$0x0]  }
0x51: {  	s20 =	simm.s32 $0x0;
	v11 =	vld [tilespmem:s18+$0xFFFFFFD0]  }
0x52: {  	s22 =	simm.s32 $0xC60;
	v22 =	vadd.s32 s20, v10;
	v23 =	vld [tilespmem:s18+$0xFFFFFFC0]  }
0x53: {  	s19 =	simm.s32 $0xE70;
	v16 =	vadd.s32 s22, v10;
	v15 =	vld [tilespmem:s18+$0x20]  }
0x54: {  	s23 =	simm.s32 $0xA50;
	v20 =	vadd.s32 s19, v10;
	v14 =	vld [tilespmem:s18+$0x30]  }
0x55: {  	s21 =	simm.s32 $0x420;
	v17 =	vld [tilespmem:s18+$0x10];
	[tilespmem:v21+s0+$0x0] =	vst.idx.msk $0xffff, v18;
	v21 =	vadd.s32 s23, v10  }
0x56: {  	s30 =	simm.s32 $0x210;
	s20 =	simm.s32 $0x630;
	v12 =	vadd.s32 s21, v10;
	v19 =	vld [tilespmem:s18+$0xFFFFFFE0]  }
0x57: {  	v13 =	vadd.s32 s20, v10;
	s11 =	simm.s32 $0x1EF0;
	s6 =	simm.s32 $0x0;
	[tilespmem:v22+s0+$0x0] =	vst.idx.msk $0xffff, v23;
	v18 =	vadd.s32 s30, v10;
	v22 =	vld [tilespmem:s18+$0xFFFFFFF0];
	s18 =	sadd.s32 $0x400, s18  }
.LBB2_4:
0x58: {  	s19 =	sadd.s32 $0xFFFFF190, s11;
	s20 =	sadd.s32 $0xFFFFF7C0, s11;
	v23 =	vld [tilespmem:s18+$0x0];
	s22 =	sadd.s32 $0xFFFFF9D0, s11;
	[tilespmem:v16+s0+$0x0] =	vst.idx.msk $0xffff, v15  }
0x59: {  	s6 =	sadd.s32 $0x8, s6;
	v24 =	vadd.s32 s19, v10;
	v25 =	vld [tilespmem:s18+$0xFFFFFFD0];
	s19 =	sadd.s32 $0xFFFFF5B0, s11;
	v26 =	vadd.s32 s22, v10;
	s22 =	sadd.s32 $0xFFFFFDF0, s11;
	[tilespmem:v20+s0+$0x0] =	vst.idx.msk $0xffff, v14  }
0x5a: {  	p4 =	slt.u32 s6, $0x18;
	v27 =	vld [tilespmem:s18+$0xFFFFFFC0];
	v14 =	vadd.s32 s19, v10;
	v16 =	vadd.s32 s22, v10;
	[tilespmem:v21+s0+$0x0] =	vst.idx.msk $0xffff, v17  }
.Ltmp4:
0x5b: {  	v17 =	vadd.s32 s20, v10;
	v15 =	vld [tilespmem:s18+$0x20];
	[tilespmem:v12+s0+$0x0] =	vst.idx.msk $0xffff, v19;
	v12 =	vmov v14;
	(pc) =	sbr.rel @p4 .LBB2_4-.Ltmp4, $4  }
0x5c: {  	v20 =	vadd.s32 s11, v10;
	s19 =	sadd.s32 $0xFFFFFBE0, s11;
	v14 =	vld [tilespmem:s18+$0x30];
	[tilespmem:v13+s0+$0x0] =	vst.idx.msk $0xffff, v22;
	v13 =	vmov v17  }
0x5d: {  	v21 =	vadd.s32 s19, v10;
	v17 =	vld [tilespmem:s18+$0x10];
	[tilespmem:v18+s0+$0x0] =	vst.idx.msk $0xffff, v11  }
0x5e: {  	s19 =	sadd.s32 $0xFFFFF3A0, s11;
	v19 =	vld [tilespmem:s18+$0xFFFFFFE0];
	[tilespmem:v26+s0+$0x0] =	vst.idx.msk $0xffff, v23;
	v11 =	vmov v25  }
0x5f: {  	s11 =	sadd.s32 $0x1080, s11;
	v18 =	vadd.s32 s19, v10;
	[tilespmem:v24+s0+$0x0] =	vst.idx.msk $0xffff, v27;
	v22 =	vld [tilespmem:s18+$0xFFFFFFF0];
	s18 =	sadd.s32 $0x400, s18  }
0x60: {  	_ =	sdelay $0x2  }
0x61: {  	s14 =	sadd.s32 $0x1, s14  }
0x62: {  	[tilespmem:v16+s0+$0x0] =	vst.idx.msk $0xffff, v15;
	p4 =	sne.s32 s14, $0x20  }
.Ltmp5:
0x63: {  	[tilespmem:v18+s0+$0x0] =	vst.idx.msk $0xffff, v11;
	(pc) =	sbr.rel @p4 .LBB2_3-.Ltmp5, $4  }
0x64: {  	[tilespmem:v20+s0+$0x0] =	vst.idx.msk $0xffff, v14  }
0x65: {  	[tilespmem:v21+s0+$0x0] =	vst.idx.msk $0xffff, v17  }
0x66: {  	[tilespmem:v12+s0+$0x0] =	vst.idx.msk $0xffff, v19  }
0x67: {  	s13 =	sadd.s32 $0x200, s13;
	s12 =	sadd.s32 $0x1, s12;
	[tilespmem:v13+s0+$0x0] =	vst.idx.msk $0xffff, v22  }
0x68: {  	s6 =	simm.s32 $0xE7  }
0x69: {  	s11 =	simm.s32 $0xC6;
	v10 =	vadd.s32 s6, v0  }
0x6a: {  	v11 =	vadd.s32 s11, v0  }
0x6b: {  	s12 =	simm.s32 $0x0;
	v12 =	vadd.s32 s11, v2  }
0x6c: {  	v13 =	vadd.s32 s12, v0  }
0x6d: {  	s20 =	simm.s32 $0x21;
	v14 =	vadd.s32 s12, v2  }
0x6e: {  	v15 =	vadd.s32 s20, v0;
	v10 =	vld.idx.msk [tilespmem:v10+s0+$0x0], $0xffff  }
0x6f: {  	s21 =	simm.s32 $0x42;
	v16 =	vadd.s32 s20, v2;
	v11 =	vld.idx.msk [tilespmem:v11+s0+$0x0], $0xffff  }
0x70: {  	v19 =	vadd.s32 s21, v0;
	v12 =	vld.idx.msk [tilespmem:v12+s0+$0x0], $0xffff  }
0x71: {  	s22 =	simm.s32 $0x63;
	v20 =	vadd.s32 s21, v2;
	v13 =	vld.idx.msk [tilespmem:v13+s0+$0x0], $0xffff  }
0x72: {  	v21 =	vadd.s32 s22, v0;
	v22 =	vld.idx.msk [tilespmem:v14+s0+$0x0], $0xffff  }
0x73: {  	s13 =	simm.s32 $0xE0;
	s23 =	simm.s32 $0x84;
	v23 =	vadd.s32 s22, v2;
	v18 =	vld.idx.msk [tilespmem:v15+s0+$0x0], $0xffff  }
0x74: {  	s14 =	simm.s32 $0x0;
	s18 =	simm.s32 $0xC0;
	s12 =	simm.s32 $0x10280;
	v17 =	vld.idx.msk [tilespmem:v16+s0+$0x0], $0xffff;
	v15 =	vadd.s32 s23, v0  }
0x75: {  	s19 =	simm.s32 $0x20;
	s30 =	simm.s32 $0xA0;
	s22 =	simm.s32 $0xA5;
	v16 =	vld.idx.msk [tilespmem:v19+s0+$0x0], $0xffff;
	v14 =	vadd.s32 s23, v2;
	[tilespmem:s12+$0x40] =	vst v11  }
0x76: {  	s18 =	sor.u32 $0x50, s18;
	s20 =	simm.s32 $0x40;
	s21 =	simm.s32 $0x60;
	v19 =	vld.idx.msk [tilespmem:v20+s0+$0x0], $0xffff;
	[tilespmem:s12+$0xFFFFFF80] =	vst v13;
	v13 =	vadd.s32 s22, v0  }
0x77: {  	s11 =	sor.u32 $0x30, s30;
	s20 =	sor.u32 $0x50, s20;
	v20 =	vld.idx.msk [tilespmem:v21+s0+$0x0], $0xffff;
	v11 =	vadd.s32 s6, v2;
	s6 =	simm.s32 $0x1EF;
	[tilespmem:s18+$0x10200] =	vst v12;
	v12 =	vadd.s32 s22, v2  }
0x78: {  	v21 =	vld.idx.msk [tilespmem:v23+s0+$0x0], $0xffff;
	[tilespmem:s12+$0xFFFFFF90] =	vst v22;
	s18 =	sor.u32 $0x30, s19;
	s19 =	sor.u32 $0x70, s21;
	s22 =	sor.u32 $0x70, s13  }
.LBB2_7:
0x79: {  	s21 =	sadd.s32 $0xFFFFFF3A, s6;
	s23 =	sadd.s32 $0xFFFFFF5B, s6;
	s30 =	sadd.s32 $0xFFFFFFDF, s6;
	v22 =	vadd.s32 s6, v0;
	v23 =	vadd.s32 s6, v2;
	[tilespmem:s12+$0xFFFFFFA0] =	vst v18;
	v18 =	vld.idx.msk [tilespmem:v15+s0+$0x0], $0xffff  }
0x7a: {  	s17 =	sadd.s32 $0xFFFFFF9D, s6;
	s14 =	sadd.s32 $0x8, s14;
	v24 =	vadd.s32 s21, v0;
	v25 =	vadd.s32 s21, v2;
	s21 =	sadd.s32 $0xFFFFFF7C, s6;
	v26 =	vadd.s32 s30, v0;
	[tilespmem:s18+$0x10200] =	vst v17;
	v17 =	vld.idx.msk [tilespmem:v14+s0+$0x0], $0xffff  }
0x7b: {  	s18 =	sadd.s32 $0xFFFFFF19, s6;
	v27 =	vadd.s32 s23, v0;
	v28 =	vadd.s32 s23, v2;
	s23 =	sadd.s32 $0xFFFFFFBE, s6;
	v29 =	vadd.s32 s30, v2;
	p4 =	slt.u32 s14, $0x1F8;
	[tilespmem:s12+$0xFFFFFFC0] =	vst v16;
	v16 =	vld.idx.msk [tilespmem:v13+s0+$0x0], $0xffff  }
0x7c: {  	v30 =	vadd.s32 s18, v0;
	v31 =	vadd.s32 s18, v2;
	v32 =	vadd.s32 s21, v0;
	[tilespmem:s20+$0x10200] =	vst v19;
	v19 =	vld.idx.msk [tilespmem:v12+s0+$0x0], $0xffff  }
0x7d: {  	v15 =	vadd.s32 s17, v0;
	v14 =	vadd.s32 s17, v2;
	v33 =	vadd.s32 s21, v2;
	[tilespmem:s12+$0xFFFFFFE0] =	vst v20;
	v20 =	vld.idx.msk [tilespmem:v11+s0+$0x0], $0xffff;
	v11 =	vmovc v23  }
0x7e: {  	v13 =	vadd.s32 s23, v0;
	v12 =	vadd.s32 s23, v2;
	v22 =	vld.idx.msk [tilespmem:v22+s0+$0x0], $0xffff;
	[tilespmem:s19+$0x10200] =	vst v21  }
0x7f: {  	v21 =	vld.idx.msk [tilespmem:v26+s0+$0x0], $0xffff;
	[tilespmem:s12+$0x0] =	vst v18  }
0x80: {  	v23 =	vld.idx.msk [tilespmem:v29+s0+$0x0], $0xffff;
	[tilespmem:s12+$0x10] =	vst v17  }
0x81: {  	v26 =	vld.idx.msk [tilespmem:v30+s0+$0x0], $0xffff;
	[tilespmem:s12+$0x20] =	vst v16  }
0x82: {  	s13 =	sadd.s32 $0x100, s13;
	v29 =	vld.idx.msk [tilespmem:v31+s0+$0x0], $0xffff;
	[tilespmem:s11+$0x10200] =	vst v19  }
0x83: {  	s17 =	sadd.s32 $0xFFFFFFE0, s13;
	v18 =	vld.idx.msk [tilespmem:v24+s0+$0x0], $0xffff;
	[tilespmem:s12+$0x60] =	vst v10  }
.Ltmp6:
0x84: {  	s11 =	sadd.s32 $0xFFFFFF40, s13;
	s12 =	sadd.s32 $0x100, s12;
	v17 =	vld.idx.msk [tilespmem:v25+s0+$0x0], $0xffff;
	[tilespmem:s22+$0x10200] =	vst v20;
	(pc) =	sbr.rel @p4 .LBB2_7-.Ltmp6, $4  }
0x85: {  	s21 =	sadd.s32 $0xFFFFFF80, s13;
	s17 =	sor.u32 $0x50, s17;
	s19 =	sadd.s32 $0xFFFFFF60, s13;
	v10 =	vmov v22;
	v16 =	vld.idx.msk [tilespmem:v27+s0+$0x0], $0xffff;
	[tilespmem:s12+$0x40] =	vst v21  }
0x86: {  	s20 =	sor.u32 $0x50, s19;
	s18 =	sor.u32 $0x30, s11;
	s11 =	sadd.s32 $0xFFFFFFC0, s13;
	v19 =	vld.idx.msk [tilespmem:v28+s0+$0x0], $0xffff;
	[tilespmem:s17+$0x10200] =	vst v23  }
0x87: {  	s19 =	sor.u32 $0x70, s21;
	s11 =	sor.u32 $0x30, s11;
	s22 =	sor.u32 $0x70, s13;
	[tilespmem:s12+$0xFFFFFF80] =	vst v26;
	v20 =	vld.idx.msk [tilespmem:v32+s0+$0x0], $0xffff  }
0x88: {  	s6 =	sadd.s32 $0x108, s6;
	[tilespmem:s12+$0xFFFFFF90] =	vst v29;
	v21 =	vld.idx.msk [tilespmem:v33+s0+$0x0], $0xffff  }
0x89: {  	_ =	sdelay $0x2  }
0x8a: {  	[tilespmem:s12+$0xFFFFFFA0] =	vst v18  }
0x8b: {  	v11 =	vld.idx.msk [tilespmem:v11+s0+$0x0], $0xffff;
	[tilespmem:s12+$0x60] =	vst v10  }
0x8c: {  	v15 =	vld.idx.msk [tilespmem:v15+s0+$0x0], $0xffff;
	[tilespmem:s18+$0x10200] =	vst v17  }
0x8d: {  	v14 =	vld.idx.msk [tilespmem:v14+s0+$0x0], $0xffff;
	[tilespmem:s12+$0xFFFFFFC0] =	vst v16  }
0x8e: {  	v13 =	vld.idx.msk [tilespmem:v13+s0+$0x0], $0xffff;
	[tilespmem:s20+$0x10200] =	vst v19  }
0x8f: {  	[tilespmem:s12+$0xFFFFFFE0] =	vst v20  }
0x90: {  	v12 =	vld.idx.msk [tilespmem:v12+s0+$0x0], $0xffff;
	[tilespmem:s19+$0x10200] =	vst v21  }
0x91: {  	[tilespmem:s12+$0x0] =	vst v15  }
0x92: {  	s6 =	smul.u32 $0x61A80, s9;
	[tilespmem:s12+$0x10] =	vst v14  }
0x93: {  	[tilespmem:s12+$0x20] =	vst v13  }
0x94: {  	s21 =	sshll.u32 s10, $0xB;
	s6 =	sadd.s32 s5, s6;
	[tilespmem:s22+$0x10200] =	vst v11  }
0x95: {  	s6 =	sadd.s32 s21, s6;
	[tilespmem:s11+$0x10200] =	vst v12  }
0x96: {  	[hbm4b:s6+s3] =	stream.linear.scatter [tilespmem:s1], [sflag:$0x4], $0x4000, $0x38;
	[tilespmem:$0x1C200] =	vst v63  }
0x97: {  	s6 =	sadd.s32 s16, s7  }
0x98: {  	_ =	swait.ge [sflag:s26], $0x1000;
	p4 =	sgt.u32 s6, $0x13CD  }
0x99: {  	[sflag:s26] =	ssyncset.done $0x0;
	s9 =	smul.u32 @!p4 $0xA80B, s6  }
0x9a: {  	[sflag:s26] =	ssyncadd.s32 $0xFFFFF000  }
0x9b: {  	_ =	swait.ge [sflag:s26], $0x1000;
	s9 =	sshrl.u32 @!p4 s9, $0x17  }
0x9c: {  	[sflag:s26] =	ssyncset.done $0x0;
	s10 =	smul.u32 @!p4 $0xC3, s9  }
0x9d: {  	[sflag:s26] =	ssyncadd.s32 $0xFFFFF000  }
0x9e: {  	_ =	swait.ge [sflag:s26], $0x1000;
	s6 =	ssub.s32 @!p4 s6, s10  }
0x9f: {  	s9 =	smul.u32 @!p4 $0x30E000, s9;
	[sflag:s26] =	ssyncset.done $0x0;
	s6 =	sand.u32 @!p4 $0xFFFF, s6  }
0xa0: {  	[sflag:s26] =	ssyncadd.s32 $0xFFFFF000;
	s6 =	sshll.u32 @!p4 s6, $0xC  }
0xa1: {  	_ =	swait.ge [sflag:s26], $0x1000;
	s6 =	sadd.s32 @!p4 s6, s9  }
0xa2: {  	[sflag:s26] =	ssyncset.done $0x0;
	s6 =	sshrl.u32 @!p4 s6, $0x3  }
0xa3: {  	s10 =	simm.s32 @!p4 $0x0;
	[sflag:s26] =	ssyncadd.s32 $0xFFFFF000;
	s6 =	sadd.s32 @!p4 s2, s6  }
0xa4: {  	[tilespmem:s10], [sflag:$0x1] =	stream.linear.gather @!p4 [hbm4b:s6+s10], $0x1000, $0x38;
	[tilespmem:$0x1C200] =	vst v63  }
0xa5: {  	s22 =	sadd.s32 s8, s7;
	s12 =	simm.s32 @!p4 $0x1000;
	s9 =	sadd.s32 @!p4 $0x18700, s6  }
0xa6: {  	[tilespmem:s12], [sflag:$0x1] =	stream.linear.gather @!p4 [hbm4b:s9+s10], $0x1000, $0x38;
	[tilespmem:$0x1C200] =	vst v63  }
0xa7: {  	s23 =	smul.u32 $0xA80B, s22;
	s13 =	simm.s32 @!p4 $0x2000;
	s12 =	sadd.s32 @!p4 $0x30E00, s6  }
0xa8: {  	[tilespmem:s13], [sflag:$0x1] =	stream.linear.gather @!p4 [hbm4b:s12+s10], $0x1000, $0x38;
	[tilespmem:$0x1C200] =	vst v63  }
0xa9: {  	s9 =	sshrl.u32 s23, $0x17;
	s6 =	sadd.s32 @!p4 $0x49500, s6;
	s12 =	simm.s32 @!p4 $0x3000  }
0xaa: {  	[tilespmem:s12], [sflag:$0x1] =	stream.linear.gather @!p4 [hbm4b:s6+s10], $0x1000, $0x38;
	[tilespmem:$0x1C200] =	vst v63  }
0xab: {  	s30 =	smul.u32 $0xC3, s9;
	s12 =	simm.s32 @!p2 $0x5  }
0xac: {  	s14 =	simm.s32 $0x0;
	_ =	swait.ge @!p2 [sflag:s12], $0x4000  }
0xad: {  	s13 =	simm.s32 $0x0;
	s6 =	ssub.s32 s22, s30;
	[sflag:s12] =	ssyncset.done @!p2 $0x0  }
0xae: {  	s10 =	sand.u32 $0xFFFF, s6;
	[sflag:s12] =	ssyncadd.s32 @!p2 $0xFFFFC000;
	s12 =	simm.s32 $0x0  }
.LBB2_9:
0xaf: {  	s6 =	sshll.u32 s13, $0x2;
	s11 =	sand.u32 $0x7, s12  }
0xb0: {  	s6 =	sand.u32 $0xFFFFC000, s6;
	s11 =	sshll.u32 s11, $0x9  }
0xb1: {  	s6 =	sor.u32 s11, s6  }
0xb2: {  	s6 =	sshrl.u32 s6, $0x2  }
0xb3: {  	v10 =	vadd.s32 s14, v1;
	s19 =	simm.s32 $0x840;
	s17 =	sadd.s32 $0x4040, s6  }
0xb4: {  	v21 =	vadd.s32 s19, v10;
	v18 =	vld [tilespmem:s17+$0x0]  }
0xb5: {  	s20 =	simm.s32 $0x0;
	v11 =	vld [tilespmem:s17+$0xFFFFFFD0]  }
0xb6: {  	s22 =	simm.s32 $0xC60;
	v22 =	vadd.s32 s20, v10;
	v23 =	vld [tilespmem:s17+$0xFFFFFFC0]  }
0xb7: {  	s18 =	simm.s32 $0xE70;
	v16 =	vadd.s32 s22, v10;
	v15 =	vld [tilespmem:s17+$0x20]  }
0xb8: {  	s23 =	simm.s32 $0xA50;
	v20 =	vadd.s32 s18, v10;
	v14 =	vld [tilespmem:s17+$0x30]  }
0xb9: {  	s21 =	simm.s32 $0x420;
	v17 =	vld [tilespmem:s17+$0x10];
	[tilespmem:v21+s0+$0x0] =	vst.idx.msk $0xffff, v18;
	v21 =	vadd.s32 s23, v10  }
0xba: {  	s30 =	simm.s32 $0x210;
	s19 =	simm.s32 $0x630;
	v12 =	vadd.s32 s21, v10;
	v19 =	vld [tilespmem:s17+$0xFFFFFFE0]  }
0xbb: {  	v13 =	vadd.s32 s19, v10;
	s11 =	simm.s32 $0x1EF0;
	s6 =	simm.s32 $0x0;
	s18 =	sadd.s32 $0x400, s17;
	[tilespmem:v22+s0+$0x0] =	vst.idx.msk $0xffff, v23;
	v18 =	vadd.s32 s30, v10;
	v22 =	vld [tilespmem:s17+$0xFFFFFFF0]  }
.LBB2_10:
0xbc: {  	s17 =	sadd.s32 $0xFFFFF190, s11;
	s19 =	sadd.s32 $0xFFFFF7C0, s11;
	v23 =	vld [tilespmem:s18+$0x0];
	s20 =	sadd.s32 $0xFFFFF9D0, s11;
	[tilespmem:v16+s0+$0x0] =	vst.idx.msk $0xffff, v15  }
0xbd: {  	s6 =	sadd.s32 $0x8, s6;
	v24 =	vadd.s32 s17, v10;
	v25 =	vld [tilespmem:s18+$0xFFFFFFD0];
	s17 =	sadd.s32 $0xFFFFF5B0, s11;
	v26 =	vadd.s32 s20, v10;
	s20 =	sadd.s32 $0xFFFFFDF0, s11;
	[tilespmem:v20+s0+$0x0] =	vst.idx.msk $0xffff, v14  }
0xbe: {  	p4 =	slt.u32 s6, $0x18;
	v27 =	vld [tilespmem:s18+$0xFFFFFFC0];
	v14 =	vadd.s32 s17, v10;
	v16 =	vadd.s32 s20, v10;
	[tilespmem:v21+s0+$0x0] =	vst.idx.msk $0xffff, v17  }
.Ltmp7:
0xbf: {  	v17 =	vadd.s32 s19, v10;
	v15 =	vld [tilespmem:s18+$0x20];
	[tilespmem:v12+s0+$0x0] =	vst.idx.msk $0xffff, v19;
	v12 =	vmov v14;
	(pc) =	sbr.rel @p4 .LBB2_10-.Ltmp7, $4  }
0xc0: {  	v20 =	vadd.s32 s11, v10;
	s17 =	sadd.s32 $0xFFFFFBE0, s11;
	v14 =	vld [tilespmem:s18+$0x30];
	[tilespmem:v13+s0+$0x0] =	vst.idx.msk $0xffff, v22;
	v13 =	vmov v17  }
0xc1: {  	v21 =	vadd.s32 s17, v10;
	v17 =	vld [tilespmem:s18+$0x10];
	[tilespmem:v18+s0+$0x0] =	vst.idx.msk $0xffff, v11  }
0xc2: {  	s17 =	sadd.s32 $0xFFFFF3A0, s11;
	v19 =	vld [tilespmem:s18+$0xFFFFFFE0];
	[tilespmem:v26+s0+$0x0] =	vst.idx.msk $0xffff, v23;
	v11 =	vmov v25  }
0xc3: {  	s11 =	sadd.s32 $0x1080, s11;
	v18 =	vadd.s32 s17, v10;
	[tilespmem:v24+s0+$0x0] =	vst.idx.msk $0xffff, v27;
	v22 =	vld [tilespmem:s18+$0xFFFFFFF0];
	s18 =	sadd.s32 $0x400, s18  }
0xc4: {  	_ =	sdelay $0x2  }
0xc5: {  	s14 =	sadd.s32 $0x1, s14  }
0xc6: {  	[tilespmem:v16+s0+$0x0] =	vst.idx.msk $0xffff, v15;
	p4 =	sne.s32 s14, $0x20  }
.Ltmp8:
0xc7: {  	[tilespmem:v18+s0+$0x0] =	vst.idx.msk $0xffff, v11;
	(pc) =	sbr.rel @p4 .LBB2_9-.Ltmp8, $4  }
0xc8: {  	[tilespmem:v20+s0+$0x0] =	vst.idx.msk $0xffff, v14  }
0xc9: {  	[tilespmem:v21+s0+$0x0] =	vst.idx.msk $0xffff, v17  }
0xca: {  	[tilespmem:v12+s0+$0x0] =	vst.idx.msk $0xffff, v19  }
0xcb: {  	s13 =	sadd.s32 $0x200, s13;
	s12 =	sadd.s32 $0x1, s12;
	[tilespmem:v13+s0+$0x0] =	vst.idx.msk $0xffff, v22  }
0xcc: {  	s6 =	simm.s32 $0xE7  }
0xcd: {  	s11 =	simm.s32 $0xC6;
	v10 =	vadd.s32 s6, v0  }
0xce: {  	v11 =	vadd.s32 s11, v0  }
0xcf: {  	s12 =	simm.s32 $0x0;
	v12 =	vadd.s32 s11, v2  }
0xd0: {  	v13 =	vadd.s32 s12, v0  }
0xd1: {  	s19 =	simm.s32 $0x21;
	v14 =	vadd.s32 s12, v2  }
0xd2: {  	v15 =	vadd.s32 s19, v0;
	v10 =	vld.idx.msk [tilespmem:v10+s0+$0x0], $0xffff  }
0xd3: {  	s20 =	simm.s32 $0x42;
	v16 =	vadd.s32 s19, v2;
	v11 =	vld.idx.msk [tilespmem:v11+s0+$0x0], $0xffff  }
0xd4: {  	v19 =	vadd.s32 s20, v0;
	v12 =	vld.idx.msk [tilespmem:v12+s0+$0x0], $0xffff  }
0xd5: {  	s21 =	simm.s32 $0x63;
	v20 =	vadd.s32 s20, v2;
	v13 =	vld.idx.msk [tilespmem:v13+s0+$0x0], $0xffff  }
0xd6: {  	v21 =	vadd.s32 s21, v0;
	v22 =	vld.idx.msk [tilespmem:v14+s0+$0x0], $0xffff  }
0xd7: {  	s13 =	simm.s32 $0xE0;
	s22 =	simm.s32 $0x84;
	v23 =	vadd.s32 s21, v2;
	v18 =	vld.idx.msk [tilespmem:v15+s0+$0x0], $0xffff  }
0xd8: {  	s14 =	simm.s32 $0x0;
	s17 =	simm.s32 $0xC0;
	s12 =	simm.s32 $0x14280;
	v17 =	vld.idx.msk [tilespmem:v16+s0+$0x0], $0xffff;
	v15 =	vadd.s32 s22, v0  }
0xd9: {  	s18 =	simm.s32 $0x20;
	s23 =	simm.s32 $0x60;
	s21 =	simm.s32 $0xA5;
	v16 =	vld.idx.msk [tilespmem:v19+s0+$0x0], $0xffff;
	v14 =	vadd.s32 s22, v2;
	[tilespmem:s12+$0x40] =	vst v11  }
0xda: {  	s30 =	simm.s32 $0xA0;
	s17 =	sor.u32 $0x50, s17;
	s19 =	simm.s32 $0x40;
	v19 =	vld.idx.msk [tilespmem:v20+s0+$0x0], $0xffff;
	[tilespmem:s12+$0xFFFFFF80] =	vst v13;
	v13 =	vadd.s32 s21, v0  }
0xdb: {  	s18 =	sor.u32 $0x30, s18;
	s11 =	sor.u32 $0x30, s30;
	s20 =	sor.u32 $0x50, s19;
	v20 =	vld.idx.msk [tilespmem:v21+s0+$0x0], $0xffff;
	[tilespmem:s17+$0x14200] =	vst v12;
	v12 =	vadd.s32 s21, v2  }
0xdc: {  	s19 =	sor.u32 $0x70, s23;
	s22 =	sor.u32 $0x70, s13;
	v21 =	vld.idx.msk [tilespmem:v23+s0+$0x0], $0xffff;
	v11 =	vadd.s32 s6, v2;
	[tilespmem:s12+$0xFFFFFF90] =	vst v22;
	s6 =	simm.s32 $0x1EF  }
.LBB2_13:
0xdd: {  	s17 =	sadd.s32 $0xFFFFFF3A, s6;
	s21 =	sadd.s32 $0xFFFFFF5B, s6;
	s23 =	sadd.s32 $0xFFFFFFDF, s6;
	v22 =	vadd.s32 s6, v0;
	v23 =	vadd.s32 s6, v2;
	[tilespmem:s12+$0xFFFFFFA0] =	vst v18;
	v18 =	vld.idx.msk [tilespmem:v15+s0+$0x0], $0xffff  }
0xde: {  	s30 =	sadd.s32 $0xFFFFFF9D, s6;
	s14 =	sadd.s32 $0x8, s14;
	v24 =	vadd.s32 s17, v0;
	v25 =	vadd.s32 s17, v2;
	s17 =	sadd.s32 $0xFFFFFF7C, s6;
	v26 =	vadd.s32 s23, v0;
	[tilespmem:s18+$0x14200] =	vst v17;
	v17 =	vld.idx.msk [tilespmem:v14+s0+$0x0], $0xffff  }
0xdf: {  	s18 =	sadd.s32 $0xFFFFFF19, s6;
	v27 =	vadd.s32 s21, v0;
	v28 =	vadd.s32 s21, v2;
	s21 =	sadd.s32 $0xFFFFFFBE, s6;
	v29 =	vadd.s32 s23, v2;
	p4 =	slt.u32 s14, $0x1F8;
	[tilespmem:s12+$0xFFFFFFC0] =	vst v16;
	v16 =	vld.idx.msk [tilespmem:v13+s0+$0x0], $0xffff  }
0xe0: {  	v30 =	vadd.s32 s18, v0;
	v31 =	vadd.s32 s18, v2;
	v32 =	vadd.s32 s17, v0;
	[tilespmem:s20+$0x14200] =	vst v19;
	v19 =	vld.idx.msk [tilespmem:v12+s0+$0x0], $0xffff  }
0xe1: {  	v15 =	vadd.s32 s30, v0;
	v14 =	vadd.s32 s30, v2;
	v33 =	vadd.s32 s17, v2;
	[tilespmem:s12+$0xFFFFFFE0] =	vst v20;
	v20 =	vld.idx.msk [tilespmem:v11+s0+$0x0], $0xffff;
	v11 =	vmovc v23  }
0xe2: {  	v13 =	vadd.s32 s21, v0;
	v12 =	vadd.s32 s21, v2;
	v22 =	vld.idx.msk [tilespmem:v22+s0+$0x0], $0xffff;
	[tilespmem:s19+$0x14200] =	vst v21  }
0xe3: {  	v21 =	vld.idx.msk [tilespmem:v26+s0+$0x0], $0xffff;
	[tilespmem:s12+$0x0] =	vst v18  }
0xe4: {  	v23 =	vld.idx.msk [tilespmem:v29+s0+$0x0], $0xffff;
	[tilespmem:s12+$0x10] =	vst v17  }
0xe5: {  	v26 =	vld.idx.msk [tilespmem:v30+s0+$0x0], $0xffff;
	[tilespmem:s12+$0x20] =	vst v16  }
0xe6: {  	s13 =	sadd.s32 $0x100, s13;
	v29 =	vld.idx.msk [tilespmem:v31+s0+$0x0], $0xffff;
	[tilespmem:s11+$0x14200] =	vst v19  }
0xe7: {  	s17 =	sadd.s32 $0xFFFFFFE0, s13;
	v18 =	vld.idx.msk [tilespmem:v24+s0+$0x0], $0xffff;
	[tilespmem:s12+$0x60] =	vst v10  }
.Ltmp9:
0xe8: {  	s11 =	sadd.s32 $0xFFFFFF40, s13;
	s12 =	sadd.s32 $0x100, s12;
	v17 =	vld.idx.msk [tilespmem:v25+s0+$0x0], $0xffff;
	[tilespmem:s22+$0x14200] =	vst v20;
	(pc) =	sbr.rel @p4 .LBB2_13-.Ltmp9, $4  }
0xe9: {  	s21 =	sadd.s32 $0xFFFFFF80, s13;
	s17 =	sor.u32 $0x50, s17;
	s19 =	sadd.s32 $0xFFFFFF60, s13;
	v10 =	vmov v22;
	v16 =	vld.idx.msk [tilespmem:v27+s0+$0x0], $0xffff;
	[tilespmem:s12+$0x40] =	vst v21  }
0xea: {  	s20 =	sor.u32 $0x50, s19;
	s18 =	sor.u32 $0x30, s11;
	s11 =	sadd.s32 $0xFFFFFFC0, s13;
	v19 =	vld.idx.msk [tilespmem:v28+s0+$0x0], $0xffff;
	[tilespmem:s17+$0x14200] =	vst v23  }
0xeb: {  	s19 =	sor.u32 $0x70, s21;
	s11 =	sor.u32 $0x30, s11;
	s22 =	sor.u32 $0x70, s13;
	[tilespmem:s12+$0xFFFFFF80] =	vst v26;
	v20 =	vld.idx.msk [tilespmem:v32+s0+$0x0], $0xffff  }
0xec: {  	s6 =	sadd.s32 $0x108, s6;
	[tilespmem:s12+$0xFFFFFF90] =	vst v29;
	v21 =	vld.idx.msk [tilespmem:v33+s0+$0x0], $0xffff  }
0xed: {  	_ =	sdelay $0x2  }
0xee: {  	[tilespmem:s12+$0xFFFFFFA0] =	vst v18  }
0xef: {  	v11 =	vld.idx.msk [tilespmem:v11+s0+$0x0], $0xffff;
	[tilespmem:s12+$0x60] =	vst v10  }
0xf0: {  	v15 =	vld.idx.msk [tilespmem:v15+s0+$0x0], $0xffff;
	[tilespmem:s18+$0x14200] =	vst v17  }
0xf1: {  	v14 =	vld.idx.msk [tilespmem:v14+s0+$0x0], $0xffff;
	[tilespmem:s12+$0xFFFFFFC0] =	vst v16  }
0xf2: {  	v13 =	vld.idx.msk [tilespmem:v13+s0+$0x0], $0xffff;
	[tilespmem:s20+$0x14200] =	vst v19  }
0xf3: {  	[tilespmem:s12+$0xFFFFFFE0] =	vst v20  }
0xf4: {  	v12 =	vld.idx.msk [tilespmem:v12+s0+$0x0], $0xffff;
	[tilespmem:s19+$0x14200] =	vst v21  }
0xf5: {  	s6 =	smul.u32 $0x61A80, s9;
	[tilespmem:s12+$0x0] =	vst v15  }
.Ltmp10:
0xf6: {  	[tilespmem:s12+$0x10] =	vst v14;
	(pc) =	sbr.rel @p3 .LBB2_22-.Ltmp10, $4  }
0xf7: {  	[tilespmem:s12+$0x20] =	vst v13  }
0xf8: {  	s30 =	sshll.u32 s10, $0xB;
	s6 =	sadd.s32 s5, s6;
	[tilespmem:s22+$0x14200] =	vst v11  }
0xf9: {  	s6 =	sadd.s32 s30, s6;
	[tilespmem:s11+$0x14200] =	vst v12  }
0xfa: {  	[hbm4b:s6+s3] =	stream.linear.scatter [tilespmem:s28], [sflag:$0x5], $0x4000, $0x38;
	[tilespmem:$0x1C200] =	vst v63  }
0xfb: {  	_ =	swait.ge [sflag:s29], $0x1000  }
0xfc: {  	s6 =	rddreg [dreg:$0xb]  }
0xfd: {  	s6 =	sadd.s32 s6, s7  }
0xfe: {  	p3 =	sgt.u32 s6, $0x13CD  }
0xff: {  	[sflag:s29] =	ssyncset.done $0x0;
	s7 =	smul.u32 @!p3 $0xA80B, s6  }
0x100: {  	[sflag:s29] =	ssyncadd.s32 $0xFFFFF000  }
0x101: {  	_ =	swait.ge [sflag:s29], $0x1000;
	s7 =	sshrl.u32 @!p3 s7, $0x17  }
0x102: {  	[sflag:s29] =	ssyncset.done $0x0;
	s9 =	smul.u32 @!p3 $0xC3, s7  }
0x103: {  	[sflag:s29] =	ssyncadd.s32 $0xFFFFF000  }
0x104: {  	_ =	swait.ge [sflag:s29], $0x1000;
	s6 =	ssub.s32 @!p3 s6, s9  }
0x105: {  	[sflag:s29] =	ssyncset.done $0x0;
	s7 =	smul.u32 @!p3 $0x30E000, s7;
	s6 =	sand.u32 @!p3 $0xFFFF, s6  }
0x106: {  	[sflag:s29] =	ssyncadd.s32 $0xFFFFF000;
	s6 =	sshll.u32 @!p3 s6, $0xC  }
0x107: {  	_ =	swait.ge [sflag:s29], $0x1000;
	s6 =	sadd.s32 @!p3 s6, s7  }
0x108: {  	s9 =	simm.s32 @!p3 $0x0;
	[sflag:s29] =	ssyncset.done $0x0;
	s6 =	sshrl.u32 @!p3 s6, $0x3  }
0x109: {  	[sflag:s29] =	ssyncadd.s32 $0xFFFFF000;
	s7 =	simm.s32 @!p3 $0x4000;
	s6 =	sadd.s32 @!p3 s2, s6  }
0x10a: {  	[tilespmem:s7], [sflag:$0x2] =	stream.linear.gather @!p3 [hbm4b:s6+s9], $0x1000, $0x38;
	[tilespmem:$0x1C200] =	vst v63  }
0x10b: {  	s10 =	simm.s32 @!p3 $0x5000;
	s7 =	sadd.s32 @!p3 $0x18700, s6  }
0x10c: {  	[tilespmem:s10], [sflag:$0x2] =	stream.linear.gather @!p3 [hbm4b:s7+s9], $0x1000, $0x38;
	[tilespmem:$0x1C200] =	vst v63  }
0x10d: {  	s23 =	smul.u32 $0xA80B, s25;
	s11 =	simm.s32 @!p3 $0x6000;
	s10 =	sadd.s32 @!p3 $0x30E00, s6  }
0x10e: {  	[tilespmem:s11], [sflag:$0x2] =	stream.linear.gather @!p3 [hbm4b:s10+s9], $0x1000, $0x38;
	[tilespmem:$0x1C200] =	vst v63  }
0x10f: {  	s7 =	sshrl.u32 s23, $0x17;
	s6 =	sadd.s32 @!p3 $0x49500, s6;
	s10 =	simm.s32 @!p3 $0x7000  }
0x110: {  	[tilespmem:s10], [sflag:$0x2] =	stream.linear.gather @!p3 [hbm4b:s6+s9], $0x1000, $0x38;
	[tilespmem:$0x1C200] =	vst v63  }
0x111: {  	s30 =	smul.u32 $0xC3, s7;
	s10 =	simm.s32 @!p2 $0x6  }
0x112: {  	s12 =	simm.s32 $0x0;
	_ =	swait.ge @!p2 [sflag:s10], $0x4000  }
0x113: {  	s13 =	simm.s32 $0x0;
	s6 =	ssub.s32 s25, s30;
	[sflag:s10] =	ssyncset.done @!p2 $0x0  }
0x114: {  	s9 =	sand.u32 $0xFFFF, s6;
	[sflag:s10] =	ssyncadd.s32 @!p2 $0xFFFFC000;
	s10 =	simm.s32 $0x0  }
.LBB2_16:
0x115: {  	s6 =	sshll.u32 s12, $0x2;
	s11 =	sand.u32 $0x7, s10  }
0x116: {  	s6 =	sand.u32 $0xFFFFC000, s6;
	s11 =	sshll.u32 s11, $0x9  }
0x117: {  	s6 =	sor.u32 s11, s6  }
0x118: {  	s6 =	sshrl.u32 s6, $0x2  }
0x119: {  	v10 =	vadd.s32 s13, v1;
	s20 =	simm.s32 $0x840;
	s14 =	sadd.s32 $0x8040, s6  }
0x11a: {  	v21 =	vadd.s32 s20, v10;
	v18 =	vld [tilespmem:s14+$0x0]  }
0x11b: {  	s21 =	simm.s32 $0x0;
	v11 =	vld [tilespmem:s14+$0xFFFFFFD0]  }
0x11c: {  	s23 =	simm.s32 $0xC60;
	v22 =	vadd.s32 s21, v10;
	v23 =	vld [tilespmem:s14+$0xFFFFFFC0]  }
0x11d: {  	s17 =	simm.s32 $0xE70;
	v16 =	vadd.s32 s23, v10;
	v15 =	vld [tilespmem:s14+$0x20]  }
0x11e: {  	s25 =	simm.s32 $0xA50;
	v20 =	vadd.s32 s17, v10;
	v14 =	vld [tilespmem:s14+$0x30]  }
0x11f: {  	s22 =	simm.s32 $0x420;
	v17 =	vld [tilespmem:s14+$0x10];
	[tilespmem:v21+s0+$0x0] =	vst.idx.msk $0xffff, v18;
	v21 =	vadd.s32 s25, v10  }
0x120: {  	s18 =	simm.s32 $0x630;
	s30 =	simm.s32 $0x210;
	v12 =	vadd.s32 s22, v10;
	v19 =	vld [tilespmem:s14+$0xFFFFFFE0]  }
0x121: {  	v13 =	vadd.s32 s18, v10;
	s11 =	simm.s32 $0x1EF0;
	s6 =	simm.s32 $0x0;
	[tilespmem:v22+s0+$0x0] =	vst.idx.msk $0xffff, v23;
	v18 =	vadd.s32 s30, v10;
	v22 =	vld [tilespmem:s14+$0xFFFFFFF0];
	s14 =	sadd.s32 $0x400, s14  }
.LBB2_17:
0x122: {  	s17 =	sadd.s32 $0xFFFFF190, s11;
	s18 =	sadd.s32 $0xFFFFF7C0, s11;
	v23 =	vld [tilespmem:s14+$0x0];
	s19 =	sadd.s32 $0xFFFFF9D0, s11;
	[tilespmem:v16+s0+$0x0] =	vst.idx.msk $0xffff, v15  }
0x123: {  	s6 =	sadd.s32 $0x8, s6;
	v24 =	vadd.s32 s17, v10;
	v25 =	vld [tilespmem:s14+$0xFFFFFFD0];
	s17 =	sadd.s32 $0xFFFFF5B0, s11;
	v26 =	vadd.s32 s19, v10;
	s19 =	sadd.s32 $0xFFFFFDF0, s11;
	[tilespmem:v20+s0+$0x0] =	vst.idx.msk $0xffff, v14  }
0x124: {  	p2 =	slt.u32 s6, $0x18;
	v27 =	vld [tilespmem:s14+$0xFFFFFFC0];
	v14 =	vadd.s32 s17, v10;
	v16 =	vadd.s32 s19, v10;
	[tilespmem:v21+s0+$0x0] =	vst.idx.msk $0xffff, v17  }
.Ltmp11:
0x125: {  	v17 =	vadd.s32 s18, v10;
	v15 =	vld [tilespmem:s14+$0x20];
	[tilespmem:v12+s0+$0x0] =	vst.idx.msk $0xffff, v19;
	v12 =	vmov v14;
	(pc) =	sbr.rel @p2 .LBB2_17-.Ltmp11, $4  }
0x126: {  	v20 =	vadd.s32 s11, v10;
	s17 =	sadd.s32 $0xFFFFFBE0, s11;
	v14 =	vld [tilespmem:s14+$0x30];
	[tilespmem:v13+s0+$0x0] =	vst.idx.msk $0xffff, v22;
	v13 =	vmov v17  }
0x127: {  	v21 =	vadd.s32 s17, v10;
	v17 =	vld [tilespmem:s14+$0x10];
	[tilespmem:v18+s0+$0x0] =	vst.idx.msk $0xffff, v11  }
0x128: {  	s17 =	sadd.s32 $0xFFFFF3A0, s11;
	v19 =	vld [tilespmem:s14+$0xFFFFFFE0];
	[tilespmem:v26+s0+$0x0] =	vst.idx.msk $0xffff, v23;
	v11 =	vmov v25  }
0x129: {  	s11 =	sadd.s32 $0x1080, s11;
	v18 =	vadd.s32 s17, v10;
	[tilespmem:v24+s0+$0x0] =	vst.idx.msk $0xffff, v27;
	v22 =	vld [tilespmem:s14+$0xFFFFFFF0];
	s14 =	sadd.s32 $0x400, s14  }
0x12a: {  	_ =	sdelay $0x2  }
0x12b: {  	s13 =	sadd.s32 $0x1, s13  }
0x12c: {  	[tilespmem:v16+s0+$0x0] =	vst.idx.msk $0xffff, v15;
	p2 =	sne.s32 s13, $0x20  }
.Ltmp12:
0x12d: {  	[tilespmem:v18+s0+$0x0] =	vst.idx.msk $0xffff, v11;
	(pc) =	sbr.rel @p2 .LBB2_16-.Ltmp12, $4  }
0x12e: {  	[tilespmem:v20+s0+$0x0] =	vst.idx.msk $0xffff, v14  }
0x12f: {  	[tilespmem:v21+s0+$0x0] =	vst.idx.msk $0xffff, v17  }
0x130: {  	[tilespmem:v12+s0+$0x0] =	vst.idx.msk $0xffff, v19  }
0x131: {  	s12 =	sadd.s32 $0x200, s12;
	s10 =	sadd.s32 $0x1, s10;
	[tilespmem:v13+s0+$0x0] =	vst.idx.msk $0xffff, v22  }
0x132: {  	s6 =	simm.s32 $0xE7  }
0x133: {  	s10 =	simm.s32 $0xC6;
	v10 =	vadd.s32 s6, v0  }
0x134: {  	v11 =	vadd.s32 s10, v0  }
0x135: {  	s11 =	simm.s32 $0x0;
	v12 =	vadd.s32 s10, v2  }
0x136: {  	v13 =	vadd.s32 s11, v0  }
0x137: {  	s21 =	simm.s32 $0x21;
	v14 =	vadd.s32 s11, v2  }
0x138: {  	v15 =	vadd.s32 s21, v0;
	v10 =	vld.idx.msk [tilespmem:v10+s0+$0x0], $0xffff  }
0x139: {  	s22 =	simm.s32 $0x42;
	v16 =	vadd.s32 s21, v2;
	v11 =	vld.idx.msk [tilespmem:v11+s0+$0x0], $0xffff  }
0x13a: {  	v19 =	vadd.s32 s22, v0;
	v12 =	vld.idx.msk [tilespmem:v12+s0+$0x0], $0xffff  }
0x13b: {  	s13 =	simm.s32 $0x63;
	v20 =	vadd.s32 s22, v2;
	v13 =	vld.idx.msk [tilespmem:v13+s0+$0x0], $0xffff  }
0x13c: {  	v21 =	vadd.s32 s13, v0;
	v22 =	vld.idx.msk [tilespmem:v14+s0+$0x0], $0xffff  }
0x13d: {  	s12 =	simm.s32 $0xE0;
	s23 =	simm.s32 $0x84;
	v23 =	vadd.s32 s13, v2;
	v18 =	vld.idx.msk [tilespmem:v15+s0+$0x0], $0xffff  }
0x13e: {  	s14 =	simm.s32 $0xC0;
	s17 =	simm.s32 $0xA5;
	s10 =	simm.s32 $0x18280;
	v17 =	vld.idx.msk [tilespmem:v16+s0+$0x0], $0xffff;
	v15 =	vadd.s32 s23, v0  }
0x13f: {  	s18 =	simm.s32 $0x20;
	s19 =	simm.s32 $0x40;
	s25 =	simm.s32 $0x60;
	v16 =	vld.idx.msk [tilespmem:v19+s0+$0x0], $0xffff;
	v14 =	vadd.s32 s23, v2;
	[tilespmem:s10+$0x40] =	vst v11  }
0x140: {  	s30 =	simm.s32 $0xA0;
	s13 =	simm.s32 $0x0;
	s14 =	sor.u32 $0x50, s14;
	v19 =	vld.idx.msk [tilespmem:v20+s0+$0x0], $0xffff;
	[tilespmem:s10+$0xFFFFFF80] =	vst v13;
	v13 =	vadd.s32 s17, v0  }
0x141: {  	s18 =	sor.u32 $0x30, s18;
	s20 =	sor.u32 $0x50, s19;
	s19 =	sor.u32 $0x70, s25;
	v20 =	vld.idx.msk [tilespmem:v21+s0+$0x0], $0xffff;
	[tilespmem:s14+$0x18200] =	vst v12;
	v12 =	vadd.s32 s17, v2  }
0x142: {  	s11 =	sor.u32 $0x30, s30;
	v21 =	vld.idx.msk [tilespmem:v23+s0+$0x0], $0xffff;
	v11 =	vadd.s32 s6, v2;
	[tilespmem:s10+$0xFFFFFF90] =	vst v22;
	s6 =	simm.s32 $0x1EF;
	s14 =	sor.u32 $0x70, s12  }
.LBB2_20:
0x143: {  	s17 =	sadd.s32 $0xFFFFFF3A, s6;
	s21 =	sadd.s32 $0xFFFFFF5B, s6;
	s22 =	sadd.s32 $0xFFFFFFDF, s6;
	v22 =	vadd.s32 s6, v0;
	v23 =	vadd.s32 s6, v2;
	[tilespmem:s10+$0xFFFFFFA0] =	vst v18;
	v18 =	vld.idx.msk [tilespmem:v15+s0+$0x0], $0xffff  }
0x144: {  	s23 =	sadd.s32 $0xFFFFFF9D, s6;
	s13 =	sadd.s32 $0x8, s13;
	v24 =	vadd.s32 s17, v0;
	v25 =	vadd.s32 s17, v2;
	s17 =	sadd.s32 $0xFFFFFF7C, s6;
	v26 =	vadd.s32 s22, v0;
	[tilespmem:s18+$0x18200] =	vst v17;
	v17 =	vld.idx.msk [tilespmem:v14+s0+$0x0], $0xffff  }
0x145: {  	s18 =	sadd.s32 $0xFFFFFF19, s6;
	v27 =	vadd.s32 s21, v0;
	v28 =	vadd.s32 s21, v2;
	s21 =	sadd.s32 $0xFFFFFFBE, s6;
	v29 =	vadd.s32 s22, v2;
	p2 =	slt.u32 s13, $0x1F8;
	[tilespmem:s10+$0xFFFFFFC0] =	vst v16;
	v16 =	vld.idx.msk [tilespmem:v13+s0+$0x0], $0xffff  }
0x146: {  	v30 =	vadd.s32 s18, v0;
	v31 =	vadd.s32 s18, v2;
	v32 =	vadd.s32 s17, v0;
	[tilespmem:s20+$0x18200] =	vst v19;
	v19 =	vld.idx.msk [tilespmem:v12+s0+$0x0], $0xffff  }
0x147: {  	v15 =	vadd.s32 s23, v0;
	v14 =	vadd.s32 s23, v2;
	v33 =	vadd.s32 s17, v2;
	[tilespmem:s10+$0xFFFFFFE0] =	vst v20;
	v20 =	vld.idx.msk [tilespmem:v11+s0+$0x0], $0xffff;
	v11 =	vmovc v23  }
0x148: {  	v13 =	vadd.s32 s21, v0;
	v12 =	vadd.s32 s21, v2;
	v22 =	vld.idx.msk [tilespmem:v22+s0+$0x0], $0xffff;
	[tilespmem:s19+$0x18200] =	vst v21  }
0x149: {  	v21 =	vld.idx.msk [tilespmem:v26+s0+$0x0], $0xffff;
	[tilespmem:s10+$0x0] =	vst v18  }
0x14a: {  	v23 =	vld.idx.msk [tilespmem:v29+s0+$0x0], $0xffff;
	[tilespmem:s10+$0x10] =	vst v17  }
0x14b: {  	v26 =	vld.idx.msk [tilespmem:v30+s0+$0x0], $0xffff;
	[tilespmem:s10+$0x20] =	vst v16  }
0x14c: {  	s12 =	sadd.s32 $0x100, s12;
	v29 =	vld.idx.msk [tilespmem:v31+s0+$0x0], $0xffff;
	[tilespmem:s11+$0x18200] =	vst v19  }
0x14d: {  	s17 =	sadd.s32 $0xFFFFFFE0, s12;
	v18 =	vld.idx.msk [tilespmem:v24+s0+$0x0], $0xffff;
	[tilespmem:s10+$0x60] =	vst v10  }
.Ltmp13:
0x14e: {  	s11 =	sadd.s32 $0xFFFFFF40, s12;
	s10 =	sadd.s32 $0x100, s10;
	v17 =	vld.idx.msk [tilespmem:v25+s0+$0x0], $0xffff;
	[tilespmem:s14+$0x18200] =	vst v20;
	(pc) =	sbr.rel @p2 .LBB2_20-.Ltmp13, $4  }
0x14f: {  	s17 =	sor.u32 $0x50, s17;
	s19 =	sadd.s32 $0xFFFFFF80, s12;
	v10 =	vmov v22;
	s14 =	sadd.s32 $0xFFFFFF60, s12;
	v16 =	vld.idx.msk [tilespmem:v27+s0+$0x0], $0xffff;
	[tilespmem:s10+$0x40] =	vst v21  }
0x150: {  	s18 =	sor.u32 $0x30, s11;
	s11 =	sadd.s32 $0xFFFFFFC0, s12;
	s20 =	sor.u32 $0x50, s14;
	v19 =	vld.idx.msk [tilespmem:v28+s0+$0x0], $0xffff;
	[tilespmem:s17+$0x18200] =	vst v23  }
0x151: {  	s19 =	sor.u32 $0x70, s19;
	s11 =	sor.u32 $0x30, s11;
	s14 =	sor.u32 $0x70, s12;
	[tilespmem:s10+$0xFFFFFF80] =	vst v26;
	v20 =	vld.idx.msk [tilespmem:v32+s0+$0x0], $0xffff  }
0x152: {  	s6 =	sadd.s32 $0x108, s6;
	[tilespmem:s10+$0xFFFFFF90] =	vst v29;
	v21 =	vld.idx.msk [tilespmem:v33+s0+$0x0], $0xffff  }
0x153: {  	_ =	sdelay $0x2  }
0x154: {  	[tilespmem:s10+$0xFFFFFFA0] =	vst v18  }
0x155: {  	v11 =	vld.idx.msk [tilespmem:v11+s0+$0x0], $0xffff;
	[tilespmem:s10+$0x60] =	vst v10  }
0x156: {  	v15 =	vld.idx.msk [tilespmem:v15+s0+$0x0], $0xffff;
	[tilespmem:s18+$0x18200] =	vst v17  }
0x157: {  	v14 =	vld.idx.msk [tilespmem:v14+s0+$0x0], $0xffff;
	[tilespmem:s10+$0xFFFFFFC0] =	vst v16  }
0x158: {  	v13 =	vld.idx.msk [tilespmem:v13+s0+$0x0], $0xffff;
	[tilespmem:s20+$0x18200] =	vst v19  }
0x159: {  	[tilespmem:s10+$0xFFFFFFE0] =	vst v20  }
0x15a: {  	v12 =	vld.idx.msk [tilespmem:v12+s0+$0x0], $0xffff;
	[tilespmem:s19+$0x18200] =	vst v21  }
0x15b: {  	s6 =	smul.u32 $0x61A80, s7;
	[tilespmem:s10+$0x0] =	vst v15  }
.Ltmp14:
0x15c: {  	[tilespmem:s10+$0x10] =	vst v14;
	(pc) =	sbr.rel .LBB2_22-.Ltmp14, $4  }
0x15d: {  	[tilespmem:s10+$0x20] =	vst v13  }
0x15e: {  	s25 =	sshll.u32 s9, $0xB;
	s6 =	sadd.s32 s5, s6;
	[tilespmem:s14+$0x18200] =	vst v11  }
0x15f: {  	s30 =	simm.s32 $0x18200;
	s6 =	sadd.s32 s25, s6;
	[tilespmem:s11+$0x18200] =	vst v12  }
0x160: {  	[hbm4b:s6+s3] =	stream.linear.scatter [tilespmem:s30], [sflag:$0x6], $0x4000, $0x38;
	[tilespmem:$0x1C200] =	vst v63  }
.LBB2_23:
0x161: {  	s6 =	simm.s32 $0x4  }
0x162: {  	_ =	swait.ge [sflag:s6], $0x4000  }
.Ltmp15:
0x163: {  	[sflag:s6] =	ssyncset.done $0x0;
	(pc) =	sbr.rel @p0 .LBB2_25-.Ltmp15, $4  }
0x164: {  	s30 =	simm.s32 $0x5;
	[sflag:s6] =	ssyncadd.s32 $0xFFFFC000  }
0x165: {  	_ =	swait.ge [sflag:s30], $0x4000  }
0x166: {  	[sflag:s30] =	ssyncset.done $0x0  }
0x167: {  	[sflag:s30] =	ssyncadd.s32 $0xFFFFC000  }
.Ltmp16:
0x168: {  	(pc) =	sbr.rel .LBB2_26-.Ltmp16, $4  }
0x169: {  	s6 =	simm.s32 $0x6  }
0x16a: {  	_ =	swait.ge [sflag:s6], $0x4000  }
0x16b: {  	[sflag:s6] =	ssyncset.done $0x0  }
0x16c: {  	[sflag:s6] =	ssyncadd.s32 $0xFFFFC000  }
.LBB2_25:
.Ltmp17:
0x16d: {  	(pc) =	sbr.rel @p1 .LBB2_31-.Ltmp17, $2  }
0x16e: {  	_ =	sdelay $0x2  }
0x16f: {  	s7 =	rddreg [dreg:$0x11]  }
.LBB2_26:
0x170: {  	s6 =	simm.s32 $0x0;
	s9 =	rddreg [dreg:$0xc]  }
0x171: {  	[tilespmem:s6], [sflag:$0x7] =	stream.linear.gather [hbm4b:s9+s6], $0x400, $0x38;
	[tilespmem:$0x1C200] =	vst v63  }
0x172: {  	s10 =	simm.s32 $0x1000;
	s7 =	sadd.s32 $0x18700, s9  }
0x173: {  	[tilespmem:s10], [sflag:$0x7] =	stream.linear.gather [hbm4b:s7+s6], $0x400, $0x38;
	[tilespmem:$0x1C200] =	vst v63  }
0x174: {  	s21 =	simm.s32 $0x2000;
	s20 =	sadd.s32 $0x30E00, s9  }
0x175: {  	[tilespmem:s21], [sflag:$0x7] =	stream.linear.gather [hbm4b:s20+s6], $0x400, $0x38;
	[tilespmem:$0x1C200] =	vst v63  }
0x176: {  	s23 =	simm.s32 $0x3000;
	s24 =	simm.s32 $0x7;
	s22 =	sadd.s32 $0x49500, s9  }
0x177: {  	[tilespmem:s23], [sflag:$0x7] =	stream.linear.gather [hbm4b:s22+s6], $0x400, $0x38;
	[tilespmem:$0x1C200] =	vst v63  }
0x178: {  	_ =	swait.ge [sflag:s24], $0x1000  }
0x179: {  	s25 =	sand.u32 $0x3000, s6;
	s30 =	sand.u32 $0x380, s6;
	[sflag:s24] =	ssyncset.done $0x0  }
0x17a: {  	s7 =	sor.u32 s30, s25;
	[sflag:s24] =	ssyncadd.s32 $0xFFFFF000  }
0x17b: {  	v13 =	vadd.s32 s6, v1;
	v15 =	vld [tilespmem:s7+$0x0]  }
0x17c: {  	v19 =	vadd.s32 s6, v3;
	v17 =	vld [tilespmem:s7+$0x10]  }
0x17d: {  	v18 =	vadd.s32 s6, v4;
	v16 =	vld [tilespmem:s7+$0x20]  }
0x17e: {  	v14 =	vadd.s32 s6, v5;
	v10 =	vld [tilespmem:s7+$0x30]  }
0x17f: {  	v12 =	vadd.s32 s6, v6;
	v11 =	vld [tilespmem:s7+$0x40]  }
0x180: {  	s11 =	simm.s32 $0x1;
	s9 =	simm.s32 $0x80;
	s10 =	simm.s32 $0x200;
	[tilespmem:v13+s0+$0x0] =	vst.idx.msk $0xffff, v15;
	v13 =	vld [tilespmem:s7+$0x50];
	v15 =	vadd.s32 s6, v7  }
.LBB2_27:
0x181: {  	s12 =	sand.u32 $0x3000, s10;
	s13 =	sand.u32 $0x380, s9;
	p2 =	sne.s32 s11, $0x1F;
	[tilespmem:v19+s0+$0x0] =	vst.idx.msk $0xffff, v17;
	v20 =	vld [tilespmem:s7+$0x60];
	v21 =	vadd.s32 s6, v8  }
0x182: {  	v23 =	vadd.s32 s6, v9;
	s6 =	smov.u32 s11;
	[tilespmem:v18+s0+$0x0] =	vst.idx.msk $0xffff, v16;
	v22 =	vld [tilespmem:s7+$0x70];
	s7 =	sor.u32 s13, s12  }
0x183: {  	v24 =	vadd.s32 s11, v1;
	v25 =	vld [tilespmem:s7+$0x0];
	[tilespmem:v14+s0+$0x0] =	vst.idx.msk $0xffff, v10  }
.Ltmp18:
0x184: {  	v19 =	vadd.s32 s11, v3;
	v17 =	vld [tilespmem:s7+$0x10];
	[tilespmem:v12+s0+$0x0] =	vst.idx.msk $0xffff, v11;
	(pc) =	sbr.rel @p2 .LBB2_27-.Ltmp18, $4  }
0x185: {  	v18 =	vadd.s32 s11, v4;
	v16 =	vld [tilespmem:s7+$0x20];
	[tilespmem:v15+s0+$0x0] =	vst.idx.msk $0xffff, v13  }
0x186: {  	v14 =	vadd.s32 s11, v5;
	v10 =	vld [tilespmem:s7+$0x30];
	[tilespmem:v21+s0+$0x0] =	vst.idx.msk $0xffff, v20  }
0x187: {  	v12 =	vadd.s32 s11, v6;
	v11 =	vld [tilespmem:s7+$0x40];
	[tilespmem:v23+s0+$0x0] =	vst.idx.msk $0xffff, v22  }
0x188: {  	s9 =	sadd.s32 $0x80, s9;
	s10 =	sadd.s32 $0x200, s10;
	s11 =	sadd.s32 $0x1, s11;
	v15 =	vadd.s32 s6, v7;
	[tilespmem:v24+s0+$0x0] =	vst.idx.msk $0xffff, v25;
	v13 =	vld [tilespmem:s7+$0x50]  }
0x189: {  	_ =	sdelay $0x3  }
0x18a: {  	[tilespmem:v19+s0+$0x0] =	vst.idx.msk $0xffff, v17;
	v17 =	vld [tilespmem:s7+$0x60];
	v19 =	vadd.s32 s6, v8  }
0x18b: {  	s21 =	simm.s32 $0xE7;
	[tilespmem:v18+s0+$0x0] =	vst.idx.msk $0xffff, v16;
	v16 =	vld [tilespmem:s7+$0x70];
	v18 =	vadd.s32 s6, v9  }
0x18c: {  	s9 =	simm.s32 $0x0;
	[tilespmem:v14+s0+$0x0] =	vst.idx.msk $0xffff, v10;
	v10 =	vadd.s32 s21, v0  }
0x18d: {  	s22 =	simm.s32 $0xC6;
	v14 =	vadd.s32 s9, v2;
	[tilespmem:v12+s0+$0x0] =	vst.idx.msk $0xffff, v11  }
0x18e: {  	v11 =	vadd.s32 s22, v0;
	[tilespmem:v15+s0+$0x0] =	vst.idx.msk $0xffff, v13  }
0x18f: {  	v13 =	vadd.s32 s9, v0;
	[tilespmem:v19+s0+$0x0] =	vst.idx.msk $0xffff, v17  }
0x190: {  	s23 =	simm.s32 $0x21;
	v12 =	vadd.s32 s22, v2;
	[tilespmem:v18+s0+$0x0] =	vst.idx.msk $0xffff, v16  }
0x191: {  	v15 =	vadd.s32 s23, v0;
	v10 =	vld.idx.msk [tilespmem:v10+s0+$0x0], $0xffff  }
0x192: {  	s24 =	simm.s32 $0x42;
	v16 =	vadd.s32 s23, v2;
	v22 =	vld.idx.msk [tilespmem:v14+s0+$0x0], $0xffff  }
0x193: {  	v19 =	vadd.s32 s24, v0;
	v11 =	vld.idx.msk [tilespmem:v11+s0+$0x0], $0xffff  }
0x194: {  	s10 =	simm.s32 $0x63;
	v20 =	vadd.s32 s24, v2;
	v13 =	vld.idx.msk [tilespmem:v13+s0+$0x0], $0xffff  }
0x195: {  	v21 =	vadd.s32 s10, v0;
	v12 =	vld.idx.msk [tilespmem:v12+s0+$0x0], $0xffff  }
0x196: {  	s11 =	simm.s32 $0x84;
	s12 =	simm.s32 $0xC0;
	v23 =	vadd.s32 s10, v2;
	v18 =	vld.idx.msk [tilespmem:v15+s0+$0x0], $0xffff  }
0x197: {  	s17 =	simm.s32 $0xA5;
	s13 =	simm.s32 $0x20;
	s7 =	simm.s32 $0x10280;
	v15 =	vadd.s32 s11, v0;
	v17 =	vld.idx.msk [tilespmem:v16+s0+$0x0], $0xffff  }
0x198: {  	s14 =	simm.s32 $0x40;
	s25 =	simm.s32 $0x60;
	s30 =	simm.s32 $0xA0;
	v14 =	vadd.s32 s11, v2;
	v16 =	vld.idx.msk [tilespmem:v19+s0+$0x0], $0xffff;
	[tilespmem:s7+$0x40] =	vst v11  }
0x199: {  	s10 =	simm.s32 $0x0;
	s12 =	sor.u32 $0x50, s12;
	s18 =	sor.u32 $0x30, s13;
	v19 =	vld.idx.msk [tilespmem:v20+s0+$0x0], $0xffff;
	[tilespmem:s7+$0xFFFFFF80] =	vst v13;
	v13 =	vadd.s32 s17, v0  }
0x19a: {  	s14 =	sor.u32 $0x50, s14;
	s13 =	sor.u32 $0x70, s25;
	s9 =	simm.s32 $0xE0;
	v20 =	vld.idx.msk [tilespmem:v21+s0+$0x0], $0xffff;
	[tilespmem:s12+$0x10200] =	vst v12;
	v12 =	vadd.s32 s17, v2  }
0x19b: {  	s6 =	simm.s32 $0x1EF;
	s11 =	sor.u32 $0x30, s30;
	v21 =	vld.idx.msk [tilespmem:v23+s0+$0x0], $0xffff;
	[tilespmem:s7+$0xFFFFFF90] =	vst v22;
	v11 =	vadd.s32 s21, v2;
	s12 =	sor.u32 $0x70, s9  }
.LBB2_29:
0x19c: {  	s17 =	sadd.s32 $0xFFFFFF3A, s6;
	s19 =	sadd.s32 $0xFFFFFF5B, s6;
	s20 =	sadd.s32 $0xFFFFFFDF, s6;
	v22 =	vadd.s32 s6, v0;
	v23 =	vadd.s32 s6, v2;
	[tilespmem:s7+$0xFFFFFFA0] =	vst v18;
	v18 =	vld.idx.msk [tilespmem:v15+s0+$0x0], $0xffff  }
0x19d: {  	s21 =	sadd.s32 $0xFFFFFF9D, s6;
	s10 =	sadd.s32 $0x8, s10;
	v24 =	vadd.s32 s17, v0;
	v25 =	vadd.s32 s17, v2;
	s17 =	sadd.s32 $0xFFFFFF7C, s6;
	v26 =	vadd.s32 s20, v0;
	[tilespmem:s18+$0x10200] =	vst v17;
	v17 =	vld.idx.msk [tilespmem:v14+s0+$0x0], $0xffff  }
0x19e: {  	s18 =	sadd.s32 $0xFFFFFF19, s6;
	v27 =	vadd.s32 s19, v0;
	v28 =	vadd.s32 s19, v2;
	s19 =	sadd.s32 $0xFFFFFFBE, s6;
	v29 =	vadd.s32 s20, v2;
	p2 =	slt.u32 s10, $0x78;
	[tilespmem:s7+$0xFFFFFFC0] =	vst v16;
	v16 =	vld.idx.msk [tilespmem:v13+s0+$0x0], $0xffff  }
0x19f: {  	v30 =	vadd.s32 s18, v0;
	v31 =	vadd.s32 s18, v2;
	v32 =	vadd.s32 s17, v0;
	[tilespmem:s14+$0x10200] =	vst v19;
	v19 =	vld.idx.msk [tilespmem:v12+s0+$0x0], $0xffff  }
0x1a0: {  	v15 =	vadd.s32 s21, v0;
	v14 =	vadd.s32 s21, v2;
	v33 =	vadd.s32 s17, v2;
	[tilespmem:s7+$0xFFFFFFE0] =	vst v20;
	v20 =	vld.idx.msk [tilespmem:v11+s0+$0x0], $0xffff;
	v11 =	vmovc v23  }
0x1a1: {  	v13 =	vadd.s32 s19, v0;
	v12 =	vadd.s32 s19, v2;
	v22 =	vld.idx.msk [tilespmem:v22+s0+$0x0], $0xffff;
	[tilespmem:s13+$0x10200] =	vst v21  }
0x1a2: {  	v21 =	vld.idx.msk [tilespmem:v26+s0+$0x0], $0xffff;
	[tilespmem:s7+$0x0] =	vst v18  }
0x1a3: {  	v23 =	vld.idx.msk [tilespmem:v29+s0+$0x0], $0xffff;
	[tilespmem:s7+$0x10] =	vst v17  }
0x1a4: {  	v26 =	vld.idx.msk [tilespmem:v30+s0+$0x0], $0xffff;
	[tilespmem:s7+$0x20] =	vst v16  }
0x1a5: {  	s9 =	sadd.s32 $0x100, s9;
	v29 =	vld.idx.msk [tilespmem:v31+s0+$0x0], $0xffff;
	[tilespmem:s11+$0x10200] =	vst v19  }
0x1a6: {  	s13 =	sadd.s32 $0xFFFFFFE0, s9;
	v18 =	vld.idx.msk [tilespmem:v24+s0+$0x0], $0xffff;
	[tilespmem:s7+$0x60] =	vst v10  }
.Ltmp19:
0x1a7: {  	s11 =	sadd.s32 $0xFFFFFF40, s9;
	s7 =	sadd.s32 $0x100, s7;
	v17 =	vld.idx.msk [tilespmem:v25+s0+$0x0], $0xffff;
	[tilespmem:s12+$0x10200] =	vst v20;
	(pc) =	sbr.rel @p2 .LBB2_29-.Ltmp19, $4  }
0x1a8: {  	s17 =	sadd.s32 $0xFFFFFF80, s9;
	s13 =	sor.u32 $0x50, s13;
	v10 =	vmov v22;
	s12 =	sadd.s32 $0xFFFFFF60, s9;
	v16 =	vld.idx.msk [tilespmem:v27+s0+$0x0], $0xffff;
	[tilespmem:s7+$0x40] =	vst v21  }
0x1a9: {  	s18 =	sor.u32 $0x30, s11;
	s11 =	sadd.s32 $0xFFFFFFC0, s9;
	s14 =	sor.u32 $0x50, s12;
	v19 =	vld.idx.msk [tilespmem:v28+s0+$0x0], $0xffff;
	[tilespmem:s13+$0x10200] =	vst v23  }
0x1aa: {  	s11 =	sor.u32 $0x30, s11;
	s12 =	sor.u32 $0x70, s9;
	s13 =	sor.u32 $0x70, s17;
	[tilespmem:s7+$0xFFFFFF80] =	vst v26;
	v20 =	vld.idx.msk [tilespmem:v32+s0+$0x0], $0xffff  }
0x1ab: {  	s6 =	sadd.s32 $0x108, s6;
	[tilespmem:s7+$0xFFFFFF90] =	vst v29;
	v21 =	vld.idx.msk [tilespmem:v33+s0+$0x0], $0xffff  }
0x1ac: {  	_ =	sdelay $0x2  }
0x1ad: {  	[tilespmem:s7+$0xFFFFFFA0] =	vst v18  }
0x1ae: {  	v11 =	vld.idx.msk [tilespmem:v11+s0+$0x0], $0xffff;
	[tilespmem:s7+$0x60] =	vst v10  }
0x1af: {  	v15 =	vld.idx.msk [tilespmem:v15+s0+$0x0], $0xffff;
	[tilespmem:s18+$0x10200] =	vst v17  }
0x1b0: {  	v14 =	vld.idx.msk [tilespmem:v14+s0+$0x0], $0xffff;
	[tilespmem:s7+$0xFFFFFFC0] =	vst v16  }
0x1b1: {  	v13 =	vld.idx.msk [tilespmem:v13+s0+$0x0], $0xffff;
	[tilespmem:s14+$0x10200] =	vst v19  }
0x1b2: {  	[tilespmem:s7+$0xFFFFFFE0] =	vst v20  }
0x1b3: {  	v12 =	vld.idx.msk [tilespmem:v12+s0+$0x0], $0xffff;
	[tilespmem:s13+$0x10200] =	vst v21  }
0x1b4: {  	[tilespmem:s7+$0x0] =	vst v15  }
0x1b5: {  	[tilespmem:s7+$0x10] =	vst v14  }
0x1b6: {  	[tilespmem:s7+$0x20] =	vst v13  }
0x1b7: {  	[tilespmem:s12+$0x10200] =	vst v11  }
0x1b8: {  	[tilespmem:s11+$0x10200] =	vst v12  }
0x1b9: {  	s24 =	simm.s32 $0x7;
	s6 =	rddreg [dreg:$0xd]  }
0x1ba: {  	[hbm4b:s6+s3] =	stream.linear.scatter [tilespmem:s1], [sflag:$0x7], $0x1000, $0x38;
	[tilespmem:$0x1C200] =	vst v63  }
0x1bb: {  	_ =	swait.ge [sflag:s24], $0x1000  }
0x1bc: {  	[sflag:s24] =	ssyncset.done $0x0  }
0x1bd: {  	s25 =	rddreg [dreg:$0xe];
	[sflag:s24] =	ssyncadd.s32 $0xFFFFF000  }
0x1be: {  	[tilespmem:s1], [sflag:$0x7] =	stream.linear.gather [hbm4b:s25+s3], $0x400, $0x38;
	[tilespmem:$0x1C200] =	vst v63  }
0x1bf: {  	_ =	swait.ge [sflag:s24], $0x400  }
0x1c0: {  	[sflag:s24] =	ssyncset.done $0x0  }
.Ltmp20:
0x1c1: {  	s30 =	rddreg [dreg:$0xf];
	[sflag:s24] =	ssyncadd.s32 $0xFFFFFC00;
	(pc) =	sbr.rel .LBB2_31-.Ltmp20, $4  }
0x1c2: {  	[hbm4b:s30+s3] =	stream.linear.scatter [tilespmem:s1], [sflag:$0x7], $0x400, $0x38;
	[tilespmem:$0x1C200] =	vst v63  }
0x1c3: {  	_ =	swait.ge [sflag:s24], $0x400  }
0x1c4: {  	[sflag:s24] =	ssyncset.done $0x0  }
0x1c5: {  	s7 =	rddreg [dreg:$0x11];
	[sflag:s24] =	ssyncadd.s32 $0xFFFFFC00  }
.LBB2_32:
0x1c6: {  	_ =	sfence.sel $0x180000  }
0x1c7: {  	[bflag:$0x0] =	sbarrier.arrive $0xFFFF  }
0x1c8: {  	_ =	strace $0x90000047  }
0x1c9: {  	s0 =	stileid.u32;
	[bflag:$0x2] =	sbarrier.arrive $0xFFFF  }
0x1ca: {  	p0 =	sne.s32 s0, $0x0;
	s0 =	rddreg [dreg:$0x2]  }
0x1cb: {  	s0 =	sadd.s32 @!p0 $0x100000, s0  }
0x1cc: {  	[sflag:s0] =	ssyncadd.tile.s32 @!p0 $0x1;
	_ =	shalt  }
.Lfunc_end2:
_tile_overlayer_lowered:
.L_overlay_start_2:
0x1cd: {  	(tag) =	ssettag $0x2  }
0x1ce: {  	s0 =	rddreg [dreg:$0x0];
	s2 =	stileid.u32  }
0x1cf: {  	s1 =	rddreg [dreg:$0x1];
	p0 =	sne.s32 s2, $0x0  }
0x1d0: {  	s3 =	rddreg [dreg:$0x2];
	[bflag:$0x3] =	sbarrier.arrive $0xFFFF;
	s2 =	simm.s32 @!p0 $0x1C07  }
0x1d1: {  	[timem:s3], [sflag:s2] =	dma.local @!p0 [hbm:s0], s1  }
0x1d2: {  	s0 =	simm.s32 @!p0 $0x7  }
0x1d3: {  	_ =	swait.ge @!p0 [sflag:s0], s1  }
0x1d4: {  	s1 =	ssub.s32 @!p0 $0x0, s1;
	[sflag:s0] =	ssyncset.done @!p0 $0x0  }
0x1d5: {  	[sflag:s0] =	ssyncadd.s32 @!p0 s1  }
0x1d6: {  	[bflag:$0x3] =	sbarrier.arrive $0xFFFF  }
0x1d7: {  	_ =	shalt  }

</sc_bundles>
